<compile_context>
chip_gen: v7x
topology: tpu7x:2x2x1
jax: 0.10.2.dev20260603
libtpu: 0.0.44.dev20260713+nightly
codegen_flags: <defaults>
</compile_context>

<pallas_src>
import jax
import jax.numpy as jnp
from jax import lax
from jax.experimental import pallas as pl
from jax.experimental.pallas import tpu as pltpu
from jax.experimental.pallas import tpu_sc as plsc

N = 10000
E = 320000
D = 128
NC = 2
NS = 16
NW = NC * NS
EPT = E // NW
KB = 128
NFULL = EPT // KB
TAIL = EPT - NFULL * KB
KS = 104
NFS = EPT // KS
TAILS = EPT - NFS * KS
NPAD = 10240
RPT = NPAD // NS
SB = 32

_MESH = plsc.VectorSubcoreMesh(core_axis_name="c", subcore_axis_name="s",
                               num_cores=NC, num_subcores=NS)


SB = 64


def _segsum_body(h_hbm, src_hbm, dst_hbm, zacc_hbm,
                 out_hbm,
                 srcA, srcB, srcC, dstA, dstB, dstC, srcT, dstT,
                 rowsA, rowsB, rowsC, stage_v,
                 acc_sh, gsemA, gsemB, gsemC, ssemA, ssemB, ssemC):
    c = lax.axis_index("c")
    s = lax.axis_index("s")
    w = c * NS + s
    pltpu.sync_copy(zacc_hbm, stage_v)
    for j in range(RPT // SB):
        pltpu.async_copy(stage_v, acc_sh.at[pl.ds(s * RPT + j * SB, SB)],
                         gsemA)
    for j in range(RPT // SB):
        pltpu.make_async_copy(stage_v,
                              acc_sh.at[pl.ds(s * RPT + j * SB, SB)],
                              gsemA).wait()
    plsc.subcore_barrier()
    base0 = w * EPT

    A = (srcA, dstA, rowsA, gsemA, ssemA)
    B = (srcB, dstB, rowsB, gsemB, ssemB)
    C = (srcC, dstC, rowsC, gsemC, ssemC)

    def issue(t, buf):
        srcX, dstX, rowsX, gsemX, _ = buf
        base = base0 + t * KS
        pltpu.sync_copy(src_hbm.at[pl.ds(base, KS)], srcX)
        pltpu.sync_copy(dst_hbm.at[pl.ds(base, KS)], dstX)
        pltpu.async_copy(h_hbm.at[srcX], rowsX, gsemX)

    def process(buf):
        srcX, dstX, rowsX, gsemX, ssemX = buf
        pltpu.make_async_copy(h_hbm.at[srcX], rowsX, gsemX).wait()
        pltpu.async_copy(rowsX, acc_sh.at[dstX], ssemX, add=True)

    def drain(buf):
        _, dstX, rowsX, _, ssemX = buf
        pltpu.make_async_copy(rowsX, acc_sh.at[dstX], ssemX).wait()

    issue(0, A)
    issue(1, B)
    process(A)
    issue(2, C)

    def body3(i, carry):
        t = 3 * i + 1
        process(B)
        drain(A)
        issue(t + 2, A)
        process(C)
        drain(B)
        issue(t + 3, B)
        process(A)
        drain(C)
        issue(t + 4, C)
        return carry

    lax.fori_loop(0, (NFS - 6) // 3, body3, 0)
    process(B)
    drain(A)
    issue(NFS - 3, A)
    process(C)
    drain(B)
    issue(NFS - 2, B)
    process(A)
    drain(C)
    issue(NFS - 1, C)
    process(B)
    drain(A)
    process(C)
    drain(B)
    drain(C)
    tbase = base0 + NFS * KS
    pltpu.sync_copy(src_hbm.at[pl.ds(tbase, TAILS)], srcT)
    pltpu.sync_copy(dst_hbm.at[pl.ds(tbase, TAILS)], dstT)
    pltpu.async_copy(h_hbm.at[srcT], rowsA.at[pl.ds(0, TAILS)], gsemA).wait()
    pltpu.sync_copy(rowsA.at[pl.ds(0, TAILS)], acc_sh.at[dstT], add=True)
    plsc.subcore_barrier()
    stg = (rowsA.at[pl.ds(0, SB)], rowsB.at[pl.ds(0, SB)])
    sem = (gsemA, gsemB)
    for j in range(RPT // SB):
        k = j % 2
        if j >= 2:
            pltpu.make_async_copy(
                stg[k], out_hbm.at[c, pl.ds(s * RPT + (j - 2) * SB, SB)],
                sem[k]).wait()
        pltpu.sync_copy(acc_sh.at[pl.ds(s * RPT + j * SB, SB)], stg[k])
        pltpu.async_copy(stg[k], out_hbm.at[c, pl.ds(s * RPT + j * SB, SB)],
                         sem[k])
    for j in range(RPT // SB - 2, RPT // SB):
        k = j % 2
        pltpu.make_async_copy(
            stg[k], out_hbm.at[c, pl.ds(s * RPT + j * SB, SB)], sem[k]).wait()


def _count_body(dst_hbm, zcnt_hbm, ones_hbm,
                cntout_hbm,
                dstA, dstB, dstT, ones_v, cstage_v, cnt_sh,
                ssemA, ssemB):
    c = lax.axis_index("c")
    s = lax.axis_index("s")
    w = c * NS + s
    pltpu.sync_copy(zcnt_hbm, cstage_v)
    pltpu.sync_copy(ones_hbm, ones_v)
    for j in range(RPT // SB):
        pltpu.async_copy(cstage_v, cnt_sh.at[pl.ds(s * RPT + j * SB, SB)],
                         ssemA)
    for j in range(RPT // SB):
        pltpu.make_async_copy(cstage_v,
                              cnt_sh.at[pl.ds(s * RPT + j * SB, SB)],
                              ssemA).wait()
    plsc.subcore_barrier()
    base0 = w * EPT

    def issue(t, dstX, ssemX):
        base = base0 + t * KB
        pltpu.sync_copy(dst_hbm.at[pl.ds(base, KB)], dstX)
        pltpu.async_copy(ones_v, cnt_sh.at[dstX], ssemX, add=True)

    def drain(dstX, ssemX):
        pltpu.make_async_copy(ones_v, cnt_sh.at[dstX], ssemX).wait()

    issue(0, dstA, ssemA)

    def body2(i, carry):
        t = 2 * i
        issue(t + 1, dstB, ssemB)
        drain(dstA, ssemA)
        issue(t + 2, dstA, ssemA)
        drain(dstB, ssemB)
        return carry

    lax.fori_loop(0, (NFULL - 2) // 2, body2, 0)
    issue(NFULL - 1, dstB, ssemB)
    drain(dstA, ssemA)
    drain(dstB, ssemB)
    tbase = base0 + NFULL * KB
    pltpu.sync_copy(dst_hbm.at[pl.ds(tbase, TAIL)], dstT)
    pltpu.sync_copy(ones_v.at[pl.ds(0, TAIL)], cnt_sh.at[dstT], add=True)
    plsc.subcore_barrier()
    stg = (ones_v.at[pl.ds(0, SB)], cstage_v)
    sem = (ssemA, ssemB)
    for j in range(RPT // SB):
        k = j % 2
        if j >= 2:
            pltpu.make_async_copy(
                stg[k], cntout_hbm.at[c, pl.ds(s * RPT + (j - 2) * SB, SB)],
                sem[k]).wait()
        pltpu.sync_copy(cnt_sh.at[pl.ds(s * RPT + j * SB, SB)], stg[k])
        pltpu.async_copy(stg[k], cntout_hbm.at[c, pl.ds(s * RPT + j * SB, SB)],
                         sem[k])
    for j in range(RPT // SB - 2, RPT // SB):
        k = j % 2
        pltpu.make_async_copy(
            stg[k], cntout_hbm.at[c, pl.ds(s * RPT + j * SB, SB)], sem[k]).wait()


_sc_segsum = pl.kernel(
    _segsum_body,
    out_type=jax.ShapeDtypeStruct((NC, NPAD, D), jnp.float32),
    mesh=_MESH,
    scratch_types=[
        pltpu.VMEM((KS,), jnp.int32),
        pltpu.VMEM((KS,), jnp.int32),
        pltpu.VMEM((KS,), jnp.int32),
        pltpu.VMEM((KS,), jnp.int32),
        pltpu.VMEM((KS,), jnp.int32),
        pltpu.VMEM((KS,), jnp.int32),
        pltpu.VMEM((TAILS,), jnp.int32),
        pltpu.VMEM((TAILS,), jnp.int32),
        pltpu.VMEM((KS, D), jnp.float32),
        pltpu.VMEM((KS, D), jnp.float32),
        pltpu.VMEM((KS, D), jnp.float32),
        pltpu.VMEM((SB, D), jnp.float32),
        pltpu.VMEM_SHARED((NPAD, D), jnp.float32),
        pltpu.SemaphoreType.DMA,
        pltpu.SemaphoreType.DMA,
        pltpu.SemaphoreType.DMA,
        pltpu.SemaphoreType.DMA,
        pltpu.SemaphoreType.DMA,
        pltpu.SemaphoreType.DMA,
    ],
)

_sc_count = pl.kernel(
    _count_body,
    out_type=jax.ShapeDtypeStruct((NC, NPAD, D), jnp.float32),
    mesh=_MESH,
    scratch_types=[
        pltpu.VMEM((KB,), jnp.int32),
        pltpu.VMEM((KB,), jnp.int32),
        pltpu.VMEM((TAIL,), jnp.int32),
        pltpu.VMEM((KB, D), jnp.float32),
        pltpu.VMEM((SB, D), jnp.float32),
        pltpu.VMEM_SHARED((NPAD, D), jnp.float32),
        pltpu.SemaphoreType.DMA,
        pltpu.SemaphoreType.DMA,
    ],
)

R = 2000


def _dense1_body(x_ref, p_ref, c_ref, wl_ref, b_ref, wr_ref, o_ref):
    p = p_ref[0] + p_ref[1]
    cnt = c_ref[0, :, 0] + c_ref[1, :, 0]
    aggr = p / jnp.maximum(cnt, 1.0)[:, None]
    h = (jnp.dot(aggr, wl_ref[...], preferred_element_type=jnp.float32)
         + b_ref[...]
         + jnp.dot(x_ref[...], wr_ref[...], preferred_element_type=jnp.float32))
    o_ref[...] = jnp.maximum(h, 0.0)


def _dense2_body(h_ref, p_ref, c_ref, wl_ref, b_ref, wr_ref,
                 wp_ref, bp_ref, wd_ref, bd_ref, lo_ref, up_ref):
    p = p_ref[0] + p_ref[1]
    cnt = c_ref[0, :, 0] + c_ref[1, :, 0]
    aggr = p / jnp.maximum(cnt, 1.0)[:, None]
    h2 = (jnp.dot(aggr, wl_ref[...], preferred_element_type=jnp.float32)
          + b_ref[...]
          + jnp.dot(h_ref[...], wr_ref[...], preferred_element_type=jnp.float32))
    h2 = jnp.maximum(h2, 0.0)
    preds = jnp.sum(h2 * wp_ref[...], axis=1) + bp_ref[0, 0]
    diffs = jax.nn.sigmoid(jnp.sum(h2 * wd_ref[...], axis=1) + bd_ref[0, 0])
    lo_ref[...] = (preds - diffs)[:, None]
    up_ref[...] = (preds + diffs)[:, None]


_GRID = N // R

_dense1 = pl.pallas_call(
    _dense1_body,
    grid=(_GRID,),
    in_specs=[
        pl.BlockSpec((R, D), lambda i: (i, 0)),
        pl.BlockSpec((NC, R, D), lambda i: (0, i, 0)),
        pl.BlockSpec((NC, R, D), lambda i: (0, i, 0)),
        pl.BlockSpec((D, D), lambda i: (0, 0)),
        pl.BlockSpec((1, D), lambda i: (0, 0)),
        pl.BlockSpec((D, D), lambda i: (0, 0)),
    ],
    out_specs=pl.BlockSpec((R, D), lambda i: (i, 0)),
    out_shape=jax.ShapeDtypeStruct((N, D), jnp.float32),
)

_dense2 = pl.pallas_call(
    _dense2_body,
    grid=(_GRID,),
    in_specs=[
        pl.BlockSpec((R, D), lambda i: (i, 0)),
        pl.BlockSpec((NC, R, D), lambda i: (0, i, 0)),
        pl.BlockSpec((NC, R, D), lambda i: (0, i, 0)),
        pl.BlockSpec((D, D), lambda i: (0, 0)),
        pl.BlockSpec((1, D), lambda i: (0, 0)),
        pl.BlockSpec((D, D), lambda i: (0, 0)),
        pl.BlockSpec((1, D), lambda i: (0, 0)),
        pl.BlockSpec((1, 1), lambda i: (0, 0)),
        pl.BlockSpec((1, D), lambda i: (0, 0)),
        pl.BlockSpec((1, 1), lambda i: (0, 0)),
    ],
    out_specs=[pl.BlockSpec((R, 1), lambda i: (i, 0)),
               pl.BlockSpec((R, 1), lambda i: (i, 0))],
    out_shape=[jax.ShapeDtypeStruct((N, 1), jnp.float32),
               jax.ShapeDtypeStruct((N, 1), jnp.float32)],
)


def kernel(x, edge_index, W1_l, b1_l, W1_r, W2_l, b2_l, W2_r,
           W_pred, b_pred, W_diff, b_diff):
    src = edge_index[0].astype(jnp.int32)
    dst = edge_index[1].astype(jnp.int32)
    zacc = jnp.zeros((SB, D), jnp.float32)
    ones = jnp.ones((KB, D), jnp.float32)

    part1 = _sc_segsum(x, src, dst, zacc)
    cnt = _sc_count(dst, zacc, ones)
    h1 = _dense1(x, part1, cnt, W1_l.T, b1_l.reshape(1, D), W1_r.T)
    part2 = _sc_segsum(h1, src, dst, zacc)
    lo, up = _dense2(h1, part2, cnt, W2_l.T, b2_l.reshape(1, D), W2_r.T,
                     W_pred, b_pred.reshape(1, 1), W_diff, b_diff.reshape(1, 1))
    return lo, up

# --- scband reference (transcript-rebuilt; emitter-appended) ---
"""Pipeline reference for scband-gqnn-11914239279506 (READ-ONLY COPY).

The authoritative reference and input builder live on the scoring server;
editing this copy changes nothing except your own understanding.
"""

import jax, jax.numpy as jnp
import numpy as np

N = 10000
E = 320000
D_IN = 128
D_H = 128

def _sage_conv(x, edge_index, W_l, b_l, W_r):
    # PyG SAGEConv with mean aggregation:
    # out = lin_l(mean_{j in N(i)} x_j) + lin_r(x_i); bias lives in lin_l
    src = edge_index[0]
    dst = edge_index[1]
    n = x.shape[0]
    msg = jnp.take(x, src, axis=0)
    aggr = jax.ops.segment_sum(msg, dst, num_segments=n)
    cnt = jax.ops.segment_sum(jnp.ones((msg.shape[0],), x.dtype), dst, num_segments=n)
    aggr = aggr / jnp.clip(cnt, 1.0)[:, None]
    return aggr @ W_l.T + b_l + x @ W_r.T

def setup_inputs(seed: int = 0):
    key = jax.random.key(seed)
    ks = jax.random.split(key, 12)
    x = jax.random.normal(ks[0], (N, D_IN), dtype=jnp.float32)
    edge_index = jax.random.randint(ks[1], (2, E), 0, N)
    s1 = 1.0 / np.sqrt(D_IN)
    s2 = 1.0 / np.sqrt(D_H)
    W1_l = jax.random.uniform(ks[2], (D_H, D_IN), jnp.float32, -s1, s1)
    b1_l = jax.random.uniform(ks[3], (D_H,), jnp.float32, -s1, s1)
    W1_r = jax.random.uniform(ks[4], (D_H, D_IN), jnp.float32, -s1, s1)
    W2_l = jax.random.uniform(ks[5], (D_H, D_H), jnp.float32, -s2, s2)
    b2_l = jax.random.uniform(ks[6], (D_H,), jnp.float32, -s2, s2)
    W2_r = jax.random.uniform(ks[7], (D_H, D_H), jnp.float32, -s2, s2)
    W_pred = jax.random.uniform(ks[8], (1, D_H), jnp.float32, -s2, s2)
    b_pred = jax.random.uniform(ks[9], (1,), jnp.float32, -s2, s2)
    W_diff = jax.random.uniform(ks[10], (1, D_H), jnp.float32, -s2, s2)
    b_diff = jax.random.uniform(ks[11], (1,), jnp.float32, -s2, s2)
    return {"x": x, "edge_index": edge_index, "W1_l": W1_l, "b1_l": b1_l, "W1_r": W1_r,
            "W2_l": W2_l, "b2_l": b2_l, "W2_r": W2_r,
            "W_pred": W_pred, "b_pred": b_pred, "W_diff": W_diff, "b_diff": b_diff}

def reference(x, edge_index, W1_l, b1_l, W1_r, W2_l, b2_l, W2_r, W_pred, b_pred, W_diff, b_diff):
    h = jax.nn.relu(_sage_conv(x, edge_index, W1_l, b1_l, W1_r))
    h = jax.nn.relu(_sage_conv(h, edge_index, W2_l, b2_l, W2_r))
    preds = h @ W_pred.T + b_pred
    diffs = jax.nn.sigmoid(h @ W_diff.T + b_diff)
    preds_low = preds - diffs
    preds_upper = preds + diffs
    return (preds_low, preds_upper)

if __name__ == "__main__":
    import jax
    _d = setup_inputs()
    print(jax.jit(kernel)(*tuple(_d.values())))

</pallas_src>

<mosaic_0001>
#map = affine_map<(d0, d1) -> (0, 0)>
#map1 = affine_map<(d0, d1) -> (0)>
#map2 = affine_map<(d0, d1) -> (0, 0, 0)>
module attributes {stable_mosaic.version = 14 : i64} {
  func.func @_segsum_body(%arg0: i32, %arg1: i32, %arg2: memref<10000x128xf32, #tpu.memory_space<hbm>>, %arg3: memref<320000xi32, #tpu.memory_space<hbm>>, %arg4: memref<320000xi32, #tpu.memory_space<hbm>>, %arg5: memref<64x128xf32, #tpu.memory_space<hbm>>, %arg6: memref<2x10240x128xf32, #tpu.memory_space<hbm>>, %arg7: memref<104xi32, #tpu.memory_space<vmem>>, %arg8: memref<104xi32, #tpu.memory_space<vmem>>, %arg9: memref<104xi32, #tpu.memory_space<vmem>>, %arg10: memref<104xi32, #tpu.memory_space<vmem>>, %arg11: memref<104xi32, #tpu.memory_space<vmem>>, %arg12: memref<104xi32, #tpu.memory_space<vmem>>, %arg13: memref<16xi32, #tpu.memory_space<vmem>>, %arg14: memref<16xi32, #tpu.memory_space<vmem>>, %arg15: memref<104x128xf32, #tpu.memory_space<vmem>>, %arg16: memref<104x128xf32, #tpu.memory_space<vmem>>, %arg17: memref<104x128xf32, #tpu.memory_space<vmem>>, %arg18: memref<64x128xf32, #tpu.memory_space<vmem>>, %arg19: memref<10240x128xf32, #tpu.memory_space<vmem_shared>>, %arg20: memref<!tpu.dma_semaphore, #tpu.memory_space<semaphore_mem>>, %arg21: memref<!tpu.dma_semaphore, #tpu.memory_space<semaphore_mem>>, %arg22: memref<!tpu.dma_semaphore, #tpu.memory_space<semaphore_mem>>, %arg23: memref<!tpu.dma_semaphore, #tpu.memory_space<semaphore_mem>>, %arg24: memref<!tpu.dma_semaphore, #tpu.memory_space<semaphore_mem>>, %arg25: memref<!tpu.dma_semaphore, #tpu.memory_space<semaphore_mem>>) attributes {dimension_semantics = [#tpu.dimension_semantics<core_parallel>, #tpu.dimension_semantics<subcore_parallel>], iteration_bounds = array<i64: 2, 16>, scalar_prefetch = 0 : i64, scratch_operands = 19 : i64, tpu.core_type = #tpu.core_type<sc_vector_subcore>, window_params = [{transform_indices = #map}, {transform_indices = #map1}, {transform_indices = #map1}, {transform_indices = #map}, {transform_indices = #map2}]} {
    %mul3A = arith.constant 16 : i32
    %mul3A_0 = arith.muli %arg0, %mul3A : i32
    %add3A = arith.addi %mul3A_0, %arg1 : i32
    "tpu.region"() ({
      %run_scoped3A = tpu.sem_alloc : memref<!tpu.dma_semaphore, #tpu.memory_space<semaphore_mem>>
      tpu.enqueue_dma source(%arg5 : memref<64x128xf32, #tpu.memory_space<hbm>>) target(%arg18 : memref<64x128xf32, #tpu.memory_space<vmem>>) target_semaphore(%run_scoped3A : memref<!tpu.dma_semaphore, #tpu.memory_space<semaphore_mem>>)
      tpu.wait_dma2 semaphore(%run_scoped3A : memref<!tpu.dma_semaphore, #tpu.memory_space<semaphore_mem>>) src(%arg5 : memref<64x128xf32, #tpu.memory_space<hbm>>) dst(%arg18 : memref<64x128xf32, #tpu.memory_space<vmem>>)
      tpu.yield
    }) : () -> ()
    %mul3A_1 = arith.constant 640 : i32
    %mul3A_2 = arith.muli %arg1, %mul3A_1 : i32
    %add3A_3 = arith.constant 0 : i32
    %add3A_4 = arith.addi %mul3A_2, %add3A_3 : i32
    %dma_start3A = arith.constant 0 : i32
    %dma_start3A_5 = tpu.memref_slice %arg19[%add3A_4, %dma_start3A] : memref<10240x128xf32, #tpu.memory_space<vmem_shared>> -> memref<64x128xf32, #tpu.memory_space<vmem_shared>>
    %dma_start3A_6 = arith.constant 0 : i32
    %dma_start3A_7 = tpu.memref_slice %arg19[%add3A_4, %dma_start3A_6] : memref<10240x128xf32, #tpu.memory_space<vmem_shared>> -> memref<64x128xf32, #tpu.memory_space<vmem_shared>>
    tpu.enqueue_dma source(%arg18 : memref<64x128xf32, #tpu.memory_space<vmem>>) target(%dma_start3A_7 : memref<64x128xf32, #tpu.memory_space<vmem_shared>>) target_semaphore(%arg20 : memref<!tpu.dma_semaphore, #tpu.memory_space<semaphore_mem>>)
    %mul3A_8 = arith.constant 640 : i32
    %mul3A_9 = arith.muli %arg1, %mul3A_8 : i32
    %add3A_10 = arith.constant 64 : i32
    %add3A_11 = arith.addi %mul3A_9, %add3A_10 : i32
    %dma_start3A_12 = arith.constant 0 : i32
    %dma_start3A_13 = tpu.memref_slice %arg19[%add3A_11, %dma_start3A_12] : memref<10240x128xf32, #tpu.memory_space<vmem_shared>> -> memref<64x128xf32, #tpu.memory_space<vmem_shared>>
    %dma_start3A_14 = arith.constant 0 : i32
    %dma_start3A_15 = tpu.memref_slice %arg19[%add3A_11, %dma_start3A_14] : memref<10240x128xf32, #tpu.memory_space<vmem_shared>> -> memref<64x128xf32, #tpu.memory_space<vmem_shared>>
    tpu.enqueue_dma source(%arg18 : memref<64x128xf32, #tpu.memory_space<vmem>>) target(%dma_start3A_15 : memref<64x128xf32, #tpu.memory_space<vmem_shared>>) target_semaphore(%arg20 : memref<!tpu.dma_semaphore, #tpu.memory_space<semaphore_mem>>)
    %mul3A_16 = arith.constant 640 : i32
    %mul3A_17 = arith.muli %arg1, %mul3A_16 : i32
    %add3A_18 = arith.constant 128 : i32
    %add3A_19 = arith.addi %mul3A_17, %add3A_18 : i32
    %dma_start3A_20 = arith.constant 0 : i32
    %dma_start3A_21 = tpu.memref_slice %arg19[%add3A_19, %dma_start3A_20] : memref<10240x128xf32, #tpu.memory_space<vmem_shared>> -> memref<64x128xf32, #tpu.memory_space<vmem_shared>>
    %dma_start3A_22 = arith.constant 0 : i32
    %dma_start3A_23 = tpu.memref_slice %arg19[%add3A_19, %dma_start3A_22] : memref<10240x128xf32, #tpu.memory_space<vmem_shared>> -> memref<64x128xf32, #tpu.memory_space<vmem_shared>>
    tpu.enqueue_dma source(%arg18 : memref<64x128xf32, #tpu.memory_space<vmem>>) target(%dma_start3A_23 : memref<64x128xf32, #tpu.memory_space<vmem_shared>>) target_semaphore(%arg20 : memref<!tpu.dma_semaphore, #tpu.memory_space<semaphore_mem>>)
    %mul3A_24 = arith.constant 640 : i32
    %mul3A_25 = arith.muli %arg1, %mul3A_24 : i32
    %add3A_26 = arith.constant 192 : i32
    %add3A_27 = arith.addi %mul3A_25, %add3A_26 : i32
    %dma_start3A_28 = arith.constant 0 : i32
    %dma_start3A_29 = tpu.memref_slice %arg19[%add3A_27, %dma_start3A_28] : memref<10240x128xf32, #tpu.memory_space<vmem_shared>> -> memref<64x128xf32, #tpu.memory_space<vmem_shared>>
    %dma_start3A_30 = arith.constant 0 : i32
    %dma_start3A_31 = tpu.memref_slice %arg19[%add3A_27, %dma_start3A_30] : memref<10240x128xf32, #tpu.memory_space<vmem_shared>> -> memref<64x128xf32, #tpu.memory_space<vmem_shared>>
    tpu.enqueue_dma source(%arg18 : memref<64x128xf32, #tpu.memory_space<vmem>>) target(%dma_start3A_31 : memref<64x128xf32, #tpu.memory_space<vmem_shared>>) target_semaphore(%arg20 : memref<!tpu.dma_semaphore, #tpu.memory_space<semaphore_mem>>)
    %mul3A_32 = arith.constant 640 : i32
    %mul3A_33 = arith.muli %arg1, %mul3A_32 : i32
    %add3A_34 = arith.constant 256 : i32
    %add3A_35 = arith.addi %mul3A_33, %add3A_34 : i32
    %dma_start3A_36 = arith.constant 0 : i32
    %dma_start3A_37 = tpu.memref_slice %arg19[%add3A_35, %dma_start3A_36] : memref<10240x128xf32, #tpu.memory_space<vmem_shared>> -> memref<64x128xf32, #tpu.memory_space<vmem_shared>>
    %dma_start3A_38 = arith.constant 0 : i32
    %dma_start3A_39 = tpu.memref_slice %arg19[%add3A_35, %dma_start3A_38] : memref<10240x128xf32, #tpu.memory_space<vmem_shared>> -> memref<64x128xf32, #tpu.memory_space<vmem_shared>>
    tpu.enqueue_dma source(%arg18 : memref<64x128xf32, #tpu.memory_space<vmem>>) target(%dma_start3A_39 : memref<64x128xf32, #tpu.memory_space<vmem_shared>>) target_semaphore(%arg20 : memref<!tpu.dma_semaphore, #tpu.memory_space<semaphore_mem>>)
    %mul3A_40 = arith.constant 640 : i32
    %mul3A_41 = arith.muli %arg1, %mul3A_40 : i32
    %add3A_42 = arith.constant 320 : i32
    %add3A_43 = arith.addi %mul3A_41, %add3A_42 : i32
    %dma_start3A_44 = arith.constant 0 : i32
    %dma_start3A_45 = tpu.memref_slice %arg19[%add3A_43, %dma_start3A_44] : memref<10240x128xf32, #tpu.memory_space<vmem_shared>> -> memref<64x128xf32, #tpu.memory_space<vmem_shared>>
    %dma_start3A_46 = arith.constant 0 : i32
    %dma_start3A_47 = tpu.memref_slice %arg19[%add3A_43, %dma_start3A_46] : memref<10240x128xf32, #tpu.memory_space<vmem_shared>> -> memref<64x128xf32, #tpu.memory_space<vmem_shared>>
    tpu.enqueue_dma source(%arg18 : memref<64x128xf32, #tpu.memory_space<vmem>>) target(%dma_start3A_47 : memref<64x128xf32, #tpu.memory_space<vmem_shared>>) target_semaphore(%arg20 : memref<!tpu.dma_semaphore, #tpu.memory_space<semaphore_mem>>)
    %mul3A_48 = arith.constant 640 : i32
    %mul3A_49 = arith.muli %arg1, %mul3A_48 : i32
    %add3A_50 = arith.constant 384 : i32
    %add3A_51 = arith.addi %mul3A_49, %add3A_50 : i32
    %dma_start3A_52 = arith.constant 0 : i32
    %dma_start3A_53 = tpu.memref_slice %arg19[%add3A_51, %dma_start3A_52] : memref<10240x128xf32, #tpu.memory_space<vmem_shared>> -> memref<64x128xf32, #tpu.memory_space<vmem_shared>>
    %dma_start3A_54 = arith.constant 0 : i32
    %dma_start3A_55 = tpu.memref_slice %arg19[%add3A_51, %dma_start3A_54] : memref<10240x128xf32, #tpu.memory_space<vmem_shared>> -> memref<64x128xf32, #tpu.memory_space<vmem_shared>>
    tpu.enqueue_dma source(%arg18 : memref<64x128xf32, #tpu.memory_space<vmem>>) target(%dma_start3A_55 : memref<64x128xf32, #tpu.memory_space<vmem_shared>>) target_semaphore(%arg20 : memref<!tpu.dma_semaphore, #tpu.memory_space<semaphore_mem>>)
    %mul3A_56 = arith.constant 640 : i32
    %mul3A_57 = arith.muli %arg1, %mul3A_56 : i32
    %add3A_58 = arith.constant 448 : i32
    %add3A_59 = arith.addi %mul3A_57, %add3A_58 : i32
    %dma_start3A_60 = arith.constant 0 : i32
    %dma_start3A_61 = tpu.memref_slice %arg19[%add3A_59, %dma_start3A_60] : memref<10240x128xf32, #tpu.memory_space<vmem_shared>> -> memref<64x128xf32, #tpu.memory_space<vmem_shared>>
    %dma_start3A_62 = arith.constant 0 : i32
    %dma_start3A_63 = tpu.memref_slice %arg19[%add3A_59, %dma_start3A_62] : memref<10240x128xf32, #tpu.memory_space<vmem_shared>> -> memref<64x128xf32, #tpu.memory_space<vmem_shared>>
    tpu.enqueue_dma source(%arg18 : memref<64x128xf32, #tpu.memory_space<vmem>>) target(%dma_start3A_63 : memref<64x128xf32, #tpu.memory_space<vmem_shared>>) target_semaphore(%arg20 : memref<!tpu.dma_semaphore, #tpu.memory_space<semaphore_mem>>)
    %mul3A_64 = arith.constant 640 : i32
    %mul3A_65 = arith.muli %arg1, %mul3A_64 : i32
    %add3A_66 = arith.constant 512 : i32
    %add3A_67 = arith.addi %mul3A_65, %add3A_66 : i32
    %dma_start3A_68 = arith.constant 0 : i32
    %dma_start3A_69 = tpu.memref_slice %arg19[%add3A_67, %dma_start3A_68] : memref<10240x128xf32, #tpu.memory_space<vmem_shared>> -> memref<64x128xf32, #tpu.memory_space<vmem_shared>>
    %dma_start3A_70 = arith.constant 0 : i32
    %dma_start3A_71 = tpu.memref_slice %arg19[%add3A_67, %dma_start3A_70] : memref<10240x128xf32, #tpu.memory_space<vmem_shared>> -> memref<64x128xf32, #tpu.memory_space<vmem_shared>>
    tpu.enqueue_dma source(%arg18 : memref<64x128xf32, #tpu.memory_space<vmem>>) target(%dma_start3A_71 : memref<64x128xf32, #tpu.memory_space<vmem_shared>>) target_semaphore(%arg20 : memref<!tpu.dma_semaphore, #tpu.memory_space<semaphore_mem>>)
    %mul3A_72 = arith.constant 640 : i32
    %mul3A_73 = arith.muli %arg1, %mul3A_72 : i32
    %add3A_74 = arith.constant 576 : i32
    %add3A_75 = arith.addi %mul3A_73, %add3A_74 : i32
    %dma_start3A_76 = arith.constant 0 : i32
    %dma_start3A_77 = tpu.memref_slice %arg19[%add3A_75, %dma_start3A_76] : memref<10240x128xf32, #tpu.memory_space<vmem_shared>> -> memref<64x128xf32, #tpu.memory_space<vmem_shared>>
    %dma_start3A_78 = arith.constant 0 : i32
    %dma_start3A_79 = tpu.memref_slice %arg19[%add3A_75, %dma_start3A_78] : memref<10240x128xf32, #tpu.memory_space<vmem_shared>> -> memref<64x128xf32, #tpu.memory_space<vmem_shared>>
    tpu.enqueue_dma source(%arg18 : memref<64x128xf32, #tpu.memory_space<vmem>>) target(%dma_start3A_79 : memref<64x128xf32, #tpu.memory_space<vmem_shared>>) target_semaphore(%arg20 : memref<!tpu.dma_semaphore, #tpu.memory_space<semaphore_mem>>)
    %mul3A_80 = arith.constant 640 : i32
    %mul3A_81 = arith.muli %arg1, %mul3A_80 : i32
    %add3A_82 = arith.constant 0 : i32
    %add3A_83 = arith.addi %mul3A_81, %add3A_82 : i32
    %dma_wait3A = arith.constant 0 : i32
    %dma_wait3A_84 = tpu.memref_slice %arg19[%add3A_83, %dma_wait3A] : memref<10240x128xf32, #tpu.memory_space<vmem_shared>> -> memref<64x128xf32, #tpu.memory_space<vmem_shared>>
    %dma_wait3A_85 = arith.constant 0 : i32
    %dma_wait3A_86 = tpu.memref_slice %arg19[%add3A_83, %dma_wait3A_85] : memref<10240x128xf32, #tpu.memory_space<vmem_shared>> -> memref<64x128xf32, #tpu.memory_space<vmem_shared>>
    tpu.wait_dma2 semaphore(%arg20 : memref<!tpu.dma_semaphore, #tpu.memory_space<semaphore_mem>>) src(%arg18 : memref<64x128xf32, #tpu.memory_space<vmem>>) dst(%dma_wait3A_86 : memref<64x128xf32, #tpu.memory_space<vmem_shared>>)
    %mul3A_87 = arith.constant 640 : i32
    %mul3A_88 = arith.muli %arg1, %mul3A_87 : i32
    %add3A_89 = arith.constant 64 : i32
    %add3A_90 = arith.addi %mul3A_88, %add3A_89 : i32
    %dma_wait3A_91 = arith.constant 0 : i32
    %dma_wait3A_92 = tpu.memref_slice %arg19[%add3A_90, %dma_wait3A_91] : memref<10240x128xf32, #tpu.memory_space<vmem_shared>> -> memref<64x128xf32, #tpu.memory_space<vmem_shared>>
    %dma_wait3A_93 = arith.constant 0 : i32
    %dma_wait3A_94 = tpu.memref_slice %arg19[%add3A_90, %dma_wait3A_93] : memref<10240x128xf32, #tpu.memory_space<vmem_shared>> -> memref<64x128xf32, #tpu.memory_space<vmem_shared>>
    tpu.wait_dma2 semaphore(%arg20 : memref<!tpu.dma_semaphore, #tpu.memory_space<semaphore_mem>>) src(%arg18 : memref<64x128xf32, #tpu.memory_space<vmem>>) dst(%dma_wait3A_94 : memref<64x128xf32, #tpu.memory_space<vmem_shared>>)
    %mul3A_95 = arith.constant 640 : i32
    %mul3A_96 = arith.muli %arg1, %mul3A_95 : i32
    %add3A_97 = arith.constant 128 : i32
    %add3A_98 = arith.addi %mul3A_96, %add3A_97 : i32
    %dma_wait3A_99 = arith.constant 0 : i32
    %dma_wait3A_100 = tpu.memref_slice %arg19[%add3A_98, %dma_wait3A_99] : memref<10240x128xf32, #tpu.memory_space<vmem_shared>> -> memref<64x128xf32, #tpu.memory_space<vmem_shared>>
    %dma_wait3A_101 = arith.constant 0 : i32
    %dma_wait3A_102 = tpu.memref_slice %arg19[%add3A_98, %dma_wait3A_101] : memref<10240x128xf32, #tpu.memory_space<vmem_shared>> -> memref<64x128xf32, #tpu.memory_space<vmem_shared>>
    tpu.wait_dma2 semaphore(%arg20 : memref<!tpu.dma_semaphore, #tpu.memory_space<semaphore_mem>>) src(%arg18 : memref<64x128xf32, #tpu.memory_space<vmem>>) dst(%dma_wait3A_102 : memref<64x128xf32, #tpu.memory_space<vmem_shared>>)
    %mul3A_103 = arith.constant 640 : i32
    %mul3A_104 = arith.muli %arg1, %mul3A_103 : i32
    %add3A_105 = arith.constant 192 : i32
    %add3A_106 = arith.addi %mul3A_104, %add3A_105 : i32
    %dma_wait3A_107 = arith.constant 0 : i32
    %dma_wait3A_108 = tpu.memref_slice %arg19[%add3A_106, %dma_wait3A_107] : memref<10240x128xf32, #tpu.memory_space<vmem_shared>> -> memref<64x128xf32, #tpu.memory_space<vmem_shared>>
    %dma_wait3A_109 = arith.constant 0 : i32
    %dma_wait3A_110 = tpu.memref_slice %arg19[%add3A_106, %dma_wait3A_109] : memref<10240x128xf32, #tpu.memory_space<vmem_shared>> -> memref<64x128xf32, #tpu.memory_space<vmem_shared>>
    tpu.wait_dma2 semaphore(%arg20 : memref<!tpu.dma_semaphore, #tpu.memory_space<semaphore_mem>>) src(%arg18 : memref<64x128xf32, #tpu.memory_space<vmem>>) dst(%dma_wait3A_110 : memref<64x128xf32, #tpu.memory_space<vmem_shared>>)
    %mul3A_111 = arith.constant 640 : i32
    %mul3A_112 = arith.muli %arg1, %mul3A_111 : i32
    %add3A_113 = arith.constant 256 : i32
    %add3A_114 = arith.addi %mul3A_112, %add3A_113 : i32
    %dma_wait3A_115 = arith.constant 0 : i32
    %dma_wait3A_116 = tpu.memref_slice %arg19[%add3A_114, %dma_wait3A_115] : memref<10240x128xf32, #tpu.memory_space<vmem_shared>> -> memref<64x128xf32, #tpu.memory_space<vmem_shared>>
    %dma_wait3A_117 = arith.constant 0 : i32
    %dma_wait3A_118 = tpu.memref_slice %arg19[%add3A_114, %dma_wait3A_117] : memref<10240x128xf32, #tpu.memory_space<vmem_shared>> -> memref<64x128xf32, #tpu.memory_space<vmem_shared>>
    tpu.wait_dma2 semaphore(%arg20 : memref<!tpu.dma_semaphore, #tpu.memory_space<semaphore_mem>>) src(%arg18 : memref<64x128xf32, #tpu.memory_space<vmem>>) dst(%dma_wait3A_118 : memref<64x128xf32, #tpu.memory_space<vmem_shared>>)
    %mul3A_119 = arith.constant 640 : i32
    %mul3A_120 = arith.muli %arg1, %mul3A_119 : i32
    %add3A_121 = arith.constant 320 : i32
    %add3A_122 = arith.addi %mul3A_120, %add3A_121 : i32
    %dma_wait3A_123 = arith.constant 0 : i32
    %dma_wait3A_124 = tpu.memref_slice %arg19[%add3A_122, %dma_wait3A_123] : memref<10240x128xf32, #tpu.memory_space<vmem_shared>> -> memref<64x128xf32, #tpu.memory_space<vmem_shared>>
    %dma_wait3A_125 = arith.constant 0 : i32
    %dma_wait3A_126 = tpu.memref_slice %arg19[%add3A_122, %dma_wait3A_125] : memref<10240x128xf32, #tpu.memory_space<vmem_shared>> -> memref<64x128xf32, #tpu.memory_space<vmem_shared>>
    tpu.wait_dma2 semaphore(%arg20 : memref<!tpu.dma_semaphore, #tpu.memory_space<semaphore_mem>>) src(%arg18 : memref<64x128xf32, #tpu.memory_space<vmem>>) dst(%dma_wait3A_126 : memref<64x128xf32, #tpu.memory_space<vmem_shared>>)
    %mul3A_127 = arith.constant 640 : i32
    %mul3A_128 = arith.muli %arg1, %mul3A_127 : i32
    %add3A_129 = arith.constant 384 : i32
    %add3A_130 = arith.addi %mul3A_128, %add3A_129 : i32
    %dma_wait3A_131 = arith.constant 0 : i32
    %dma_wait3A_132 = tpu.memref_slice %arg19[%add3A_130, %dma_wait3A_131] : memref<10240x128xf32, #tpu.memory_space<vmem_shared>> -> memref<64x128xf32, #tpu.memory_space<vmem_shared>>
    %dma_wait3A_133 = arith.constant 0 : i32
    %dma_wait3A_134 = tpu.memref_slice %arg19[%add3A_130, %dma_wait3A_133] : memref<10240x128xf32, #tpu.memory_space<vmem_shared>> -> memref<64x128xf32, #tpu.memory_space<vmem_shared>>
    tpu.wait_dma2 semaphore(%arg20 : memref<!tpu.dma_semaphore, #tpu.memory_space<semaphore_mem>>) src(%arg18 : memref<64x128xf32, #tpu.memory_space<vmem>>) dst(%dma_wait3A_134 : memref<64x128xf32, #tpu.memory_space<vmem_shared>>)
    %mul3A_135 = arith.constant 640 : i32
    %mul3A_136 = arith.muli %arg1, %mul3A_135 : i32
    %add3A_137 = arith.constant 448 : i32
    %add3A_138 = arith.addi %mul3A_136, %add3A_137 : i32
    %dma_wait3A_139 = arith.constant 0 : i32
    %dma_wait3A_140 = tpu.memref_slice %arg19[%add3A_138, %dma_wait3A_139] : memref<10240x128xf32, #tpu.memory_space<vmem_shared>> -> memref<64x128xf32, #tpu.memory_space<vmem_shared>>
    %dma_wait3A_141 = arith.constant 0 : i32
    %dma_wait3A_142 = tpu.memref_slice %arg19[%add3A_138, %dma_wait3A_141] : memref<10240x128xf32, #tpu.memory_space<vmem_shared>> -> memref<64x128xf32, #tpu.memory_space<vmem_shared>>
    tpu.wait_dma2 semaphore(%arg20 : memref<!tpu.dma_semaphore, #tpu.memory_space<semaphore_mem>>) src(%arg18 : memref<64x128xf32, #tpu.memory_space<vmem>>) dst(%dma_wait3A_142 : memref<64x128xf32, #tpu.memory_space<vmem_shared>>)
    %mul3A_143 = arith.constant 640 : i32
    %mul3A_144 = arith.muli %arg1, %mul3A_143 : i32
    %add3A_145 = arith.constant 512 : i32
    %add3A_146 = arith.addi %mul3A_144, %add3A_145 : i32
    %dma_wait3A_147 = arith.constant 0 : i32
    %dma_wait3A_148 = tpu.memref_slice %arg19[%add3A_146, %dma_wait3A_147] : memref<10240x128xf32, #tpu.memory_space<vmem_shared>> -> memref<64x128xf32, #tpu.memory_space<vmem_shared>>
    %dma_wait3A_149 = arith.constant 0 : i32
    %dma_wait3A_150 = tpu.memref_slice %arg19[%add3A_146, %dma_wait3A_149] : memref<10240x128xf32, #tpu.memory_space<vmem_shared>> -> memref<64x128xf32, #tpu.memory_space<vmem_shared>>
    tpu.wait_dma2 semaphore(%arg20 : memref<!tpu.dma_semaphore, #tpu.memory_space<semaphore_mem>>) src(%arg18 : memref<64x128xf32, #tpu.memory_space<vmem>>) dst(%dma_wait3A_150 : memref<64x128xf32, #tpu.memory_space<vmem_shared>>)
    %mul3A_151 = arith.constant 640 : i32
    %mul3A_152 = arith.muli %arg1, %mul3A_151 : i32
    %add3A_153 = arith.constant 576 : i32
    %add3A_154 = arith.addi %mul3A_152, %add3A_153 : i32
    %dma_wait3A_155 = arith.constant 0 : i32
    %dma_wait3A_156 = tpu.memref_slice %arg19[%add3A_154, %dma_wait3A_155] : memref<10240x128xf32, #tpu.memory_space<vmem_shared>> -> memref<64x128xf32, #tpu.memory_space<vmem_shared>>
    %dma_wait3A_157 = arith.constant 0 : i32
    %dma_wait3A_158 = tpu.memref_slice %arg19[%add3A_154, %dma_wait3A_157] : memref<10240x128xf32, #tpu.memory_space<vmem_shared>> -> memref<64x128xf32, #tpu.memory_space<vmem_shared>>
    tpu.wait_dma2 semaphore(%arg20 : memref<!tpu.dma_semaphore, #tpu.memory_space<semaphore_mem>>) src(%arg18 : memref<64x128xf32, #tpu.memory_space<vmem>>) dst(%dma_wait3A_158 : memref<64x128xf32, #tpu.memory_space<vmem_shared>>)
    %barrier3A = arith.constant 0 : index
    tpu.barrier barrier_id(%barrier3A)
    %mul3A_159 = arith.constant 10000 : i32
    %mul3A_160 = arith.muli %add3A, %mul3A_159 : i32
    %add3A_161 = arith.constant 0 : i32
    %add3A_162 = arith.addi %mul3A_160, %add3A_161 : i32
    "tpu.region"() ({
      %run_scoped3A = tpu.sem_alloc : memref<!tpu.dma_semaphore, #tpu.memory_space<semaphore_mem>>
      %dma_start3A_625 = tpu.memref_slice %arg3[%add3A_162] : memref<320000xi32, #tpu.memory_space<hbm>> -> memref<104xi32, #tpu.memory_space<hbm>>
      %dma_start3A_626 = tpu.memref_slice %arg3[%add3A_162] : memref<320000xi32, #tpu.memory_space<hbm>> -> memref<104xi32, #tpu.memory_space<hbm>>
      tpu.enqueue_dma source(%dma_start3A_626 : memref<104xi32, #tpu.memory_space<hbm>>) target(%arg7 : memref<104xi32, #tpu.memory_space<vmem>>) target_semaphore(%run_scoped3A : memref<!tpu.dma_semaphore, #tpu.memory_space<semaphore_mem>>)
      %dma_wait3A_627 = tpu.memref_slice %arg3[%add3A_162] : memref<320000xi32, #tpu.memory_space<hbm>> -> memref<104xi32, #tpu.memory_space<hbm>>
      %dma_wait3A_628 = tpu.memref_slice %arg3[%add3A_162] : memref<320000xi32, #tpu.memory_space<hbm>> -> memref<104xi32, #tpu.memory_space<hbm>>
      tpu.wait_dma2 semaphore(%run_scoped3A : memref<!tpu.dma_semaphore, #tpu.memory_space<semaphore_mem>>) src(%dma_wait3A_628 : memref<104xi32, #tpu.memory_space<hbm>>) dst(%arg7 : memref<104xi32, #tpu.memory_space<vmem>>)
      tpu.yield
    }) : () -> ()
    "tpu.region"() ({
      %run_scoped3A = tpu.sem_alloc : memref<!tpu.dma_semaphore, #tpu.memory_space<semaphore_mem>>
      %dma_start3A_625 = tpu.memref_slice %arg4[%add3A_162] : memref<320000xi32, #tpu.memory_space<hbm>> -> memref<104xi32, #tpu.memory_space<hbm>>
      %dma_start3A_626 = tpu.memref_slice %arg4[%add3A_162] : memref<320000xi32, #tpu.memory_space<hbm>> -> memref<104xi32, #tpu.memory_space<hbm>>
      tpu.enqueue_dma source(%dma_start3A_626 : memref<104xi32, #tpu.memory_space<hbm>>) target(%arg10 : memref<104xi32, #tpu.memory_space<vmem>>) target_semaphore(%run_scoped3A : memref<!tpu.dma_semaphore, #tpu.memory_space<semaphore_mem>>)
      %dma_wait3A_627 = tpu.memref_slice %arg4[%add3A_162] : memref<320000xi32, #tpu.memory_space<hbm>> -> memref<104xi32, #tpu.memory_space<hbm>>
      %dma_wait3A_628 = tpu.memref_slice %arg4[%add3A_162] : memref<320000xi32, #tpu.memory_space<hbm>> -> memref<104xi32, #tpu.memory_space<hbm>>
      tpu.wait_dma2 semaphore(%run_scoped3A : memref<!tpu.dma_semaphore, #tpu.memory_space<semaphore_mem>>) src(%dma_wait3A_628 : memref<104xi32, #tpu.memory_space<hbm>>) dst(%arg10 : memref<104xi32, #tpu.memory_space<vmem>>)
      tpu.yield
    }) : () -> ()
    %dma_start3A_163 = arith.constant 0 : i32
    %dma_start3A_164 = arith.constant 0 : i32
    %dma_start3A_165 = tpu.memref_slice %arg2[%dma_start3A_163, %dma_start3A_164] : memref<10000x128xf32, #tpu.memory_space<hbm>> -> memref<10000x128xf32, #tpu.memory_space<hbm>>
    tpu.enqueue_indirect_dma source(%dma_start3A_165 : memref<10000x128xf32, #tpu.memory_space<hbm>>) target(%arg15 : memref<104x128xf32, #tpu.memory_space<vmem>>) offsets(%arg7 : memref<104xi32, #tpu.memory_space<vmem>>) semaphore(%arg20 : memref<!tpu.dma_semaphore, #tpu.memory_space<semaphore_mem>>)
    %add3A_166 = arith.constant 104 : i32
    %add3A_167 = arith.addi %mul3A_160, %add3A_166 : i32
    "tpu.region"() ({
      %run_scoped3A = tpu.sem_alloc : memref<!tpu.dma_semaphore, #tpu.memory_space<semaphore_mem>>
      %dma_start3A_625 = tpu.memref_slice %arg3[%add3A_167] : memref<320000xi32, #tpu.memory_space<hbm>> -> memref<104xi32, #tpu.memory_space<hbm>>
      %dma_start3A_626 = tpu.memref_slice %arg3[%add3A_167] : memref<320000xi32, #tpu.memory_space<hbm>> -> memref<104xi32, #tpu.memory_space<hbm>>
      tpu.enqueue_dma source(%dma_start3A_626 : memref<104xi32, #tpu.memory_space<hbm>>) target(%arg8 : memref<104xi32, #tpu.memory_space<vmem>>) target_semaphore(%run_scoped3A : memref<!tpu.dma_semaphore, #tpu.memory_space<semaphore_mem>>)
      %dma_wait3A_627 = tpu.memref_slice %arg3[%add3A_167] : memref<320000xi32, #tpu.memory_space<hbm>> -> memref<104xi32, #tpu.memory_space<hbm>>
      %dma_wait3A_628 = tpu.memref_slice %arg3[%add3A_167] : memref<320000xi32, #tpu.memory_space<hbm>> -> memref<104xi32, #tpu.memory_space<hbm>>
      tpu.wait_dma2 semaphore(%run_scoped3A : memref<!tpu.dma_semaphore, #tpu.memory_space<semaphore_mem>>) src(%dma_wait3A_628 : memref<104xi32, #tpu.memory_space<hbm>>) dst(%arg8 : memref<104xi32, #tpu.memory_space<vmem>>)
      tpu.yield
    }) : () -> ()
    "tpu.region"() ({
      %run_scoped3A = tpu.sem_alloc : memref<!tpu.dma_semaphore, #tpu.memory_space<semaphore_mem>>
      %dma_start3A_625 = tpu.memref_slice %arg4[%add3A_167] : memref<320000xi32, #tpu.memory_space<hbm>> -> memref<104xi32, #tpu.memory_space<hbm>>
      %dma_start3A_626 = tpu.memref_slice %arg4[%add3A_167] : memref<320000xi32, #tpu.memory_space<hbm>> -> memref<104xi32, #tpu.memory_space<hbm>>
      tpu.enqueue_dma source(%dma_start3A_626 : memref<104xi32, #tpu.memory_space<hbm>>) target(%arg11 : memref<104xi32, #tpu.memory_space<vmem>>) target_semaphore(%run_scoped3A : memref<!tpu.dma_semaphore, #tpu.memory_space<semaphore_mem>>)
      %dma_wait3A_627 = tpu.memref_slice %arg4[%add3A_167] : memref<320000xi32, #tpu.memory_space<hbm>> -> memref<104xi32, #tpu.memory_space<hbm>>
      %dma_wait3A_628 = tpu.memref_slice %arg4[%add3A_167] : memref<320000xi32, #tpu.memory_space<hbm>> -> memref<104xi32, #tpu.memory_space<hbm>>
      tpu.wait_dma2 semaphore(%run_scoped3A : memref<!tpu.dma_semaphore, #tpu.memory_space<semaphore_mem>>) src(%dma_wait3A_628 : memref<104xi32, #tpu.memory_space<hbm>>) dst(%arg11 : memref<104xi32, #tpu.memory_space<vmem>>)
      tpu.yield
    }) : () -> ()
    %dma_start3A_168 = arith.constant 0 : i32
    %dma_start3A_169 = arith.constant 0 : i32
    %dma_start3A_170 = tpu.memref_slice %arg2[%dma_start3A_168, %dma_start3A_169] : memref<10000x128xf32, #tpu.memory_space<hbm>> -> memref<10000x128xf32, #tpu.memory_space<hbm>>
    tpu.enqueue_indirect_dma source(%dma_start3A_170 : memref<10000x128xf32, #tpu.memory_space<hbm>>) target(%arg16 : memref<104x128xf32, #tpu.memory_space<vmem>>) offsets(%arg8 : memref<104xi32, #tpu.memory_space<vmem>>) semaphore(%arg21 : memref<!tpu.dma_semaphore, #tpu.memory_space<semaphore_mem>>)
    %dma_wait3A_171 = arith.constant 0 : i32
    %dma_wait3A_172 = arith.constant 0 : i32
    %dma_wait3A_173 = tpu.memref_slice %arg2[%dma_wait3A_171, %dma_wait3A_172] : memref<10000x128xf32, #tpu.memory_space<hbm>> -> memref<10000x128xf32, #tpu.memory_space<hbm>>
    tpu.wait_indirect_dma semaphore(%arg20 : memref<!tpu.dma_semaphore, #tpu.memory_space<semaphore_mem>>) src(%dma_wait3A_173 : memref<10000x128xf32, #tpu.memory_space<hbm>>) dst(%arg15 : memref<104x128xf32, #tpu.memory_space<vmem>>)
    %dma_start3A_174 = arith.constant 0 : i32
    %dma_start3A_175 = arith.constant 0 : i32
    %dma_start3A_176 = tpu.memref_slice %arg19[%dma_start3A_174, %dma_start3A_175] : memref<10240x128xf32, #tpu.memory_space<vmem_shared>> -> memref<10240x128xf32, #tpu.memory_space<vmem_shared>>
    tpu.enqueue_indirect_dma source(%arg15 : memref<104x128xf32, #tpu.memory_space<vmem>>) target(%dma_start3A_176 : memref<10240x128xf32, #tpu.memory_space<vmem_shared>>) offsets(%arg10 : memref<104xi32, #tpu.memory_space<vmem>>) semaphore(%arg23 : memref<!tpu.dma_semaphore, #tpu.memory_space<semaphore_mem>>) {add = true}
    %add3A_177 = arith.constant 208 : i32
    %add3A_178 = arith.addi %mul3A_160, %add3A_177 : i32
    "tpu.region"() ({
      %run_scoped3A = tpu.sem_alloc : memref<!tpu.dma_semaphore, #tpu.memory_space<semaphore_mem>>
      %dma_start3A_625 = tpu.memref_slice %arg3[%add3A_178] : memref<320000xi32, #tpu.memory_space<hbm>> -> memref<104xi32, #tpu.memory_space<hbm>>
      %dma_start3A_626 = tpu.memref_slice %arg3[%add3A_178] : memref<320000xi32, #tpu.memory_space<hbm>> -> memref<104xi32, #tpu.memory_space<hbm>>
      tpu.enqueue_dma source(%dma_start3A_626 : memref<104xi32, #tpu.memory_space<hbm>>) target(%arg9 : memref<104xi32, #tpu.memory_space<vmem>>) target_semaphore(%run_scoped3A : memref<!tpu.dma_semaphore, #tpu.memory_space<semaphore_mem>>)
      %dma_wait3A_627 = tpu.memref_slice %arg3[%add3A_178] : memref<320000xi32, #tpu.memory_space<hbm>> -> memref<104xi32, #tpu.memory_space<hbm>>
      %dma_wait3A_628 = tpu.memref_slice %arg3[%add3A_178] : memref<320000xi32, #tpu.memory_space<hbm>> -> memref<104xi32, #tpu.memory_space<hbm>>
      tpu.wait_dma2 semaphore(%run_scoped3A : memref<!tpu.dma_semaphore, #tpu.memory_space<semaphore_mem>>) src(%dma_wait3A_628 : memref<104xi32, #tpu.memory_space<hbm>>) dst(%arg9 : memref<104xi32, #tpu.memory_space<vmem>>)
      tpu.yield
    }) : () -> ()
    "tpu.region"() ({
      %run_scoped3A = tpu.sem_alloc : memref<!tpu.dma_semaphore, #tpu.memory_space<semaphore_mem>>
      %dma_start3A_625 = tpu.memref_slice %arg4[%add3A_178] : memref<320000xi32, #tpu.memory_space<hbm>> -> memref<104xi32, #tpu.memory_space<hbm>>
      %dma_start3A_626 = tpu.memref_slice %arg4[%add3A_178] : memref<320000xi32, #tpu.memory_space<hbm>> -> memref<104xi32, #tpu.memory_space<hbm>>
      tpu.enqueue_dma source(%dma_start3A_626 : memref<104xi32, #tpu.memory_space<hbm>>) target(%arg12 : memref<104xi32, #tpu.memory_space<vmem>>) target_semaphore(%run_scoped3A : memref<!tpu.dma_semaphore, #tpu.memory_space<semaphore_mem>>)
      %dma_wait3A_627 = tpu.memref_slice %arg4[%add3A_178] : memref<320000xi32, #tpu.memory_space<hbm>> -> memref<104xi32, #tpu.memory_space<hbm>>
      %dma_wait3A_628 = tpu.memref_slice %arg4[%add3A_178] : memref<320000xi32, #tpu.memory_space<hbm>> -> memref<104xi32, #tpu.memory_space<hbm>>
      tpu.wait_dma2 semaphore(%run_scoped3A : memref<!tpu.dma_semaphore, #tpu.memory_space<semaphore_mem>>) src(%dma_wait3A_628 : memref<104xi32, #tpu.memory_space<hbm>>) dst(%arg12 : memref<104xi32, #tpu.memory_space<vmem>>)
      tpu.yield
    }) : () -> ()
    %dma_start3A_179 = arith.constant 0 : i32
    %dma_start3A_180 = arith.constant 0 : i32
    %dma_start3A_181 = tpu.memref_slice %arg2[%dma_start3A_179, %dma_start3A_180] : memref<10000x128xf32, #tpu.memory_space<hbm>> -> memref<10000x128xf32, #tpu.memory_space<hbm>>
    tpu.enqueue_indirect_dma source(%dma_start3A_181 : memref<10000x128xf32, #tpu.memory_space<hbm>>) target(%arg17 : memref<104x128xf32, #tpu.memory_space<vmem>>) offsets(%arg9 : memref<104xi32, #tpu.memory_space<vmem>>) semaphore(%arg22 : memref<!tpu.dma_semaphore, #tpu.memory_space<semaphore_mem>>)
    %scan3A = arith.constant 0 : i32
    %scan3A_182 = arith.constant 0 : i32
    %scan3A_183 = arith.constant 30 : i32
    %scan3A_184 = arith.addi %scan3A_182, %scan3A_183 : i32
    %scan3A_185 = arith.constant 1 : i32
    scf.for %scan3A_625 = %scan3A_182 to %scan3A_184 step %scan3A_185  : i32 {
      %mul3A_626 = arith.constant 3 : i32
      %mul3A_627 = arith.muli %mul3A_626, %scan3A_625 : i32
      %add3A_628 = arith.constant 1 : i32
      %add3A_629 = arith.addi %mul3A_627, %add3A_628 : i32
      %dma_wait3A_630 = arith.constant 0 : i32
      %dma_wait3A_631 = arith.constant 0 : i32
      %dma_wait3A_632 = tpu.memref_slice %arg2[%dma_wait3A_630, %dma_wait3A_631] : memref<10000x128xf32, #tpu.memory_space<hbm>> -> memref<10000x128xf32, #tpu.memory_space<hbm>>
      tpu.wait_indirect_dma semaphore(%arg21 : memref<!tpu.dma_semaphore, #tpu.memory_space<semaphore_mem>>) src(%dma_wait3A_632 : memref<10000x128xf32, #tpu.memory_space<hbm>>) dst(%arg16 : memref<104x128xf32, #tpu.memory_space<vmem>>)
      %dma_start3A_633 = arith.constant 0 : i32
      %dma_start3A_634 = arith.constant 0 : i32
      %dma_start3A_635 = tpu.memref_slice %arg19[%dma_start3A_633, %dma_start3A_634] : memref<10240x128xf32, #tpu.memory_space<vmem_shared>> -> memref<10240x128xf32, #tpu.memory_space<vmem_shared>>
      tpu.enqueue_indirect_dma source(%arg16 : memref<104x128xf32, #tpu.memory_space<vmem>>) target(%dma_start3A_635 : memref<10240x128xf32, #tpu.memory_space<vmem_shared>>) offsets(%arg11 : memref<104xi32, #tpu.memory_space<vmem>>) semaphore(%arg24 : memref<!tpu.dma_semaphore, #tpu.memory_space<semaphore_mem>>) {add = true}
      %dma_wait3A_636 = arith.constant 0 : i32
      %dma_wait3A_637 = arith.constant 0 : i32
      %dma_wait3A_638 = tpu.memref_slice %arg19[%dma_wait3A_636, %dma_wait3A_637] : memref<10240x128xf32, #tpu.memory_space<vmem_shared>> -> memref<10240x128xf32, #tpu.memory_space<vmem_shared>>
      tpu.wait_indirect_dma semaphore(%arg23 : memref<!tpu.dma_semaphore, #tpu.memory_space<semaphore_mem>>) src(%arg15 : memref<104x128xf32, #tpu.memory_space<vmem>>) dst(%dma_wait3A_638 : memref<10240x128xf32, #tpu.memory_space<vmem_shared>>)
      %add3A_639 = arith.constant 2 : i32
      %add3A_640 = arith.addi %add3A_629, %add3A_639 : i32
      %mul3A_641 = arith.constant 104 : i32
      %mul3A_642 = arith.muli %add3A_640, %mul3A_641 : i32
      %add3A_643 = arith.addi %mul3A_160, %mul3A_642 : i32
      "tpu.region"() ({
        %run_scoped3A = tpu.sem_alloc : memref<!tpu.dma_semaphore, #tpu.memory_space<semaphore_mem>>
        %dma_start3A_681 = tpu.memref_slice %arg3[%add3A_643] : memref<320000xi32, #tpu.memory_space<hbm>> -> memref<104xi32, #tpu.memory_space<hbm>>
        %dma_start3A_682 = tpu.memref_slice %arg3[%add3A_643] : memref<320000xi32, #tpu.memory_space<hbm>> -> memref<104xi32, #tpu.memory_space<hbm>>
        tpu.enqueue_dma source(%dma_start3A_682 : memref<104xi32, #tpu.memory_space<hbm>>) target(%arg7 : memref<104xi32, #tpu.memory_space<vmem>>) target_semaphore(%run_scoped3A : memref<!tpu.dma_semaphore, #tpu.memory_space<semaphore_mem>>)
        %dma_wait3A_683 = tpu.memref_slice %arg3[%add3A_643] : memref<320000xi32, #tpu.memory_space<hbm>> -> memref<104xi32, #tpu.memory_space<hbm>>
        %dma_wait3A_684 = tpu.memref_slice %arg3[%add3A_643] : memref<320000xi32, #tpu.memory_space<hbm>> -> memref<104xi32, #tpu.memory_space<hbm>>
        tpu.wait_dma2 semaphore(%run_scoped3A : memref<!tpu.dma_semaphore, #tpu.memory_space<semaphore_mem>>) src(%dma_wait3A_684 : memref<104xi32, #tpu.memory_space<hbm>>) dst(%arg7 : memref<104xi32, #tpu.memory_space<vmem>>)
        tpu.yield
      }) : () -> ()
      "tpu.region"() ({
        %run_scoped3A = tpu.sem_alloc : memref<!tpu.dma_semaphore, #tpu.memory_space<semaphore_mem>>
        %dma_start3A_681 = tpu.memref_slice %arg4[%add3A_643] : memref<320000xi32, #tpu.memory_space<hbm>> -> memref<104xi32, #tpu.memory_space<hbm>>
        %dma_start3A_682 = tpu.memref_slice %arg4[%add3A_643] : memref<320000xi32, #tpu.memory_space<hbm>> -> memref<104xi32, #tpu.memory_space<hbm>>
        tpu.enqueue_dma source(%dma_start3A_682 : memref<104xi32, #tpu.memory_space<hbm>>) target(%arg10 : memref<104xi32, #tpu.memory_space<vmem>>) target_semaphore(%run_scoped3A : memref<!tpu.dma_semaphore, #tpu.memory_space<semaphore_mem>>)
        %dma_wait3A_683 = tpu.memref_slice %arg4[%add3A_643] : memref<320000xi32, #tpu.memory_space<hbm>> -> memref<104xi32, #tpu.memory_space<hbm>>
        %dma_wait3A_684 = tpu.memref_slice %arg4[%add3A_643] : memref<320000xi32, #tpu.memory_space<hbm>> -> memref<104xi32, #tpu.memory_space<hbm>>
        tpu.wait_dma2 semaphore(%run_scoped3A : memref<!tpu.dma_semaphore, #tpu.memory_space<semaphore_mem>>) src(%dma_wait3A_684 : memref<104xi32, #tpu.memory_space<hbm>>) dst(%arg10 : memref<104xi32, #tpu.memory_space<vmem>>)
        tpu.yield
      }) : () -> ()
      %dma_start3A_644 = arith.constant 0 : i32
      %dma_start3A_645 = arith.constant 0 : i32
      %dma_start3A_646 = tpu.memref_slice %arg2[%dma_start3A_644, %dma_start3A_645] : memref<10000x128xf32, #tpu.memory_space<hbm>> -> memref<10000x128xf32, #tpu.memory_space<hbm>>
      tpu.enqueue_indirect_dma source(%dma_start3A_646 : memref<10000x128xf32, #tpu.memory_space<hbm>>) target(%arg15 : memref<104x128xf32, #tpu.memory_space<vmem>>) offsets(%arg7 : memref<104xi32, #tpu.memory_space<vmem>>) semaphore(%arg20 : memref<!tpu.dma_semaphore, #tpu.memory_space<semaphore_mem>>)
      %dma_wait3A_647 = arith.constant 0 : i32
      %dma_wait3A_648 = arith.constant 0 : i32
      %dma_wait3A_649 = tpu.memref_slice %arg2[%dma_wait3A_647, %dma_wait3A_648] : memref<10000x128xf32, #tpu.memory_space<hbm>> -> memref<10000x128xf32, #tpu.memory_space<hbm>>
      tpu.wait_indirect_dma semaphore(%arg22 : memref<!tpu.dma_semaphore, #tpu.memory_space<semaphore_mem>>) src(%dma_wait3A_649 : memref<10000x128xf32, #tpu.memory_space<hbm>>) dst(%arg17 : memref<104x128xf32, #tpu.memory_space<vmem>>)
      %dma_start3A_650 = arith.constant 0 : i32
      %dma_start3A_651 = arith.constant 0 : i32
      %dma_start3A_652 = tpu.memref_slice %arg19[%dma_start3A_650, %dma_start3A_651] : memref<10240x128xf32, #tpu.memory_space<vmem_shared>> -> memref<10240x128xf32, #tpu.memory_space<vmem_shared>>
      tpu.enqueue_indirect_dma source(%arg17 : memref<104x128xf32, #tpu.memory_space<vmem>>) target(%dma_start3A_652 : memref<10240x128xf32, #tpu.memory_space<vmem_shared>>) offsets(%arg12 : memref<104xi32, #tpu.memory_space<vmem>>) semaphore(%arg25 : memref<!tpu.dma_semaphore, #tpu.memory_space<semaphore_mem>>) {add = true}
      %dma_wait3A_653 = arith.constant 0 : i32
      %dma_wait3A_654 = arith.constant 0 : i32
      %dma_wait3A_655 = tpu.memref_slice %arg19[%dma_wait3A_653, %dma_wait3A_654] : memref<10240x128xf32, #tpu.memory_space<vmem_shared>> -> memref<10240x128xf32, #tpu.memory_space<vmem_shared>>
      tpu.wait_indirect_dma semaphore(%arg24 : memref<!tpu.dma_semaphore, #tpu.memory_space<semaphore_mem>>) src(%arg16 : memref<104x128xf32, #tpu.memory_space<vmem>>) dst(%dma_wait3A_655 : memref<10240x128xf32, #tpu.memory_space<vmem_shared>>)
      %add3A_656 = arith.constant 3 : i32
      %add3A_657 = arith.addi %add3A_629, %add3A_656 : i32
      %mul3A_658 = arith.constant 104 : i32
      %mul3A_659 = arith.muli %add3A_657, %mul3A_658 : i32
      %add3A_660 = arith.addi %mul3A_160, %mul3A_659 : i32
      "tpu.region"() ({
        %run_scoped3A = tpu.sem_alloc : memref<!tpu.dma_semaphore, #tpu.memory_space<semaphore_mem>>
        %dma_start3A_681 = tpu.memref_slice %arg3[%add3A_660] : memref<320000xi32, #tpu.memory_space<hbm>> -> memref<104xi32, #tpu.memory_space<hbm>>
        %dma_start3A_682 = tpu.memref_slice %arg3[%add3A_660] : memref<320000xi32, #tpu.memory_space<hbm>> -> memref<104xi32, #tpu.memory_space<hbm>>
        tpu.enqueue_dma source(%dma_start3A_682 : memref<104xi32, #tpu.memory_space<hbm>>) target(%arg8 : memref<104xi32, #tpu.memory_space<vmem>>) target_semaphore(%run_scoped3A : memref<!tpu.dma_semaphore, #tpu.memory_space<semaphore_mem>>)
        %dma_wait3A_683 = tpu.memref_slice %arg3[%add3A_660] : memref<320000xi32, #tpu.memory_space<hbm>> -> memref<104xi32, #tpu.memory_space<hbm>>
        %dma_wait3A_684 = tpu.memref_slice %arg3[%add3A_660] : memref<320000xi32, #tpu.memory_space<hbm>> -> memref<104xi32, #tpu.memory_space<hbm>>
        tpu.wait_dma2 semaphore(%run_scoped3A : memref<!tpu.dma_semaphore, #tpu.memory_space<semaphore_mem>>) src(%dma_wait3A_684 : memref<104xi32, #tpu.memory_space<hbm>>) dst(%arg8 : memref<104xi32, #tpu.memory_space<vmem>>)
        tpu.yield
      }) : () -> ()
      "tpu.region"() ({
        %run_scoped3A = tpu.sem_alloc : memref<!tpu.dma_semaphore, #tpu.memory_space<semaphore_mem>>
        %dma_start3A_681 = tpu.memref_slice %arg4[%add3A_660] : memref<320000xi32, #tpu.memory_space<hbm>> -> memref<104xi32, #tpu.memory_space<hbm>>
        %dma_start3A_682 = tpu.memref_slice %arg4[%add3A_660] : memref<320000xi32, #tpu.memory_space<hbm>> -> memref<104xi32, #tpu.memory_space<hbm>>
        tpu.enqueue_dma source(%dma_start3A_682 : memref<104xi32, #tpu.memory_space<hbm>>) target(%arg11 : memref<104xi32, #tpu.memory_space<vmem>>) target_semaphore(%run_scoped3A : memref<!tpu.dma_semaphore, #tpu.memory_space<semaphore_mem>>)
        %dma_wait3A_683 = tpu.memref_slice %arg4[%add3A_660] : memref<320000xi32, #tpu.memory_space<hbm>> -> memref<104xi32, #tpu.memory_space<hbm>>
        %dma_wait3A_684 = tpu.memref_slice %arg4[%add3A_660] : memref<320000xi32, #tpu.memory_space<hbm>> -> memref<104xi32, #tpu.memory_space<hbm>>
        tpu.wait_dma2 semaphore(%run_scoped3A : memref<!tpu.dma_semaphore, #tpu.memory_space<semaphore_mem>>) src(%dma_wait3A_684 : memref<104xi32, #tpu.memory_space<hbm>>) dst(%arg11 : memref<104xi32, #tpu.memory_space<vmem>>)
        tpu.yield
      }) : () -> ()
      %dma_start3A_661 = arith.constant 0 : i32
      %dma_start3A_662 = arith.constant 0 : i32
      %dma_start3A_663 = tpu.memref_slice %arg2[%dma_start3A_661, %dma_start3A_662] : memref<10000x128xf32, #tpu.memory_space<hbm>> -> memref<10000x128xf32, #tpu.memory_space<hbm>>
      tpu.enqueue_indirect_dma source(%dma_start3A_663 : memref<10000x128xf32, #tpu.memory_space<hbm>>) target(%arg16 : memref<104x128xf32, #tpu.memory_space<vmem>>) offsets(%arg8 : memref<104xi32, #tpu.memory_space<vmem>>) semaphore(%arg21 : memref<!tpu.dma_semaphore, #tpu.memory_space<semaphore_mem>>)
      %dma_wait3A_664 = arith.constant 0 : i32
      %dma_wait3A_665 = arith.constant 0 : i32
      %dma_wait3A_666 = tpu.memref_slice %arg2[%dma_wait3A_664, %dma_wait3A_665] : memref<10000x128xf32, #tpu.memory_space<hbm>> -> memref<10000x128xf32, #tpu.memory_space<hbm>>
      tpu.wait_indirect_dma semaphore(%arg20 : memref<!tpu.dma_semaphore, #tpu.memory_space<semaphore_mem>>) src(%dma_wait3A_666 : memref<10000x128xf32, #tpu.memory_space<hbm>>) dst(%arg15 : memref<104x128xf32, #tpu.memory_space<vmem>>)
      %dma_start3A_667 = arith.constant 0 : i32
      %dma_start3A_668 = arith.constant 0 : i32
      %dma_start3A_669 = tpu.memref_slice %arg19[%dma_start3A_667, %dma_start3A_668] : memref<10240x128xf32, #tpu.memory_space<vmem_shared>> -> memref<10240x128xf32, #tpu.memory_space<vmem_shared>>
      tpu.enqueue_indirect_dma source(%arg15 : memref<104x128xf32, #tpu.memory_space<vmem>>) target(%dma_start3A_669 : memref<10240x128xf32, #tpu.memory_space<vmem_shared>>) offsets(%arg10 : memref<104xi32, #tpu.memory_space<vmem>>) semaphore(%arg23 : memref<!tpu.dma_semaphore, #tpu.memory_space<semaphore_mem>>) {add = true}
      %dma_wait3A_670 = arith.constant 0 : i32
      %dma_wait3A_671 = arith.constant 0 : i32
      %dma_wait3A_672 = tpu.memref_slice %arg19[%dma_wait3A_670, %dma_wait3A_671] : memref<10240x128xf32, #tpu.memory_space<vmem_shared>> -> memref<10240x128xf32, #tpu.memory_space<vmem_shared>>
      tpu.wait_indirect_dma semaphore(%arg25 : memref<!tpu.dma_semaphore, #tpu.memory_space<semaphore_mem>>) src(%arg17 : memref<104x128xf32, #tpu.memory_space<vmem>>) dst(%dma_wait3A_672 : memref<10240x128xf32, #tpu.memory_space<vmem_shared>>)
      %add3A_673 = arith.constant 4 : i32
      %add3A_674 = arith.addi %add3A_629, %add3A_673 : i32
      %mul3A_675 = arith.constant 104 : i32
      %mul3A_676 = arith.muli %add3A_674, %mul3A_675 : i32
      %add3A_677 = arith.addi %mul3A_160, %mul3A_676 : i32
      "tpu.region"() ({
        %run_scoped3A = tpu.sem_alloc : memref<!tpu.dma_semaphore, #tpu.memory_space<semaphore_mem>>
        %dma_start3A_681 = tpu.memref_slice %arg3[%add3A_677] : memref<320000xi32, #tpu.memory_space<hbm>> -> memref<104xi32, #tpu.memory_space<hbm>>
        %dma_start3A_682 = tpu.memref_slice %arg3[%add3A_677] : memref<320000xi32, #tpu.memory_space<hbm>> -> memref<104xi32, #tpu.memory_space<hbm>>
        tpu.enqueue_dma source(%dma_start3A_682 : memref<104xi32, #tpu.memory_space<hbm>>) target(%arg9 : memref<104xi32, #tpu.memory_space<vmem>>) target_semaphore(%run_scoped3A : memref<!tpu.dma_semaphore, #tpu.memory_space<semaphore_mem>>)
        %dma_wait3A_683 = tpu.memref_slice %arg3[%add3A_677] : memref<320000xi32, #tpu.memory_space<hbm>> -> memref<104xi32, #tpu.memory_space<hbm>>
        %dma_wait3A_684 = tpu.memref_slice %arg3[%add3A_677] : memref<320000xi32, #tpu.memory_space<hbm>> -> memref<104xi32, #tpu.memory_space<hbm>>
        tpu.wait_dma2 semaphore(%run_scoped3A : memref<!tpu.dma_semaphore, #tpu.memory_space<semaphore_mem>>) src(%dma_wait3A_684 : memref<104xi32, #tpu.memory_space<hbm>>) dst(%arg9 : memref<104xi32, #tpu.memory_space<vmem>>)
        tpu.yield
      }) : () -> ()
      "tpu.region"() ({
        %run_scoped3A = tpu.sem_alloc : memref<!tpu.dma_semaphore, #tpu.memory_space<semaphore_mem>>
        %dma_start3A_681 = tpu.memref_slice %arg4[%add3A_677] : memref<320000xi32, #tpu.memory_space<hbm>> -> memref<104xi32, #tpu.memory_space<hbm>>
        %dma_start3A_682 = tpu.memref_slice %arg4[%add3A_677] : memref<320000xi32, #tpu.memory_space<hbm>> -> memref<104xi32, #tpu.memory_space<hbm>>
        tpu.enqueue_dma source(%dma_start3A_682 : memref<104xi32, #tpu.memory_space<hbm>>) target(%arg12 : memref<104xi32, #tpu.memory_space<vmem>>) target_semaphore(%run_scoped3A : memref<!tpu.dma_semaphore, #tpu.memory_space<semaphore_mem>>)
        %dma_wait3A_683 = tpu.memref_slice %arg4[%add3A_677] : memref<320000xi32, #tpu.memory_space<hbm>> -> memref<104xi32, #tpu.memory_space<hbm>>
        %dma_wait3A_684 = tpu.memref_slice %arg4[%add3A_677] : memref<320000xi32, #tpu.memory_space<hbm>> -> memref<104xi32, #tpu.memory_space<hbm>>
        tpu.wait_dma2 semaphore(%run_scoped3A : memref<!tpu.dma_semaphore, #tpu.memory_space<semaphore_mem>>) src(%dma_wait3A_684 : memref<104xi32, #tpu.memory_space<hbm>>) dst(%arg12 : memref<104xi32, #tpu.memory_space<vmem>>)
        tpu.yield
      }) : () -> ()
      %dma_start3A_678 = arith.constant 0 : i32
      %dma_start3A_679 = arith.constant 0 : i32
      %dma_start3A_680 = tpu.memref_slice %arg2[%dma_start3A_678, %dma_start3A_679] : memref<10000x128xf32, #tpu.memory_space<hbm>> -> memref<10000x128xf32, #tpu.memory_space<hbm>>
      tpu.enqueue_indirect_dma source(%dma_start3A_680 : memref<10000x128xf32, #tpu.memory_space<hbm>>) target(%arg17 : memref<104x128xf32, #tpu.memory_space<vmem>>) offsets(%arg9 : memref<104xi32, #tpu.memory_space<vmem>>) semaphore(%arg22 : memref<!tpu.dma_semaphore, #tpu.memory_space<semaphore_mem>>)
    }
    %scan3A_186 = arith.constant 30 : i32
    %dma_wait3A_187 = arith.constant 0 : i32
    %dma_wait3A_188 = arith.constant 0 : i32
    %dma_wait3A_189 = tpu.memref_slice %arg2[%dma_wait3A_187, %dma_wait3A_188] : memref<10000x128xf32, #tpu.memory_space<hbm>> -> memref<10000x128xf32, #tpu.memory_space<hbm>>
    tpu.wait_indirect_dma semaphore(%arg21 : memref<!tpu.dma_semaphore, #tpu.memory_space<semaphore_mem>>) src(%dma_wait3A_189 : memref<10000x128xf32, #tpu.memory_space<hbm>>) dst(%arg16 : memref<104x128xf32, #tpu.memory_space<vmem>>)
    %dma_start3A_190 = arith.constant 0 : i32
    %dma_start3A_191 = arith.constant 0 : i32
    %dma_start3A_192 = tpu.memref_slice %arg19[%dma_start3A_190, %dma_start3A_191] : memref<10240x128xf32, #tpu.memory_space<vmem_shared>> -> memref<10240x128xf32, #tpu.memory_space<vmem_shared>>
    tpu.enqueue_indirect_dma source(%arg16 : memref<104x128xf32, #tpu.memory_space<vmem>>) target(%dma_start3A_192 : memref<10240x128xf32, #tpu.memory_space<vmem_shared>>) offsets(%arg11 : memref<104xi32, #tpu.memory_space<vmem>>) semaphore(%arg24 : memref<!tpu.dma_semaphore, #tpu.memory_space<semaphore_mem>>) {add = true}
    %dma_wait3A_193 = arith.constant 0 : i32
    %dma_wait3A_194 = arith.constant 0 : i32
    %dma_wait3A_195 = tpu.memref_slice %arg19[%dma_wait3A_193, %dma_wait3A_194] : memref<10240x128xf32, #tpu.memory_space<vmem_shared>> -> memref<10240x128xf32, #tpu.memory_space<vmem_shared>>
    tpu.wait_indirect_dma semaphore(%arg23 : memref<!tpu.dma_semaphore, #tpu.memory_space<semaphore_mem>>) src(%arg15 : memref<104x128xf32, #tpu.memory_space<vmem>>) dst(%dma_wait3A_195 : memref<10240x128xf32, #tpu.memory_space<vmem_shared>>)
    %add3A_196 = arith.constant 9672 : i32
    %add3A_197 = arith.addi %mul3A_160, %add3A_196 : i32
    "tpu.region"() ({
      %run_scoped3A = tpu.sem_alloc : memref<!tpu.dma_semaphore, #tpu.memory_space<semaphore_mem>>
      %dma_start3A_625 = tpu.memref_slice %arg3[%add3A_197] : memref<320000xi32, #tpu.memory_space<hbm>> -> memref<104xi32, #tpu.memory_space<hbm>>
      %dma_start3A_626 = tpu.memref_slice %arg3[%add3A_197] : memref<320000xi32, #tpu.memory_space<hbm>> -> memref<104xi32, #tpu.memory_space<hbm>>
      tpu.enqueue_dma source(%dma_start3A_626 : memref<104xi32, #tpu.memory_space<hbm>>) target(%arg7 : memref<104xi32, #tpu.memory_space<vmem>>) target_semaphore(%run_scoped3A : memref<!tpu.dma_semaphore, #tpu.memory_space<semaphore_mem>>)
      %dma_wait3A_627 = tpu.memref_slice %arg3[%add3A_197] : memref<320000xi32, #tpu.memory_space<hbm>> -> memref<104xi32, #tpu.memory_space<hbm>>
      %dma_wait3A_628 = tpu.memref_slice %arg3[%add3A_197] : memref<320000xi32, #tpu.memory_space<hbm>> -> memref<104xi32, #tpu.memory_space<hbm>>
      tpu.wait_dma2 semaphore(%run_scoped3A : memref<!tpu.dma_semaphore, #tpu.memory_space<semaphore_mem>>) src(%dma_wait3A_628 : memref<104xi32, #tpu.memory_space<hbm>>) dst(%arg7 : memref<104xi32, #tpu.memory_space<vmem>>)
      tpu.yield
    }) : () -> ()
    "tpu.region"() ({
      %run_scoped3A = tpu.sem_alloc : memref<!tpu.dma_semaphore, #tpu.memory_space<semaphore_mem>>
      %dma_start3A_625 = tpu.memref_slice %arg4[%add3A_197] : memref<320000xi32, #tpu.memory_space<hbm>> -> memref<104xi32, #tpu.memory_space<hbm>>
      %dma_start3A_626 = tpu.memref_slice %arg4[%add3A_197] : memref<320000xi32, #tpu.memory_space<hbm>> -> memref<104xi32, #tpu.memory_space<hbm>>
      tpu.enqueue_dma source(%dma_start3A_626 : memref<104xi32, #tpu.memory_space<hbm>>) target(%arg10 : memref<104xi32, #tpu.memory_space<vmem>>) target_semaphore(%run_scoped3A : memref<!tpu.dma_semaphore, #tpu.memory_space<semaphore_mem>>)
      %dma_wait3A_627 = tpu.memref_slice %arg4[%add3A_197] : memref<320000xi32, #tpu.memory_space<hbm>> -> memref<104xi32, #tpu.memory_space<hbm>>
      %dma_wait3A_628 = tpu.memref_slice %arg4[%add3A_197] : memref<320000xi32, #tpu.memory_space<hbm>> -> memref<104xi32, #tpu.memory_space<hbm>>
      tpu.wait_dma2 semaphore(%run_scoped3A : memref<!tpu.dma_semaphore, #tpu.memory_space<semaphore_mem>>) src(%dma_wait3A_628 : memref<104xi32, #tpu.memory_space<hbm>>) dst(%arg10 : memref<104xi32, #tpu.memory_space<vmem>>)
      tpu.yield
    }) : () -> ()
    %dma_start3A_198 = arith.constant 0 : i32
    %dma_start3A_199 = arith.constant 0 : i32
    %dma_start3A_200 = tpu.memref_slice %arg2[%dma_start3A_198, %dma_start3A_199] : memref<10000x128xf32, #tpu.memory_space<hbm>> -> memref<10000x128xf32, #tpu.memory_space<hbm>>
    tpu.enqueue_indirect_dma source(%dma_start3A_200 : memref<10000x128xf32, #tpu.memory_space<hbm>>) target(%arg15 : memref<104x128xf32, #tpu.memory_space<vmem>>) offsets(%arg7 : memref<104xi32, #tpu.memory_space<vmem>>) semaphore(%arg20 : memref<!tpu.dma_semaphore, #tpu.memory_space<semaphore_mem>>)
    %dma_wait3A_201 = arith.constant 0 : i32
    %dma_wait3A_202 = arith.constant 0 : i32
    %dma_wait3A_203 = tpu.memref_slice %arg2[%dma_wait3A_201, %dma_wait3A_202] : memref<10000x128xf32, #tpu.memory_space<hbm>> -> memref<10000x128xf32, #tpu.memory_space<hbm>>
    tpu.wait_indirect_dma semaphore(%arg22 : memref<!tpu.dma_semaphore, #tpu.memory_space<semaphore_mem>>) src(%dma_wait3A_203 : memref<10000x128xf32, #tpu.memory_space<hbm>>) dst(%arg17 : memref<104x128xf32, #tpu.memory_space<vmem>>)
    %dma_start3A_204 = arith.constant 0 : i32
    %dma_start3A_205 = arith.constant 0 : i32
    %dma_start3A_206 = tpu.memref_slice %arg19[%dma_start3A_204, %dma_start3A_205] : memref<10240x128xf32, #tpu.memory_space<vmem_shared>> -> memref<10240x128xf32, #tpu.memory_space<vmem_shared>>
    tpu.enqueue_indirect_dma source(%arg17 : memref<104x128xf32, #tpu.memory_space<vmem>>) target(%dma_start3A_206 : memref<10240x128xf32, #tpu.memory_space<vmem_shared>>) offsets(%arg12 : memref<104xi32, #tpu.memory_space<vmem>>) semaphore(%arg25 : memref<!tpu.dma_semaphore, #tpu.memory_space<semaphore_mem>>) {add = true}
    %dma_wait3A_207 = arith.constant 0 : i32
    %dma_wait3A_208 = arith.constant 0 : i32
    %dma_wait3A_209 = tpu.memref_slice %arg19[%dma_wait3A_207, %dma_wait3A_208] : memref<10240x128xf32, #tpu.memory_space<vmem_shared>> -> memref<10240x128xf32, #tpu.memory_space<vmem_shared>>
    tpu.wait_indirect_dma semaphore(%arg24 : memref<!tpu.dma_semaphore, #tpu.memory_space<semaphore_mem>>) src(%arg16 : memref<104x128xf32, #tpu.memory_space<vmem>>) dst(%dma_wait3A_209 : memref<10240x128xf32, #tpu.memory_space<vmem_shared>>)
    %add3A_210 = arith.constant 9776 : i32
    %add3A_211 = arith.addi %mul3A_160, %add3A_210 : i32
    "tpu.region"() ({
      %run_scoped3A = tpu.sem_alloc : memref<!tpu.dma_semaphore, #tpu.memory_space<semaphore_mem>>
      %dma_start3A_625 = tpu.memref_slice %arg3[%add3A_211] : memref<320000xi32, #tpu.memory_space<hbm>> -> memref<104xi32, #tpu.memory_space<hbm>>
      %dma_start3A_626 = tpu.memref_slice %arg3[%add3A_211] : memref<320000xi32, #tpu.memory_space<hbm>> -> memref<104xi32, #tpu.memory_space<hbm>>
      tpu.enqueue_dma source(%dma_start3A_626 : memref<104xi32, #tpu.memory_space<hbm>>) target(%arg8 : memref<104xi32, #tpu.memory_space<vmem>>) target_semaphore(%run_scoped3A : memref<!tpu.dma_semaphore, #tpu.memory_space<semaphore_mem>>)
      %dma_wait3A_627 = tpu.memref_slice %arg3[%add3A_211] : memref<320000xi32, #tpu.memory_space<hbm>> -> memref<104xi32, #tpu.memory_space<hbm>>
      %dma_wait3A_628 = tpu.memref_slice %arg3[%add3A_211] : memref<320000xi32, #tpu.memory_space<hbm>> -> memref<104xi32, #tpu.memory_space<hbm>>
      tpu.wait_dma2 semaphore(%run_scoped3A : memref<!tpu.dma_semaphore, #tpu.memory_space<semaphore_mem>>) src(%dma_wait3A_628 : memref<104xi32, #tpu.memory_space<hbm>>) dst(%arg8 : memref<104xi32, #tpu.memory_space<vmem>>)
      tpu.yield
    }) : () -> ()
    "tpu.region"() ({
      %run_scoped3A = tpu.sem_alloc : memref<!tpu.dma_semaphore, #tpu.memory_space<semaphore_mem>>
      %dma_start3A_625 = tpu.memref_slice %arg4[%add3A_211] : memref<320000xi32, #tpu.memory_space<hbm>> -> memref<104xi32, #tpu.memory_space<hbm>>
      %dma_start3A_626 = tpu.memref_slice %arg4[%add3A_211] : memref<320000xi32, #tpu.memory_space<hbm>> -> memref<104xi32, #tpu.memory_space<hbm>>
      tpu.enqueue_dma source(%dma_start3A_626 : memref<104xi32, #tpu.memory_space<hbm>>) target(%arg11 : memref<104xi32, #tpu.memory_space<vmem>>) target_semaphore(%run_scoped3A : memref<!tpu.dma_semaphore, #tpu.memory_space<semaphore_mem>>)
      %dma_wait3A_627 = tpu.memref_slice %arg4[%add3A_211] : memref<320000xi32, #tpu.memory_space<hbm>> -> memref<104xi32, #tpu.memory_space<hbm>>
      %dma_wait3A_628 = tpu.memref_slice %arg4[%add3A_211] : memref<320000xi32, #tpu.memory_space<hbm>> -> memref<104xi32, #tpu.memory_space<hbm>>
      tpu.wait_dma2 semaphore(%run_scoped3A : memref<!tpu.dma_semaphore, #tpu.memory_space<semaphore_mem>>) src(%dma_wait3A_628 : memref<104xi32, #tpu.memory_space<hbm>>) dst(%arg11 : memref<104xi32, #tpu.memory_space<vmem>>)
      tpu.yield
    }) : () -> ()
    %dma_start3A_212 = arith.constant 0 : i32
    %dma_start3A_213 = arith.constant 0 : i32
    %dma_start3A_214 = tpu.memref_slice %arg2[%dma_start3A_212, %dma_start3A_213] : memref<10000x128xf32, #tpu.memory_space<hbm>> -> memref<10000x128xf32, #tpu.memory_space<hbm>>
    tpu.enqueue_indirect_dma source(%dma_start3A_214 : memref<10000x128xf32, #tpu.memory_space<hbm>>) target(%arg16 : memref<104x128xf32, #tpu.memory_space<vmem>>) offsets(%arg8 : memref<104xi32, #tpu.memory_space<vmem>>) semaphore(%arg21 : memref<!tpu.dma_semaphore, #tpu.memory_space<semaphore_mem>>)
    %dma_wait3A_215 = arith.constant 0 : i32
    %dma_wait3A_216 = arith.constant 0 : i32
    %dma_wait3A_217 = tpu.memref_slice %arg2[%dma_wait3A_215, %dma_wait3A_216] : memref<10000x128xf32, #tpu.memory_space<hbm>> -> memref<10000x128xf32, #tpu.memory_space<hbm>>
    tpu.wait_indirect_dma semaphore(%arg20 : memref<!tpu.dma_semaphore, #tpu.memory_space<semaphore_mem>>) src(%dma_wait3A_217 : memref<10000x128xf32, #tpu.memory_space<hbm>>) dst(%arg15 : memref<104x128xf32, #tpu.memory_space<vmem>>)
    %dma_start3A_218 = arith.constant 0 : i32
    %dma_start3A_219 = arith.constant 0 : i32
    %dma_start3A_220 = tpu.memref_slice %arg19[%dma_start3A_218, %dma_start3A_219] : memref<10240x128xf32, #tpu.memory_space<vmem_shared>> -> memref<10240x128xf32, #tpu.memory_space<vmem_shared>>
    tpu.enqueue_indirect_dma source(%arg15 : memref<104x128xf32, #tpu.memory_space<vmem>>) target(%dma_start3A_220 : memref<10240x128xf32, #tpu.memory_space<vmem_shared>>) offsets(%arg10 : memref<104xi32, #tpu.memory_space<vmem>>) semaphore(%arg23 : memref<!tpu.dma_semaphore, #tpu.memory_space<semaphore_mem>>) {add = true}
    %dma_wait3A_221 = arith.constant 0 : i32
    %dma_wait3A_222 = arith.constant 0 : i32
    %dma_wait3A_223 = tpu.memref_slice %arg19[%dma_wait3A_221, %dma_wait3A_222] : memref<10240x128xf32, #tpu.memory_space<vmem_shared>> -> memref<10240x128xf32, #tpu.memory_space<vmem_shared>>
    tpu.wait_indirect_dma semaphore(%arg25 : memref<!tpu.dma_semaphore, #tpu.memory_space<semaphore_mem>>) src(%arg17 : memref<104x128xf32, #tpu.memory_space<vmem>>) dst(%dma_wait3A_223 : memref<10240x128xf32, #tpu.memory_space<vmem_shared>>)
    %add3A_224 = arith.constant 9880 : i32
    %add3A_225 = arith.addi %mul3A_160, %add3A_224 : i32
    "tpu.region"() ({
      %run_scoped3A = tpu.sem_alloc : memref<!tpu.dma_semaphore, #tpu.memory_space<semaphore_mem>>
      %dma_start3A_625 = tpu.memref_slice %arg3[%add3A_225] : memref<320000xi32, #tpu.memory_space<hbm>> -> memref<104xi32, #tpu.memory_space<hbm>>
      %dma_start3A_626 = tpu.memref_slice %arg3[%add3A_225] : memref<320000xi32, #tpu.memory_space<hbm>> -> memref<104xi32, #tpu.memory_space<hbm>>
      tpu.enqueue_dma source(%dma_start3A_626 : memref<104xi32, #tpu.memory_space<hbm>>) target(%arg9 : memref<104xi32, #tpu.memory_space<vmem>>) target_semaphore(%run_scoped3A : memref<!tpu.dma_semaphore, #tpu.memory_space<semaphore_mem>>)
      %dma_wait3A_627 = tpu.memref_slice %arg3[%add3A_225] : memref<320000xi32, #tpu.memory_space<hbm>> -> memref<104xi32, #tpu.memory_space<hbm>>
      %dma_wait3A_628 = tpu.memref_slice %arg3[%add3A_225] : memref<320000xi32, #tpu.memory_space<hbm>> -> memref<104xi32, #tpu.memory_space<hbm>>
      tpu.wait_dma2 semaphore(%run_scoped3A : memref<!tpu.dma_semaphore, #tpu.memory_space<semaphore_mem>>) src(%dma_wait3A_628 : memref<104xi32, #tpu.memory_space<hbm>>) dst(%arg9 : memref<104xi32, #tpu.memory_space<vmem>>)
      tpu.yield
    }) : () -> ()
    "tpu.region"() ({
      %run_scoped3A = tpu.sem_alloc : memref<!tpu.dma_semaphore, #tpu.memory_space<semaphore_mem>>
      %dma_start3A_625 = tpu.memref_slice %arg4[%add3A_225] : memref<320000xi32, #tpu.memory_space<hbm>> -> memref<104xi32, #tpu.memory_space<hbm>>
      %dma_start3A_626 = tpu.memref_slice %arg4[%add3A_225] : memref<320000xi32, #tpu.memory_space<hbm>> -> memref<104xi32, #tpu.memory_space<hbm>>
      tpu.enqueue_dma source(%dma_start3A_626 : memref<104xi32, #tpu.memory_space<hbm>>) target(%arg12 : memref<104xi32, #tpu.memory_space<vmem>>) target_semaphore(%run_scoped3A : memref<!tpu.dma_semaphore, #tpu.memory_space<semaphore_mem>>)
      %dma_wait3A_627 = tpu.memref_slice %arg4[%add3A_225] : memref<320000xi32, #tpu.memory_space<hbm>> -> memref<104xi32, #tpu.memory_space<hbm>>
      %dma_wait3A_628 = tpu.memref_slice %arg4[%add3A_225] : memref<320000xi32, #tpu.memory_space<hbm>> -> memref<104xi32, #tpu.memory_space<hbm>>
      tpu.wait_dma2 semaphore(%run_scoped3A : memref<!tpu.dma_semaphore, #tpu.memory_space<semaphore_mem>>) src(%dma_wait3A_628 : memref<104xi32, #tpu.memory_space<hbm>>) dst(%arg12 : memref<104xi32, #tpu.memory_space<vmem>>)
      tpu.yield
    }) : () -> ()
    %dma_start3A_226 = arith.constant 0 : i32
    %dma_start3A_227 = arith.constant 0 : i32
    %dma_start3A_228 = tpu.memref_slice %arg2[%dma_start3A_226, %dma_start3A_227] : memref<10000x128xf32, #tpu.memory_space<hbm>> -> memref<10000x128xf32, #tpu.memory_space<hbm>>
    tpu.enqueue_indirect_dma source(%dma_start3A_228 : memref<10000x128xf32, #tpu.memory_space<hbm>>) target(%arg17 : memref<104x128xf32, #tpu.memory_space<vmem>>) offsets(%arg9 : memref<104xi32, #tpu.memory_space<vmem>>) semaphore(%arg22 : memref<!tpu.dma_semaphore, #tpu.memory_space<semaphore_mem>>)
    %dma_wait3A_229 = arith.constant 0 : i32
    %dma_wait3A_230 = arith.constant 0 : i32
    %dma_wait3A_231 = tpu.memref_slice %arg2[%dma_wait3A_229, %dma_wait3A_230] : memref<10000x128xf32, #tpu.memory_space<hbm>> -> memref<10000x128xf32, #tpu.memory_space<hbm>>
    tpu.wait_indirect_dma semaphore(%arg21 : memref<!tpu.dma_semaphore, #tpu.memory_space<semaphore_mem>>) src(%dma_wait3A_231 : memref<10000x128xf32, #tpu.memory_space<hbm>>) dst(%arg16 : memref<104x128xf32, #tpu.memory_space<vmem>>)
    %dma_start3A_232 = arith.constant 0 : i32
    %dma_start3A_233 = arith.constant 0 : i32
    %dma_start3A_234 = tpu.memref_slice %arg19[%dma_start3A_232, %dma_start3A_233] : memref<10240x128xf32, #tpu.memory_space<vmem_shared>> -> memref<10240x128xf32, #tpu.memory_space<vmem_shared>>
    tpu.enqueue_indirect_dma source(%arg16 : memref<104x128xf32, #tpu.memory_space<vmem>>) target(%dma_start3A_234 : memref<10240x128xf32, #tpu.memory_space<vmem_shared>>) offsets(%arg11 : memref<104xi32, #tpu.memory_space<vmem>>) semaphore(%arg24 : memref<!tpu.dma_semaphore, #tpu.memory_space<semaphore_mem>>) {add = true}
    %dma_wait3A_235 = arith.constant 0 : i32
    %dma_wait3A_236 = arith.constant 0 : i32
    %dma_wait3A_237 = tpu.memref_slice %arg19[%dma_wait3A_235, %dma_wait3A_236] : memref<10240x128xf32, #tpu.memory_space<vmem_shared>> -> memref<10240x128xf32, #tpu.memory_space<vmem_shared>>
    tpu.wait_indirect_dma semaphore(%arg23 : memref<!tpu.dma_semaphore, #tpu.memory_space<semaphore_mem>>) src(%arg15 : memref<104x128xf32, #tpu.memory_space<vmem>>) dst(%dma_wait3A_237 : memref<10240x128xf32, #tpu.memory_space<vmem_shared>>)
    %dma_wait3A_238 = arith.constant 0 : i32
    %dma_wait3A_239 = arith.constant 0 : i32
    %dma_wait3A_240 = tpu.memref_slice %arg2[%dma_wait3A_238, %dma_wait3A_239] : memref<10000x128xf32, #tpu.memory_space<hbm>> -> memref<10000x128xf32, #tpu.memory_space<hbm>>
    tpu.wait_indirect_dma semaphore(%arg22 : memref<!tpu.dma_semaphore, #tpu.memory_space<semaphore_mem>>) src(%dma_wait3A_240 : memref<10000x128xf32, #tpu.memory_space<hbm>>) dst(%arg17 : memref<104x128xf32, #tpu.memory_space<vmem>>)
    %dma_start3A_241 = arith.constant 0 : i32
    %dma_start3A_242 = arith.constant 0 : i32
    %dma_start3A_243 = tpu.memref_slice %arg19[%dma_start3A_241, %dma_start3A_242] : memref<10240x128xf32, #tpu.memory_space<vmem_shared>> -> memref<10240x128xf32, #tpu.memory_space<vmem_shared>>
    tpu.enqueue_indirect_dma source(%arg17 : memref<104x128xf32, #tpu.memory_space<vmem>>) target(%dma_start3A_243 : memref<10240x128xf32, #tpu.memory_space<vmem_shared>>) offsets(%arg12 : memref<104xi32, #tpu.memory_space<vmem>>) semaphore(%arg25 : memref<!tpu.dma_semaphore, #tpu.memory_space<semaphore_mem>>) {add = true}
    %dma_wait3A_244 = arith.constant 0 : i32
    %dma_wait3A_245 = arith.constant 0 : i32
    %dma_wait3A_246 = tpu.memref_slice %arg19[%dma_wait3A_244, %dma_wait3A_245] : memref<10240x128xf32, #tpu.memory_space<vmem_shared>> -> memref<10240x128xf32, #tpu.memory_space<vmem_shared>>
    tpu.wait_indirect_dma semaphore(%arg24 : memref<!tpu.dma_semaphore, #tpu.memory_space<semaphore_mem>>) src(%arg16 : memref<104x128xf32, #tpu.memory_space<vmem>>) dst(%dma_wait3A_246 : memref<10240x128xf32, #tpu.memory_space<vmem_shared>>)
    %dma_wait3A_247 = arith.constant 0 : i32
    %dma_wait3A_248 = arith.constant 0 : i32
    %dma_wait3A_249 = tpu.memref_slice %arg19[%dma_wait3A_247, %dma_wait3A_248] : memref<10240x128xf32, #tpu.memory_space<vmem_shared>> -> memref<10240x128xf32, #tpu.memory_space<vmem_shared>>
    tpu.wait_indirect_dma semaphore(%arg25 : memref<!tpu.dma_semaphore, #tpu.memory_space<semaphore_mem>>) src(%arg17 : memref<104x128xf32, #tpu.memory_space<vmem>>) dst(%dma_wait3A_249 : memref<10240x128xf32, #tpu.memory_space<vmem_shared>>)
    %add3A_250 = arith.constant 9984 : i32
    %add3A_251 = arith.addi %mul3A_160, %add3A_250 : i32
    "tpu.region"() ({
      %run_scoped3A = tpu.sem_alloc : memref<!tpu.dma_semaphore, #tpu.memory_space<semaphore_mem>>
      %dma_start3A_625 = tpu.memref_slice %arg3[%add3A_251] : memref<320000xi32, #tpu.memory_space<hbm>> -> memref<16xi32, #tpu.memory_space<hbm>>
      %dma_start3A_626 = tpu.memref_slice %arg3[%add3A_251] : memref<320000xi32, #tpu.memory_space<hbm>> -> memref<16xi32, #tpu.memory_space<hbm>>
      tpu.enqueue_dma source(%dma_start3A_626 : memref<16xi32, #tpu.memory_space<hbm>>) target(%arg13 : memref<16xi32, #tpu.memory_space<vmem>>) target_semaphore(%run_scoped3A : memref<!tpu.dma_semaphore, #tpu.memory_space<semaphore_mem>>)
      %dma_wait3A_627 = tpu.memref_slice %arg3[%add3A_251] : memref<320000xi32, #tpu.memory_space<hbm>> -> memref<16xi32, #tpu.memory_space<hbm>>
      %dma_wait3A_628 = tpu.memref_slice %arg3[%add3A_251] : memref<320000xi32, #tpu.memory_space<hbm>> -> memref<16xi32, #tpu.memory_space<hbm>>
      tpu.wait_dma2 semaphore(%run_scoped3A : memref<!tpu.dma_semaphore, #tpu.memory_space<semaphore_mem>>) src(%dma_wait3A_628 : memref<16xi32, #tpu.memory_space<hbm>>) dst(%arg13 : memref<16xi32, #tpu.memory_space<vmem>>)
      tpu.yield
    }) : () -> ()
    "tpu.region"() ({
      %run_scoped3A = tpu.sem_alloc : memref<!tpu.dma_semaphore, #tpu.memory_space<semaphore_mem>>
      %dma_start3A_625 = tpu.memref_slice %arg4[%add3A_251] : memref<320000xi32, #tpu.memory_space<hbm>> -> memref<16xi32, #tpu.memory_space<hbm>>
      %dma_start3A_626 = tpu.memref_slice %arg4[%add3A_251] : memref<320000xi32, #tpu.memory_space<hbm>> -> memref<16xi32, #tpu.memory_space<hbm>>
      tpu.enqueue_dma source(%dma_start3A_626 : memref<16xi32, #tpu.memory_space<hbm>>) target(%arg14 : memref<16xi32, #tpu.memory_space<vmem>>) target_semaphore(%run_scoped3A : memref<!tpu.dma_semaphore, #tpu.memory_space<semaphore_mem>>)
      %dma_wait3A_627 = tpu.memref_slice %arg4[%add3A_251] : memref<320000xi32, #tpu.memory_space<hbm>> -> memref<16xi32, #tpu.memory_space<hbm>>
      %dma_wait3A_628 = tpu.memref_slice %arg4[%add3A_251] : memref<320000xi32, #tpu.memory_space<hbm>> -> memref<16xi32, #tpu.memory_space<hbm>>
      tpu.wait_dma2 semaphore(%run_scoped3A : memref<!tpu.dma_semaphore, #tpu.memory_space<semaphore_mem>>) src(%dma_wait3A_628 : memref<16xi32, #tpu.memory_space<hbm>>) dst(%arg14 : memref<16xi32, #tpu.memory_space<vmem>>)
      tpu.yield
    }) : () -> ()
    %dma_start3A_252 = arith.constant 0 : i32
    %dma_start3A_253 = arith.constant 0 : i32
    %dma_start3A_254 = tpu.memref_slice %arg15[%dma_start3A_252, %dma_start3A_253] : memref<104x128xf32, #tpu.memory_space<vmem>> -> memref<16x128xf32, #tpu.memory_space<vmem>>
    %dma_start3A_255 = arith.constant 0 : i32
    %dma_start3A_256 = arith.constant 0 : i32
    %dma_start3A_257 = tpu.memref_slice %arg2[%dma_start3A_255, %dma_start3A_256] : memref<10000x128xf32, #tpu.memory_space<hbm>> -> memref<10000x128xf32, #tpu.memory_space<hbm>>
    tpu.enqueue_indirect_dma source(%dma_start3A_257 : memref<10000x128xf32, #tpu.memory_space<hbm>>) target(%dma_start3A_254 : memref<16x128xf32, #tpu.memory_space<vmem>>) offsets(%arg13 : memref<16xi32, #tpu.memory_space<vmem>>) semaphore(%arg20 : memref<!tpu.dma_semaphore, #tpu.memory_space<semaphore_mem>>)
    %dma_wait3A_258 = arith.constant 0 : i32
    %dma_wait3A_259 = arith.constant 0 : i32
    %dma_wait3A_260 = tpu.memref_slice %arg15[%dma_wait3A_258, %dma_wait3A_259] : memref<104x128xf32, #tpu.memory_space<vmem>> -> memref<16x128xf32, #tpu.memory_space<vmem>>
    %dma_wait3A_261 = arith.constant 0 : i32
    %dma_wait3A_262 = arith.constant 0 : i32
    %dma_wait3A_263 = tpu.memref_slice %arg2[%dma_wait3A_261, %dma_wait3A_262] : memref<10000x128xf32, #tpu.memory_space<hbm>> -> memref<10000x128xf32, #tpu.memory_space<hbm>>
    tpu.wait_indirect_dma semaphore(%arg20 : memref<!tpu.dma_semaphore, #tpu.memory_space<semaphore_mem>>) src(%dma_wait3A_263 : memref<10000x128xf32, #tpu.memory_space<hbm>>) dst(%dma_wait3A_260 : memref<16x128xf32, #tpu.memory_space<vmem>>)
    "tpu.region"() ({
      %run_scoped3A = tpu.sem_alloc : memref<!tpu.dma_semaphore, #tpu.memory_space<semaphore_mem>>
      %dma_start3A_625 = arith.constant 0 : i32
      %dma_start3A_626 = arith.constant 0 : i32
      %dma_start3A_627 = tpu.memref_slice %arg15[%dma_start3A_625, %dma_start3A_626] : memref<104x128xf32, #tpu.memory_space<vmem>> -> memref<16x128xf32, #tpu.memory_space<vmem>>
      %dma_start3A_628 = arith.constant 0 : i32
      %dma_start3A_629 = arith.constant 0 : i32
      %dma_start3A_630 = tpu.memref_slice %arg19[%dma_start3A_628, %dma_start3A_629] : memref<10240x128xf32, #tpu.memory_space<vmem_shared>> -> memref<10240x128xf32, #tpu.memory_space<vmem_shared>>
      tpu.enqueue_indirect_dma source(%dma_start3A_627 : memref<16x128xf32, #tpu.memory_space<vmem>>) target(%dma_start3A_630 : memref<10240x128xf32, #tpu.memory_space<vmem_shared>>) offsets(%arg14 : memref<16xi32, #tpu.memory_space<vmem>>) semaphore(%run_scoped3A : memref<!tpu.dma_semaphore, #tpu.memory_space<semaphore_mem>>) {add = true}
      %dma_wait3A_631 = arith.constant 0 : i32
      %dma_wait3A_632 = arith.constant 0 : i32
      %dma_wait3A_633 = tpu.memref_slice %arg15[%dma_wait3A_631, %dma_wait3A_632] : memref<104x128xf32, #tpu.memory_space<vmem>> -> memref<16x128xf32, #tpu.memory_space<vmem>>
      %dma_wait3A_634 = arith.constant 0 : i32
      %dma_wait3A_635 = arith.constant 0 : i32
      %dma_wait3A_636 = tpu.memref_slice %arg19[%dma_wait3A_634, %dma_wait3A_635] : memref<10240x128xf32, #tpu.memory_space<vmem_shared>> -> memref<10240x128xf32, #tpu.memory_space<vmem_shared>>
      tpu.wait_indirect_dma semaphore(%run_scoped3A : memref<!tpu.dma_semaphore, #tpu.memory_space<semaphore_mem>>) src(%dma_wait3A_633 : memref<16x128xf32, #tpu.memory_space<vmem>>) dst(%dma_wait3A_636 : memref<10240x128xf32, #tpu.memory_space<vmem_shared>>)
      tpu.yield
    }) : () -> ()
    %barrier3A_264 = arith.constant 0 : index
    tpu.barrier barrier_id(%barrier3A_264)
    %mul3A_265 = arith.constant 640 : i32
    %mul3A_266 = arith.muli %arg1, %mul3A_265 : i32
    %add3A_267 = arith.constant 0 : i32
    %add3A_268 = arith.addi %mul3A_266, %add3A_267 : i32
    "tpu.region"() ({
      %run_scoped3A = tpu.sem_alloc : memref<!tpu.dma_semaphore, #tpu.memory_space<semaphore_mem>>
      %dma_start3A_625 = arith.constant 0 : i32
      %dma_start3A_626 = arith.constant 0 : i32
      %dma_start3A_627 = tpu.memref_slice %arg15[%dma_start3A_625, %dma_start3A_626] : memref<104x128xf32, #tpu.memory_space<vmem>> -> memref<64x128xf32, #tpu.memory_space<vmem>>
      %dma_start3A_628 = arith.constant 0 : i32
      %dma_start3A_629 = tpu.memref_slice %arg19[%add3A_268, %dma_start3A_628] : memref<10240x128xf32, #tpu.memory_space<vmem_shared>> -> memref<64x128xf32, #tpu.memory_space<vmem_shared>>
      %dma_start3A_630 = arith.constant 0 : i32
      %dma_start3A_631 = arith.constant 0 : i32
      %dma_start3A_632 = tpu.memref_slice %arg15[%dma_start3A_630, %dma_start3A_631] : memref<104x128xf32, #tpu.memory_space<vmem>> -> memref<64x128xf32, #tpu.memory_space<vmem>>
      %dma_start3A_633 = arith.constant 0 : i32
      %dma_start3A_634 = tpu.memref_slice %arg19[%add3A_268, %dma_start3A_633] : memref<10240x128xf32, #tpu.memory_space<vmem_shared>> -> memref<64x128xf32, #tpu.memory_space<vmem_shared>>
      tpu.enqueue_dma source(%dma_start3A_634 : memref<64x128xf32, #tpu.memory_space<vmem_shared>>) target(%dma_start3A_632 : memref<64x128xf32, #tpu.memory_space<vmem>>) target_semaphore(%run_scoped3A : memref<!tpu.dma_semaphore, #tpu.memory_space<semaphore_mem>>)
      %dma_wait3A_635 = arith.constant 0 : i32
      %dma_wait3A_636 = arith.constant 0 : i32
      %dma_wait3A_637 = tpu.memref_slice %arg15[%dma_wait3A_635, %dma_wait3A_636] : memref<104x128xf32, #tpu.memory_space<vmem>> -> memref<64x128xf32, #tpu.memory_space<vmem>>
      %dma_wait3A_638 = arith.constant 0 : i32
      %dma_wait3A_639 = tpu.memref_slice %arg19[%add3A_268, %dma_wait3A_638] : memref<10240x128xf32, #tpu.memory_space<vmem_shared>> -> memref<64x128xf32, #tpu.memory_space<vmem_shared>>
      %dma_wait3A_640 = arith.constant 0 : i32
      %dma_wait3A_641 = arith.constant 0 : i32
      %dma_wait3A_642 = tpu.memref_slice %arg15[%dma_wait3A_640, %dma_wait3A_641] : memref<104x128xf32, #tpu.memory_space<vmem>> -> memref<64x128xf32, #tpu.memory_space<vmem>>
      %dma_wait3A_643 = arith.constant 0 : i32
      %dma_wait3A_644 = tpu.memref_slice %arg19[%add3A_268, %dma_wait3A_643] : memref<10240x128xf32, #tpu.memory_space<vmem_shared>> -> memref<64x128xf32, #tpu.memory_space<vmem_shared>>
      tpu.wait_dma2 semaphore(%run_scoped3A : memref<!tpu.dma_semaphore, #tpu.memory_space<semaphore_mem>>) src(%dma_wait3A_644 : memref<64x128xf32, #tpu.memory_space<vmem_shared>>) dst(%dma_wait3A_642 : memref<64x128xf32, #tpu.memory_space<vmem>>)
      tpu.yield
    }) : () -> ()
    %mul3A_269 = arith.constant 640 : i32
    %mul3A_270 = arith.muli %arg1, %mul3A_269 : i32
    %add3A_271 = arith.constant 0 : i32
    %add3A_272 = arith.addi %mul3A_270, %add3A_271 : i32
    %dma_start3A_273 = arith.constant 0 : i32
    %dma_start3A_274 = arith.constant 0 : i32
    %dma_start3A_275 = tpu.memref_slice %arg15[%dma_start3A_273, %dma_start3A_274] : memref<104x128xf32, #tpu.memory_space<vmem>> -> memref<64x128xf32, #tpu.memory_space<vmem>>
    %dma_start3A_276 = arith.constant 0 : i32
    %dma_start3A_277 = tpu.memref_slice %arg6[%arg0, %add3A_272, %dma_start3A_276] : memref<2x10240x128xf32, #tpu.memory_space<hbm>> -> memref<1x64x128xf32, #tpu.memory_space<hbm>>
    %dma_start3A_278 = tpu.memref_squeeze %dma_start3A_277 : memref<1x64x128xf32, #tpu.memory_space<hbm>> -> memref<64x128xf32, #tpu.memory_space<hbm>>
    %dma_start3A_279 = arith.constant 0 : i32
    %dma_start3A_280 = tpu.memref_slice %arg6[%arg0, %add3A_272, %dma_start3A_279] : memref<2x10240x128xf32, #tpu.memory_space<hbm>> -> memref<1x64x128xf32, #tpu.memory_space<hbm>>
    %dma_start3A_281 = tpu.memref_squeeze %dma_start3A_280 : memref<1x64x128xf32, #tpu.memory_space<hbm>> -> memref<64x128xf32, #tpu.memory_space<hbm>>
    %dma_start3A_282 = arith.constant 0 : i32
    %dma_start3A_283 = arith.constant 0 : i32
    %dma_start3A_284 = tpu.memref_slice %arg15[%dma_start3A_282, %dma_start3A_283] : memref<104x128xf32, #tpu.memory_space<vmem>> -> memref<64x128xf32, #tpu.memory_space<vmem>>
    tpu.enqueue_dma source(%dma_start3A_284 : memref<64x128xf32, #tpu.memory_space<vmem>>) target(%dma_start3A_281 : memref<64x128xf32, #tpu.memory_space<hbm>>) target_semaphore(%arg20 : memref<!tpu.dma_semaphore, #tpu.memory_space<semaphore_mem>>)
    %mul3A_285 = arith.constant 640 : i32
    %mul3A_286 = arith.muli %arg1, %mul3A_285 : i32
    %add3A_287 = arith.constant 64 : i32
    %add3A_288 = arith.addi %mul3A_286, %add3A_287 : i32
    "tpu.region"() ({
      %run_scoped3A = tpu.sem_alloc : memref<!tpu.dma_semaphore, #tpu.memory_space<semaphore_mem>>
      %dma_start3A_625 = arith.constant 0 : i32
      %dma_start3A_626 = arith.constant 0 : i32
      %dma_start3A_627 = tpu.memref_slice %arg16[%dma_start3A_625, %dma_start3A_626] : memref<104x128xf32, #tpu.memory_space<vmem>> -> memref<64x128xf32, #tpu.memory_space<vmem>>
      %dma_start3A_628 = arith.constant 0 : i32
      %dma_start3A_629 = tpu.memref_slice %arg19[%add3A_288, %dma_start3A_628] : memref<10240x128xf32, #tpu.memory_space<vmem_shared>> -> memref<64x128xf32, #tpu.memory_space<vmem_shared>>
      %dma_start3A_630 = arith.constant 0 : i32
      %dma_start3A_631 = arith.constant 0 : i32
      %dma_start3A_632 = tpu.memref_slice %arg16[%dma_start3A_630, %dma_start3A_631] : memref<104x128xf32, #tpu.memory_space<vmem>> -> memref<64x128xf32, #tpu.memory_space<vmem>>
      %dma_start3A_633 = arith.constant 0 : i32
      %dma_start3A_634 = tpu.memref_slice %arg19[%add3A_288, %dma_start3A_633] : memref<10240x128xf32, #tpu.memory_space<vmem_shared>> -> memref<64x128xf32, #tpu.memory_space<vmem_shared>>
      tpu.enqueue_dma source(%dma_start3A_634 : memref<64x128xf32, #tpu.memory_space<vmem_shared>>) target(%dma_start3A_632 : memref<64x128xf32, #tpu.memory_space<vmem>>) target_semaphore(%run_scoped3A : memref<!tpu.dma_semaphore, #tpu.memory_space<semaphore_mem>>)
      %dma_wait3A_635 = arith.constant 0 : i32
      %dma_wait3A_636 = arith.constant 0 : i32
      %dma_wait3A_637 = tpu.memref_slice %arg16[%dma_wait3A_635, %dma_wait3A_636] : memref<104x128xf32, #tpu.memory_space<vmem>> -> memref<64x128xf32, #tpu.memory_space<vmem>>
      %dma_wait3A_638 = arith.constant 0 : i32
      %dma_wait3A_639 = tpu.memref_slice %arg19[%add3A_288, %dma_wait3A_638] : memref<10240x128xf32, #tpu.memory_space<vmem_shared>> -> memref<64x128xf32, #tpu.memory_space<vmem_shared>>
      %dma_wait3A_640 = arith.constant 0 : i32
      %dma_wait3A_641 = arith.constant 0 : i32
      %dma_wait3A_642 = tpu.memref_slice %arg16[%dma_wait3A_640, %dma_wait3A_641] : memref<104x128xf32, #tpu.memory_space<vmem>> -> memref<64x128xf32, #tpu.memory_space<vmem>>
      %dma_wait3A_643 = arith.constant 0 : i32
      %dma_wait3A_644 = tpu.memref_slice %arg19[%add3A_288, %dma_wait3A_643] : memref<10240x128xf32, #tpu.memory_space<vmem_shared>> -> memref<64x128xf32, #tpu.memory_space<vmem_shared>>
      tpu.wait_dma2 semaphore(%run_scoped3A : memref<!tpu.dma_semaphore, #tpu.memory_space<semaphore_mem>>) src(%dma_wait3A_644 : memref<64x128xf32, #tpu.memory_space<vmem_shared>>) dst(%dma_wait3A_642 : memref<64x128xf32, #tpu.memory_space<vmem>>)
      tpu.yield
    }) : () -> ()
    %mul3A_289 = arith.constant 640 : i32
    %mul3A_290 = arith.muli %arg1, %mul3A_289 : i32
    %add3A_291 = arith.constant 64 : i32
    %add3A_292 = arith.addi %mul3A_290, %add3A_291 : i32
    %dma_start3A_293 = arith.constant 0 : i32
    %dma_start3A_294 = arith.constant 0 : i32
    %dma_start3A_295 = tpu.memref_slice %arg16[%dma_start3A_293, %dma_start3A_294] : memref<104x128xf32, #tpu.memory_space<vmem>> -> memref<64x128xf32, #tpu.memory_space<vmem>>
    %dma_start3A_296 = arith.constant 0 : i32
    %dma_start3A_297 = tpu.memref_slice %arg6[%arg0, %add3A_292, %dma_start3A_296] : memref<2x10240x128xf32, #tpu.memory_space<hbm>> -> memref<1x64x128xf32, #tpu.memory_space<hbm>>
    %dma_start3A_298 = tpu.memref_squeeze %dma_start3A_297 : memref<1x64x128xf32, #tpu.memory_space<hbm>> -> memref<64x128xf32, #tpu.memory_space<hbm>>
    %dma_start3A_299 = arith.constant 0 : i32
    %dma_start3A_300 = tpu.memref_slice %arg6[%arg0, %add3A_292, %dma_start3A_299] : memref<2x10240x128xf32, #tpu.memory_space<hbm>> -> memref<1x64x128xf32, #tpu.memory_space<hbm>>
    %dma_start3A_301 = tpu.memref_squeeze %dma_start3A_300 : memref<1x64x128xf32, #tpu.memory_space<hbm>> -> memref<64x128xf32, #tpu.memory_space<hbm>>
    %dma_start3A_302 = arith.constant 0 : i32
    %dma_start3A_303 = arith.constant 0 : i32
    %dma_start3A_304 = tpu.memref_slice %arg16[%dma_start3A_302, %dma_start3A_303] : memref<104x128xf32, #tpu.memory_space<vmem>> -> memref<64x128xf32, #tpu.memory_space<vmem>>
    tpu.enqueue_dma source(%dma_start3A_304 : memref<64x128xf32, #tpu.memory_space<vmem>>) target(%dma_start3A_301 : memref<64x128xf32, #tpu.memory_space<hbm>>) target_semaphore(%arg21 : memref<!tpu.dma_semaphore, #tpu.memory_space<semaphore_mem>>)
    %mul3A_305 = arith.constant 640 : i32
    %mul3A_306 = arith.muli %arg1, %mul3A_305 : i32
    %add3A_307 = arith.constant 0 : i32
    %add3A_308 = arith.addi %mul3A_306, %add3A_307 : i32
    %dma_wait3A_309 = arith.constant 0 : i32
    %dma_wait3A_310 = arith.constant 0 : i32
    %dma_wait3A_311 = tpu.memref_slice %arg15[%dma_wait3A_309, %dma_wait3A_310] : memref<104x128xf32, #tpu.memory_space<vmem>> -> memref<64x128xf32, #tpu.memory_space<vmem>>
    %dma_wait3A_312 = arith.constant 0 : i32
    %dma_wait3A_313 = tpu.memref_slice %arg6[%arg0, %add3A_308, %dma_wait3A_312] : memref<2x10240x128xf32, #tpu.memory_space<hbm>> -> memref<1x64x128xf32, #tpu.memory_space<hbm>>
    %dma_wait3A_314 = tpu.memref_squeeze %dma_wait3A_313 : memref<1x64x128xf32, #tpu.memory_space<hbm>> -> memref<64x128xf32, #tpu.memory_space<hbm>>
    %dma_wait3A_315 = arith.constant 0 : i32
    %dma_wait3A_316 = tpu.memref_slice %arg6[%arg0, %add3A_308, %dma_wait3A_315] : memref<2x10240x128xf32, #tpu.memory_space<hbm>> -> memref<1x64x128xf32, #tpu.memory_space<hbm>>
    %dma_wait3A_317 = tpu.memref_squeeze %dma_wait3A_316 : memref<1x64x128xf32, #tpu.memory_space<hbm>> -> memref<64x128xf32, #tpu.memory_space<hbm>>
    %dma_wait3A_318 = arith.constant 0 : i32
    %dma_wait3A_319 = arith.constant 0 : i32
    %dma_wait3A_320 = tpu.memref_slice %arg15[%dma_wait3A_318, %dma_wait3A_319] : memref<104x128xf32, #tpu.memory_space<vmem>> -> memref<64x128xf32, #tpu.memory_space<vmem>>
    tpu.wait_dma2 semaphore(%arg20 : memref<!tpu.dma_semaphore, #tpu.memory_space<semaphore_mem>>) src(%dma_wait3A_320 : memref<64x128xf32, #tpu.memory_space<vmem>>) dst(%dma_wait3A_317 : memref<64x128xf32, #tpu.memory_space<hbm>>)
    %mul3A_321 = arith.constant 640 : i32
    %mul3A_322 = arith.muli %arg1, %mul3A_321 : i32
    %add3A_323 = arith.constant 128 : i32
    %add3A_324 = arith.addi %mul3A_322, %add3A_323 : i32
    "tpu.region"() ({
      %run_scoped3A = tpu.sem_alloc : memref<!tpu.dma_semaphore, #tpu.memory_space<semaphore_mem>>
      %dma_start3A_625 = arith.constant 0 : i32
      %dma_start3A_626 = arith.constant 0 : i32
      %dma_start3A_627 = tpu.memref_slice %arg15[%dma_start3A_625, %dma_start3A_626] : memref<104x128xf32, #tpu.memory_space<vmem>> -> memref<64x128xf32, #tpu.memory_space<vmem>>
      %dma_start3A_628 = arith.constant 0 : i32
      %dma_start3A_629 = tpu.memref_slice %arg19[%add3A_324, %dma_start3A_628] : memref<10240x128xf32, #tpu.memory_space<vmem_shared>> -> memref<64x128xf32, #tpu.memory_space<vmem_shared>>
      %dma_start3A_630 = arith.constant 0 : i32
      %dma_start3A_631 = arith.constant 0 : i32
      %dma_start3A_632 = tpu.memref_slice %arg15[%dma_start3A_630, %dma_start3A_631] : memref<104x128xf32, #tpu.memory_space<vmem>> -> memref<64x128xf32, #tpu.memory_space<vmem>>
      %dma_start3A_633 = arith.constant 0 : i32
      %dma_start3A_634 = tpu.memref_slice %arg19[%add3A_324, %dma_start3A_633] : memref<10240x128xf32, #tpu.memory_space<vmem_shared>> -> memref<64x128xf32, #tpu.memory_space<vmem_shared>>
      tpu.enqueue_dma source(%dma_start3A_634 : memref<64x128xf32, #tpu.memory_space<vmem_shared>>) target(%dma_start3A_632 : memref<64x128xf32, #tpu.memory_space<vmem>>) target_semaphore(%run_scoped3A : memref<!tpu.dma_semaphore, #tpu.memory_space<semaphore_mem>>)
      %dma_wait3A_635 = arith.constant 0 : i32
      %dma_wait3A_636 = arith.constant 0 : i32
      %dma_wait3A_637 = tpu.memref_slice %arg15[%dma_wait3A_635, %dma_wait3A_636] : memref<104x128xf32, #tpu.memory_space<vmem>> -> memref<64x128xf32, #tpu.memory_space<vmem>>
      %dma_wait3A_638 = arith.constant 0 : i32
      %dma_wait3A_639 = tpu.memref_slice %arg19[%add3A_324, %dma_wait3A_638] : memref<10240x128xf32, #tpu.memory_space<vmem_shared>> -> memref<64x128xf32, #tpu.memory_space<vmem_shared>>
      %dma_wait3A_640 = arith.constant 0 : i32
      %dma_wait3A_641 = arith.constant 0 : i32
      %dma_wait3A_642 = tpu.memref_slice %arg15[%dma_wait3A_640, %dma_wait3A_641] : memref<104x128xf32, #tpu.memory_space<vmem>> -> memref<64x128xf32, #tpu.memory_space<vmem>>
      %dma_wait3A_643 = arith.constant 0 : i32
      %dma_wait3A_644 = tpu.memref_slice %arg19[%add3A_324, %dma_wait3A_643] : memref<10240x128xf32, #tpu.memory_space<vmem_shared>> -> memref<64x128xf32, #tpu.memory_space<vmem_shared>>
      tpu.wait_dma2 semaphore(%run_scoped3A : memref<!tpu.dma_semaphore, #tpu.memory_space<semaphore_mem>>) src(%dma_wait3A_644 : memref<64x128xf32, #tpu.memory_space<vmem_shared>>) dst(%dma_wait3A_642 : memref<64x128xf32, #tpu.memory_space<vmem>>)
      tpu.yield
    }) : () -> ()
    %mul3A_325 = arith.constant 640 : i32
    %mul3A_326 = arith.muli %arg1, %mul3A_325 : i32
    %add3A_327 = arith.constant 128 : i32
    %add3A_328 = arith.addi %mul3A_326, %add3A_327 : i32
    %dma_start3A_329 = arith.constant 0 : i32
    %dma_start3A_330 = arith.constant 0 : i32
    %dma_start3A_331 = tpu.memref_slice %arg15[%dma_start3A_329, %dma_start3A_330] : memref<104x128xf32, #tpu.memory_space<vmem>> -> memref<64x128xf32, #tpu.memory_space<vmem>>
    %dma_start3A_332 = arith.constant 0 : i32
    %dma_start3A_333 = tpu.memref_slice %arg6[%arg0, %add3A_328, %dma_start3A_332] : memref<2x10240x128xf32, #tpu.memory_space<hbm>> -> memref<1x64x128xf32, #tpu.memory_space<hbm>>
    %dma_start3A_334 = tpu.memref_squeeze %dma_start3A_333 : memref<1x64x128xf32, #tpu.memory_space<hbm>> -> memref<64x128xf32, #tpu.memory_space<hbm>>
    %dma_start3A_335 = arith.constant 0 : i32
    %dma_start3A_336 = tpu.memref_slice %arg6[%arg0, %add3A_328, %dma_start3A_335] : memref<2x10240x128xf32, #tpu.memory_space<hbm>> -> memref<1x64x128xf32, #tpu.memory_space<hbm>>
    %dma_start3A_337 = tpu.memref_squeeze %dma_start3A_336 : memref<1x64x128xf32, #tpu.memory_space<hbm>> -> memref<64x128xf32, #tpu.memory_space<hbm>>
    %dma_start3A_338 = arith.constant 0 : i32
    %dma_start3A_339 = arith.constant 0 : i32
    %dma_start3A_340 = tpu.memref_slice %arg15[%dma_start3A_338, %dma_start3A_339] : memref<104x128xf32, #tpu.memory_space<vmem>> -> memref<64x128xf32, #tpu.memory_space<vmem>>
    tpu.enqueue_dma source(%dma_start3A_340 : memref<64x128xf32, #tpu.memory_space<vmem>>) target(%dma_start3A_337 : memref<64x128xf32, #tpu.memory_space<hbm>>) target_semaphore(%arg20 : memref<!tpu.dma_semaphore, #tpu.memory_space<semaphore_mem>>)
    %mul3A_341 = arith.constant 640 : i32
    %mul3A_342 = arith.muli %arg1, %mul3A_341 : i32
    %add3A_343 = arith.constant 64 : i32
    %add3A_344 = arith.addi %mul3A_342, %add3A_343 : i32
    %dma_wait3A_345 = arith.constant 0 : i32
    %dma_wait3A_346 = arith.constant 0 : i32
    %dma_wait3A_347 = tpu.memref_slice %arg16[%dma_wait3A_345, %dma_wait3A_346] : memref<104x128xf32, #tpu.memory_space<vmem>> -> memref<64x128xf32, #tpu.memory_space<vmem>>
    %dma_wait3A_348 = arith.constant 0 : i32
    %dma_wait3A_349 = tpu.memref_slice %arg6[%arg0, %add3A_344, %dma_wait3A_348] : memref<2x10240x128xf32, #tpu.memory_space<hbm>> -> memref<1x64x128xf32, #tpu.memory_space<hbm>>
    %dma_wait3A_350 = tpu.memref_squeeze %dma_wait3A_349 : memref<1x64x128xf32, #tpu.memory_space<hbm>> -> memref<64x128xf32, #tpu.memory_space<hbm>>
    %dma_wait3A_351 = arith.constant 0 : i32
    %dma_wait3A_352 = tpu.memref_slice %arg6[%arg0, %add3A_344, %dma_wait3A_351] : memref<2x10240x128xf32, #tpu.memory_space<hbm>> -> memref<1x64x128xf32, #tpu.memory_space<hbm>>
    %dma_wait3A_353 = tpu.memref_squeeze %dma_wait3A_352 : memref<1x64x128xf32, #tpu.memory_space<hbm>> -> memref<64x128xf32, #tpu.memory_space<hbm>>
    %dma_wait3A_354 = arith.constant 0 : i32
    %dma_wait3A_355 = arith.constant 0 : i32
    %dma_wait3A_356 = tpu.memref_slice %arg16[%dma_wait3A_354, %dma_wait3A_355] : memref<104x128xf32, #tpu.memory_space<vmem>> -> memref<64x128xf32, #tpu.memory_space<vmem>>
    tpu.wait_dma2 semaphore(%arg21 : memref<!tpu.dma_semaphore, #tpu.memory_space<semaphore_mem>>) src(%dma_wait3A_356 : memref<64x128xf32, #tpu.memory_space<vmem>>) dst(%dma_wait3A_353 : memref<64x128xf32, #tpu.memory_space<hbm>>)
    %mul3A_357 = arith.constant 640 : i32
    %mul3A_358 = arith.muli %arg1, %mul3A_357 : i32
    %add3A_359 = arith.constant 192 : i32
    %add3A_360 = arith.addi %mul3A_358, %add3A_359 : i32
    "tpu.region"() ({
      %run_scoped3A = tpu.sem_alloc : memref<!tpu.dma_semaphore, #tpu.memory_space<semaphore_mem>>
      %dma_start3A_625 = arith.constant 0 : i32
      %dma_start3A_626 = arith.constant 0 : i32
      %dma_start3A_627 = tpu.memref_slice %arg16[%dma_start3A_625, %dma_start3A_626] : memref<104x128xf32, #tpu.memory_space<vmem>> -> memref<64x128xf32, #tpu.memory_space<vmem>>
      %dma_start3A_628 = arith.constant 0 : i32
      %dma_start3A_629 = tpu.memref_slice %arg19[%add3A_360, %dma_start3A_628] : memref<10240x128xf32, #tpu.memory_space<vmem_shared>> -> memref<64x128xf32, #tpu.memory_space<vmem_shared>>
      %dma_start3A_630 = arith.constant 0 : i32
      %dma_start3A_631 = arith.constant 0 : i32
      %dma_start3A_632 = tpu.memref_slice %arg16[%dma_start3A_630, %dma_start3A_631] : memref<104x128xf32, #tpu.memory_space<vmem>> -> memref<64x128xf32, #tpu.memory_space<vmem>>
      %dma_start3A_633 = arith.constant 0 : i32
      %dma_start3A_634 = tpu.memref_slice %arg19[%add3A_360, %dma_start3A_633] : memref<10240x128xf32, #tpu.memory_space<vmem_shared>> -> memref<64x128xf32, #tpu.memory_space<vmem_shared>>
      tpu.enqueue_dma source(%dma_start3A_634 : memref<64x128xf32, #tpu.memory_space<vmem_shared>>) target(%dma_start3A_632 : memref<64x128xf32, #tpu.memory_space<vmem>>) target_semaphore(%run_scoped3A : memref<!tpu.dma_semaphore, #tpu.memory_space<semaphore_mem>>)
      %dma_wait3A_635 = arith.constant 0 : i32
      %dma_wait3A_636 = arith.constant 0 : i32
      %dma_wait3A_637 = tpu.memref_slice %arg16[%dma_wait3A_635, %dma_wait3A_636] : memref<104x128xf32, #tpu.memory_space<vmem>> -> memref<64x128xf32, #tpu.memory_space<vmem>>
      %dma_wait3A_638 = arith.constant 0 : i32
      %dma_wait3A_639 = tpu.memref_slice %arg19[%add3A_360, %dma_wait3A_638] : memref<10240x128xf32, #tpu.memory_space<vmem_shared>> -> memref<64x128xf32, #tpu.memory_space<vmem_shared>>
      %dma_wait3A_640 = arith.constant 0 : i32
      %dma_wait3A_641 = arith.constant 0 : i32
      %dma_wait3A_642 = tpu.memref_slice %arg16[%dma_wait3A_640, %dma_wait3A_641] : memref<104x128xf32, #tpu.memory_space<vmem>> -> memref<64x128xf32, #tpu.memory_space<vmem>>
      %dma_wait3A_643 = arith.constant 0 : i32
      %dma_wait3A_644 = tpu.memref_slice %arg19[%add3A_360, %dma_wait3A_643] : memref<10240x128xf32, #tpu.memory_space<vmem_shared>> -> memref<64x128xf32, #tpu.memory_space<vmem_shared>>
      tpu.wait_dma2 semaphore(%run_scoped3A : memref<!tpu.dma_semaphore, #tpu.memory_space<semaphore_mem>>) src(%dma_wait3A_644 : memref<64x128xf32, #tpu.memory_space<vmem_shared>>) dst(%dma_wait3A_642 : memref<64x128xf32, #tpu.memory_space<vmem>>)
      tpu.yield
    }) : () -> ()
    %mul3A_361 = arith.constant 640 : i32
    %mul3A_362 = arith.muli %arg1, %mul3A_361 : i32
    %add3A_363 = arith.constant 192 : i32
    %add3A_364 = arith.addi %mul3A_362, %add3A_363 : i32
    %dma_start3A_365 = arith.constant 0 : i32
    %dma_start3A_366 = arith.constant 0 : i32
    %dma_start3A_367 = tpu.memref_slice %arg16[%dma_start3A_365, %dma_start3A_366] : memref<104x128xf32, #tpu.memory_space<vmem>> -> memref<64x128xf32, #tpu.memory_space<vmem>>
    %dma_start3A_368 = arith.constant 0 : i32
    %dma_start3A_369 = tpu.memref_slice %arg6[%arg0, %add3A_364, %dma_start3A_368] : memref<2x10240x128xf32, #tpu.memory_space<hbm>> -> memref<1x64x128xf32, #tpu.memory_space<hbm>>
    %dma_start3A_370 = tpu.memref_squeeze %dma_start3A_369 : memref<1x64x128xf32, #tpu.memory_space<hbm>> -> memref<64x128xf32, #tpu.memory_space<hbm>>
    %dma_start3A_371 = arith.constant 0 : i32
    %dma_start3A_372 = tpu.memref_slice %arg6[%arg0, %add3A_364, %dma_start3A_371] : memref<2x10240x128xf32, #tpu.memory_space<hbm>> -> memref<1x64x128xf32, #tpu.memory_space<hbm>>
    %dma_start3A_373 = tpu.memref_squeeze %dma_start3A_372 : memref<1x64x128xf32, #tpu.memory_space<hbm>> -> memref<64x128xf32, #tpu.memory_space<hbm>>
    %dma_start3A_374 = arith.constant 0 : i32
    %dma_start3A_375 = arith.constant 0 : i32
    %dma_start3A_376 = tpu.memref_slice %arg16[%dma_start3A_374, %dma_start3A_375] : memref<104x128xf32, #tpu.memory_space<vmem>> -> memref<64x128xf32, #tpu.memory_space<vmem>>
    tpu.enqueue_dma source(%dma_start3A_376 : memref<64x128xf32, #tpu.memory_space<vmem>>) target(%dma_start3A_373 : memref<64x128xf32, #tpu.memory_space<hbm>>) target_semaphore(%arg21 : memref<!tpu.dma_semaphore, #tpu.memory_space<semaphore_mem>>)
    %mul3A_377 = arith.constant 640 : i32
    %mul3A_378 = arith.muli %arg1, %mul3A_377 : i32
    %add3A_379 = arith.constant 128 : i32
    %add3A_380 = arith.addi %mul3A_378, %add3A_379 : i32
    %dma_wait3A_381 = arith.constant 0 : i32
    %dma_wait3A_382 = arith.constant 0 : i32
    %dma_wait3A_383 = tpu.memref_slice %arg15[%dma_wait3A_381, %dma_wait3A_382] : memref<104x128xf32, #tpu.memory_space<vmem>> -> memref<64x128xf32, #tpu.memory_space<vmem>>
    %dma_wait3A_384 = arith.constant 0 : i32
    %dma_wait3A_385 = tpu.memref_slice %arg6[%arg0, %add3A_380, %dma_wait3A_384] : memref<2x10240x128xf32, #tpu.memory_space<hbm>> -> memref<1x64x128xf32, #tpu.memory_space<hbm>>
    %dma_wait3A_386 = tpu.memref_squeeze %dma_wait3A_385 : memref<1x64x128xf32, #tpu.memory_space<hbm>> -> memref<64x128xf32, #tpu.memory_space<hbm>>
    %dma_wait3A_387 = arith.constant 0 : i32
    %dma_wait3A_388 = tpu.memref_slice %arg6[%arg0, %add3A_380, %dma_wait3A_387] : memref<2x10240x128xf32, #tpu.memory_space<hbm>> -> memref<1x64x128xf32, #tpu.memory_space<hbm>>
    %dma_wait3A_389 = tpu.memref_squeeze %dma_wait3A_388 : memref<1x64x128xf32, #tpu.memory_space<hbm>> -> memref<64x128xf32, #tpu.memory_space<hbm>>
    %dma_wait3A_390 = arith.constant 0 : i32
    %dma_wait3A_391 = arith.constant 0 : i32
    %dma_wait3A_392 = tpu.memref_slice %arg15[%dma_wait3A_390, %dma_wait3A_391] : memref<104x128xf32, #tpu.memory_space<vmem>> -> memref<64x128xf32, #tpu.memory_space<vmem>>
    tpu.wait_dma2 semaphore(%arg20 : memref<!tpu.dma_semaphore, #tpu.memory_space<semaphore_mem>>) src(%dma_wait3A_392 : memref<64x128xf32, #tpu.memory_space<vmem>>) dst(%dma_wait3A_389 : memref<64x128xf32, #tpu.memory_space<hbm>>)
    %mul3A_393 = arith.constant 640 : i32
    %mul3A_394 = arith.muli %arg1, %mul3A_393 : i32
    %add3A_395 = arith.constant 256 : i32
    %add3A_396 = arith.addi %mul3A_394, %add3A_395 : i32
    "tpu.region"() ({
      %run_scoped3A = tpu.sem_alloc : memref<!tpu.dma_semaphore, #tpu.memory_space<semaphore_mem>>
      %dma_start3A_625 = arith.constant 0 : i32
      %dma_start3A_626 = arith.constant 0 : i32
      %dma_start3A_627 = tpu.memref_slice %arg15[%dma_start3A_625, %dma_start3A_626] : memref<104x128xf32, #tpu.memory_space<vmem>> -> memref<64x128xf32, #tpu.memory_space<vmem>>
      %dma_start3A_628 = arith.constant 0 : i32
      %dma_start3A_629 = tpu.memref_slice %arg19[%add3A_396, %dma_start3A_628] : memref<10240x128xf32, #tpu.memory_space<vmem_shared>> -> memref<64x128xf32, #tpu.memory_space<vmem_shared>>
      %dma_start3A_630 = arith.constant 0 : i32
      %dma_start3A_631 = arith.constant 0 : i32
      %dma_start3A_632 = tpu.memref_slice %arg15[%dma_start3A_630, %dma_start3A_631] : memref<104x128xf32, #tpu.memory_space<vmem>> -> memref<64x128xf32, #tpu.memory_space<vmem>>
      %dma_start3A_633 = arith.constant 0 : i32
      %dma_start3A_634 = tpu.memref_slice %arg19[%add3A_396, %dma_start3A_633] : memref<10240x128xf32, #tpu.memory_space<vmem_shared>> -> memref<64x128xf32, #tpu.memory_space<vmem_shared>>
      tpu.enqueue_dma source(%dma_start3A_634 : memref<64x128xf32, #tpu.memory_space<vmem_shared>>) target(%dma_start3A_632 : memref<64x128xf32, #tpu.memory_space<vmem>>) target_semaphore(%run_scoped3A : memref<!tpu.dma_semaphore, #tpu.memory_space<semaphore_mem>>)
      %dma_wait3A_635 = arith.constant 0 : i32
      %dma_wait3A_636 = arith.constant 0 : i32
      %dma_wait3A_637 = tpu.memref_slice %arg15[%dma_wait3A_635, %dma_wait3A_636] : memref<104x128xf32, #tpu.memory_space<vmem>> -> memref<64x128xf32, #tpu.memory_space<vmem>>
      %dma_wait3A_638 = arith.constant 0 : i32
      %dma_wait3A_639 = tpu.memref_slice %arg19[%add3A_396, %dma_wait3A_638] : memref<10240x128xf32, #tpu.memory_space<vmem_shared>> -> memref<64x128xf32, #tpu.memory_space<vmem_shared>>
      %dma_wait3A_640 = arith.constant 0 : i32
      %dma_wait3A_641 = arith.constant 0 : i32
      %dma_wait3A_642 = tpu.memref_slice %arg15[%dma_wait3A_640, %dma_wait3A_641] : memref<104x128xf32, #tpu.memory_space<vmem>> -> memref<64x128xf32, #tpu.memory_space<vmem>>
      %dma_wait3A_643 = arith.constant 0 : i32
      %dma_wait3A_644 = tpu.memref_slice %arg19[%add3A_396, %dma_wait3A_643] : memref<10240x128xf32, #tpu.memory_space<vmem_shared>> -> memref<64x128xf32, #tpu.memory_space<vmem_shared>>
      tpu.wait_dma2 semaphore(%run_scoped3A : memref<!tpu.dma_semaphore, #tpu.memory_space<semaphore_mem>>) src(%dma_wait3A_644 : memref<64x128xf32, #tpu.memory_space<vmem_shared>>) dst(%dma_wait3A_642 : memref<64x128xf32, #tpu.memory_space<vmem>>)
      tpu.yield
    }) : () -> ()
    %mul3A_397 = arith.constant 640 : i32
    %mul3A_398 = arith.muli %arg1, %mul3A_397 : i32
    %add3A_399 = arith.constant 256 : i32
    %add3A_400 = arith.addi %mul3A_398, %add3A_399 : i32
    %dma_start3A_401 = arith.constant 0 : i32
    %dma_start3A_402 = arith.constant 0 : i32
    %dma_start3A_403 = tpu.memref_slice %arg15[%dma_start3A_401, %dma_start3A_402] : memref<104x128xf32, #tpu.memory_space<vmem>> -> memref<64x128xf32, #tpu.memory_space<vmem>>
    %dma_start3A_404 = arith.constant 0 : i32
    %dma_start3A_405 = tpu.memref_slice %arg6[%arg0, %add3A_400, %dma_start3A_404] : memref<2x10240x128xf32, #tpu.memory_space<hbm>> -> memref<1x64x128xf32, #tpu.memory_space<hbm>>
    %dma_start3A_406 = tpu.memref_squeeze %dma_start3A_405 : memref<1x64x128xf32, #tpu.memory_space<hbm>> -> memref<64x128xf32, #tpu.memory_space<hbm>>
    %dma_start3A_407 = arith.constant 0 : i32
    %dma_start3A_408 = tpu.memref_slice %arg6[%arg0, %add3A_400, %dma_start3A_407] : memref<2x10240x128xf32, #tpu.memory_space<hbm>> -> memref<1x64x128xf32, #tpu.memory_space<hbm>>
    %dma_start3A_409 = tpu.memref_squeeze %dma_start3A_408 : memref<1x64x128xf32, #tpu.memory_space<hbm>> -> memref<64x128xf32, #tpu.memory_space<hbm>>
    %dma_start3A_410 = arith.constant 0 : i32
    %dma_start3A_411 = arith.constant 0 : i32
    %dma_start3A_412 = tpu.memref_slice %arg15[%dma_start3A_410, %dma_start3A_411] : memref<104x128xf32, #tpu.memory_space<vmem>> -> memref<64x128xf32, #tpu.memory_space<vmem>>
    tpu.enqueue_dma source(%dma_start3A_412 : memref<64x128xf32, #tpu.memory_space<vmem>>) target(%dma_start3A_409 : memref<64x128xf32, #tpu.memory_space<hbm>>) target_semaphore(%arg20 : memref<!tpu.dma_semaphore, #tpu.memory_space<semaphore_mem>>)
    %mul3A_413 = arith.constant 640 : i32
    %mul3A_414 = arith.muli %arg1, %mul3A_413 : i32
    %add3A_415 = arith.constant 192 : i32
    %add3A_416 = arith.addi %mul3A_414, %add3A_415 : i32
    %dma_wait3A_417 = arith.constant 0 : i32
    %dma_wait3A_418 = arith.constant 0 : i32
    %dma_wait3A_419 = tpu.memref_slice %arg16[%dma_wait3A_417, %dma_wait3A_418] : memref<104x128xf32, #tpu.memory_space<vmem>> -> memref<64x128xf32, #tpu.memory_space<vmem>>
    %dma_wait3A_420 = arith.constant 0 : i32
    %dma_wait3A_421 = tpu.memref_slice %arg6[%arg0, %add3A_416, %dma_wait3A_420] : memref<2x10240x128xf32, #tpu.memory_space<hbm>> -> memref<1x64x128xf32, #tpu.memory_space<hbm>>
    %dma_wait3A_422 = tpu.memref_squeeze %dma_wait3A_421 : memref<1x64x128xf32, #tpu.memory_space<hbm>> -> memref<64x128xf32, #tpu.memory_space<hbm>>
    %dma_wait3A_423 = arith.constant 0 : i32
    %dma_wait3A_424 = tpu.memref_slice %arg6[%arg0, %add3A_416, %dma_wait3A_423] : memref<2x10240x128xf32, #tpu.memory_space<hbm>> -> memref<1x64x128xf32, #tpu.memory_space<hbm>>
    %dma_wait3A_425 = tpu.memref_squeeze %dma_wait3A_424 : memref<1x64x128xf32, #tpu.memory_space<hbm>> -> memref<64x128xf32, #tpu.memory_space<hbm>>
    %dma_wait3A_426 = arith.constant 0 : i32
    %dma_wait3A_427 = arith.constant 0 : i32
    %dma_wait3A_428 = tpu.memref_slice %arg16[%dma_wait3A_426, %dma_wait3A_427] : memref<104x128xf32, #tpu.memory_space<vmem>> -> memref<64x128xf32, #tpu.memory_space<vmem>>
    tpu.wait_dma2 semaphore(%arg21 : memref<!tpu.dma_semaphore, #tpu.memory_space<semaphore_mem>>) src(%dma_wait3A_428 : memref<64x128xf32, #tpu.memory_space<vmem>>) dst(%dma_wait3A_425 : memref<64x128xf32, #tpu.memory_space<hbm>>)
    %mul3A_429 = arith.constant 640 : i32
    %mul3A_430 = arith.muli %arg1, %mul3A_429 : i32
    %add3A_431 = arith.constant 320 : i32
    %add3A_432 = arith.addi %mul3A_430, %add3A_431 : i32
    "tpu.region"() ({
      %run_scoped3A = tpu.sem_alloc : memref<!tpu.dma_semaphore, #tpu.memory_space<semaphore_mem>>
      %dma_start3A_625 = arith.constant 0 : i32
      %dma_start3A_626 = arith.constant 0 : i32
      %dma_start3A_627 = tpu.memref_slice %arg16[%dma_start3A_625, %dma_start3A_626] : memref<104x128xf32, #tpu.memory_space<vmem>> -> memref<64x128xf32, #tpu.memory_space<vmem>>
      %dma_start3A_628 = arith.constant 0 : i32
      %dma_start3A_629 = tpu.memref_slice %arg19[%add3A_432, %dma_start3A_628] : memref<10240x128xf32, #tpu.memory_space<vmem_shared>> -> memref<64x128xf32, #tpu.memory_space<vmem_shared>>
      %dma_start3A_630 = arith.constant 0 : i32
      %dma_start3A_631 = arith.constant 0 : i32
      %dma_start3A_632 = tpu.memref_slice %arg16[%dma_start3A_630, %dma_start3A_631] : memref<104x128xf32, #tpu.memory_space<vmem>> -> memref<64x128xf32, #tpu.memory_space<vmem>>
      %dma_start3A_633 = arith.constant 0 : i32
      %dma_start3A_634 = tpu.memref_slice %arg19[%add3A_432, %dma_start3A_633] : memref<10240x128xf32, #tpu.memory_space<vmem_shared>> -> memref<64x128xf32, #tpu.memory_space<vmem_shared>>
      tpu.enqueue_dma source(%dma_start3A_634 : memref<64x128xf32, #tpu.memory_space<vmem_shared>>) target(%dma_start3A_632 : memref<64x128xf32, #tpu.memory_space<vmem>>) target_semaphore(%run_scoped3A : memref<!tpu.dma_semaphore, #tpu.memory_space<semaphore_mem>>)
      %dma_wait3A_635 = arith.constant 0 : i32
      %dma_wait3A_636 = arith.constant 0 : i32
      %dma_wait3A_637 = tpu.memref_slice %arg16[%dma_wait3A_635, %dma_wait3A_636] : memref<104x128xf32, #tpu.memory_space<vmem>> -> memref<64x128xf32, #tpu.memory_space<vmem>>
      %dma_wait3A_638 = arith.constant 0 : i32
      %dma_wait3A_639 = tpu.memref_slice %arg19[%add3A_432, %dma_wait3A_638] : memref<10240x128xf32, #tpu.memory_space<vmem_shared>> -> memref<64x128xf32, #tpu.memory_space<vmem_shared>>
      %dma_wait3A_640 = arith.constant 0 : i32
      %dma_wait3A_641 = arith.constant 0 : i32
      %dma_wait3A_642 = tpu.memref_slice %arg16[%dma_wait3A_640, %dma_wait3A_641] : memref<104x128xf32, #tpu.memory_space<vmem>> -> memref<64x128xf32, #tpu.memory_space<vmem>>
      %dma_wait3A_643 = arith.constant 0 : i32
      %dma_wait3A_644 = tpu.memref_slice %arg19[%add3A_432, %dma_wait3A_643] : memref<10240x128xf32, #tpu.memory_space<vmem_shared>> -> memref<64x128xf32, #tpu.memory_space<vmem_shared>>
      tpu.wait_dma2 semaphore(%run_scoped3A : memref<!tpu.dma_semaphore, #tpu.memory_space<semaphore_mem>>) src(%dma_wait3A_644 : memref<64x128xf32, #tpu.memory_space<vmem_shared>>) dst(%dma_wait3A_642 : memref<64x128xf32, #tpu.memory_space<vmem>>)
      tpu.yield
    }) : () -> ()
    %mul3A_433 = arith.constant 640 : i32
    %mul3A_434 = arith.muli %arg1, %mul3A_433 : i32
    %add3A_435 = arith.constant 320 : i32
    %add3A_436 = arith.addi %mul3A_434, %add3A_435 : i32
    %dma_start3A_437 = arith.constant 0 : i32
    %dma_start3A_438 = arith.constant 0 : i32
    %dma_start3A_439 = tpu.memref_slice %arg16[%dma_start3A_437, %dma_start3A_438] : memref<104x128xf32, #tpu.memory_space<vmem>> -> memref<64x128xf32, #tpu.memory_space<vmem>>
    %dma_start3A_440 = arith.constant 0 : i32
    %dma_start3A_441 = tpu.memref_slice %arg6[%arg0, %add3A_436, %dma_start3A_440] : memref<2x10240x128xf32, #tpu.memory_space<hbm>> -> memref<1x64x128xf32, #tpu.memory_space<hbm>>
    %dma_start3A_442 = tpu.memref_squeeze %dma_start3A_441 : memref<1x64x128xf32, #tpu.memory_space<hbm>> -> memref<64x128xf32, #tpu.memory_space<hbm>>
    %dma_start3A_443 = arith.constant 0 : i32
    %dma_start3A_444 = tpu.memref_slice %arg6[%arg0, %add3A_436, %dma_start3A_443] : memref<2x10240x128xf32, #tpu.memory_space<hbm>> -> memref<1x64x128xf32, #tpu.memory_space<hbm>>
    %dma_start3A_445 = tpu.memref_squeeze %dma_start3A_444 : memref<1x64x128xf32, #tpu.memory_space<hbm>> -> memref<64x128xf32, #tpu.memory_space<hbm>>
    %dma_start3A_446 = arith.constant 0 : i32
    %dma_start3A_447 = arith.constant 0 : i32
    %dma_start3A_448 = tpu.memref_slice %arg16[%dma_start3A_446, %dma_start3A_447] : memref<104x128xf32, #tpu.memory_space<vmem>> -> memref<64x128xf32, #tpu.memory_space<vmem>>
    tpu.enqueue_dma source(%dma_start3A_448 : memref<64x128xf32, #tpu.memory_space<vmem>>) target(%dma_start3A_445 : memref<64x128xf32, #tpu.memory_space<hbm>>) target_semaphore(%arg21 : memref<!tpu.dma_semaphore, #tpu.memory_space<semaphore_mem>>)
    %mul3A_449 = arith.constant 640 : i32
    %mul3A_450 = arith.muli %arg1, %mul3A_449 : i32
    %add3A_451 = arith.constant 256 : i32
    %add3A_452 = arith.addi %mul3A_450, %add3A_451 : i32
    %dma_wait3A_453 = arith.constant 0 : i32
    %dma_wait3A_454 = arith.constant 0 : i32
    %dma_wait3A_455 = tpu.memref_slice %arg15[%dma_wait3A_453, %dma_wait3A_454] : memref<104x128xf32, #tpu.memory_space<vmem>> -> memref<64x128xf32, #tpu.memory_space<vmem>>
    %dma_wait3A_456 = arith.constant 0 : i32
    %dma_wait3A_457 = tpu.memref_slice %arg6[%arg0, %add3A_452, %dma_wait3A_456] : memref<2x10240x128xf32, #tpu.memory_space<hbm>> -> memref<1x64x128xf32, #tpu.memory_space<hbm>>
    %dma_wait3A_458 = tpu.memref_squeeze %dma_wait3A_457 : memref<1x64x128xf32, #tpu.memory_space<hbm>> -> memref<64x128xf32, #tpu.memory_space<hbm>>
    %dma_wait3A_459 = arith.constant 0 : i32
    %dma_wait3A_460 = tpu.memref_slice %arg6[%arg0, %add3A_452, %dma_wait3A_459] : memref<2x10240x128xf32, #tpu.memory_space<hbm>> -> memref<1x64x128xf32, #tpu.memory_space<hbm>>
    %dma_wait3A_461 = tpu.memref_squeeze %dma_wait3A_460 : memref<1x64x128xf32, #tpu.memory_space<hbm>> -> memref<64x128xf32, #tpu.memory_space<hbm>>
    %dma_wait3A_462 = arith.constant 0 : i32
    %dma_wait3A_463 = arith.constant 0 : i32
    %dma_wait3A_464 = tpu.memref_slice %arg15[%dma_wait3A_462, %dma_wait3A_463] : memref<104x128xf32, #tpu.memory_space<vmem>> -> memref<64x128xf32, #tpu.memory_space<vmem>>
    tpu.wait_dma2 semaphore(%arg20 : memref<!tpu.dma_semaphore, #tpu.memory_space<semaphore_mem>>) src(%dma_wait3A_464 : memref<64x128xf32, #tpu.memory_space<vmem>>) dst(%dma_wait3A_461 : memref<64x128xf32, #tpu.memory_space<hbm>>)
    %mul3A_465 = arith.constant 640 : i32
    %mul3A_466 = arith.muli %arg1, %mul3A_465 : i32
    %add3A_467 = arith.constant 384 : i32
    %add3A_468 = arith.addi %mul3A_466, %add3A_467 : i32
    "tpu.region"() ({
      %run_scoped3A = tpu.sem_alloc : memref<!tpu.dma_semaphore, #tpu.memory_space<semaphore_mem>>
      %dma_start3A_625 = arith.constant 0 : i32
      %dma_start3A_626 = arith.constant 0 : i32
      %dma_start3A_627 = tpu.memref_slice %arg15[%dma_start3A_625, %dma_start3A_626] : memref<104x128xf32, #tpu.memory_space<vmem>> -> memref<64x128xf32, #tpu.memory_space<vmem>>
      %dma_start3A_628 = arith.constant 0 : i32
      %dma_start3A_629 = tpu.memref_slice %arg19[%add3A_468, %dma_start3A_628] : memref<10240x128xf32, #tpu.memory_space<vmem_shared>> -> memref<64x128xf32, #tpu.memory_space<vmem_shared>>
      %dma_start3A_630 = arith.constant 0 : i32
      %dma_start3A_631 = arith.constant 0 : i32
      %dma_start3A_632 = tpu.memref_slice %arg15[%dma_start3A_630, %dma_start3A_631] : memref<104x128xf32, #tpu.memory_space<vmem>> -> memref<64x128xf32, #tpu.memory_space<vmem>>
      %dma_start3A_633 = arith.constant 0 : i32
      %dma_start3A_634 = tpu.memref_slice %arg19[%add3A_468, %dma_start3A_633] : memref<10240x128xf32, #tpu.memory_space<vmem_shared>> -> memref<64x128xf32, #tpu.memory_space<vmem_shared>>
      tpu.enqueue_dma source(%dma_start3A_634 : memref<64x128xf32, #tpu.memory_space<vmem_shared>>) target(%dma_start3A_632 : memref<64x128xf32, #tpu.memory_space<vmem>>) target_semaphore(%run_scoped3A : memref<!tpu.dma_semaphore, #tpu.memory_space<semaphore_mem>>)
      %dma_wait3A_635 = arith.constant 0 : i32
      %dma_wait3A_636 = arith.constant 0 : i32
      %dma_wait3A_637 = tpu.memref_slice %arg15[%dma_wait3A_635, %dma_wait3A_636] : memref<104x128xf32, #tpu.memory_space<vmem>> -> memref<64x128xf32, #tpu.memory_space<vmem>>
      %dma_wait3A_638 = arith.constant 0 : i32
      %dma_wait3A_639 = tpu.memref_slice %arg19[%add3A_468, %dma_wait3A_638] : memref<10240x128xf32, #tpu.memory_space<vmem_shared>> -> memref<64x128xf32, #tpu.memory_space<vmem_shared>>
      %dma_wait3A_640 = arith.constant 0 : i32
      %dma_wait3A_641 = arith.constant 0 : i32
      %dma_wait3A_642 = tpu.memref_slice %arg15[%dma_wait3A_640, %dma_wait3A_641] : memref<104x128xf32, #tpu.memory_space<vmem>> -> memref<64x128xf32, #tpu.memory_space<vmem>>
      %dma_wait3A_643 = arith.constant 0 : i32
      %dma_wait3A_644 = tpu.memref_slice %arg19[%add3A_468, %dma_wait3A_643] : memref<10240x128xf32, #tpu.memory_space<vmem_shared>> -> memref<64x128xf32, #tpu.memory_space<vmem_shared>>
      tpu.wait_dma2 semaphore(%run_scoped3A : memref<!tpu.dma_semaphore, #tpu.memory_space<semaphore_mem>>) src(%dma_wait3A_644 : memref<64x128xf32, #tpu.memory_space<vmem_shared>>) dst(%dma_wait3A_642 : memref<64x128xf32, #tpu.memory_space<vmem>>)
      tpu.yield
    }) : () -> ()
    %mul3A_469 = arith.constant 640 : i32
    %mul3A_470 = arith.muli %arg1, %mul3A_469 : i32
    %add3A_471 = arith.constant 384 : i32
    %add3A_472 = arith.addi %mul3A_470, %add3A_471 : i32
    %dma_start3A_473 = arith.constant 0 : i32
    %dma_start3A_474 = arith.constant 0 : i32
    %dma_start3A_475 = tpu.memref_slice %arg15[%dma_start3A_473, %dma_start3A_474] : memref<104x128xf32, #tpu.memory_space<vmem>> -> memref<64x128xf32, #tpu.memory_space<vmem>>
    %dma_start3A_476 = arith.constant 0 : i32
    %dma_start3A_477 = tpu.memref_slice %arg6[%arg0, %add3A_472, %dma_start3A_476] : memref<2x10240x128xf32, #tpu.memory_space<hbm>> -> memref<1x64x128xf32, #tpu.memory_space<hbm>>
    %dma_start3A_478 = tpu.memref_squeeze %dma_start3A_477 : memref<1x64x128xf32, #tpu.memory_space<hbm>> -> memref<64x128xf32, #tpu.memory_space<hbm>>
    %dma_start3A_479 = arith.constant 0 : i32
    %dma_start3A_480 = tpu.memref_slice %arg6[%arg0, %add3A_472, %dma_start3A_479] : memref<2x10240x128xf32, #tpu.memory_space<hbm>> -> memref<1x64x128xf32, #tpu.memory_space<hbm>>
    %dma_start3A_481 = tpu.memref_squeeze %dma_start3A_480 : memref<1x64x128xf32, #tpu.memory_space<hbm>> -> memref<64x128xf32, #tpu.memory_space<hbm>>
    %dma_start3A_482 = arith.constant 0 : i32
    %dma_start3A_483 = arith.constant 0 : i32
    %dma_start3A_484 = tpu.memref_slice %arg15[%dma_start3A_482, %dma_start3A_483] : memref<104x128xf32, #tpu.memory_space<vmem>> -> memref<64x128xf32, #tpu.memory_space<vmem>>
    tpu.enqueue_dma source(%dma_start3A_484 : memref<64x128xf32, #tpu.memory_space<vmem>>) target(%dma_start3A_481 : memref<64x128xf32, #tpu.memory_space<hbm>>) target_semaphore(%arg20 : memref<!tpu.dma_semaphore, #tpu.memory_space<semaphore_mem>>)
    %mul3A_485 = arith.constant 640 : i32
    %mul3A_486 = arith.muli %arg1, %mul3A_485 : i32
    %add3A_487 = arith.constant 320 : i32
    %add3A_488 = arith.addi %mul3A_486, %add3A_487 : i32
    %dma_wait3A_489 = arith.constant 0 : i32
    %dma_wait3A_490 = arith.constant 0 : i32
    %dma_wait3A_491 = tpu.memref_slice %arg16[%dma_wait3A_489, %dma_wait3A_490] : memref<104x128xf32, #tpu.memory_space<vmem>> -> memref<64x128xf32, #tpu.memory_space<vmem>>
    %dma_wait3A_492 = arith.constant 0 : i32
    %dma_wait3A_493 = tpu.memref_slice %arg6[%arg0, %add3A_488, %dma_wait3A_492] : memref<2x10240x128xf32, #tpu.memory_space<hbm>> -> memref<1x64x128xf32, #tpu.memory_space<hbm>>
    %dma_wait3A_494 = tpu.memref_squeeze %dma_wait3A_493 : memref<1x64x128xf32, #tpu.memory_space<hbm>> -> memref<64x128xf32, #tpu.memory_space<hbm>>
    %dma_wait3A_495 = arith.constant 0 : i32
    %dma_wait3A_496 = tpu.memref_slice %arg6[%arg0, %add3A_488, %dma_wait3A_495] : memref<2x10240x128xf32, #tpu.memory_space<hbm>> -> memref<1x64x128xf32, #tpu.memory_space<hbm>>
    %dma_wait3A_497 = tpu.memref_squeeze %dma_wait3A_496 : memref<1x64x128xf32, #tpu.memory_space<hbm>> -> memref<64x128xf32, #tpu.memory_space<hbm>>
    %dma_wait3A_498 = arith.constant 0 : i32
    %dma_wait3A_499 = arith.constant 0 : i32
    %dma_wait3A_500 = tpu.memref_slice %arg16[%dma_wait3A_498, %dma_wait3A_499] : memref<104x128xf32, #tpu.memory_space<vmem>> -> memref<64x128xf32, #tpu.memory_space<vmem>>
    tpu.wait_dma2 semaphore(%arg21 : memref<!tpu.dma_semaphore, #tpu.memory_space<semaphore_mem>>) src(%dma_wait3A_500 : memref<64x128xf32, #tpu.memory_space<vmem>>) dst(%dma_wait3A_497 : memref<64x128xf32, #tpu.memory_space<hbm>>)
    %mul3A_501 = arith.constant 640 : i32
    %mul3A_502 = arith.muli %arg1, %mul3A_501 : i32
    %add3A_503 = arith.constant 448 : i32
    %add3A_504 = arith.addi %mul3A_502, %add3A_503 : i32
    "tpu.region"() ({
      %run_scoped3A = tpu.sem_alloc : memref<!tpu.dma_semaphore, #tpu.memory_space<semaphore_mem>>
      %dma_start3A_625 = arith.constant 0 : i32
      %dma_start3A_626 = arith.constant 0 : i32
      %dma_start3A_627 = tpu.memref_slice %arg16[%dma_start3A_625, %dma_start3A_626] : memref<104x128xf32, #tpu.memory_space<vmem>> -> memref<64x128xf32, #tpu.memory_space<vmem>>
      %dma_start3A_628 = arith.constant 0 : i32
      %dma_start3A_629 = tpu.memref_slice %arg19[%add3A_504, %dma_start3A_628] : memref<10240x128xf32, #tpu.memory_space<vmem_shared>> -> memref<64x128xf32, #tpu.memory_space<vmem_shared>>
      %dma_start3A_630 = arith.constant 0 : i32
      %dma_start3A_631 = arith.constant 0 : i32
      %dma_start3A_632 = tpu.memref_slice %arg16[%dma_start3A_630, %dma_start3A_631] : memref<104x128xf32, #tpu.memory_space<vmem>> -> memref<64x128xf32, #tpu.memory_space<vmem>>
      %dma_start3A_633 = arith.constant 0 : i32
      %dma_start3A_634 = tpu.memref_slice %arg19[%add3A_504, %dma_start3A_633] : memref<10240x128xf32, #tpu.memory_space<vmem_shared>> -> memref<64x128xf32, #tpu.memory_space<vmem_shared>>
      tpu.enqueue_dma source(%dma_start3A_634 : memref<64x128xf32, #tpu.memory_space<vmem_shared>>) target(%dma_start3A_632 : memref<64x128xf32, #tpu.memory_space<vmem>>) target_semaphore(%run_scoped3A : memref<!tpu.dma_semaphore, #tpu.memory_space<semaphore_mem>>)
      %dma_wait3A_635 = arith.constant 0 : i32
      %dma_wait3A_636 = arith.constant 0 : i32
      %dma_wait3A_637 = tpu.memref_slice %arg16[%dma_wait3A_635, %dma_wait3A_636] : memref<104x128xf32, #tpu.memory_space<vmem>> -> memref<64x128xf32, #tpu.memory_space<vmem>>
      %dma_wait3A_638 = arith.constant 0 : i32
      %dma_wait3A_639 = tpu.memref_slice %arg19[%add3A_504, %dma_wait3A_638] : memref<10240x128xf32, #tpu.memory_space<vmem_shared>> -> memref<64x128xf32, #tpu.memory_space<vmem_shared>>
      %dma_wait3A_640 = arith.constant 0 : i32
      %dma_wait3A_641 = arith.constant 0 : i32
      %dma_wait3A_642 = tpu.memref_slice %arg16[%dma_wait3A_640, %dma_wait3A_641] : memref<104x128xf32, #tpu.memory_space<vmem>> -> memref<64x128xf32, #tpu.memory_space<vmem>>
      %dma_wait3A_643 = arith.constant 0 : i32
      %dma_wait3A_644 = tpu.memref_slice %arg19[%add3A_504, %dma_wait3A_643] : memref<10240x128xf32, #tpu.memory_space<vmem_shared>> -> memref<64x128xf32, #tpu.memory_space<vmem_shared>>
      tpu.wait_dma2 semaphore(%run_scoped3A : memref<!tpu.dma_semaphore, #tpu.memory_space<semaphore_mem>>) src(%dma_wait3A_644 : memref<64x128xf32, #tpu.memory_space<vmem_shared>>) dst(%dma_wait3A_642 : memref<64x128xf32, #tpu.memory_space<vmem>>)
      tpu.yield
    }) : () -> ()
    %mul3A_505 = arith.constant 640 : i32
    %mul3A_506 = arith.muli %arg1, %mul3A_505 : i32
    %add3A_507 = arith.constant 448 : i32
    %add3A_508 = arith.addi %mul3A_506, %add3A_507 : i32
    %dma_start3A_509 = arith.constant 0 : i32
    %dma_start3A_510 = arith.constant 0 : i32
    %dma_start3A_511 = tpu.memref_slice %arg16[%dma_start3A_509, %dma_start3A_510] : memref<104x128xf32, #tpu.memory_space<vmem>> -> memref<64x128xf32, #tpu.memory_space<vmem>>
    %dma_start3A_512 = arith.constant 0 : i32
    %dma_start3A_513 = tpu.memref_slice %arg6[%arg0, %add3A_508, %dma_start3A_512] : memref<2x10240x128xf32, #tpu.memory_space<hbm>> -> memref<1x64x128xf32, #tpu.memory_space<hbm>>
    %dma_start3A_514 = tpu.memref_squeeze %dma_start3A_513 : memref<1x64x128xf32, #tpu.memory_space<hbm>> -> memref<64x128xf32, #tpu.memory_space<hbm>>
    %dma_start3A_515 = arith.constant 0 : i32
    %dma_start3A_516 = tpu.memref_slice %arg6[%arg0, %add3A_508, %dma_start3A_515] : memref<2x10240x128xf32, #tpu.memory_space<hbm>> -> memref<1x64x128xf32, #tpu.memory_space<hbm>>
    %dma_start3A_517 = tpu.memref_squeeze %dma_start3A_516 : memref<1x64x128xf32, #tpu.memory_space<hbm>> -> memref<64x128xf32, #tpu.memory_space<hbm>>
    %dma_start3A_518 = arith.constant 0 : i32
    %dma_start3A_519 = arith.constant 0 : i32
    %dma_start3A_520 = tpu.memref_slice %arg16[%dma_start3A_518, %dma_start3A_519] : memref<104x128xf32, #tpu.memory_space<vmem>> -> memref<64x128xf32, #tpu.memory_space<vmem>>
    tpu.enqueue_dma source(%dma_start3A_520 : memref<64x128xf32, #tpu.memory_space<vmem>>) target(%dma_start3A_517 : memref<64x128xf32, #tpu.memory_space<hbm>>) target_semaphore(%arg21 : memref<!tpu.dma_semaphore, #tpu.memory_space<semaphore_mem>>)
    %mul3A_521 = arith.constant 640 : i32
    %mul3A_522 = arith.muli %arg1, %mul3A_521 : i32
    %add3A_523 = arith.constant 384 : i32
    %add3A_524 = arith.addi %mul3A_522, %add3A_523 : i32
    %dma_wait3A_525 = arith.constant 0 : i32
    %dma_wait3A_526 = arith.constant 0 : i32
    %dma_wait3A_527 = tpu.memref_slice %arg15[%dma_wait3A_525, %dma_wait3A_526] : memref<104x128xf32, #tpu.memory_space<vmem>> -> memref<64x128xf32, #tpu.memory_space<vmem>>
    %dma_wait3A_528 = arith.constant 0 : i32
    %dma_wait3A_529 = tpu.memref_slice %arg6[%arg0, %add3A_524, %dma_wait3A_528] : memref<2x10240x128xf32, #tpu.memory_space<hbm>> -> memref<1x64x128xf32, #tpu.memory_space<hbm>>
    %dma_wait3A_530 = tpu.memref_squeeze %dma_wait3A_529 : memref<1x64x128xf32, #tpu.memory_space<hbm>> -> memref<64x128xf32, #tpu.memory_space<hbm>>
    %dma_wait3A_531 = arith.constant 0 : i32
    %dma_wait3A_532 = tpu.memref_slice %arg6[%arg0, %add3A_524, %dma_wait3A_531] : memref<2x10240x128xf32, #tpu.memory_space<hbm>> -> memref<1x64x128xf32, #tpu.memory_space<hbm>>
    %dma_wait3A_533 = tpu.memref_squeeze %dma_wait3A_532 : memref<1x64x128xf32, #tpu.memory_space<hbm>> -> memref<64x128xf32, #tpu.memory_space<hbm>>
    %dma_wait3A_534 = arith.constant 0 : i32
    %dma_wait3A_535 = arith.constant 0 : i32
    %dma_wait3A_536 = tpu.memref_slice %arg15[%dma_wait3A_534, %dma_wait3A_535] : memref<104x128xf32, #tpu.memory_space<vmem>> -> memref<64x128xf32, #tpu.memory_space<vmem>>
    tpu.wait_dma2 semaphore(%arg20 : memref<!tpu.dma_semaphore, #tpu.memory_space<semaphore_mem>>) src(%dma_wait3A_536 : memref<64x128xf32, #tpu.memory_space<vmem>>) dst(%dma_wait3A_533 : memref<64x128xf32, #tpu.memory_space<hbm>>)
    %mul3A_537 = arith.constant 640 : i32
    %mul3A_538 = arith.muli %arg1, %mul3A_537 : i32
    %add3A_539 = arith.constant 512 : i32
    %add3A_540 = arith.addi %mul3A_538, %add3A_539 : i32
    "tpu.region"() ({
      %run_scoped3A = tpu.sem_alloc : memref<!tpu.dma_semaphore, #tpu.memory_space<semaphore_mem>>
      %dma_start3A_625 = arith.constant 0 : i32
      %dma_start3A_626 = arith.constant 0 : i32
      %dma_start3A_627 = tpu.memref_slice %arg15[%dma_start3A_625, %dma_start3A_626] : memref<104x128xf32, #tpu.memory_space<vmem>> -> memref<64x128xf32, #tpu.memory_space<vmem>>
      %dma_start3A_628 = arith.constant 0 : i32
      %dma_start3A_629 = tpu.memref_slice %arg19[%add3A_540, %dma_start3A_628] : memref<10240x128xf32, #tpu.memory_space<vmem_shared>> -> memref<64x128xf32, #tpu.memory_space<vmem_shared>>
      %dma_start3A_630 = arith.constant 0 : i32
      %dma_start3A_631 = arith.constant 0 : i32
      %dma_start3A_632 = tpu.memref_slice %arg15[%dma_start3A_630, %dma_start3A_631] : memref<104x128xf32, #tpu.memory_space<vmem>> -> memref<64x128xf32, #tpu.memory_space<vmem>>
      %dma_start3A_633 = arith.constant 0 : i32
      %dma_start3A_634 = tpu.memref_slice %arg19[%add3A_540, %dma_start3A_633] : memref<10240x128xf32, #tpu.memory_space<vmem_shared>> -> memref<64x128xf32, #tpu.memory_space<vmem_shared>>
      tpu.enqueue_dma source(%dma_start3A_634 : memref<64x128xf32, #tpu.memory_space<vmem_shared>>) target(%dma_start3A_632 : memref<64x128xf32, #tpu.memory_space<vmem>>) target_semaphore(%run_scoped3A : memref<!tpu.dma_semaphore, #tpu.memory_space<semaphore_mem>>)
      %dma_wait3A_635 = arith.constant 0 : i32
      %dma_wait3A_636 = arith.constant 0 : i32
      %dma_wait3A_637 = tpu.memref_slice %arg15[%dma_wait3A_635, %dma_wait3A_636] : memref<104x128xf32, #tpu.memory_space<vmem>> -> memref<64x128xf32, #tpu.memory_space<vmem>>
      %dma_wait3A_638 = arith.constant 0 : i32
      %dma_wait3A_639 = tpu.memref_slice %arg19[%add3A_540, %dma_wait3A_638] : memref<10240x128xf32, #tpu.memory_space<vmem_shared>> -> memref<64x128xf32, #tpu.memory_space<vmem_shared>>
      %dma_wait3A_640 = arith.constant 0 : i32
      %dma_wait3A_641 = arith.constant 0 : i32
      %dma_wait3A_642 = tpu.memref_slice %arg15[%dma_wait3A_640, %dma_wait3A_641] : memref<104x128xf32, #tpu.memory_space<vmem>> -> memref<64x128xf32, #tpu.memory_space<vmem>>
      %dma_wait3A_643 = arith.constant 0 : i32
      %dma_wait3A_644 = tpu.memref_slice %arg19[%add3A_540, %dma_wait3A_643] : memref<10240x128xf32, #tpu.memory_space<vmem_shared>> -> memref<64x128xf32, #tpu.memory_space<vmem_shared>>
      tpu.wait_dma2 semaphore(%run_scoped3A : memref<!tpu.dma_semaphore, #tpu.memory_space<semaphore_mem>>) src(%dma_wait3A_644 : memref<64x128xf32, #tpu.memory_space<vmem_shared>>) dst(%dma_wait3A_642 : memref<64x128xf32, #tpu.memory_space<vmem>>)
      tpu.yield
    }) : () -> ()
    %mul3A_541 = arith.constant 640 : i32
    %mul3A_542 = arith.muli %arg1, %mul3A_541 : i32
    %add3A_543 = arith.constant 512 : i32
    %add3A_544 = arith.addi %mul3A_542, %add3A_543 : i32
    %dma_start3A_545 = arith.constant 0 : i32
    %dma_start3A_546 = arith.constant 0 : i32
    %dma_start3A_547 = tpu.memref_slice %arg15[%dma_start3A_545, %dma_start3A_546] : memref<104x128xf32, #tpu.memory_space<vmem>> -> memref<64x128xf32, #tpu.memory_space<vmem>>
    %dma_start3A_548 = arith.constant 0 : i32
    %dma_start3A_549 = tpu.memref_slice %arg6[%arg0, %add3A_544, %dma_start3A_548] : memref<2x10240x128xf32, #tpu.memory_space<hbm>> -> memref<1x64x128xf32, #tpu.memory_space<hbm>>
    %dma_start3A_550 = tpu.memref_squeeze %dma_start3A_549 : memref<1x64x128xf32, #tpu.memory_space<hbm>> -> memref<64x128xf32, #tpu.memory_space<hbm>>
    %dma_start3A_551 = arith.constant 0 : i32
    %dma_start3A_552 = tpu.memref_slice %arg6[%arg0, %add3A_544, %dma_start3A_551] : memref<2x10240x128xf32, #tpu.memory_space<hbm>> -> memref<1x64x128xf32, #tpu.memory_space<hbm>>
    %dma_start3A_553 = tpu.memref_squeeze %dma_start3A_552 : memref<1x64x128xf32, #tpu.memory_space<hbm>> -> memref<64x128xf32, #tpu.memory_space<hbm>>
    %dma_start3A_554 = arith.constant 0 : i32
    %dma_start3A_555 = arith.constant 0 : i32
    %dma_start3A_556 = tpu.memref_slice %arg15[%dma_start3A_554, %dma_start3A_555] : memref<104x128xf32, #tpu.memory_space<vmem>> -> memref<64x128xf32, #tpu.memory_space<vmem>>
    tpu.enqueue_dma source(%dma_start3A_556 : memref<64x128xf32, #tpu.memory_space<vmem>>) target(%dma_start3A_553 : memref<64x128xf32, #tpu.memory_space<hbm>>) target_semaphore(%arg20 : memref<!tpu.dma_semaphore, #tpu.memory_space<semaphore_mem>>)
    %mul3A_557 = arith.constant 640 : i32
    %mul3A_558 = arith.muli %arg1, %mul3A_557 : i32
    %add3A_559 = arith.constant 448 : i32
    %add3A_560 = arith.addi %mul3A_558, %add3A_559 : i32
    %dma_wait3A_561 = arith.constant 0 : i32
    %dma_wait3A_562 = arith.constant 0 : i32
    %dma_wait3A_563 = tpu.memref_slice %arg16[%dma_wait3A_561, %dma_wait3A_562] : memref<104x128xf32, #tpu.memory_space<vmem>> -> memref<64x128xf32, #tpu.memory_space<vmem>>
    %dma_wait3A_564 = arith.constant 0 : i32
    %dma_wait3A_565 = tpu.memref_slice %arg6[%arg0, %add3A_560, %dma_wait3A_564] : memref<2x10240x128xf32, #tpu.memory_space<hbm>> -> memref<1x64x128xf32, #tpu.memory_space<hbm>>
    %dma_wait3A_566 = tpu.memref_squeeze %dma_wait3A_565 : memref<1x64x128xf32, #tpu.memory_space<hbm>> -> memref<64x128xf32, #tpu.memory_space<hbm>>
    %dma_wait3A_567 = arith.constant 0 : i32
    %dma_wait3A_568 = tpu.memref_slice %arg6[%arg0, %add3A_560, %dma_wait3A_567] : memref<2x10240x128xf32, #tpu.memory_space<hbm>> -> memref<1x64x128xf32, #tpu.memory_space<hbm>>
    %dma_wait3A_569 = tpu.memref_squeeze %dma_wait3A_568 : memref<1x64x128xf32, #tpu.memory_space<hbm>> -> memref<64x128xf32, #tpu.memory_space<hbm>>
    %dma_wait3A_570 = arith.constant 0 : i32
    %dma_wait3A_571 = arith.constant 0 : i32
    %dma_wait3A_572 = tpu.memref_slice %arg16[%dma_wait3A_570, %dma_wait3A_571] : memref<104x128xf32, #tpu.memory_space<vmem>> -> memref<64x128xf32, #tpu.memory_space<vmem>>
    tpu.wait_dma2 semaphore(%arg21 : memref<!tpu.dma_semaphore, #tpu.memory_space<semaphore_mem>>) src(%dma_wait3A_572 : memref<64x128xf32, #tpu.memory_space<vmem>>) dst(%dma_wait3A_569 : memref<64x128xf32, #tpu.memory_space<hbm>>)
    %mul3A_573 = arith.constant 640 : i32
    %mul3A_574 = arith.muli %arg1, %mul3A_573 : i32
    %add3A_575 = arith.constant 576 : i32
    %add3A_576 = arith.addi %mul3A_574, %add3A_575 : i32
    "tpu.region"() ({
      %run_scoped3A = tpu.sem_alloc : memref<!tpu.dma_semaphore, #tpu.memory_space<semaphore_mem>>
      %dma_start3A_625 = arith.constant 0 : i32
      %dma_start3A_626 = arith.constant 0 : i32
      %dma_start3A_627 = tpu.memref_slice %arg16[%dma_start3A_625, %dma_start3A_626] : memref<104x128xf32, #tpu.memory_space<vmem>> -> memref<64x128xf32, #tpu.memory_space<vmem>>
      %dma_start3A_628 = arith.constant 0 : i32
      %dma_start3A_629 = tpu.memref_slice %arg19[%add3A_576, %dma_start3A_628] : memref<10240x128xf32, #tpu.memory_space<vmem_shared>> -> memref<64x128xf32, #tpu.memory_space<vmem_shared>>
      %dma_start3A_630 = arith.constant 0 : i32
      %dma_start3A_631 = arith.constant 0 : i32
      %dma_start3A_632 = tpu.memref_slice %arg16[%dma_start3A_630, %dma_start3A_631] : memref<104x128xf32, #tpu.memory_space<vmem>> -> memref<64x128xf32, #tpu.memory_space<vmem>>
      %dma_start3A_633 = arith.constant 0 : i32
      %dma_start3A_634 = tpu.memref_slice %arg19[%add3A_576, %dma_start3A_633] : memref<10240x128xf32, #tpu.memory_space<vmem_shared>> -> memref<64x128xf32, #tpu.memory_space<vmem_shared>>
      tpu.enqueue_dma source(%dma_start3A_634 : memref<64x128xf32, #tpu.memory_space<vmem_shared>>) target(%dma_start3A_632 : memref<64x128xf32, #tpu.memory_space<vmem>>) target_semaphore(%run_scoped3A : memref<!tpu.dma_semaphore, #tpu.memory_space<semaphore_mem>>)
      %dma_wait3A_635 = arith.constant 0 : i32
      %dma_wait3A_636 = arith.constant 0 : i32
      %dma_wait3A_637 = tpu.memref_slice %arg16[%dma_wait3A_635, %dma_wait3A_636] : memref<104x128xf32, #tpu.memory_space<vmem>> -> memref<64x128xf32, #tpu.memory_space<vmem>>
      %dma_wait3A_638 = arith.constant 0 : i32
      %dma_wait3A_639 = tpu.memref_slice %arg19[%add3A_576, %dma_wait3A_638] : memref<10240x128xf32, #tpu.memory_space<vmem_shared>> -> memref<64x128xf32, #tpu.memory_space<vmem_shared>>
      %dma_wait3A_640 = arith.constant 0 : i32
      %dma_wait3A_641 = arith.constant 0 : i32
      %dma_wait3A_642 = tpu.memref_slice %arg16[%dma_wait3A_640, %dma_wait3A_641] : memref<104x128xf32, #tpu.memory_space<vmem>> -> memref<64x128xf32, #tpu.memory_space<vmem>>
      %dma_wait3A_643 = arith.constant 0 : i32
      %dma_wait3A_644 = tpu.memref_slice %arg19[%add3A_576, %dma_wait3A_643] : memref<10240x128xf32, #tpu.memory_space<vmem_shared>> -> memref<64x128xf32, #tpu.memory_space<vmem_shared>>
      tpu.wait_dma2 semaphore(%run_scoped3A : memref<!tpu.dma_semaphore, #tpu.memory_space<semaphore_mem>>) src(%dma_wait3A_644 : memref<64x128xf32, #tpu.memory_space<vmem_shared>>) dst(%dma_wait3A_642 : memref<64x128xf32, #tpu.memory_space<vmem>>)
      tpu.yield
    }) : () -> ()
    %mul3A_577 = arith.constant 640 : i32
    %mul3A_578 = arith.muli %arg1, %mul3A_577 : i32
    %add3A_579 = arith.constant 576 : i32
    %add3A_580 = arith.addi %mul3A_578, %add3A_579 : i32
    %dma_start3A_581 = arith.constant 0 : i32
    %dma_start3A_582 = arith.constant 0 : i32
    %dma_start3A_583 = tpu.memref_slice %arg16[%dma_start3A_581, %dma_start3A_582] : memref<104x128xf32, #tpu.memory_space<vmem>> -> memref<64x128xf32, #tpu.memory_space<vmem>>
    %dma_start3A_584 = arith.constant 0 : i32
    %dma_start3A_585 = tpu.memref_slice %arg6[%arg0, %add3A_580, %dma_start3A_584] : memref<2x10240x128xf32, #tpu.memory_space<hbm>> -> memref<1x64x128xf32, #tpu.memory_space<hbm>>
    %dma_start3A_586 = tpu.memref_squeeze %dma_start3A_585 : memref<1x64x128xf32, #tpu.memory_space<hbm>> -> memref<64x128xf32, #tpu.memory_space<hbm>>
    %dma_start3A_587 = arith.constant 0 : i32
    %dma_start3A_588 = tpu.memref_slice %arg6[%arg0, %add3A_580, %dma_start3A_587] : memref<2x10240x128xf32, #tpu.memory_space<hbm>> -> memref<1x64x128xf32, #tpu.memory_space<hbm>>
    %dma_start3A_589 = tpu.memref_squeeze %dma_start3A_588 : memref<1x64x128xf32, #tpu.memory_space<hbm>> -> memref<64x128xf32, #tpu.memory_space<hbm>>
    %dma_start3A_590 = arith.constant 0 : i32
    %dma_start3A_591 = arith.constant 0 : i32
    %dma_start3A_592 = tpu.memref_slice %arg16[%dma_start3A_590, %dma_start3A_591] : memref<104x128xf32, #tpu.memory_space<vmem>> -> memref<64x128xf32, #tpu.memory_space<vmem>>
    tpu.enqueue_dma source(%dma_start3A_592 : memref<64x128xf32, #tpu.memory_space<vmem>>) target(%dma_start3A_589 : memref<64x128xf32, #tpu.memory_space<hbm>>) target_semaphore(%arg21 : memref<!tpu.dma_semaphore, #tpu.memory_space<semaphore_mem>>)
    %mul3A_593 = arith.constant 640 : i32
    %mul3A_594 = arith.muli %arg1, %mul3A_593 : i32
    %add3A_595 = arith.constant 512 : i32
    %add3A_596 = arith.addi %mul3A_594, %add3A_595 : i32
    %dma_wait3A_597 = arith.constant 0 : i32
    %dma_wait3A_598 = arith.constant 0 : i32
    %dma_wait3A_599 = tpu.memref_slice %arg15[%dma_wait3A_597, %dma_wait3A_598] : memref<104x128xf32, #tpu.memory_space<vmem>> -> memref<64x128xf32, #tpu.memory_space<vmem>>
    %dma_wait3A_600 = arith.constant 0 : i32
    %dma_wait3A_601 = tpu.memref_slice %arg6[%arg0, %add3A_596, %dma_wait3A_600] : memref<2x10240x128xf32, #tpu.memory_space<hbm>> -> memref<1x64x128xf32, #tpu.memory_space<hbm>>
    %dma_wait3A_602 = tpu.memref_squeeze %dma_wait3A_601 : memref<1x64x128xf32, #tpu.memory_space<hbm>> -> memref<64x128xf32, #tpu.memory_space<hbm>>
    %dma_wait3A_603 = arith.constant 0 : i32
    %dma_wait3A_604 = tpu.memref_slice %arg6[%arg0, %add3A_596, %dma_wait3A_603] : memref<2x10240x128xf32, #tpu.memory_space<hbm>> -> memref<1x64x128xf32, #tpu.memory_space<hbm>>
    %dma_wait3A_605 = tpu.memref_squeeze %dma_wait3A_604 : memref<1x64x128xf32, #tpu.memory_space<hbm>> -> memref<64x128xf32, #tpu.memory_space<hbm>>
    %dma_wait3A_606 = arith.constant 0 : i32
    %dma_wait3A_607 = arith.constant 0 : i32
    %dma_wait3A_608 = tpu.memref_slice %arg15[%dma_wait3A_606, %dma_wait3A_607] : memref<104x128xf32, #tpu.memory_space<vmem>> -> memref<64x128xf32, #tpu.memory_space<vmem>>
    tpu.wait_dma2 semaphore(%arg20 : memref<!tpu.dma_semaphore, #tpu.memory_space<semaphore_mem>>) src(%dma_wait3A_608 : memref<64x128xf32, #tpu.memory_space<vmem>>) dst(%dma_wait3A_605 : memref<64x128xf32, #tpu.memory_space<hbm>>)
    %mul3A_609 = arith.constant 640 : i32
    %mul3A_610 = arith.muli %arg1, %mul3A_609 : i32
    %add3A_611 = arith.constant 576 : i32
    %add3A_612 = arith.addi %mul3A_610, %add3A_611 : i32
    %dma_wait3A_613 = arith.constant 0 : i32
    %dma_wait3A_614 = arith.constant 0 : i32
    %dma_wait3A_615 = tpu.memref_slice %arg16[%dma_wait3A_613, %dma_wait3A_614] : memref<104x128xf32, #tpu.memory_space<vmem>> -> memref<64x128xf32, #tpu.memory_space<vmem>>
    %dma_wait3A_616 = arith.constant 0 : i32
    %dma_wait3A_617 = tpu.memref_slice %arg6[%arg0, %add3A_612, %dma_wait3A_616] : memref<2x10240x128xf32, #tpu.memory_space<hbm>> -> memref<1x64x128xf32, #tpu.memory_space<hbm>>
    %dma_wait3A_618 = tpu.memref_squeeze %dma_wait3A_617 : memref<1x64x128xf32, #tpu.memory_space<hbm>> -> memref<64x128xf32, #tpu.memory_space<hbm>>
    %dma_wait3A_619 = arith.constant 0 : i32
    %dma_wait3A_620 = tpu.memref_slice %arg6[%arg0, %add3A_612, %dma_wait3A_619] : memref<2x10240x128xf32, #tpu.memory_space<hbm>> -> memref<1x64x128xf32, #tpu.memory_space<hbm>>
    %dma_wait3A_621 = tpu.memref_squeeze %dma_wait3A_620 : memref<1x64x128xf32, #tpu.memory_space<hbm>> -> memref<64x128xf32, #tpu.memory_space<hbm>>
    %dma_wait3A_622 = arith.constant 0 : i32
    %dma_wait3A_623 = arith.constant 0 : i32
    %dma_wait3A_624 = tpu.memref_slice %arg16[%dma_wait3A_622, %dma_wait3A_623] : memref<104x128xf32, #tpu.memory_space<vmem>> -> memref<64x128xf32, #tpu.memory_space<vmem>>
    tpu.wait_dma2 semaphore(%arg21 : memref<!tpu.dma_semaphore, #tpu.memory_space<semaphore_mem>>) src(%dma_wait3A_624 : memref<64x128xf32, #tpu.memory_space<vmem>>) dst(%dma_wait3A_621 : memref<64x128xf32, #tpu.memory_space<hbm>>)
    return
  }
}

#map = affine_map<(d0, d1) -> (0, 0)>
#map1 = affine_map<(d0, d1) -> (0)>
#map2 = affine_map<(d0, d1) -> (0, 0, 0)>
module attributes {stable_mosaic.version = 14 : i64} {
  func.func @_segsum_body(%arg0: i32, %arg1: i32, %arg2: memref<10000x128xf32, #tpu.memory_space<hbm>>, %arg3: memref<320000xi32, #tpu.memory_space<hbm>>, %arg4: memref<320000xi32, #tpu.memory_space<hbm>>, %arg5: memref<64x128xf32, #tpu.memory_space<hbm>>, %arg6: memref<2x10240x128xf32, #tpu.memory_space<hbm>>, %arg7: memref<104xi32, #tpu.memory_space<vmem>>, %arg8: memref<104xi32, #tpu.memory_space<vmem>>, %arg9: memref<104xi32, #tpu.memory_space<vmem>>, %arg10: memref<104xi32, #tpu.memory_space<vmem>>, %arg11: memref<104xi32, #tpu.memory_space<vmem>>, %arg12: memref<104xi32, #tpu.memory_space<vmem>>, %arg13: memref<16xi32, #tpu.memory_space<vmem>>, %arg14: memref<16xi32, #tpu.memory_space<vmem>>, %arg15: memref<104x128xf32, #tpu.memory_space<vmem>>, %arg16: memref<104x128xf32, #tpu.memory_space<vmem>>, %arg17: memref<104x128xf32, #tpu.memory_space<vmem>>, %arg18: memref<64x128xf32, #tpu.memory_space<vmem>>, %arg19: memref<10240x128xf32, #tpu.memory_space<vmem_shared>>, %arg20: memref<!tpu.dma_semaphore, #tpu.memory_space<semaphore_mem>>, %arg21: memref<!tpu.dma_semaphore, #tpu.memory_space<semaphore_mem>>, %arg22: memref<!tpu.dma_semaphore, #tpu.memory_space<semaphore_mem>>, %arg23: memref<!tpu.dma_semaphore, #tpu.memory_space<semaphore_mem>>, %arg24: memref<!tpu.dma_semaphore, #tpu.memory_space<semaphore_mem>>, %arg25: memref<!tpu.dma_semaphore, #tpu.memory_space<semaphore_mem>>) attributes {dimension_semantics = [#tpu.dimension_semantics<core_parallel>, #tpu.dimension_semantics<subcore_parallel>], iteration_bounds = array<i64: 2, 16>, scalar_prefetch = 0 : i64, scratch_operands = 19 : i64, tpu.core_type = #tpu.core_type<sc_vector_subcore>, window_params = [{transform_indices = #map}, {transform_indices = #map1}, {transform_indices = #map1}, {transform_indices = #map}, {transform_indices = #map2}]} {
    %mul3A = arith.constant 16 : i32
    %mul3A_0 = arith.muli %arg0, %mul3A : i32
    %add3A = arith.addi %mul3A_0, %arg1 : i32
    "tpu.region"() ({
      %run_scoped3A = tpu.sem_alloc : memref<!tpu.dma_semaphore, #tpu.memory_space<semaphore_mem>>
      tpu.enqueue_dma source(%arg5 : memref<64x128xf32, #tpu.memory_space<hbm>>) target(%arg18 : memref<64x128xf32, #tpu.memory_space<vmem>>) target_semaphore(%run_scoped3A : memref<!tpu.dma_semaphore, #tpu.memory_space<semaphore_mem>>)
      tpu.wait_dma2 semaphore(%run_scoped3A : memref<!tpu.dma_semaphore, #tpu.memory_space<semaphore_mem>>) src(%arg5 : memref<64x128xf32, #tpu.memory_space<hbm>>) dst(%arg18 : memref<64x128xf32, #tpu.memory_space<vmem>>)
      tpu.yield
    }) : () -> ()
    %mul3A_1 = arith.constant 640 : i32
    %mul3A_2 = arith.muli %arg1, %mul3A_1 : i32
    %add3A_3 = arith.constant 0 : i32
    %add3A_4 = arith.addi %mul3A_2, %add3A_3 : i32
    %dma_start3A = arith.constant 0 : i32
    %dma_start3A_5 = tpu.memref_slice %arg19[%add3A_4, %dma_start3A] : memref<10240x128xf32, #tpu.memory_space<vmem_shared>> -> memref<64x128xf32, #tpu.memory_space<vmem_shared>>
    %dma_start3A_6 = arith.constant 0 : i32
    %dma_start3A_7 = tpu.memref_slice %arg19[%add3A_4, %dma_start3A_6] : memref<10240x128xf32, #tpu.memory_space<vmem_shared>> -> memref<64x128xf32, #tpu.memory_space<vmem_shared>>
    tpu.enqueue_dma source(%arg18 : memref<64x128xf32, #tpu.memory_space<vmem>>) target(%dma_start3A_7 : memref<64x128xf32, #tpu.memory_space<vmem_shared>>) target_semaphore(%arg20 : memref<!tpu.dma_semaphore, #tpu.memory_space<semaphore_mem>>)
    %mul3A_8 = arith.constant 640 : i32
    %mul3A_9 = arith.muli %arg1, %mul3A_8 : i32
    %add3A_10 = arith.constant 64 : i32
    %add3A_11 = arith.addi %mul3A_9, %add3A_10 : i32
    %dma_start3A_12 = arith.constant 0 : i32
    %dma_start3A_13 = tpu.memref_slice %arg19[%add3A_11, %dma_start3A_12] : memref<10240x128xf32, #tpu.memory_space<vmem_shared>> -> memref<64x128xf32, #tpu.memory_space<vmem_shared>>
    %dma_start3A_14 = arith.constant 0 : i32
    %dma_start3A_15 = tpu.memref_slice %arg19[%add3A_11, %dma_start3A_14] : memref<10240x128xf32, #tpu.memory_space<vmem_shared>> -> memref<64x128xf32, #tpu.memory_space<vmem_shared>>
    tpu.enqueue_dma source(%arg18 : memref<64x128xf32, #tpu.memory_space<vmem>>) target(%dma_start3A_15 : memref<64x128xf32, #tpu.memory_space<vmem_shared>>) target_semaphore(%arg20 : memref<!tpu.dma_semaphore, #tpu.memory_space<semaphore_mem>>)
    %mul3A_16 = arith.constant 640 : i32
    %mul3A_17 = arith.muli %arg1, %mul3A_16 : i32
    %add3A_18 = arith.constant 128 : i32
    %add3A_19 = arith.addi %mul3A_17, %add3A_18 : i32
    %dma_start3A_20 = arith.constant 0 : i32
    %dma_start3A_21 = tpu.memref_slice %arg19[%add3A_19, %dma_start3A_20] : memref<10240x128xf32, #tpu.memory_space<vmem_shared>> -> memref<64x128xf32, #tpu.memory_space<vmem_shared>>
    %dma_start3A_22 = arith.constant 0 : i32
    %dma_start3A_23 = tpu.memref_slice %arg19[%add3A_19, %dma_start3A_22] : memref<10240x128xf32, #tpu.memory_space<vmem_shared>> -> memref<64x128xf32, #tpu.memory_space<vmem_shared>>
    tpu.enqueue_dma source(%arg18 : memref<64x128xf32, #tpu.memory_space<vmem>>) target(%dma_start3A_23 : memref<64x128xf32, #tpu.memory_space<vmem_shared>>) target_semaphore(%arg20 : memref<!tpu.dma_semaphore, #tpu.memory_space<semaphore_mem>>)
    %mul3A_24 = arith.constant 640 : i32
    %mul3A_25 = arith.muli %arg1, %mul3A_24 : i32
    %add3A_26 = arith.constant 192 : i32
    %add3A_27 = arith.addi %mul3A_25, %add3A_26 : i32
    %dma_start3A_28 = arith.constant 0 : i32
    %dma_start3A_29 = tpu.memref_slice %arg19[%add3A_27, %dma_start3A_28] : memref<10240x128xf32, #tpu.memory_space<vmem_shared>> -> memref<64x128xf32, #tpu.memory_space<vmem_shared>>
    %dma_start3A_30 = arith.constant 0 : i32
    %dma_start3A_31 = tpu.memref_slice %arg19[%add3A_27, %dma_start3A_30] : memref<10240x128xf32, #tpu.memory_space<vmem_shared>> -> memref<64x128xf32, #tpu.memory_space<vmem_shared>>
    tpu.enqueue_dma source(%arg18 : memref<64x128xf32, #tpu.memory_space<vmem>>) target(%dma_start3A_31 : memref<64x128xf32, #tpu.memory_space<vmem_shared>>) target_semaphore(%arg20 : memref<!tpu.dma_semaphore, #tpu.memory_space<semaphore_mem>>)
    %mul3A_32 = arith.constant 640 : i32
    %mul3A_33 = arith.muli %arg1, %mul3A_32 : i32
    %add3A_34 = arith.constant 256 : i32
    %add3A_35 = arith.addi %mul3A_33, %add3A_34 : i32
    %dma_start3A_36 = arith.constant 0 : i32
    %dma_start3A_37 = tpu.memref_slice %arg19[%add3A_35, %dma_start3A_36] : memref<10240x128xf32, #tpu.memory_space<vmem_shared>> -> memref<64x128xf32, #tpu.memory_space<vmem_shared>>
    %dma_start3A_38 = arith.constant 0 : i32
    %dma_start3A_39 = tpu.memref_slice %arg19[%add3A_35, %dma_start3A_38] : memref<10240x128xf32, #tpu.memory_space<vmem_shared>> -> memref<64x128xf32, #tpu.memory_space<vmem_shared>>
    tpu.enqueue_dma source(%arg18 : memref<64x128xf32, #tpu.memory_space<vmem>>) target(%dma_start3A_39 : memref<64x128xf32, #tpu.memory_space<vmem_shared>>) target_semaphore(%arg20 : memref<!tpu.dma_semaphore, #tpu.memory_space<semaphore_mem>>)
    %mul3A_40 = arith.constant 640 : i32
    %mul3A_41 = arith.muli %arg1, %mul3A_40 : i32
    %add3A_42 = arith.constant 320 : i32
    %add3A_43 = arith.addi %mul3A_41, %add3A_42 : i32
    %dma_start3A_44 = arith.constant 0 : i32
    %dma_start3A_45 = tpu.memref_slice %arg19[%add3A_43, %dma_start3A_44] : memref<10240x128xf32, #tpu.memory_space<vmem_shared>> -> memref<64x128xf32, #tpu.memory_space<vmem_shared>>
    %dma_start3A_46 = arith.constant 0 : i32
    %dma_start3A_47 = tpu.memref_slice %arg19[%add3A_43, %dma_start3A_46] : memref<10240x128xf32, #tpu.memory_space<vmem_shared>> -> memref<64x128xf32, #tpu.memory_space<vmem_shared>>
    tpu.enqueue_dma source(%arg18 : memref<64x128xf32, #tpu.memory_space<vmem>>) target(%dma_start3A_47 : memref<64x128xf32, #tpu.memory_space<vmem_shared>>) target_semaphore(%arg20 : memref<!tpu.dma_semaphore, #tpu.memory_space<semaphore_mem>>)
    %mul3A_48 = arith.constant 640 : i32
    %mul3A_49 = arith.muli %arg1, %mul3A_48 : i32
    %add3A_50 = arith.constant 384 : i32
    %add3A_51 = arith.addi %mul3A_49, %add3A_50 : i32
    %dma_start3A_52 = arith.constant 0 : i32
    %dma_start3A_53 = tpu.memref_slice %arg19[%add3A_51, %dma_start3A_52] : memref<10240x128xf32, #tpu.memory_space<vmem_shared>> -> memref<64x128xf32, #tpu.memory_space<vmem_shared>>
    %dma_start3A_54 = arith.constant 0 : i32
    %dma_start3A_55 = tpu.memref_slice %arg19[%add3A_51, %dma_start3A_54] : memref<10240x128xf32, #tpu.memory_space<vmem_shared>> -> memref<64x128xf32, #tpu.memory_space<vmem_shared>>
    tpu.enqueue_dma source(%arg18 : memref<64x128xf32, #tpu.memory_space<vmem>>) target(%dma_start3A_55 : memref<64x128xf32, #tpu.memory_space<vmem_shared>>) target_semaphore(%arg20 : memref<!tpu.dma_semaphore, #tpu.memory_space<semaphore_mem>>)
    %mul3A_56 = arith.constant 640 : i32
    %mul3A_57 = arith.muli %arg1, %mul3A_56 : i32
    %add3A_58 = arith.constant 448 : i32
    %add3A_59 = arith.addi %mul3A_57, %add3A_58 : i32
    %dma_start3A_60 = arith.constant 0 : i32
    %dma_start3A_61 = tpu.memref_slice %arg19[%add3A_59, %dma_start3A_60] : memref<10240x128xf32, #tpu.memory_space<vmem_shared>> -> memref<64x128xf32, #tpu.memory_space<vmem_shared>>
    %dma_start3A_62 = arith.constant 0 : i32
    %dma_start3A_63 = tpu.memref_slice %arg19[%add3A_59, %dma_start3A_62] : memref<10240x128xf32, #tpu.memory_space<vmem_shared>> -> memref<64x128xf32, #tpu.memory_space<vmem_shared>>
    tpu.enqueue_dma source(%arg18 : memref<64x128xf32, #tpu.memory_space<vmem>>) target(%dma_start3A_63 : memref<64x128xf32, #tpu.memory_space<vmem_shared>>) target_semaphore(%arg20 : memref<!tpu.dma_semaphore, #tpu.memory_space<semaphore_mem>>)
    %mul3A_64 = arith.constant 640 : i32
    %mul3A_65 = arith.muli %arg1, %mul3A_64 : i32
    %add3A_66 = arith.constant 512 : i32
    %add3A_67 = arith.addi %mul3A_65, %add3A_66 : i32
    %dma_start3A_68 = arith.constant 0 : i32
    %dma_start3A_69 = tpu.memref_slice %arg19[%add3A_67, %dma_start3A_68] : memref<10240x128xf32, #tpu.memory_space<vmem_shared>> -> memref<64x128xf32, #tpu.memory_space<vmem_shared>>
    %dma_start3A_70 = arith.constant 0 : i32
    %dma_start3A_71 = tpu.memref_slice %arg19[%add3A_67, %dma_start3A_70] : memref<10240x128xf32, #tpu.memory_space<vmem_shared>> -> memref<64x128xf32, #tpu.memory_space<vmem_shared>>
    tpu.enqueue_dma source(%arg18 : memref<64x128xf32, #tpu.memory_space<vmem>>) target(%dma_start3A_71 : memref<64x128xf32, #tpu.memory_space<vmem_shared>>) target_semaphore(%arg20 : memref<!tpu.dma_semaphore, #tpu.memory_space<semaphore_mem>>)
    %mul3A_72 = arith.constant 640 : i32
    %mul3A_73 = arith.muli %arg1, %mul3A_72 : i32
    %add3A_74 = arith.constant 576 : i32
    %add3A_75 = arith.addi %mul3A_73, %add3A_74 : i32
    %dma_start3A_76 = arith.constant 0 : i32
    %dma_start3A_77 = tpu.memref_slice %arg19[%add3A_75, %dma_start3A_76] : memref<10240x128xf32, #tpu.memory_space<vmem_shared>> -> memref<64x128xf32, #tpu.memory_space<vmem_shared>>
    %dma_start3A_78 = arith.constant 0 : i32
    %dma_start3A_79 = tpu.memref_slice %arg19[%add3A_75, %dma_start3A_78] : memref<10240x128xf32, #tpu.memory_space<vmem_shared>> -> memref<64x128xf32, #tpu.memory_space<vmem_shared>>
    tpu.enqueue_dma source(%arg18 : memref<64x128xf32, #tpu.memory_space<vmem>>) target(%dma_start3A_79 : memref<64x128xf32, #tpu.memory_space<vmem_shared>>) target_semaphore(%arg20 : memref<!tpu.dma_semaphore, #tpu.memory_space<semaphore_mem>>)
    %mul3A_80 = arith.constant 640 : i32
    %mul3A_81 = arith.muli %arg1, %mul3A_80 : i32
    %add3A_82 = arith.constant 0 : i32
    %add3A_83 = arith.addi %mul3A_81, %add3A_82 : i32
    %dma_wait3A = arith.constant 0 : i32
    %dma_wait3A_84 = tpu.memref_slice %arg19[%add3A_83, %dma_wait3A] : memref<10240x128xf32, #tpu.memory_space<vmem_shared>> -> memref<64x128xf32, #tpu.memory_space<vmem_shared>>
    %dma_wait3A_85 = arith.constant 0 : i32
    %dma_wait3A_86 = tpu.memref_slice %arg19[%add3A_83, %dma_wait3A_85] : memref<10240x128xf32, #tpu.memory_space<vmem_shared>> -> memref<64x128xf32, #tpu.memory_space<vmem_shared>>
    tpu.wait_dma2 semaphore(%arg20 : memref<!tpu.dma_semaphore, #tpu.memory_space<semaphore_mem>>) src(%arg18 : memref<64x128xf32, #tpu.memory_space<vmem>>) dst(%dma_wait3A_86 : memref<64x128xf32, #tpu.memory_space<vmem_shared>>)
    %mul3A_87 = arith.constant 640 : i32
    %mul3A_88 = arith.muli %arg1, %mul3A_87 : i32
    %add3A_89 = arith.constant 64 : i32
    %add3A_90 = arith.addi %mul3A_88, %add3A_89 : i32
    %dma_wait3A_91 = arith.constant 0 : i32
    %dma_wait3A_92 = tpu.memref_slice %arg19[%add3A_90, %dma_wait3A_91] : memref<10240x128xf32, #tpu.memory_space<vmem_shared>> -> memref<64x128xf32, #tpu.memory_space<vmem_shared>>
    %dma_wait3A_93 = arith.constant 0 : i32
    %dma_wait3A_94 = tpu.memref_slice %arg19[%add3A_90, %dma_wait3A_93] : memref<10240x128xf32, #tpu.memory_space<vmem_shared>> -> memref<64x128xf32, #tpu.memory_space<vmem_shared>>
    tpu.wait_dma2 semaphore(%arg20 : memref<!tpu.dma_semaphore, #tpu.memory_space<semaphore_mem>>) src(%arg18 : memref<64x128xf32, #tpu.memory_space<vmem>>) dst(%dma_wait3A_94 : memref<64x128xf32, #tpu.memory_space<vmem_shared>>)
    %mul3A_95 = arith.constant 640 : i32
    %mul3A_96 = arith.muli %arg1, %mul3A_95 : i32
    %add3A_97 = arith.constant 128 : i32
    %add3A_98 = arith.addi %mul3A_96, %add3A_97 : i32
    %dma_wait3A_99 = arith.constant 0 : i32
    %dma_wait3A_100 = tpu.memref_slice %arg19[%add3A_98, %dma_wait3A_99] : memref<10240x128xf32, #tpu.memory_space<vmem_shared>> -> memref<64x128xf32, #tpu.memory_space<vmem_shared>>
    %dma_wait3A_101 = arith.constant 0 : i32
    %dma_wait3A_102 = tpu.memref_slice %arg19[%add3A_98, %dma_wait3A_101] : memref<10240x128xf32, #tpu.memory_space<vmem_shared>> -> memref<64x128xf32, #tpu.memory_space<vmem_shared>>
    tpu.wait_dma2 semaphore(%arg20 : memref<!tpu.dma_semaphore, #tpu.memory_space<semaphore_mem>>) src(%arg18 : memref<64x128xf32, #tpu.memory_space<vmem>>) dst(%dma_wait3A_102 : memref<64x128xf32, #tpu.memory_space<vmem_shared>>)
    %mul3A_103 = arith.constant 640 : i32
    %mul3A_104 = arith.muli %arg1, %mul3A_103 : i32
    %add3A_105 = arith.constant 192 : i32
    %add3A_106 = arith.addi %mul3A_104, %add3A_105 : i32
    %dma_wait3A_107 = arith.constant 0 : i32
    %dma_wait3A_108 = tpu.memref_slice %arg19[%add3A_106, %dma_wait3A_107] : memref<10240x128xf32, #tpu.memory_space<vmem_shared>> -> memref<64x128xf32, #tpu.memory_space<vmem_shared>>
    %dma_wait3A_109 = arith.constant 0 : i32
    %dma_wait3A_110 = tpu.memref_slice %arg19[%add3A_106, %dma_wait3A_109] : memref<10240x128xf32, #tpu.memory_space<vmem_shared>> -> memref<64x128xf32, #tpu.memory_space<vmem_shared>>
    tpu.wait_dma2 semaphore(%arg20 : memref<!tpu.dma_semaphore, #tpu.memory_space<semaphore_mem>>) src(%arg18 : memref<64x128xf32, #tpu.memory_space<vmem>>) dst(%dma_wait3A_110 : memref<64x128xf32, #tpu.memory_space<vmem_shared>>)
    %mul3A_111 = arith.constant 640 : i32
    %mul3A_112 = arith.muli %arg1, %mul3A_111 : i32
    %add3A_113 = arith.constant 256 : i32
    %add3A_114 = arith.addi %mul3A_112, %add3A_113 : i32
    %dma_wait3A_115 = arith.constant 0 : i32
    %dma_wait3A_116 = tpu.memref_slice %arg19[%add3A_114, %dma_wait3A_115] : memref<10240x128xf32, #tpu.memory_space<vmem_shared>> -> memref<64x128xf32, #tpu.memory_space<vmem_shared>>
    %dma_wait3A_117 = arith.constant 0 : i32
    %dma_wait3A_118 = tpu.memref_slice %arg19[%add3A_114, %dma_wait3A_117] : memref<10240x128xf32, #tpu.memory_space<vmem_shared>> -> memref<64x128xf32, #tpu.memory_space<vmem_shared>>
    tpu.wait_dma2 semaphore(%arg20 : memref<!tpu.dma_semaphore, #tpu.memory_space<semaphore_mem>>) src(%arg18 : memref<64x128xf32, #tpu.memory_space<vmem>>) dst(%dma_wait3A_118 : memref<64x128xf32, #tpu.memory_space<vmem_shared>>)
    %mul3A_119 = arith.constant 640 : i32
    %mul3A_120 = arith.muli %arg1, %mul3A_119 : i32
    %add3A_121 = arith.constant 320 : i32
    %add3A_122 = arith.addi %mul3A_120, %add3A_121 : i32
    %dma_wait3A_123 = arith.constant 0 : i32
    %dma_wait3A_124 = tpu.memref_slice %arg19[%add3A_122, %dma_wait3A_123] : memref<10240x128xf32, #tpu.memory_space<vmem_shared>> -> memref<64x128xf32, #tpu.memory_space<vmem_shared>>
    %dma_wait3A_125 = arith.constant 0 : i32
    %dma_wait3A_126 = tpu.memref_slice %arg19[%add3A_122, %dma_wait3A_125] : memref<10240x128xf32, #tpu.memory_space<vmem_shared>> -> memref<64x128xf32, #tpu.memory_space<vmem_shared>>
    tpu.wait_dma2 semaphore(%arg20 : memref<!tpu.dma_semaphore, #tpu.memory_space<semaphore_mem>>) src(%arg18 : memref<64x128xf32, #tpu.memory_space<vmem>>) dst(%dma_wait3A_126 : memref<64x128xf32, #tpu.memory_space<vmem_shared>>)
    %mul3A_127 = arith.constant 640 : i32
    %mul3A_128 = arith.muli %arg1, %mul3A_127 : i32
    %add3A_129 = arith.constant 384 : i32
    %add3A_130 = arith.addi %mul3A_128, %add3A_129 : i32
    %dma_wait3A_131 = arith.constant 0 : i32
    %dma_wait3A_132 = tpu.memref_slice %arg19[%add3A_130, %dma_wait3A_131] : memref<10240x128xf32, #tpu.memory_space<vmem_shared>> -> memref<64x128xf32, #tpu.memory_space<vmem_shared>>
    %dma_wait3A_133 = arith.constant 0 : i32
    %dma_wait3A_134 = tpu.memref_slice %arg19[%add3A_130, %dma_wait3A_133] : memref<10240x128xf32, #tpu.memory_space<vmem_shared>> -> memref<64x128xf32, #tpu.memory_space<vmem_shared>>
    tpu.wait_dma2 semaphore(%arg20 : memref<!tpu.dma_semaphore, #tpu.memory_space<semaphore_mem>>) src(%arg18 : memref<64x128xf32, #tpu.memory_space<vmem>>) dst(%dma_wait3A_134 : memref<64x128xf32, #tpu.memory_space<vmem_shared>>)
    %mul3A_135 = arith.constant 640 : i32
    %mul3A_136 = arith.muli %arg1, %mul3A_135 : i32
    %add3A_137 = arith.constant 448 : i32
    %add3A_138 = arith.addi %mul3A_136, %add3A_137 : i32
    %dma_wait3A_139 = arith.constant 0 : i32
    %dma_wait3A_140 = tpu.memref_slice %arg19[%add3A_138, %dma_wait3A_139] : memref<10240x128xf32, #tpu.memory_space<vmem_shared>> -> memref<64x128xf32, #tpu.memory_space<vmem_shared>>
    %dma_wait3A_141 = arith.constant 0 : i32
    %dma_wait3A_142 = tpu.memref_slice %arg19[%add3A_138, %dma_wait3A_141] : memref<10240x128xf32, #tpu.memory_space<vmem_shared>> -> memref<64x128xf32, #tpu.memory_space<vmem_shared>>
    tpu.wait_dma2 semaphore(%arg20 : memref<!tpu.dma_semaphore, #tpu.memory_space<semaphore_mem>>) src(%arg18 : memref<64x128xf32, #tpu.memory_space<vmem>>) dst(%dma_wait3A_142 : memref<64x128xf32, #tpu.memory_space<vmem_shared>>)
    %mul3A_143 = arith.constant 640 : i32
    %mul3A_144 = arith.muli %arg1, %mul3A_143 : i32
    %add3A_145 = arith.constant 512 : i32
    %add3A_146 = arith.addi %mul3A_144, %add3A_145 : i32
    %dma_wait3A_147 = arith.constant 0 : i32
    %dma_wait3A_148 = tpu.memref_slice %arg19[%add3A_146, %dma_wait3A_147] : memref<10240x128xf32, #tpu.memory_space<vmem_shared>> -> memref<64x128xf32, #tpu.memory_space<vmem_shared>>
    %dma_wait3A_149 = arith.constant 0 : i32
    %dma_wait3A_150 = tpu.memref_slice %arg19[%add3A_146, %dma_wait3A_149] : memref<10240x128xf32, #tpu.memory_space<vmem_shared>> -> memref<64x128xf32, #tpu.memory_space<vmem_shared>>
    tpu.wait_dma2 semaphore(%arg20 : memref<!tpu.dma_semaphore, #tpu.memory_space<semaphore_mem>>) src(%arg18 : memref<64x128xf32, #tpu.memory_space<vmem>>) dst(%dma_wait3A_150 : memref<64x128xf32, #tpu.memory_space<vmem_shared>>)
    %mul3A_151 = arith.constant 640 : i32
    %mul3A_152 = arith.muli %arg1, %mul3A_151 : i32
    %add3A_153 = arith.constant 576 : i32
    %add3A_154 = arith.addi %mul3A_152, %add3A_153 : i32
    %dma_wait3A_155 = arith.constant 0 : i32
    %dma_wait3A_156 = tpu.memref_slice %arg19[%add3A_154, %dma_wait3A_155] : memref<10240x128xf32, #tpu.memory_space<vmem_shared>> -> memref<64x128xf32, #tpu.memory_space<vmem_shared>>
    %dma_wait3A_157 = arith.constant 0 : i32
    %dma_wait3A_158 = tpu.memref_slice %arg19[%add3A_154, %dma_wait3A_157] : memref<10240x128xf32, #tpu.memory_space<vmem_shared>> -> memref<64x128xf32, #tpu.memory_space<vmem_shared>>
    tpu.wait_dma2 semaphore(%arg20 : memref<!tpu.dma_semaphore, #tpu.memory_space<semaphore_mem>>) src(%arg18 : memref<64x128xf32, #tpu.memory_space<vmem>>) dst(%dma_wait3A_158 : memref<64x128xf32, #tpu.memory_space<vmem_shared>>)
    %barrier3A = arith.constant 0 : index
    tpu.barrier barrier_id(%barrier3A)
    %mul3A_159 = arith.constant 10000 : i32
    %mul3A_160 = arith.muli %add3A, %mul3A_159 : i32
    %add3A_161 = arith.constant 0 : i32
    %add3A_162 = arith.addi %mul3A_160, %add3A_161 : i32
    "tpu.region"() ({
      %run_scoped3A = tpu.sem_alloc : memref<!tpu.dma_semaphore, #tpu.memory_space<semaphore_mem>>
      %dma_start3A_625 = tpu.memref_slice %arg3[%add3A_162] : memref<320000xi32, #tpu.memory_space<hbm>> -> memref<104xi32, #tpu.memory_space<hbm>>
      %dma_start3A_626 = tpu.memref_slice %arg3[%add3A_162] : memref<320000xi32, #tpu.memory_space<hbm>> -> memref<104xi32, #tpu.memory_space<hbm>>
      tpu.enqueue_dma source(%dma_start3A_626 : memref<104xi32, #tpu.memory_space<hbm>>) target(%arg7 : memref<104xi32, #tpu.memory_space<vmem>>) target_semaphore(%run_scoped3A : memref<!tpu.dma_semaphore, #tpu.memory_space<semaphore_mem>>)
      %dma_wait3A_627 = tpu.memref_slice %arg3[%add3A_162] : memref<320000xi32, #tpu.memory_space<hbm>> -> memref<104xi32, #tpu.memory_space<hbm>>
      %dma_wait3A_628 = tpu.memref_slice %arg3[%add3A_162] : memref<320000xi32, #tpu.memory_space<hbm>> -> memref<104xi32, #tpu.memory_space<hbm>>
      tpu.wait_dma2 semaphore(%run_scoped3A : memref<!tpu.dma_semaphore, #tpu.memory_space<semaphore_mem>>) src(%dma_wait3A_628 : memref<104xi32, #tpu.memory_space<hbm>>) dst(%arg7 : memref<104xi32, #tpu.memory_space<vmem>>)
      tpu.yield
    }) : () -> ()
    "tpu.region"() ({
      %run_scoped3A = tpu.sem_alloc : memref<!tpu.dma_semaphore, #tpu.memory_space<semaphore_mem>>
      %dma_start3A_625 = tpu.memref_slice %arg4[%add3A_162] : memref<320000xi32, #tpu.memory_space<hbm>> -> memref<104xi32, #tpu.memory_space<hbm>>
      %dma_start3A_626 = tpu.memref_slice %arg4[%add3A_162] : memref<320000xi32, #tpu.memory_space<hbm>> -> memref<104xi32, #tpu.memory_space<hbm>>
      tpu.enqueue_dma source(%dma_start3A_626 : memref<104xi32, #tpu.memory_space<hbm>>) target(%arg10 : memref<104xi32, #tpu.memory_space<vmem>>) target_semaphore(%run_scoped3A : memref<!tpu.dma_semaphore, #tpu.memory_space<semaphore_mem>>)
      %dma_wait3A_627 = tpu.memref_slice %arg4[%add3A_162] : memref<320000xi32, #tpu.memory_space<hbm>> -> memref<104xi32, #tpu.memory_space<hbm>>
      %dma_wait3A_628 = tpu.memref_slice %arg4[%add3A_162] : memref<320000xi32, #tpu.memory_space<hbm>> -> memref<104xi32, #tpu.memory_space<hbm>>
      tpu.wait_dma2 semaphore(%run_scoped3A : memref<!tpu.dma_semaphore, #tpu.memory_space<semaphore_mem>>) src(%dma_wait3A_628 : memref<104xi32, #tpu.memory_space<hbm>>) dst(%arg10 : memref<104xi32, #tpu.memory_space<vmem>>)
      tpu.yield
    }) : () -> ()
    %dma_start3A_163 = arith.constant 0 : i32
    %dma_start3A_164 = arith.constant 0 : i32
    %dma_start3A_165 = tpu.memref_slice %arg2[%dma_start3A_163, %dma_start3A_164] : memref<10000x128xf32, #tpu.memory_space<hbm>> -> memref<10000x128xf32, #tpu.memory_space<hbm>>
    tpu.enqueue_indirect_dma source(%dma_start3A_165 : memref<10000x128xf32, #tpu.memory_space<hbm>>) target(%arg15 : memref<104x128xf32, #tpu.memory_space<vmem>>) offsets(%arg7 : memref<104xi32, #tpu.memory_space<vmem>>) semaphore(%arg20 : memref<!tpu.dma_semaphore, #tpu.memory_space<semaphore_mem>>)
    %add3A_166 = arith.constant 104 : i32
    %add3A_167 = arith.addi %mul3A_160, %add3A_166 : i32
    "tpu.region"() ({
      %run_scoped3A = tpu.sem_alloc : memref<!tpu.dma_semaphore, #tpu.memory_space<semaphore_mem>>
      %dma_start3A_625 = tpu.memref_slice %arg3[%add3A_167] : memref<320000xi32, #tpu.memory_space<hbm>> -> memref<104xi32, #tpu.memory_space<hbm>>
      %dma_start3A_626 = tpu.memref_slice %arg3[%add3A_167] : memref<320000xi32, #tpu.memory_space<hbm>> -> memref<104xi32, #tpu.memory_space<hbm>>
      tpu.enqueue_dma source(%dma_start3A_626 : memref<104xi32, #tpu.memory_space<hbm>>) target(%arg8 : memref<104xi32, #tpu.memory_space<vmem>>) target_semaphore(%run_scoped3A : memref<!tpu.dma_semaphore, #tpu.memory_space<semaphore_mem>>)
      %dma_wait3A_627 = tpu.memref_slice %arg3[%add3A_167] : memref<320000xi32, #tpu.memory_space<hbm>> -> memref<104xi32, #tpu.memory_space<hbm>>
      %dma_wait3A_628 = tpu.memref_slice %arg3[%add3A_167] : memref<320000xi32, #tpu.memory_space<hbm>> -> memref<104xi32, #tpu.memory_space<hbm>>
      tpu.wait_dma2 semaphore(%run_scoped3A : memref<!tpu.dma_semaphore, #tpu.memory_space<semaphore_mem>>) src(%dma_wait3A_628 : memref<104xi32, #tpu.memory_space<hbm>>) dst(%arg8 : memref<104xi32, #tpu.memory_space<vmem>>)
      tpu.yield
    }) : () -> ()
    "tpu.region"() ({
      %run_scoped3A = tpu.sem_alloc : memref<!tpu.dma_semaphore, #tpu.memory_space<semaphore_mem>>
      %dma_start3A_625 = tpu.memref_slice %arg4[%add3A_167] : memref<320000xi32, #tpu.memory_space<hbm>> -> memref<104xi32, #tpu.memory_space<hbm>>
      %dma_start3A_626 = tpu.memref_slice %arg4[%add3A_167] : memref<320000xi32, #tpu.memory_space<hbm>> -> memref<104xi32, #tpu.memory_space<hbm>>
      tpu.enqueue_dma source(%dma_start3A_626 : memref<104xi32, #tpu.memory_space<hbm>>) target(%arg11 : memref<104xi32, #tpu.memory_space<vmem>>) target_semaphore(%run_scoped3A : memref<!tpu.dma_semaphore, #tpu.memory_space<semaphore_mem>>)
      %dma_wait3A_627 = tpu.memref_slice %arg4[%add3A_167] : memref<320000xi32, #tpu.memory_space<hbm>> -> memref<104xi32, #tpu.memory_space<hbm>>
      %dma_wait3A_628 = tpu.memref_slice %arg4[%add3A_167] : memref<320000xi32, #tpu.memory_space<hbm>> -> memref<104xi32, #tpu.memory_space<hbm>>
      tpu.wait_dma2 semaphore(%run_scoped3A : memref<!tpu.dma_semaphore, #tpu.memory_space<semaphore_mem>>) src(%dma_wait3A_628 : memref<104xi32, #tpu.memory_space<hbm>>) dst(%arg11 : memref<104xi32, #tpu.memory_space<vmem>>)
      tpu.yield
    }) : () -> ()
    %dma_start3A_168 = arith.constant 0 : i32
    %dma_start3A_169 = arith.constant 0 : i32
    %dma_start3A_170 = tpu.memref_slice %arg2[%dma_start3A_168, %dma_start3A_169] : memref<10000x128xf32, #tpu.memory_space<hbm>> -> memref<10000x128xf32, #tpu.memory_space<hbm>>
    tpu.enqueue_indirect_dma source(%dma_start3A_170 : memref<10000x128xf32, #tpu.memory_space<hbm>>) target(%arg16 : memref<104x128xf32, #tpu.memory_space<vmem>>) offsets(%arg8 : memref<104xi32, #tpu.memory_space<vmem>>) semaphore(%arg21 : memref<!tpu.dma_semaphore, #tpu.memory_space<semaphore_mem>>)
    %dma_wait3A_171 = arith.constant 0 : i32
    %dma_wait3A_172 = arith.constant 0 : i32
    %dma_wait3A_173 = tpu.memref_slice %arg2[%dma_wait3A_171, %dma_wait3A_172] : memref<10000x128xf32, #tpu.memory_space<hbm>> -> memref<10000x128xf32, #tpu.memory_space<hbm>>
    tpu.wait_indirect_dma semaphore(%arg20 : memref<!tpu.dma_semaphore, #tpu.memory_space<semaphore_mem>>) src(%dma_wait3A_173 : memref<10000x128xf32, #tpu.memory_space<hbm>>) dst(%arg15 : memref<104x128xf32, #tpu.memory_space<vmem>>)
    %dma_start3A_174 = arith.constant 0 : i32
    %dma_start3A_175 = arith.constant 0 : i32
    %dma_start3A_176 = tpu.memref_slice %arg19[%dma_start3A_174, %dma_start3A_175] : memref<10240x128xf32, #tpu.memory_space<vmem_shared>> -> memref<10240x128xf32, #tpu.memory_space<vmem_shared>>
    tpu.enqueue_indirect_dma source(%arg15 : memref<104x128xf32, #tpu.memory_space<vmem>>) target(%dma_start3A_176 : memref<10240x128xf32, #tpu.memory_space<vmem_shared>>) offsets(%arg10 : memref<104xi32, #tpu.memory_space<vmem>>) semaphore(%arg23 : memref<!tpu.dma_semaphore, #tpu.memory_space<semaphore_mem>>) {add = true}
    %add3A_177 = arith.constant 208 : i32
    %add3A_178 = arith.addi %mul3A_160, %add3A_177 : i32
    "tpu.region"() ({
      %run_scoped3A = tpu.sem_alloc : memref<!tpu.dma_semaphore, #tpu.memory_space<semaphore_mem>>
      %dma_start3A_625 = tpu.memref_slice %arg3[%add3A_178] : memref<320000xi32, #tpu.memory_space<hbm>> -> memref<104xi32, #tpu.memory_space<hbm>>
      %dma_start3A_626 = tpu.memref_slice %arg3[%add3A_178] : memref<320000xi32, #tpu.memory_space<hbm>> -> memref<104xi32, #tpu.memory_space<hbm>>
      tpu.enqueue_dma source(%dma_start3A_626 : memref<104xi32, #tpu.memory_space<hbm>>) target(%arg9 : memref<104xi32, #tpu.memory_space<vmem>>) target_semaphore(%run_scoped3A : memref<!tpu.dma_semaphore, #tpu.memory_space<semaphore_mem>>)
      %dma_wait3A_627 = tpu.memref_slice %arg3[%add3A_178] : memref<320000xi32, #tpu.memory_space<hbm>> -> memref<104xi32, #tpu.memory_space<hbm>>
      %dma_wait3A_628 = tpu.memref_slice %arg3[%add3A_178] : memref<320000xi32, #tpu.memory_space<hbm>> -> memref<104xi32, #tpu.memory_space<hbm>>
      tpu.wait_dma2 semaphore(%run_scoped3A : memref<!tpu.dma_semaphore, #tpu.memory_space<semaphore_mem>>) src(%dma_wait3A_628 : memref<104xi32, #tpu.memory_space<hbm>>) dst(%arg9 : memref<104xi32, #tpu.memory_space<vmem>>)
      tpu.yield
    }) : () -> ()
    "tpu.region"() ({
      %run_scoped3A = tpu.sem_alloc : memref<!tpu.dma_semaphore, #tpu.memory_space<semaphore_mem>>
      %dma_start3A_625 = tpu.memref_slice %arg4[%add3A_178] : memref<320000xi32, #tpu.memory_space<hbm>> -> memref<104xi32, #tpu.memory_space<hbm>>
      %dma_start3A_626 = tpu.memref_slice %arg4[%add3A_178] : memref<320000xi32, #tpu.memory_space<hbm>> -> memref<104xi32, #tpu.memory_space<hbm>>
      tpu.enqueue_dma source(%dma_start3A_626 : memref<104xi32, #tpu.memory_space<hbm>>) target(%arg12 : memref<104xi32, #tpu.memory_space<vmem>>) target_semaphore(%run_scoped3A : memref<!tpu.dma_semaphore, #tpu.memory_space<semaphore_mem>>)
      %dma_wait3A_627 = tpu.memref_slice %arg4[%add3A_178] : memref<320000xi32, #tpu.memory_space<hbm>> -> memref<104xi32, #tpu.memory_space<hbm>>
      %dma_wait3A_628 = tpu.memref_slice %arg4[%add3A_178] : memref<320000xi32, #tpu.memory_space<hbm>> -> memref<104xi32, #tpu.memory_space<hbm>>
      tpu.wait_dma2 semaphore(%run_scoped3A : memref<!tpu.dma_semaphore, #tpu.memory_space<semaphore_mem>>) src(%dma_wait3A_628 : memref<104xi32, #tpu.memory_space<hbm>>) dst(%arg12 : memref<104xi32, #tpu.memory_space<vmem>>)
      tpu.yield
    }) : () -> ()
    %dma_start3A_179 = arith.constant 0 : i32
    %dma_start3A_180 = arith.constant 0 : i32
    %dma_start3A_181 = tpu.memref_slice %arg2[%dma_start3A_179, %dma_start3A_180] : memref<10000x128xf32, #tpu.memory_space<hbm>> -> memref<10000x128xf32, #tpu.memory_space<hbm>>
    tpu.enqueue_indirect_dma source(%dma_start3A_181 : memref<10000x128xf32, #tpu.memory_space<hbm>>) target(%arg17 : memref<104x128xf32, #tpu.memory_space<vmem>>) offsets(%arg9 : memref<104xi32, #tpu.memory_space<vmem>>) semaphore(%arg22 : memref<!tpu.dma_semaphore, #tpu.memory_space<semaphore_mem>>)
    %scan3A = arith.constant 0 : i32
    %scan3A_182 = arith.constant 0 : i32
    %scan3A_183 = arith.constant 30 : i32
    %scan3A_184 = arith.addi %scan3A_182, %scan3A_183 : i32
    %scan3A_185 = arith.constant 1 : i32
    scf.for %scan3A_625 = %scan3A_182 to %scan3A_184 step %scan3A_185  : i32 {
      %mul3A_626 = arith.constant 3 : i32
      %mul3A_627 = arith.muli %mul3A_626, %scan3A_625 : i32
      %add3A_628 = arith.constant 1 : i32
      %add3A_629 = arith.addi %mul3A_627, %add3A_628 : i32
      %dma_wait3A_630 = arith.constant 0 : i32
      %dma_wait3A_631 = arith.constant 0 : i32
      %dma_wait3A_632 = tpu.memref_slice %arg2[%dma_wait3A_630, %dma_wait3A_631] : memref<10000x128xf32, #tpu.memory_space<hbm>> -> memref<10000x128xf32, #tpu.memory_space<hbm>>
      tpu.wait_indirect_dma semaphore(%arg21 : memref<!tpu.dma_semaphore, #tpu.memory_space<semaphore_mem>>) src(%dma_wait3A_632 : memref<10000x128xf32, #tpu.memory_space<hbm>>) dst(%arg16 : memref<104x128xf32, #tpu.memory_space<vmem>>)
      %dma_start3A_633 = arith.constant 0 : i32
      %dma_start3A_634 = arith.constant 0 : i32
      %dma_start3A_635 = tpu.memref_slice %arg19[%dma_start3A_633, %dma_start3A_634] : memref<10240x128xf32, #tpu.memory_space<vmem_shared>> -> memref<10240x128xf32, #tpu.memory_space<vmem_shared>>
      tpu.enqueue_indirect_dma source(%arg16 : memref<104x128xf32, #tpu.memory_space<vmem>>) target(%dma_start3A_635 : memref<10240x128xf32, #tpu.memory_space<vmem_shared>>) offsets(%arg11 : memref<104xi32, #tpu.memory_space<vmem>>) semaphore(%arg24 : memref<!tpu.dma_semaphore, #tpu.memory_space<semaphore_mem>>) {add = true}
      %dma_wait3A_636 = arith.constant 0 : i32
      %dma_wait3A_637 = arith.constant 0 : i32
      %dma_wait3A_638 = tpu.memref_slice %arg19[%dma_wait3A_636, %dma_wait3A_637] : memref<10240x128xf32, #tpu.memory_space<vmem_shared>> -> memref<10240x128xf32, #tpu.memory_space<vmem_shared>>
      tpu.wait_indirect_dma semaphore(%arg23 : memref<!tpu.dma_semaphore, #tpu.memory_space<semaphore_mem>>) src(%arg15 : memref<104x128xf32, #tpu.memory_space<vmem>>) dst(%dma_wait3A_638 : memref<10240x128xf32, #tpu.memory_space<vmem_shared>>)
      %add3A_639 = arith.constant 2 : i32
      %add3A_640 = arith.addi %add3A_629, %add3A_639 : i32
      %mul3A_641 = arith.constant 104 : i32
      %mul3A_642 = arith.muli %add3A_640, %mul3A_641 : i32
      %add3A_643 = arith.addi %mul3A_160, %mul3A_642 : i32
      "tpu.region"() ({
        %run_scoped3A = tpu.sem_alloc : memref<!tpu.dma_semaphore, #tpu.memory_space<semaphore_mem>>
        %dma_start3A_681 = tpu.memref_slice %arg3[%add3A_643] : memref<320000xi32, #tpu.memory_space<hbm>> -> memref<104xi32, #tpu.memory_space<hbm>>
        %dma_start3A_682 = tpu.memref_slice %arg3[%add3A_643] : memref<320000xi32, #tpu.memory_space<hbm>> -> memref<104xi32, #tpu.memory_space<hbm>>
        tpu.enqueue_dma source(%dma_start3A_682 : memref<104xi32, #tpu.memory_space<hbm>>) target(%arg7 : memref<104xi32, #tpu.memory_space<vmem>>) target_semaphore(%run_scoped3A : memref<!tpu.dma_semaphore, #tpu.memory_space<semaphore_mem>>)
        %dma_wait3A_683 = tpu.memref_slice %arg3[%add3A_643] : memref<320000xi32, #tpu.memory_space<hbm>> -> memref<104xi32, #tpu.memory_space<hbm>>
        %dma_wait3A_684 = tpu.memref_slice %arg3[%add3A_643] : memref<320000xi32, #tpu.memory_space<hbm>> -> memref<104xi32, #tpu.memory_space<hbm>>
        tpu.wait_dma2 semaphore(%run_scoped3A : memref<!tpu.dma_semaphore, #tpu.memory_space<semaphore_mem>>) src(%dma_wait3A_684 : memref<104xi32, #tpu.memory_space<hbm>>) dst(%arg7 : memref<104xi32, #tpu.memory_space<vmem>>)
        tpu.yield
      }) : () -> ()
      "tpu.region"() ({
        %run_scoped3A = tpu.sem_alloc : memref<!tpu.dma_semaphore, #tpu.memory_space<semaphore_mem>>
        %dma_start3A_681 = tpu.memref_slice %arg4[%add3A_643] : memref<320000xi32, #tpu.memory_space<hbm>> -> memref<104xi32, #tpu.memory_space<hbm>>
        %dma_start3A_682 = tpu.memref_slice %arg4[%add3A_643] : memref<320000xi32, #tpu.memory_space<hbm>> -> memref<104xi32, #tpu.memory_space<hbm>>
        tpu.enqueue_dma source(%dma_start3A_682 : memref<104xi32, #tpu.memory_space<hbm>>) target(%arg10 : memref<104xi32, #tpu.memory_space<vmem>>) target_semaphore(%run_scoped3A : memref<!tpu.dma_semaphore, #tpu.memory_space<semaphore_mem>>)
        %dma_wait3A_683 = tpu.memref_slice %arg4[%add3A_643] : memref<320000xi32, #tpu.memory_space<hbm>> -> memref<104xi32, #tpu.memory_space<hbm>>
        %dma_wait3A_684 = tpu.memref_slice %arg4[%add3A_643] : memref<320000xi32, #tpu.memory_space<hbm>> -> memref<104xi32, #tpu.memory_space<hbm>>
        tpu.wait_dma2 semaphore(%run_scoped3A : memref<!tpu.dma_semaphore, #tpu.memory_space<semaphore_mem>>) src(%dma_wait3A_684 : memref<104xi32, #tpu.memory_space<hbm>>) dst(%arg10 : memref<104xi32, #tpu.memory_space<vmem>>)
        tpu.yield
      }) : () -> ()
      %dma_start3A_644 = arith.constant 0 : i32
      %dma_start3A_645 = arith.constant 0 : i32
      %dma_start3A_646 = tpu.memref_slice %arg2[%dma_start3A_644, %dma_start3A_645] : memref<10000x128xf32, #tpu.memory_space<hbm>> -> memref<10000x128xf32, #tpu.memory_space<hbm>>
      tpu.enqueue_indirect_dma source(%dma_start3A_646 : memref<10000x128xf32, #tpu.memory_space<hbm>>) target(%arg15 : memref<104x128xf32, #tpu.memory_space<vmem>>) offsets(%arg7 : memref<104xi32, #tpu.memory_space<vmem>>) semaphore(%arg20 : memref<!tpu.dma_semaphore, #tpu.memory_space<semaphore_mem>>)
      %dma_wait3A_647 = arith.constant 0 : i32
      %dma_wait3A_648 = arith.constant 0 : i32
      %dma_wait3A_649 = tpu.memref_slice %arg2[%dma_wait3A_647, %dma_wait3A_648] : memref<10000x128xf32, #tpu.memory_space<hbm>> -> memref<10000x128xf32, #tpu.memory_space<hbm>>
      tpu.wait_indirect_dma semaphore(%arg22 : memref<!tpu.dma_semaphore, #tpu.memory_space<semaphore_mem>>) src(%dma_wait3A_649 : memref<10000x128xf32, #tpu.memory_space<hbm>>) dst(%arg17 : memref<104x128xf32, #tpu.memory_space<vmem>>)
      %dma_start3A_650 = arith.constant 0 : i32
      %dma_start3A_651 = arith.constant 0 : i32
      %dma_start3A_652 = tpu.memref_slice %arg19[%dma_start3A_650, %dma_start3A_651] : memref<10240x128xf32, #tpu.memory_space<vmem_shared>> -> memref<10240x128xf32, #tpu.memory_space<vmem_shared>>
      tpu.enqueue_indirect_dma source(%arg17 : memref<104x128xf32, #tpu.memory_space<vmem>>) target(%dma_start3A_652 : memref<10240x128xf32, #tpu.memory_space<vmem_shared>>) offsets(%arg12 : memref<104xi32, #tpu.memory_space<vmem>>) semaphore(%arg25 : memref<!tpu.dma_semaphore, #tpu.memory_space<semaphore_mem>>) {add = true}
      %dma_wait3A_653 = arith.constant 0 : i32
      %dma_wait3A_654 = arith.constant 0 : i32
      %dma_wait3A_655 = tpu.memref_slice %arg19[%dma_wait3A_653, %dma_wait3A_654] : memref<10240x128xf32, #tpu.memory_space<vmem_shared>> -> memref<10240x128xf32, #tpu.memory_space<vmem_shared>>
      tpu.wait_indirect_dma semaphore(%arg24 : memref<!tpu.dma_semaphore, #tpu.memory_space<semaphore_mem>>) src(%arg16 : memref<104x128xf32, #tpu.memory_space<vmem>>) dst(%dma_wait3A_655 : memref<10240x128xf32, #tpu.memory_space<vmem_shared>>)
      %add3A_656 = arith.constant 3 : i32
      %add3A_657 = arith.addi %add3A_629, %add3A_656 : i32
      %mul3A_658 = arith.constant 104 : i32
      %mul3A_659 = arith.muli %add3A_657, %mul3A_658 : i32
      %add3A_660 = arith.addi %mul3A_160, %mul3A_659 : i32
      "tpu.region"() ({
        %run_scoped3A = tpu.sem_alloc : memref<!tpu.dma_semaphore, #tpu.memory_space<semaphore_mem>>
        %dma_start3A_681 = tpu.memref_slice %arg3[%add3A_660] : memref<320000xi32, #tpu.memory_space<hbm>> -> memref<104xi32, #tpu.memory_space<hbm>>
        %dma_start3A_682 = tpu.memref_slice %arg3[%add3A_660] : memref<320000xi32, #tpu.memory_space<hbm>> -> memref<104xi32, #tpu.memory_space<hbm>>
        tpu.enqueue_dma source(%dma_start3A_682 : memref<104xi32, #tpu.memory_space<hbm>>) target(%arg8 : memref<104xi32, #tpu.memory_space<vmem>>) target_semaphore(%run_scoped3A : memref<!tpu.dma_semaphore, #tpu.memory_space<semaphore_mem>>)
        %dma_wait3A_683 = tpu.memref_slice %arg3[%add3A_660] : memref<320000xi32, #tpu.memory_space<hbm>> -> memref<104xi32, #tpu.memory_space<hbm>>
        %dma_wait3A_684 = tpu.memref_slice %arg3[%add3A_660] : memref<320000xi32, #tpu.memory_space<hbm>> -> memref<104xi32, #tpu.memory_space<hbm>>
        tpu.wait_dma2 semaphore(%run_scoped3A : memref<!tpu.dma_semaphore, #tpu.memory_space<semaphore_mem>>) src(%dma_wait3A_684 : memref<104xi32, #tpu.memory_space<hbm>>) dst(%arg8 : memref<104xi32, #tpu.memory_space<vmem>>)
        tpu.yield
      }) : () -> ()
      "tpu.region"() ({
        %run_scoped3A = tpu.sem_alloc : memref<!tpu.dma_semaphore, #tpu.memory_space<semaphore_mem>>
        %dma_start3A_681 = tpu.memref_slice %arg4[%add3A_660] : memref<320000xi32, #tpu.memory_space<hbm>> -> memref<104xi32, #tpu.memory_space<hbm>>
        %dma_start3A_682 = tpu.memref_slice %arg4[%add3A_660] : memref<320000xi32, #tpu.memory_space<hbm>> -> memref<104xi32, #tpu.memory_space<hbm>>
        tpu.enqueue_dma source(%dma_start3A_682 : memref<104xi32, #tpu.memory_space<hbm>>) target(%arg11 : memref<104xi32, #tpu.memory_space<vmem>>) target_semaphore(%run_scoped3A : memref<!tpu.dma_semaphore, #tpu.memory_space<semaphore_mem>>)
        %dma_wait3A_683 = tpu.memref_slice %arg4[%add3A_660] : memref<320000xi32, #tpu.memory_space<hbm>> -> memref<104xi32, #tpu.memory_space<hbm>>
        %dma_wait3A_684 = tpu.memref_slice %arg4[%add3A_660] : memref<320000xi32, #tpu.memory_space<hbm>> -> memref<104xi32, #tpu.memory_space<hbm>>
        tpu.wait_dma2 semaphore(%run_scoped3A : memref<!tpu.dma_semaphore, #tpu.memory_space<semaphore_mem>>) src(%dma_wait3A_684 : memref<104xi32, #tpu.memory_space<hbm>>) dst(%arg11 : memref<104xi32, #tpu.memory_space<vmem>>)
        tpu.yield
      }) : () -> ()
      %dma_start3A_661 = arith.constant 0 : i32
      %dma_start3A_662 = arith.constant 0 : i32
      %dma_start3A_663 = tpu.memref_slice %arg2[%dma_start3A_661, %dma_start3A_662] : memref<10000x128xf32, #tpu.memory_space<hbm>> -> memref<10000x128xf32, #tpu.memory_space<hbm>>
      tpu.enqueue_indirect_dma source(%dma_start3A_663 : memref<10000x128xf32, #tpu.memory_space<hbm>>) target(%arg16 : memref<104x128xf32, #tpu.memory_space<vmem>>) offsets(%arg8 : memref<104xi32, #tpu.memory_space<vmem>>) semaphore(%arg21 : memref<!tpu.dma_semaphore, #tpu.memory_space<semaphore_mem>>)
      %dma_wait3A_664 = arith.constant 0 : i32
      %dma_wait3A_665 = arith.constant 0 : i32
      %dma_wait3A_666 = tpu.memref_slice %arg2[%dma_wait3A_664, %dma_wait3A_665] : memref<10000x128xf32, #tpu.memory_space<hbm>> -> memref<10000x128xf32, #tpu.memory_space<hbm>>
      tpu.wait_indirect_dma semaphore(%arg20 : memref<!tpu.dma_semaphore, #tpu.memory_space<semaphore_mem>>) src(%dma_wait3A_666 : memref<10000x128xf32, #tpu.memory_space<hbm>>) dst(%arg15 : memref<104x128xf32, #tpu.memory_space<vmem>>)
      %dma_start3A_667 = arith.constant 0 : i32
      %dma_start3A_668 = arith.constant 0 : i32
      %dma_start3A_669 = tpu.memref_slice %arg19[%dma_start3A_667, %dma_start3A_668] : memref<10240x128xf32, #tpu.memory_space<vmem_shared>> -> memref<10240x128xf32, #tpu.memory_space<vmem_shared>>
      tpu.enqueue_indirect_dma source(%arg15 : memref<104x128xf32, #tpu.memory_space<vmem>>) target(%dma_start3A_669 : memref<10240x128xf32, #tpu.memory_space<vmem_shared>>) offsets(%arg10 : memref<104xi32, #tpu.memory_space<vmem>>) semaphore(%arg23 : memref<!tpu.dma_semaphore, #tpu.memory_space<semaphore_mem>>) {add = true}
      %dma_wait3A_670 = arith.constant 0 : i32
      %dma_wait3A_671 = arith.constant 0 : i32
      %dma_wait3A_672 = tpu.memref_slice %arg19[%dma_wait3A_670, %dma_wait3A_671] : memref<10240x128xf32, #tpu.memory_space<vmem_shared>> -> memref<10240x128xf32, #tpu.memory_space<vmem_shared>>
      tpu.wait_indirect_dma semaphore(%arg25 : memref<!tpu.dma_semaphore, #tpu.memory_space<semaphore_mem>>) src(%arg17 : memref<104x128xf32, #tpu.memory_space<vmem>>) dst(%dma_wait3A_672 : memref<10240x128xf32, #tpu.memory_space<vmem_shared>>)
      %add3A_673 = arith.constant 4 : i32
      %add3A_674 = arith.addi %add3A_629, %add3A_673 : i32
      %mul3A_675 = arith.constant 104 : i32
      %mul3A_676 = arith.muli %add3A_674, %mul3A_675 : i32
      %add3A_677 = arith.addi %mul3A_160, %mul3A_676 : i32
      "tpu.region"() ({
        %run_scoped3A = tpu.sem_alloc : memref<!tpu.dma_semaphore, #tpu.memory_space<semaphore_mem>>
        %dma_start3A_681 = tpu.memref_slice %arg3[%add3A_677] : memref<320000xi32, #tpu.memory_space<hbm>> -> memref<104xi32, #tpu.memory_space<hbm>>
        %dma_start3A_682 = tpu.memref_slice %arg3[%add3A_677] : memref<320000xi32, #tpu.memory_space<hbm>> -> memref<104xi32, #tpu.memory_space<hbm>>
        tpu.enqueue_dma source(%dma_start3A_682 : memref<104xi32, #tpu.memory_space<hbm>>) target(%arg9 : memref<104xi32, #tpu.memory_space<vmem>>) target_semaphore(%run_scoped3A : memref<!tpu.dma_semaphore, #tpu.memory_space<semaphore_mem>>)
        %dma_wait3A_683 = tpu.memref_slice %arg3[%add3A_677] : memref<320000xi32, #tpu.memory_space<hbm>> -> memref<104xi32, #tpu.memory_space<hbm>>
        %dma_wait3A_684 = tpu.memref_slice %arg3[%add3A_677] : memref<320000xi32, #tpu.memory_space<hbm>> -> memref<104xi32, #tpu.memory_space<hbm>>
        tpu.wait_dma2 semaphore(%run_scoped3A : memref<!tpu.dma_semaphore, #tpu.memory_space<semaphore_mem>>) src(%dma_wait3A_684 : memref<104xi32, #tpu.memory_space<hbm>>) dst(%arg9 : memref<104xi32, #tpu.memory_space<vmem>>)
        tpu.yield
      }) : () -> ()
      "tpu.region"() ({
        %run_scoped3A = tpu.sem_alloc : memref<!tpu.dma_semaphore, #tpu.memory_space<semaphore_mem>>
        %dma_start3A_681 = tpu.memref_slice %arg4[%add3A_677] : memref<320000xi32, #tpu.memory_space<hbm>> -> memref<104xi32, #tpu.memory_space<hbm>>
        %dma_start3A_682 = tpu.memref_slice %arg4[%add3A_677] : memref<320000xi32, #tpu.memory_space<hbm>> -> memref<104xi32, #tpu.memory_space<hbm>>
        tpu.enqueue_dma source(%dma_start3A_682 : memref<104xi32, #tpu.memory_space<hbm>>) target(%arg12 : memref<104xi32, #tpu.memory_space<vmem>>) target_semaphore(%run_scoped3A : memref<!tpu.dma_semaphore, #tpu.memory_space<semaphore_mem>>)
        %dma_wait3A_683 = tpu.memref_slice %arg4[%add3A_677] : memref<320000xi32, #tpu.memory_space<hbm>> -> memref<104xi32, #tpu.memory_space<hbm>>
        %dma_wait3A_684 = tpu.memref_slice %arg4[%add3A_677] : memref<320000xi32, #tpu.memory_space<hbm>> -> memref<104xi32, #tpu.memory_space<hbm>>
        tpu.wait_dma2 semaphore(%run_scoped3A : memref<!tpu.dma_semaphore, #tpu.memory_space<semaphore_mem>>) src(%dma_wait3A_684 : memref<104xi32, #tpu.memory_space<hbm>>) dst(%arg12 : memref<104xi32, #tpu.memory_space<vmem>>)
        tpu.yield
      }) : () -> ()
      %dma_start3A_678 = arith.constant 0 : i32
      %dma_start3A_679 = arith.constant 0 : i32
      %dma_start3A_680 = tpu.memref_slice %arg2[%dma_start3A_678, %dma_start3A_679] : memref<10000x128xf32, #tpu.memory_space<hbm>> -> memref<10000x128xf32, #tpu.memory_space<hbm>>
      tpu.enqueue_indirect_dma source(%dma_start3A_680 : memref<10000x128xf32, #tpu.memory_space<hbm>>) target(%arg17 : memref<104x128xf32, #tpu.memory_space<vmem>>) offsets(%arg9 : memref<104xi32, #tpu.memory_space<vmem>>) semaphore(%arg22 : memref<!tpu.dma_semaphore, #tpu.memory_space<semaphore_mem>>)
    }
    %scan3A_186 = arith.constant 30 : i32
    %dma_wait3A_187 = arith.constant 0 : i32
    %dma_wait3A_188 = arith.constant 0 : i32
    %dma_wait3A_189 = tpu.memref_slice %arg2[%dma_wait3A_187, %dma_wait3A_188] : memref<10000x128xf32, #tpu.memory_space<hbm>> -> memref<10000x128xf32, #tpu.memory_space<hbm>>
    tpu.wait_indirect_dma semaphore(%arg21 : memref<!tpu.dma_semaphore, #tpu.memory_space<semaphore_mem>>) src(%dma_wait3A_189 : memref<10000x128xf32, #tpu.memory_space<hbm>>) dst(%arg16 : memref<104x128xf32, #tpu.memory_space<vmem>>)
    %dma_start3A_190 = arith.constant 0 : i32
    %dma_start3A_191 = arith.constant 0 : i32
    %dma_start3A_192 = tpu.memref_slice %arg19[%dma_start3A_190, %dma_start3A_191] : memref<10240x128xf32, #tpu.memory_space<vmem_shared>> -> memref<10240x128xf32, #tpu.memory_space<vmem_shared>>
    tpu.enqueue_indirect_dma source(%arg16 : memref<104x128xf32, #tpu.memory_space<vmem>>) target(%dma_start3A_192 : memref<10240x128xf32, #tpu.memory_space<vmem_shared>>) offsets(%arg11 : memref<104xi32, #tpu.memory_space<vmem>>) semaphore(%arg24 : memref<!tpu.dma_semaphore, #tpu.memory_space<semaphore_mem>>) {add = true}
    %dma_wait3A_193 = arith.constant 0 : i32
    %dma_wait3A_194 = arith.constant 0 : i32
    %dma_wait3A_195 = tpu.memref_slice %arg19[%dma_wait3A_193, %dma_wait3A_194] : memref<10240x128xf32, #tpu.memory_space<vmem_shared>> -> memref<10240x128xf32, #tpu.memory_space<vmem_shared>>
    tpu.wait_indirect_dma semaphore(%arg23 : memref<!tpu.dma_semaphore, #tpu.memory_space<semaphore_mem>>) src(%arg15 : memref<104x128xf32, #tpu.memory_space<vmem>>) dst(%dma_wait3A_195 : memref<10240x128xf32, #tpu.memory_space<vmem_shared>>)
    %add3A_196 = arith.constant 9672 : i32
    %add3A_197 = arith.addi %mul3A_160, %add3A_196 : i32
    "tpu.region"() ({
      %run_scoped3A = tpu.sem_alloc : memref<!tpu.dma_semaphore, #tpu.memory_space<semaphore_mem>>
      %dma_start3A_625 = tpu.memref_slice %arg3[%add3A_197] : memref<320000xi32, #tpu.memory_space<hbm>> -> memref<104xi32, #tpu.memory_space<hbm>>
      %dma_start3A_626 = tpu.memref_slice %arg3[%add3A_197] : memref<320000xi32, #tpu.memory_space<hbm>> -> memref<104xi32, #tpu.memory_space<hbm>>
      tpu.enqueue_dma source(%dma_start3A_626 : memref<104xi32, #tpu.memory_space<hbm>>) target(%arg7 : memref<104xi32, #tpu.memory_space<vmem>>) target_semaphore(%run_scoped3A : memref<!tpu.dma_semaphore, #tpu.memory_space<semaphore_mem>>)
      %dma_wait3A_627 = tpu.memref_slice %arg3[%add3A_197] : memref<320000xi32, #tpu.memory_space<hbm>> -> memref<104xi32, #tpu.memory_space<hbm>>
      %dma_wait3A_628 = tpu.memref_slice %arg3[%add3A_197] : memref<320000xi32, #tpu.memory_space<hbm>> -> memref<104xi32, #tpu.memory_space<hbm>>
      tpu.wait_dma2 semaphore(%run_scoped3A : memref<!tpu.dma_semaphore, #tpu.memory_space<semaphore_mem>>) src(%dma_wait3A_628 : memref<104xi32, #tpu.memory_space<hbm>>) dst(%arg7 : memref<104xi32, #tpu.memory_space<vmem>>)
      tpu.yield
    }) : () -> ()
    "tpu.region"() ({
      %run_scoped3A = tpu.sem_alloc : memref<!tpu.dma_semaphore, #tpu.memory_space<semaphore_mem>>
      %dma_start3A_625 = tpu.memref_slice %arg4[%add3A_197] : memref<320000xi32, #tpu.memory_space<hbm>> -> memref<104xi32, #tpu.memory_space<hbm>>
      %dma_start3A_626 = tpu.memref_slice %arg4[%add3A_197] : memref<320000xi32, #tpu.memory_space<hbm>> -> memref<104xi32, #tpu.memory_space<hbm>>
      tpu.enqueue_dma source(%dma_start3A_626 : memref<104xi32, #tpu.memory_space<hbm>>) target(%arg10 : memref<104xi32, #tpu.memory_space<vmem>>) target_semaphore(%run_scoped3A : memref<!tpu.dma_semaphore, #tpu.memory_space<semaphore_mem>>)
      %dma_wait3A_627 = tpu.memref_slice %arg4[%add3A_197] : memref<320000xi32, #tpu.memory_space<hbm>> -> memref<104xi32, #tpu.memory_space<hbm>>
      %dma_wait3A_628 = tpu.memref_slice %arg4[%add3A_197] : memref<320000xi32, #tpu.memory_space<hbm>> -> memref<104xi32, #tpu.memory_space<hbm>>
      tpu.wait_dma2 semaphore(%run_scoped3A : memref<!tpu.dma_semaphore, #tpu.memory_space<semaphore_mem>>) src(%dma_wait3A_628 : memref<104xi32, #tpu.memory_space<hbm>>) dst(%arg10 : memref<104xi32, #tpu.memory_space<vmem>>)
      tpu.yield
    }) : () -> ()
    %dma_start3A_198 = arith.constant 0 : i32
    %dma_start3A_199 = arith.constant 0 : i32
    %dma_start3A_200 = tpu.memref_slice %arg2[%dma_start3A_198, %dma_start3A_199] : memref<10000x128xf32, #tpu.memory_space<hbm>> -> memref<10000x128xf32, #tpu.memory_space<hbm>>
    tpu.enqueue_indirect_dma source(%dma_start3A_200 : memref<10000x128xf32, #tpu.memory_space<hbm>>) target(%arg15 : memref<104x128xf32, #tpu.memory_space<vmem>>) offsets(%arg7 : memref<104xi32, #tpu.memory_space<vmem>>) semaphore(%arg20 : memref<!tpu.dma_semaphore, #tpu.memory_space<semaphore_mem>>)
    %dma_wait3A_201 = arith.constant 0 : i32
    %dma_wait3A_202 = arith.constant 0 : i32
    %dma_wait3A_203 = tpu.memref_slice %arg2[%dma_wait3A_201, %dma_wait3A_202] : memref<10000x128xf32, #tpu.memory_space<hbm>> -> memref<10000x128xf32, #tpu.memory_space<hbm>>
    tpu.wait_indirect_dma semaphore(%arg22 : memref<!tpu.dma_semaphore, #tpu.memory_space<semaphore_mem>>) src(%dma_wait3A_203 : memref<10000x128xf32, #tpu.memory_space<hbm>>) dst(%arg17 : memref<104x128xf32, #tpu.memory_space<vmem>>)
    %dma_start3A_204 = arith.constant 0 : i32
    %dma_start3A_205 = arith.constant 0 : i32
    %dma_start3A_206 = tpu.memref_slice %arg19[%dma_start3A_204, %dma_start3A_205] : memref<10240x128xf32, #tpu.memory_space<vmem_shared>> -> memref<10240x128xf32, #tpu.memory_space<vmem_shared>>
    tpu.enqueue_indirect_dma source(%arg17 : memref<104x128xf32, #tpu.memory_space<vmem>>) target(%dma_start3A_206 : memref<10240x128xf32, #tpu.memory_space<vmem_shared>>) offsets(%arg12 : memref<104xi32, #tpu.memory_space<vmem>>) semaphore(%arg25 : memref<!tpu.dma_semaphore, #tpu.memory_space<semaphore_mem>>) {add = true}
    %dma_wait3A_207 = arith.constant 0 : i32
    %dma_wait3A_208 = arith.constant 0 : i32
    %dma_wait3A_209 = tpu.memref_slice %arg19[%dma_wait3A_207, %dma_wait3A_208] : memref<10240x128xf32, #tpu.memory_space<vmem_shared>> -> memref<10240x128xf32, #tpu.memory_space<vmem_shared>>
    tpu.wait_indirect_dma semaphore(%arg24 : memref<!tpu.dma_semaphore, #tpu.memory_space<semaphore_mem>>) src(%arg16 : memref<104x128xf32, #tpu.memory_space<vmem>>) dst(%dma_wait3A_209 : memref<10240x128xf32, #tpu.memory_space<vmem_shared>>)
    %add3A_210 = arith.constant 9776 : i32
    %add3A_211 = arith.addi %mul3A_160, %add3A_210 : i32
    "tpu.region"() ({
      %run_scoped3A = tpu.sem_alloc : memref<!tpu.dma_semaphore, #tpu.memory_space<semaphore_mem>>
      %dma_start3A_625 = tpu.memref_slice %arg3[%add3A_211] : memref<320000xi32, #tpu.memory_space<hbm>> -> memref<104xi32, #tpu.memory_space<hbm>>
      %dma_start3A_626 = tpu.memref_slice %arg3[%add3A_211] : memref<320000xi32, #tpu.memory_space<hbm>> -> memref<104xi32, #tpu.memory_space<hbm>>
      tpu.enqueue_dma source(%dma_start3A_626 : memref<104xi32, #tpu.memory_space<hbm>>) target(%arg8 : memref<104xi32, #tpu.memory_space<vmem>>) target_semaphore(%run_scoped3A : memref<!tpu.dma_semaphore, #tpu.memory_space<semaphore_mem>>)
      %dma_wait3A_627 = tpu.memref_slice %arg3[%add3A_211] : memref<320000xi32, #tpu.memory_space<hbm>> -> memref<104xi32, #tpu.memory_space<hbm>>
      %dma_wait3A_628 = tpu.memref_slice %arg3[%add3A_211] : memref<320000xi32, #tpu.memory_space<hbm>> -> memref<104xi32, #tpu.memory_space<hbm>>
      tpu.wait_dma2 semaphore(%run_scoped3A : memref<!tpu.dma_semaphore, #tpu.memory_space<semaphore_mem>>) src(%dma_wait3A_628 : memref<104xi32, #tpu.memory_space<hbm>>) dst(%arg8 : memref<104xi32, #tpu.memory_space<vmem>>)
      tpu.yield
    }) : () -> ()
    "tpu.region"() ({
      %run_scoped3A = tpu.sem_alloc : memref<!tpu.dma_semaphore, #tpu.memory_space<semaphore_mem>>
      %dma_start3A_625 = tpu.memref_slice %arg4[%add3A_211] : memref<320000xi32, #tpu.memory_space<hbm>> -> memref<104xi32, #tpu.memory_space<hbm>>
      %dma_start3A_626 = tpu.memref_slice %arg4[%add3A_211] : memref<320000xi32, #tpu.memory_space<hbm>> -> memref<104xi32, #tpu.memory_space<hbm>>
      tpu.enqueue_dma source(%dma_start3A_626 : memref<104xi32, #tpu.memory_space<hbm>>) target(%arg11 : memref<104xi32, #tpu.memory_space<vmem>>) target_semaphore(%run_scoped3A : memref<!tpu.dma_semaphore, #tpu.memory_space<semaphore_mem>>)
      %dma_wait3A_627 = tpu.memref_slice %arg4[%add3A_211] : memref<320000xi32, #tpu.memory_space<hbm>> -> memref<104xi32, #tpu.memory_space<hbm>>
      %dma_wait3A_628 = tpu.memref_slice %arg4[%add3A_211] : memref<320000xi32, #tpu.memory_space<hbm>> -> memref<104xi32, #tpu.memory_space<hbm>>
      tpu.wait_dma2 semaphore(%run_scoped3A : memref<!tpu.dma_semaphore, #tpu.memory_space<semaphore_mem>>) src(%dma_wait3A_628 : memref<104xi32, #tpu.memory_space<hbm>>) dst(%arg11 : memref<104xi32, #tpu.memory_space<vmem>>)
      tpu.yield
    }) : () -> ()
    %dma_start3A_212 = arith.constant 0 : i32
    %dma_start3A_213 = arith.constant 0 : i32
    %dma_start3A_214 = tpu.memref_slice %arg2[%dma_start3A_212, %dma_start3A_213] : memref<10000x128xf32, #tpu.memory_space<hbm>> -> memref<10000x128xf32, #tpu.memory_space<hbm>>
    tpu.enqueue_indirect_dma source(%dma_start3A_214 : memref<10000x128xf32, #tpu.memory_space<hbm>>) target(%arg16 : memref<104x128xf32, #tpu.memory_space<vmem>>) offsets(%arg8 : memref<104xi32, #tpu.memory_space<vmem>>) semaphore(%arg21 : memref<!tpu.dma_semaphore, #tpu.memory_space<semaphore_mem>>)
    %dma_wait3A_215 = arith.constant 0 : i32
    %dma_wait3A_216 = arith.constant 0 : i32
    %dma_wait3A_217 = tpu.memref_slice %arg2[%dma_wait3A_215, %dma_wait3A_216] : memref<10000x128xf32, #tpu.memory_space<hbm>> -> memref<10000x128xf32, #tpu.memory_space<hbm>>
    tpu.wait_indirect_dma semaphore(%arg20 : memref<!tpu.dma_semaphore, #tpu.memory_space<semaphore_mem>>) src(%dma_wait3A_217 : memref<10000x128xf32, #tpu.memory_space<hbm>>) dst(%arg15 : memref<104x128xf32, #tpu.memory_space<vmem>>)
    %dma_start3A_218 = arith.constant 0 : i32
    %dma_start3A_219 = arith.constant 0 : i32
    %dma_start3A_220 = tpu.memref_slice %arg19[%dma_start3A_218, %dma_start3A_219] : memref<10240x128xf32, #tpu.memory_space<vmem_shared>> -> memref<10240x128xf32, #tpu.memory_space<vmem_shared>>
    tpu.enqueue_indirect_dma source(%arg15 : memref<104x128xf32, #tpu.memory_space<vmem>>) target(%dma_start3A_220 : memref<10240x128xf32, #tpu.memory_space<vmem_shared>>) offsets(%arg10 : memref<104xi32, #tpu.memory_space<vmem>>) semaphore(%arg23 : memref<!tpu.dma_semaphore, #tpu.memory_space<semaphore_mem>>) {add = true}
    %dma_wait3A_221 = arith.constant 0 : i32
    %dma_wait3A_222 = arith.constant 0 : i32
    %dma_wait3A_223 = tpu.memref_slice %arg19[%dma_wait3A_221, %dma_wait3A_222] : memref<10240x128xf32, #tpu.memory_space<vmem_shared>> -> memref<10240x128xf32, #tpu.memory_space<vmem_shared>>
    tpu.wait_indirect_dma semaphore(%arg25 : memref<!tpu.dma_semaphore, #tpu.memory_space<semaphore_mem>>) src(%arg17 : memref<104x128xf32, #tpu.memory_space<vmem>>) dst(%dma_wait3A_223 : memref<10240x128xf32, #tpu.memory_space<vmem_shared>>)
    %add3A_224 = arith.constant 9880 : i32
    %add3A_225 = arith.addi %mul3A_160, %add3A_224 : i32
    "tpu.region"() ({
      %run_scoped3A = tpu.sem_alloc : memref<!tpu.dma_semaphore, #tpu.memory_space<semaphore_mem>>
      %dma_start3A_625 = tpu.memref_slice %arg3[%add3A_225] : memref<320000xi32, #tpu.memory_space<hbm>> -> memref<104xi32, #tpu.memory_space<hbm>>
      %dma_start3A_626 = tpu.memref_slice %arg3[%add3A_225] : memref<320000xi32, #tpu.memory_space<hbm>> -> memref<104xi32, #tpu.memory_space<hbm>>
      tpu.enqueue_dma source(%dma_start3A_626 : memref<104xi32, #tpu.memory_space<hbm>>) target(%arg9 : memref<104xi32, #tpu.memory_space<vmem>>) target_semaphore(%run_scoped3A : memref<!tpu.dma_semaphore, #tpu.memory_space<semaphore_mem>>)
      %dma_wait3A_627 = tpu.memref_slice %arg3[%add3A_225] : memref<320000xi32, #tpu.memory_space<hbm>> -> memref<104xi32, #tpu.memory_space<hbm>>
      %dma_wait3A_628 = tpu.memref_slice %arg3[%add3A_225] : memref<320000xi32, #tpu.memory_space<hbm>> -> memref<104xi32, #tpu.memory_space<hbm>>
      tpu.wait_dma2 semaphore(%run_scoped3A : memref<!tpu.dma_semaphore, #tpu.memory_space<semaphore_mem>>) src(%dma_wait3A_628 : memref<104xi32, #tpu.memory_space<hbm>>) dst(%arg9 : memref<104xi32, #tpu.memory_space<vmem>>)
      tpu.yield
    }) : () -> ()
    "tpu.region"() ({
      %run_scoped3A = tpu.sem_alloc : memref<!tpu.dma_semaphore, #tpu.memory_space<semaphore_mem>>
      %dma_start3A_625 = tpu.memref_slice %arg4[%add3A_225] : memref<320000xi32, #tpu.memory_space<hbm>> -> memref<104xi32, #tpu.memory_space<hbm>>
      %dma_start3A_626 = tpu.memref_slice %arg4[%add3A_225] : memref<320000xi32, #tpu.memory_space<hbm>> -> memref<104xi32, #tpu.memory_space<hbm>>
      tpu.enqueue_dma source(%dma_start3A_626 : memref<104xi32, #tpu.memory_space<hbm>>) target(%arg12 : memref<104xi32, #tpu.memory_space<vmem>>) target_semaphore(%run_scoped3A : memref<!tpu.dma_semaphore, #tpu.memory_space<semaphore_mem>>)
      %dma_wait3A_627 = tpu.memref_slice %arg4[%add3A_225] : memref<320000xi32, #tpu.memory_space<hbm>> -> memref<104xi32, #tpu.memory_space<hbm>>
      %dma_wait3A_628 = tpu.memref_slice %arg4[%add3A_225] : memref<320000xi32, #tpu.memory_space<hbm>> -> memref<104xi32, #tpu.memory_space<hbm>>
      tpu.wait_dma2 semaphore(%run_scoped3A : memref<!tpu.dma_semaphore, #tpu.memory_space<semaphore_mem>>) src(%dma_wait3A_628 : memref<104xi32, #tpu.memory_space<hbm>>) dst(%arg12 : memref<104xi32, #tpu.memory_space<vmem>>)
      tpu.yield
    }) : () -> ()
    %dma_start3A_226 = arith.constant 0 : i32
    %dma_start3A_227 = arith.constant 0 : i32
    %dma_start3A_228 = tpu.memref_slice %arg2[%dma_start3A_226, %dma_start3A_227] : memref<10000x128xf32, #tpu.memory_space<hbm>> -> memref<10000x128xf32, #tpu.memory_space<hbm>>
    tpu.enqueue_indirect_dma source(%dma_start3A_228 : memref<10000x128xf32, #tpu.memory_space<hbm>>) target(%arg17 : memref<104x128xf32, #tpu.memory_space<vmem>>) offsets(%arg9 : memref<104xi32, #tpu.memory_space<vmem>>) semaphore(%arg22 : memref<!tpu.dma_semaphore, #tpu.memory_space<semaphore_mem>>)
    %dma_wait3A_229 = arith.constant 0 : i32
    %dma_wait3A_230 = arith.constant 0 : i32
    %dma_wait3A_231 = tpu.memref_slice %arg2[%dma_wait3A_229, %dma_wait3A_230] : memref<10000x128xf32, #tpu.memory_space<hbm>> -> memref<10000x128xf32, #tpu.memory_space<hbm>>
    tpu.wait_indirect_dma semaphore(%arg21 : memref<!tpu.dma_semaphore, #tpu.memory_space<semaphore_mem>>) src(%dma_wait3A_231 : memref<10000x128xf32, #tpu.memory_space<hbm>>) dst(%arg16 : memref<104x128xf32, #tpu.memory_space<vmem>>)
    %dma_start3A_232 = arith.constant 0 : i32
    %dma_start3A_233 = arith.constant 0 : i32
    %dma_start3A_234 = tpu.memref_slice %arg19[%dma_start3A_232, %dma_start3A_233] : memref<10240x128xf32, #tpu.memory_space<vmem_shared>> -> memref<10240x128xf32, #tpu.memory_space<vmem_shared>>
    tpu.enqueue_indirect_dma source(%arg16 : memref<104x128xf32, #tpu.memory_space<vmem>>) target(%dma_start3A_234 : memref<10240x128xf32, #tpu.memory_space<vmem_shared>>) offsets(%arg11 : memref<104xi32, #tpu.memory_space<vmem>>) semaphore(%arg24 : memref<!tpu.dma_semaphore, #tpu.memory_space<semaphore_mem>>) {add = true}
    %dma_wait3A_235 = arith.constant 0 : i32
    %dma_wait3A_236 = arith.constant 0 : i32
    %dma_wait3A_237 = tpu.memref_slice %arg19[%dma_wait3A_235, %dma_wait3A_236] : memref<10240x128xf32, #tpu.memory_space<vmem_shared>> -> memref<10240x128xf32, #tpu.memory_space<vmem_shared>>
    tpu.wait_indirect_dma semaphore(%arg23 : memref<!tpu.dma_semaphore, #tpu.memory_space<semaphore_mem>>) src(%arg15 : memref<104x128xf32, #tpu.memory_space<vmem>>) dst(%dma_wait3A_237 : memref<10240x128xf32, #tpu.memory_space<vmem_shared>>)
    %dma_wait3A_238 = arith.constant 0 : i32
    %dma_wait3A_239 = arith.constant 0 : i32
    %dma_wait3A_240 = tpu.memref_slice %arg2[%dma_wait3A_238, %dma_wait3A_239] : memref<10000x128xf32, #tpu.memory_space<hbm>> -> memref<10000x128xf32, #tpu.memory_space<hbm>>
    tpu.wait_indirect_dma semaphore(%arg22 : memref<!tpu.dma_semaphore, #tpu.memory_space<semaphore_mem>>) src(%dma_wait3A_240 : memref<10000x128xf32, #tpu.memory_space<hbm>>) dst(%arg17 : memref<104x128xf32, #tpu.memory_space<vmem>>)
    %dma_start3A_241 = arith.constant 0 : i32
    %dma_start3A_242 = arith.constant 0 : i32
    %dma_start3A_243 = tpu.memref_slice %arg19[%dma_start3A_241, %dma_start3A_242] : memref<10240x128xf32, #tpu.memory_space<vmem_shared>> -> memref<10240x128xf32, #tpu.memory_space<vmem_shared>>
    tpu.enqueue_indirect_dma source(%arg17 : memref<104x128xf32, #tpu.memory_space<vmem>>) target(%dma_start3A_243 : memref<10240x128xf32, #tpu.memory_space<vmem_shared>>) offsets(%arg12 : memref<104xi32, #tpu.memory_space<vmem>>) semaphore(%arg25 : memref<!tpu.dma_semaphore, #tpu.memory_space<semaphore_mem>>) {add = true}
    %dma_wait3A_244 = arith.constant 0 : i32
    %dma_wait3A_245 = arith.constant 0 : i32
    %dma_wait3A_246 = tpu.memref_slice %arg19[%dma_wait3A_244, %dma_wait3A_245] : memref<10240x128xf32, #tpu.memory_space<vmem_shared>> -> memref<10240x128xf32, #tpu.memory_space<vmem_shared>>
    tpu.wait_indirect_dma semaphore(%arg24 : memref<!tpu.dma_semaphore, #tpu.memory_space<semaphore_mem>>) src(%arg16 : memref<104x128xf32, #tpu.memory_space<vmem>>) dst(%dma_wait3A_246 : memref<10240x128xf32, #tpu.memory_space<vmem_shared>>)
    %dma_wait3A_247 = arith.constant 0 : i32
    %dma_wait3A_248 = arith.constant 0 : i32
    %dma_wait3A_249 = tpu.memref_slice %arg19[%dma_wait3A_247, %dma_wait3A_248] : memref<10240x128xf32, #tpu.memory_space<vmem_shared>> -> memref<10240x128xf32, #tpu.memory_space<vmem_shared>>
    tpu.wait_indirect_dma semaphore(%arg25 : memref<!tpu.dma_semaphore, #tpu.memory_space<semaphore_mem>>) src(%arg17 : memref<104x128xf32, #tpu.memory_space<vmem>>) dst(%dma_wait3A_249 : memref<10240x128xf32, #tpu.memory_space<vmem_shared>>)
    %add3A_250 = arith.constant 9984 : i32
    %add3A_251 = arith.addi %mul3A_160, %add3A_250 : i32
    "tpu.region"() ({
      %run_scoped3A = tpu.sem_alloc : memref<!tpu.dma_semaphore, #tpu.memory_space<semaphore_mem>>
      %dma_start3A_625 = tpu.memref_slice %arg3[%add3A_251] : memref<320000xi32, #tpu.memory_space<hbm>> -> memref<16xi32, #tpu.memory_space<hbm>>
      %dma_start3A_626 = tpu.memref_slice %arg3[%add3A_251] : memref<320000xi32, #tpu.memory_space<hbm>> -> memref<16xi32, #tpu.memory_space<hbm>>
      tpu.enqueue_dma source(%dma_start3A_626 : memref<16xi32, #tpu.memory_space<hbm>>) target(%arg13 : memref<16xi32, #tpu.memory_space<vmem>>) target_semaphore(%run_scoped3A : memref<!tpu.dma_semaphore, #tpu.memory_space<semaphore_mem>>)
      %dma_wait3A_627 = tpu.memref_slice %arg3[%add3A_251] : memref<320000xi32, #tpu.memory_space<hbm>> -> memref<16xi32, #tpu.memory_space<hbm>>
      %dma_wait3A_628 = tpu.memref_slice %arg3[%add3A_251] : memref<320000xi32, #tpu.memory_space<hbm>> -> memref<16xi32, #tpu.memory_space<hbm>>
      tpu.wait_dma2 semaphore(%run_scoped3A : memref<!tpu.dma_semaphore, #tpu.memory_space<semaphore_mem>>) src(%dma_wait3A_628 : memref<16xi32, #tpu.memory_space<hbm>>) dst(%arg13 : memref<16xi32, #tpu.memory_space<vmem>>)
      tpu.yield
    }) : () -> ()
    "tpu.region"() ({
      %run_scoped3A = tpu.sem_alloc : memref<!tpu.dma_semaphore, #tpu.memory_space<semaphore_mem>>
      %dma_start3A_625 = tpu.memref_slice %arg4[%add3A_251] : memref<320000xi32, #tpu.memory_space<hbm>> -> memref<16xi32, #tpu.memory_space<hbm>>
      %dma_start3A_626 = tpu.memref_slice %arg4[%add3A_251] : memref<320000xi32, #tpu.memory_space<hbm>> -> memref<16xi32, #tpu.memory_space<hbm>>
      tpu.enqueue_dma source(%dma_start3A_626 : memref<16xi32, #tpu.memory_space<hbm>>) target(%arg14 : memref<16xi32, #tpu.memory_space<vmem>>) target_semaphore(%run_scoped3A : memref<!tpu.dma_semaphore, #tpu.memory_space<semaphore_mem>>)
      %dma_wait3A_627 = tpu.memref_slice %arg4[%add3A_251] : memref<320000xi32, #tpu.memory_space<hbm>> -> memref<16xi32, #tpu.memory_space<hbm>>
      %dma_wait3A_628 = tpu.memref_slice %arg4[%add3A_251] : memref<320000xi32, #tpu.memory_space<hbm>> -> memref<16xi32, #tpu.memory_space<hbm>>
      tpu.wait_dma2 semaphore(%run_scoped3A : memref<!tpu.dma_semaphore, #tpu.memory_space<semaphore_mem>>) src(%dma_wait3A_628 : memref<16xi32, #tpu.memory_space<hbm>>) dst(%arg14 : memref<16xi32, #tpu.memory_space<vmem>>)
      tpu.yield
    }) : () -> ()
    %dma_start3A_252 = arith.constant 0 : i32
    %dma_start3A_253 = arith.constant 0 : i32
    %dma_start3A_254 = tpu.memref_slice %arg15[%dma_start3A_252, %dma_start3A_253] : memref<104x128xf32, #tpu.memory_space<vmem>> -> memref<16x128xf32, #tpu.memory_space<vmem>>
    %dma_start3A_255 = arith.constant 0 : i32
    %dma_start3A_256 = arith.constant 0 : i32
    %dma_start3A_257 = tpu.memref_slice %arg2[%dma_start3A_255, %dma_start3A_256] : memref<10000x128xf32, #tpu.memory_space<hbm>> -> memref<10000x128xf32, #tpu.memory_space<hbm>>
    tpu.enqueue_indirect_dma source(%dma_start3A_257 : memref<10000x128xf32, #tpu.memory_space<hbm>>) target(%dma_start3A_254 : memref<16x128xf32, #tpu.memory_space<vmem>>) offsets(%arg13 : memref<16xi32, #tpu.memory_space<vmem>>) semaphore(%arg20 : memref<!tpu.dma_semaphore, #tpu.memory_space<semaphore_mem>>)
    %dma_wait3A_258 = arith.constant 0 : i32
    %dma_wait3A_259 = arith.constant 0 : i32
    %dma_wait3A_260 = tpu.memref_slice %arg15[%dma_wait3A_258, %dma_wait3A_259] : memref<104x128xf32, #tpu.memory_space<vmem>> -> memref<16x128xf32, #tpu.memory_space<vmem>>
    %dma_wait3A_261 = arith.constant 0 : i32
    %dma_wait3A_262 = arith.constant 0 : i32
    %dma_wait3A_263 = tpu.memref_slice %arg2[%dma_wait3A_261, %dma_wait3A_262] : memref<10000x128xf32, #tpu.memory_space<hbm>> -> memref<10000x128xf32, #tpu.memory_space<hbm>>
    tpu.wait_indirect_dma semaphore(%arg20 : memref<!tpu.dma_semaphore, #tpu.memory_space<semaphore_mem>>) src(%dma_wait3A_263 : memref<10000x128xf32, #tpu.memory_space<hbm>>) dst(%dma_wait3A_260 : memref<16x128xf32, #tpu.memory_space<vmem>>)
    "tpu.region"() ({
      %run_scoped3A = tpu.sem_alloc : memref<!tpu.dma_semaphore, #tpu.memory_space<semaphore_mem>>
      %dma_start3A_625 = arith.constant 0 : i32
      %dma_start3A_626 = arith.constant 0 : i32
      %dma_start3A_627 = tpu.memref_slice %arg15[%dma_start3A_625, %dma_start3A_626] : memref<104x128xf32, #tpu.memory_space<vmem>> -> memref<16x128xf32, #tpu.memory_space<vmem>>
      %dma_start3A_628 = arith.constant 0 : i32
      %dma_start3A_629 = arith.constant 0 : i32
      %dma_start3A_630 = tpu.memref_slice %arg19[%dma_start3A_628, %dma_start3A_629] : memref<10240x128xf32, #tpu.memory_space<vmem_shared>> -> memref<10240x128xf32, #tpu.memory_space<vmem_shared>>
      tpu.enqueue_indirect_dma source(%dma_start3A_627 : memref<16x128xf32, #tpu.memory_space<vmem>>) target(%dma_start3A_630 : memref<10240x128xf32, #tpu.memory_space<vmem_shared>>) offsets(%arg14 : memref<16xi32, #tpu.memory_space<vmem>>) semaphore(%run_scoped3A : memref<!tpu.dma_semaphore, #tpu.memory_space<semaphore_mem>>) {add = true}
      %dma_wait3A_631 = arith.constant 0 : i32
      %dma_wait3A_632 = arith.constant 0 : i32
      %dma_wait3A_633 = tpu.memref_slice %arg15[%dma_wait3A_631, %dma_wait3A_632] : memref<104x128xf32, #tpu.memory_space<vmem>> -> memref<16x128xf32, #tpu.memory_space<vmem>>
      %dma_wait3A_634 = arith.constant 0 : i32
      %dma_wait3A_635 = arith.constant 0 : i32
      %dma_wait3A_636 = tpu.memref_slice %arg19[%dma_wait3A_634, %dma_wait3A_635] : memref<10240x128xf32, #tpu.memory_space<vmem_shared>> -> memref<10240x128xf32, #tpu.memory_space<vmem_shared>>
      tpu.wait_indirect_dma semaphore(%run_scoped3A : memref<!tpu.dma_semaphore, #tpu.memory_space<semaphore_mem>>) src(%dma_wait3A_633 : memref<16x128xf32, #tpu.memory_space<vmem>>) dst(%dma_wait3A_636 : memref<10240x128xf32, #tpu.memory_space<vmem_shared>>)
      tpu.yield
    }) : () -> ()
    %barrier3A_264 = arith.constant 0 : index
    tpu.barrier barrier_id(%barrier3A_264)
    %mul3A_265 = arith.constant 640 : i32
    %mul3A_266 = arith.muli %arg1, %mul3A_265 : i32
    %add3A_267 = arith.constant 0 : i32
    %add3A_268 = arith.addi %mul3A_266, %add3A_267 : i32
    "tpu.region"() ({
      %run_scoped3A = tpu.sem_alloc : memref<!tpu.dma_semaphore, #tpu.memory_space<semaphore_mem>>
      %dma_start3A_625 = arith.constant 0 : i32
      %dma_start3A_626 = arith.constant 0 : i32
      %dma_start3A_627 = tpu.memref_slice %arg15[%dma_start3A_625, %dma_start3A_626] : memref<104x128xf32, #tpu.memory_space<vmem>> -> memref<64x128xf32, #tpu.memory_space<vmem>>
      %dma_start3A_628 = arith.constant 0 : i32
      %dma_start3A_629 = tpu.memref_slice %arg19[%add3A_268, %dma_start3A_628] : memref<10240x128xf32, #tpu.memory_space<vmem_shared>> -> memref<64x128xf32, #tpu.memory_space<vmem_shared>>
      %dma_start3A_630 = arith.constant 0 : i32
      %dma_start3A_631 = arith.constant 0 : i32
      %dma_start3A_632 = tpu.memref_slice %arg15[%dma_start3A_630, %dma_start3A_631] : memref<104x128xf32, #tpu.memory_space<vmem>> -> memref<64x128xf32, #tpu.memory_space<vmem>>
      %dma_start3A_633 = arith.constant 0 : i32
      %dma_start3A_634 = tpu.memref_slice %arg19[%add3A_268, %dma_start3A_633] : memref<10240x128xf32, #tpu.memory_space<vmem_shared>> -> memref<64x128xf32, #tpu.memory_space<vmem_shared>>
      tpu.enqueue_dma source(%dma_start3A_634 : memref<64x128xf32, #tpu.memory_space<vmem_shared>>) target(%dma_start3A_632 : memref<64x128xf32, #tpu.memory_space<vmem>>) target_semaphore(%run_scoped3A : memref<!tpu.dma_semaphore, #tpu.memory_space<semaphore_mem>>)
      %dma_wait3A_635 = arith.constant 0 : i32
      %dma_wait3A_636 = arith.constant 0 : i32
      %dma_wait3A_637 = tpu.memref_slice %arg15[%dma_wait3A_635, %dma_wait3A_636] : memref<104x128xf32, #tpu.memory_space<vmem>> -> memref<64x128xf32, #tpu.memory_space<vmem>>
      %dma_wait3A_638 = arith.constant 0 : i32
      %dma_wait3A_639 = tpu.memref_slice %arg19[%add3A_268, %dma_wait3A_638] : memref<10240x128xf32, #tpu.memory_space<vmem_shared>> -> memref<64x128xf32, #tpu.memory_space<vmem_shared>>
      %dma_wait3A_640 = arith.constant 0 : i32
      %dma_wait3A_641 = arith.constant 0 : i32
      %dma_wait3A_642 = tpu.memref_slice %arg15[%dma_wait3A_640, %dma_wait3A_641] : memref<104x128xf32, #tpu.memory_space<vmem>> -> memref<64x128xf32, #tpu.memory_space<vmem>>
      %dma_wait3A_643 = arith.constant 0 : i32
      %dma_wait3A_644 = tpu.memref_slice %arg19[%add3A_268, %dma_wait3A_643] : memref<10240x128xf32, #tpu.memory_space<vmem_shared>> -> memref<64x128xf32, #tpu.memory_space<vmem_shared>>
      tpu.wait_dma2 semaphore(%run_scoped3A : memref<!tpu.dma_semaphore, #tpu.memory_space<semaphore_mem>>) src(%dma_wait3A_644 : memref<64x128xf32, #tpu.memory_space<vmem_shared>>) dst(%dma_wait3A_642 : memref<64x128xf32, #tpu.memory_space<vmem>>)
      tpu.yield
    }) : () -> ()
    %mul3A_269 = arith.constant 640 : i32
    %mul3A_270 = arith.muli %arg1, %mul3A_269 : i32
    %add3A_271 = arith.constant 0 : i32
    %add3A_272 = arith.addi %mul3A_270, %add3A_271 : i32
    %dma_start3A_273 = arith.constant 0 : i32
    %dma_start3A_274 = arith.constant 0 : i32
    %dma_start3A_275 = tpu.memref_slice %arg15[%dma_start3A_273, %dma_start3A_274] : memref<104x128xf32, #tpu.memory_space<vmem>> -> memref<64x128xf32, #tpu.memory_space<vmem>>
    %dma_start3A_276 = arith.constant 0 : i32
    %dma_start3A_277 = tpu.memref_slice %arg6[%arg0, %add3A_272, %dma_start3A_276] : memref<2x10240x128xf32, #tpu.memory_space<hbm>> -> memref<1x64x128xf32, #tpu.memory_space<hbm>>
    %dma_start3A_278 = tpu.memref_squeeze %dma_start3A_277 : memref<1x64x128xf32, #tpu.memory_space<hbm>> -> memref<64x128xf32, #tpu.memory_space<hbm>>
    %dma_start3A_279 = arith.constant 0 : i32
    %dma_start3A_280 = tpu.memref_slice %arg6[%arg0, %add3A_272, %dma_start3A_279] : memref<2x10240x128xf32, #tpu.memory_space<hbm>> -> memref<1x64x128xf32, #tpu.memory_space<hbm>>
    %dma_start3A_281 = tpu.memref_squeeze %dma_start3A_280 : memref<1x64x128xf32, #tpu.memory_space<hbm>> -> memref<64x128xf32, #tpu.memory_space<hbm>>
    %dma_start3A_282 = arith.constant 0 : i32
    %dma_start3A_283 = arith.constant 0 : i32
    %dma_start3A_284 = tpu.memref_slice %arg15[%dma_start3A_282, %dma_start3A_283] : memref<104x128xf32, #tpu.memory_space<vmem>> -> memref<64x128xf32, #tpu.memory_space<vmem>>
    tpu.enqueue_dma source(%dma_start3A_284 : memref<64x128xf32, #tpu.memory_space<vmem>>) target(%dma_start3A_281 : memref<64x128xf32, #tpu.memory_space<hbm>>) target_semaphore(%arg20 : memref<!tpu.dma_semaphore, #tpu.memory_space<semaphore_mem>>)
    %mul3A_285 = arith.constant 640 : i32
    %mul3A_286 = arith.muli %arg1, %mul3A_285 : i32
    %add3A_287 = arith.constant 64 : i32
    %add3A_288 = arith.addi %mul3A_286, %add3A_287 : i32
    "tpu.region"() ({
      %run_scoped3A = tpu.sem_alloc : memref<!tpu.dma_semaphore, #tpu.memory_space<semaphore_mem>>
      %dma_start3A_625 = arith.constant 0 : i32
      %dma_start3A_626 = arith.constant 0 : i32
      %dma_start3A_627 = tpu.memref_slice %arg16[%dma_start3A_625, %dma_start3A_626] : memref<104x128xf32, #tpu.memory_space<vmem>> -> memref<64x128xf32, #tpu.memory_space<vmem>>
      %dma_start3A_628 = arith.constant 0 : i32
      %dma_start3A_629 = tpu.memref_slice %arg19[%add3A_288, %dma_start3A_628] : memref<10240x128xf32, #tpu.memory_space<vmem_shared>> -> memref<64x128xf32, #tpu.memory_space<vmem_shared>>
      %dma_start3A_630 = arith.constant 0 : i32
      %dma_start3A_631 = arith.constant 0 : i32
      %dma_start3A_632 = tpu.memref_slice %arg16[%dma_start3A_630, %dma_start3A_631] : memref<104x128xf32, #tpu.memory_space<vmem>> -> memref<64x128xf32, #tpu.memory_space<vmem>>
      %dma_start3A_633 = arith.constant 0 : i32
      %dma_start3A_634 = tpu.memref_slice %arg19[%add3A_288, %dma_start3A_633] : memref<10240x128xf32, #tpu.memory_space<vmem_shared>> -> memref<64x128xf32, #tpu.memory_space<vmem_shared>>
      tpu.enqueue_dma source(%dma_start3A_634 : memref<64x128xf32, #tpu.memory_space<vmem_shared>>) target(%dma_start3A_632 : memref<64x128xf32, #tpu.memory_space<vmem>>) target_semaphore(%run_scoped3A : memref<!tpu.dma_semaphore, #tpu.memory_space<semaphore_mem>>)
      %dma_wait3A_635 = arith.constant 0 : i32
      %dma_wait3A_636 = arith.constant 0 : i32
      %dma_wait3A_637 = tpu.memref_slice %arg16[%dma_wait3A_635, %dma_wait3A_636] : memref<104x128xf32, #tpu.memory_space<vmem>> -> memref<64x128xf32, #tpu.memory_space<vmem>>
      %dma_wait3A_638 = arith.constant 0 : i32
      %dma_wait3A_639 = tpu.memref_slice %arg19[%add3A_288, %dma_wait3A_638] : memref<10240x128xf32, #tpu.memory_space<vmem_shared>> -> memref<64x128xf32, #tpu.memory_space<vmem_shared>>
      %dma_wait3A_640 = arith.constant 0 : i32
      %dma_wait3A_641 = arith.constant 0 : i32
      %dma_wait3A_642 = tpu.memref_slice %arg16[%dma_wait3A_640, %dma_wait3A_641] : memref<104x128xf32, #tpu.memory_space<vmem>> -> memref<64x128xf32, #tpu.memory_space<vmem>>
      %dma_wait3A_643 = arith.constant 0 : i32
      %dma_wait3A_644 = tpu.memref_slice %arg19[%add3A_288, %dma_wait3A_643] : memref<10240x128xf32, #tpu.memory_space<vmem_shared>> -> memref<64x128xf32, #tpu.memory_space<vmem_shared>>
      tpu.wait_dma2 semaphore(%run_scoped3A : memref<!tpu.dma_semaphore, #tpu.memory_space<semaphore_mem>>) src(%dma_wait3A_644 : memref<64x128xf32, #tpu.memory_space<vmem_shared>>) dst(%dma_wait3A_642 : memref<64x128xf32, #tpu.memory_space<vmem>>)
      tpu.yield
    }) : () -> ()
    %mul3A_289 = arith.constant 640 : i32
    %mul3A_290 = arith.muli %arg1, %mul3A_289 : i32
    %add3A_291 = arith.constant 64 : i32
    %add3A_292 = arith.addi %mul3A_290, %add3A_291 : i32
    %dma_start3A_293 = arith.constant 0 : i32
    %dma_start3A_294 = arith.constant 0 : i32
    %dma_start3A_295 = tpu.memref_slice %arg16[%dma_start3A_293, %dma_start3A_294] : memref<104x128xf32, #tpu.memory_space<vmem>> -> memref<64x128xf32, #tpu.memory_space<vmem>>
    %dma_start3A_296 = arith.constant 0 : i32
    %dma_start3A_297 = tpu.memref_slice %arg6[%arg0, %add3A_292, %dma_start3A_296] : memref<2x10240x128xf32, #tpu.memory_space<hbm>> -> memref<1x64x128xf32, #tpu.memory_space<hbm>>
    %dma_start3A_298 = tpu.memref_squeeze %dma_start3A_297 : memref<1x64x128xf32, #tpu.memory_space<hbm>> -> memref<64x128xf32, #tpu.memory_space<hbm>>
    %dma_start3A_299 = arith.constant 0 : i32
    %dma_start3A_300 = tpu.memref_slice %arg6[%arg0, %add3A_292, %dma_start3A_299] : memref<2x10240x128xf32, #tpu.memory_space<hbm>> -> memref<1x64x128xf32, #tpu.memory_space<hbm>>
    %dma_start3A_301 = tpu.memref_squeeze %dma_start3A_300 : memref<1x64x128xf32, #tpu.memory_space<hbm>> -> memref<64x128xf32, #tpu.memory_space<hbm>>
    %dma_start3A_302 = arith.constant 0 : i32
    %dma_start3A_303 = arith.constant 0 : i32
    %dma_start3A_304 = tpu.memref_slice %arg16[%dma_start3A_302, %dma_start3A_303] : memref<104x128xf32, #tpu.memory_space<vmem>> -> memref<64x128xf32, #tpu.memory_space<vmem>>
    tpu.enqueue_dma source(%dma_start3A_304 : memref<64x128xf32, #tpu.memory_space<vmem>>) target(%dma_start3A_301 : memref<64x128xf32, #tpu.memory_space<hbm>>) target_semaphore(%arg21 : memref<!tpu.dma_semaphore, #tpu.memory_space<semaphore_mem>>)
    %mul3A_305 = arith.constant 640 : i32
    %mul3A_306 = arith.muli %arg1, %mul3A_305 : i32
    %add3A_307 = arith.constant 0 : i32
    %add3A_308 = arith.addi %mul3A_306, %add3A_307 : i32
    %dma_wait3A_309 = arith.constant 0 : i32
    %dma_wait3A_310 = arith.constant 0 : i32
    %dma_wait3A_311 = tpu.memref_slice %arg15[%dma_wait3A_309, %dma_wait3A_310] : memref<104x128xf32, #tpu.memory_space<vmem>> -> memref<64x128xf32, #tpu.memory_space<vmem>>
    %dma_wait3A_312 = arith.constant 0 : i32
    %dma_wait3A_313 = tpu.memref_slice %arg6[%arg0, %add3A_308, %dma_wait3A_312] : memref<2x10240x128xf32, #tpu.memory_space<hbm>> -> memref<1x64x128xf32, #tpu.memory_space<hbm>>
    %dma_wait3A_314 = tpu.memref_squeeze %dma_wait3A_313 : memref<1x64x128xf32, #tpu.memory_space<hbm>> -> memref<64x128xf32, #tpu.memory_space<hbm>>
    %dma_wait3A_315 = arith.constant 0 : i32
    %dma_wait3A_316 = tpu.memref_slice %arg6[%arg0, %add3A_308, %dma_wait3A_315] : memref<2x10240x128xf32, #tpu.memory_space<hbm>> -> memref<1x64x128xf32, #tpu.memory_space<hbm>>
    %dma_wait3A_317 = tpu.memref_squeeze %dma_wait3A_316 : memref<1x64x128xf32, #tpu.memory_space<hbm>> -> memref<64x128xf32, #tpu.memory_space<hbm>>
    %dma_wait3A_318 = arith.constant 0 : i32
    %dma_wait3A_319 = arith.constant 0 : i32
    %dma_wait3A_320 = tpu.memref_slice %arg15[%dma_wait3A_318, %dma_wait3A_319] : memref<104x128xf32, #tpu.memory_space<vmem>> -> memref<64x128xf32, #tpu.memory_space<vmem>>
    tpu.wait_dma2 semaphore(%arg20 : memref<!tpu.dma_semaphore, #tpu.memory_space<semaphore_mem>>) src(%dma_wait3A_320 : memref<64x128xf32, #tpu.memory_space<vmem>>) dst(%dma_wait3A_317 : memref<64x128xf32, #tpu.memory_space<hbm>>)
    %mul3A_321 = arith.constant 640 : i32
    %mul3A_322 = arith.muli %arg1, %mul3A_321 : i32
    %add3A_323 = arith.constant 128 : i32
    %add3A_324 = arith.addi %mul3A_322, %add3A_323 : i32
    "tpu.region"() ({
      %run_scoped3A = tpu.sem_alloc : memref<!tpu.dma_semaphore, #tpu.memory_space<semaphore_mem>>
      %dma_start3A_625 = arith.constant 0 : i32
      %dma_start3A_626 = arith.constant 0 : i32
      %dma_start3A_627 = tpu.memref_slice %arg15[%dma_start3A_625, %dma_start3A_626] : memref<104x128xf32, #tpu.memory_space<vmem>> -> memref<64x128xf32, #tpu.memory_space<vmem>>
      %dma_start3A_628 = arith.constant 0 : i32
      %dma_start3A_629 = tpu.memref_slice %arg19[%add3A_324, %dma_start3A_628] : memref<10240x128xf32, #tpu.memory_space<vmem_shared>> -> memref<64x128xf32, #tpu.memory_space<vmem_shared>>
      %dma_start3A_630 = arith.constant 0 : i32
      %dma_start3A_631 = arith.constant 0 : i32
      %dma_start3A_632 = tpu.memref_slice %arg15[%dma_start3A_630, %dma_start3A_631] : memref<104x128xf32, #tpu.memory_space<vmem>> -> memref<64x128xf32, #tpu.memory_space<vmem>>
      %dma_start3A_633 = arith.constant 0 : i32
      %dma_start3A_634 = tpu.memref_slice %arg19[%add3A_324, %dma_start3A_633] : memref<10240x128xf32, #tpu.memory_space<vmem_shared>> -> memref<64x128xf32, #tpu.memory_space<vmem_shared>>
      tpu.enqueue_dma source(%dma_start3A_634 : memref<64x128xf32, #tpu.memory_space<vmem_shared>>) target(%dma_start3A_632 : memref<64x128xf32, #tpu.memory_space<vmem>>) target_semaphore(%run_scoped3A : memref<!tpu.dma_semaphore, #tpu.memory_space<semaphore_mem>>)
      %dma_wait3A_635 = arith.constant 0 : i32
      %dma_wait3A_636 = arith.constant 0 : i32
      %dma_wait3A_637 = tpu.memref_slice %arg15[%dma_wait3A_635, %dma_wait3A_636] : memref<104x128xf32, #tpu.memory_space<vmem>> -> memref<64x128xf32, #tpu.memory_space<vmem>>
      %dma_wait3A_638 = arith.constant 0 : i32
      %dma_wait3A_639 = tpu.memref_slice %arg19[%add3A_324, %dma_wait3A_638] : memref<10240x128xf32, #tpu.memory_space<vmem_shared>> -> memref<64x128xf32, #tpu.memory_space<vmem_shared>>
      %dma_wait3A_640 = arith.constant 0 : i32
      %dma_wait3A_641 = arith.constant 0 : i32
      %dma_wait3A_642 = tpu.memref_slice %arg15[%dma_wait3A_640, %dma_wait3A_641] : memref<104x128xf32, #tpu.memory_space<vmem>> -> memref<64x128xf32, #tpu.memory_space<vmem>>
      %dma_wait3A_643 = arith.constant 0 : i32
      %dma_wait3A_644 = tpu.memref_slice %arg19[%add3A_324, %dma_wait3A_643] : memref<10240x128xf32, #tpu.memory_space<vmem_shared>> -> memref<64x128xf32, #tpu.memory_space<vmem_shared>>
      tpu.wait_dma2 semaphore(%run_scoped3A : memref<!tpu.dma_semaphore, #tpu.memory_space<semaphore_mem>>) src(%dma_wait3A_644 : memref<64x128xf32, #tpu.memory_space<vmem_shared>>) dst(%dma_wait3A_642 : memref<64x128xf32, #tpu.memory_space<vmem>>)
      tpu.yield
    }) : () -> ()
    %mul3A_325 = arith.constant 640 : i32
    %mul3A_326 = arith.muli %arg1, %mul3A_325 : i32
    %add3A_327 = arith.constant 128 : i32
    %add3A_328 = arith.addi %mul3A_326, %add3A_327 : i32
    %dma_start3A_329 = arith.constant 0 : i32
    %dma_start3A_330 = arith.constant 0 : i32
    %dma_start3A_331 = tpu.memref_slice %arg15[%dma_start3A_329, %dma_start3A_330] : memref<104x128xf32, #tpu.memory_space<vmem>> -> memref<64x128xf32, #tpu.memory_space<vmem>>
    %dma_start3A_332 = arith.constant 0 : i32
    %dma_start3A_333 = tpu.memref_slice %arg6[%arg0, %add3A_328, %dma_start3A_332] : memref<2x10240x128xf32, #tpu.memory_space<hbm>> -> memref<1x64x128xf32, #tpu.memory_space<hbm>>
    %dma_start3A_334 = tpu.memref_squeeze %dma_start3A_333 : memref<1x64x128xf32, #tpu.memory_space<hbm>> -> memref<64x128xf32, #tpu.memory_space<hbm>>
    %dma_start3A_335 = arith.constant 0 : i32
    %dma_start3A_336 = tpu.memref_slice %arg6[%arg0, %add3A_328, %dma_start3A_335] : memref<2x10240x128xf32, #tpu.memory_space<hbm>> -> memref<1x64x128xf32, #tpu.memory_space<hbm>>
    %dma_start3A_337 = tpu.memref_squeeze %dma_start3A_336 : memref<1x64x128xf32, #tpu.memory_space<hbm>> -> memref<64x128xf32, #tpu.memory_space<hbm>>
    %dma_start3A_338 = arith.constant 0 : i32
    %dma_start3A_339 = arith.constant 0 : i32
    %dma_start3A_340 = tpu.memref_slice %arg15[%dma_start3A_338, %dma_start3A_339] : memref<104x128xf32, #tpu.memory_space<vmem>> -> memref<64x128xf32, #tpu.memory_space<vmem>>
    tpu.enqueue_dma source(%dma_start3A_340 : memref<64x128xf32, #tpu.memory_space<vmem>>) target(%dma_start3A_337 : memref<64x128xf32, #tpu.memory_space<hbm>>) target_semaphore(%arg20 : memref<!tpu.dma_semaphore, #tpu.memory_space<semaphore_mem>>)
    %mul3A_341 = arith.constant 640 : i32
    %mul3A_342 = arith.muli %arg1, %mul3A_341 : i32
    %add3A_343 = arith.constant 64 : i32
    %add3A_344 = arith.addi %mul3A_342, %add3A_343 : i32
    %dma_wait3A_345 = arith.constant 0 : i32
    %dma_wait3A_346 = arith.constant 0 : i32
    %dma_wait3A_347 = tpu.memref_slice %arg16[%dma_wait3A_345, %dma_wait3A_346] : memref<104x128xf32, #tpu.memory_space<vmem>> -> memref<64x128xf32, #tpu.memory_space<vmem>>
    %dma_wait3A_348 = arith.constant 0 : i32
    %dma_wait3A_349 = tpu.memref_slice %arg6[%arg0, %add3A_344, %dma_wait3A_348] : memref<2x10240x128xf32, #tpu.memory_space<hbm>> -> memref<1x64x128xf32, #tpu.memory_space<hbm>>
    %dma_wait3A_350 = tpu.memref_squeeze %dma_wait3A_349 : memref<1x64x128xf32, #tpu.memory_space<hbm>> -> memref<64x128xf32, #tpu.memory_space<hbm>>
    %dma_wait3A_351 = arith.constant 0 : i32
    %dma_wait3A_352 = tpu.memref_slice %arg6[%arg0, %add3A_344, %dma_wait3A_351] : memref<2x10240x128xf32, #tpu.memory_space<hbm>> -> memref<1x64x128xf32, #tpu.memory_space<hbm>>
    %dma_wait3A_353 = tpu.memref_squeeze %dma_wait3A_352 : memref<1x64x128xf32, #tpu.memory_space<hbm>> -> memref<64x128xf32, #tpu.memory_space<hbm>>
    %dma_wait3A_354 = arith.constant 0 : i32
    %dma_wait3A_355 = arith.constant 0 : i32
    %dma_wait3A_356 = tpu.memref_slice %arg16[%dma_wait3A_354, %dma_wait3A_355] : memref<104x128xf32, #tpu.memory_space<vmem>> -> memref<64x128xf32, #tpu.memory_space<vmem>>
    tpu.wait_dma2 semaphore(%arg21 : memref<!tpu.dma_semaphore, #tpu.memory_space<semaphore_mem>>) src(%dma_wait3A_356 : memref<64x128xf32, #tpu.memory_space<vmem>>) dst(%dma_wait3A_353 : memref<64x128xf32, #tpu.memory_space<hbm>>)
    %mul3A_357 = arith.constant 640 : i32
    %mul3A_358 = arith.muli %arg1, %mul3A_357 : i32
    %add3A_359 = arith.constant 192 : i32
    %add3A_360 = arith.addi %mul3A_358, %add3A_359 : i32
    "tpu.region"() ({
      %run_scoped3A = tpu.sem_alloc : memref<!tpu.dma_semaphore, #tpu.memory_space<semaphore_mem>>
      %dma_start3A_625 = arith.constant 0 : i32
      %dma_start3A_626 = arith.constant 0 : i32
      %dma_start3A_627 = tpu.memref_slice %arg16[%dma_start3A_625, %dma_start3A_626] : memref<104x128xf32, #tpu.memory_space<vmem>> -> memref<64x128xf32, #tpu.memory_space<vmem>>
      %dma_start3A_628 = arith.constant 0 : i32
      %dma_start3A_629 = tpu.memref_slice %arg19[%add3A_360, %dma_start3A_628] : memref<10240x128xf32, #tpu.memory_space<vmem_shared>> -> memref<64x128xf32, #tpu.memory_space<vmem_shared>>
      %dma_start3A_630 = arith.constant 0 : i32
      %dma_start3A_631 = arith.constant 0 : i32
      %dma_start3A_632 = tpu.memref_slice %arg16[%dma_start3A_630, %dma_start3A_631] : memref<104x128xf32, #tpu.memory_space<vmem>> -> memref<64x128xf32, #tpu.memory_space<vmem>>
      %dma_start3A_633 = arith.constant 0 : i32
      %dma_start3A_634 = tpu.memref_slice %arg19[%add3A_360, %dma_start3A_633] : memref<10240x128xf32, #tpu.memory_space<vmem_shared>> -> memref<64x128xf32, #tpu.memory_space<vmem_shared>>
      tpu.enqueue_dma source(%dma_start3A_634 : memref<64x128xf32, #tpu.memory_space<vmem_shared>>) target(%dma_start3A_632 : memref<64x128xf32, #tpu.memory_space<vmem>>) target_semaphore(%run_scoped3A : memref<!tpu.dma_semaphore, #tpu.memory_space<semaphore_mem>>)
      %dma_wait3A_635 = arith.constant 0 : i32
      %dma_wait3A_636 = arith.constant 0 : i32
      %dma_wait3A_637 = tpu.memref_slice %arg16[%dma_wait3A_635, %dma_wait3A_636] : memref<104x128xf32, #tpu.memory_space<vmem>> -> memref<64x128xf32, #tpu.memory_space<vmem>>
      %dma_wait3A_638 = arith.constant 0 : i32
      %dma_wait3A_639 = tpu.memref_slice %arg19[%add3A_360, %dma_wait3A_638] : memref<10240x128xf32, #tpu.memory_space<vmem_shared>> -> memref<64x128xf32, #tpu.memory_space<vmem_shared>>
      %dma_wait3A_640 = arith.constant 0 : i32
      %dma_wait3A_641 = arith.constant 0 : i32
      %dma_wait3A_642 = tpu.memref_slice %arg16[%dma_wait3A_640, %dma_wait3A_641] : memref<104x128xf32, #tpu.memory_space<vmem>> -> memref<64x128xf32, #tpu.memory_space<vmem>>
      %dma_wait3A_643 = arith.constant 0 : i32
      %dma_wait3A_644 = tpu.memref_slice %arg19[%add3A_360, %dma_wait3A_643] : memref<10240x128xf32, #tpu.memory_space<vmem_shared>> -> memref<64x128xf32, #tpu.memory_space<vmem_shared>>
      tpu.wait_dma2 semaphore(%run_scoped3A : memref<!tpu.dma_semaphore, #tpu.memory_space<semaphore_mem>>) src(%dma_wait3A_644 : memref<64x128xf32, #tpu.memory_space<vmem_shared>>) dst(%dma_wait3A_642 : memref<64x128xf32, #tpu.memory_space<vmem>>)
      tpu.yield
    }) : () -> ()
    %mul3A_361 = arith.constant 640 : i32
    %mul3A_362 = arith.muli %arg1, %mul3A_361 : i32
    %add3A_363 = arith.constant 192 : i32
    %add3A_364 = arith.addi %mul3A_362, %add3A_363 : i32
    %dma_start3A_365 = arith.constant 0 : i32
    %dma_start3A_366 = arith.constant 0 : i32
    %dma_start3A_367 = tpu.memref_slice %arg16[%dma_start3A_365, %dma_start3A_366] : memref<104x128xf32, #tpu.memory_space<vmem>> -> memref<64x128xf32, #tpu.memory_space<vmem>>
    %dma_start3A_368 = arith.constant 0 : i32
    %dma_start3A_369 = tpu.memref_slice %arg6[%arg0, %add3A_364, %dma_start3A_368] : memref<2x10240x128xf32, #tpu.memory_space<hbm>> -> memref<1x64x128xf32, #tpu.memory_space<hbm>>
    %dma_start3A_370 = tpu.memref_squeeze %dma_start3A_369 : memref<1x64x128xf32, #tpu.memory_space<hbm>> -> memref<64x128xf32, #tpu.memory_space<hbm>>
    %dma_start3A_371 = arith.constant 0 : i32
    %dma_start3A_372 = tpu.memref_slice %arg6[%arg0, %add3A_364, %dma_start3A_371] : memref<2x10240x128xf32, #tpu.memory_space<hbm>> -> memref<1x64x128xf32, #tpu.memory_space<hbm>>
    %dma_start3A_373 = tpu.memref_squeeze %dma_start3A_372 : memref<1x64x128xf32, #tpu.memory_space<hbm>> -> memref<64x128xf32, #tpu.memory_space<hbm>>
    %dma_start3A_374 = arith.constant 0 : i32
    %dma_start3A_375 = arith.constant 0 : i32
    %dma_start3A_376 = tpu.memref_slice %arg16[%dma_start3A_374, %dma_start3A_375] : memref<104x128xf32, #tpu.memory_space<vmem>> -> memref<64x128xf32, #tpu.memory_space<vmem>>
    tpu.enqueue_dma source(%dma_start3A_376 : memref<64x128xf32, #tpu.memory_space<vmem>>) target(%dma_start3A_373 : memref<64x128xf32, #tpu.memory_space<hbm>>) target_semaphore(%arg21 : memref<!tpu.dma_semaphore, #tpu.memory_space<semaphore_mem>>)
    %mul3A_377 = arith.constant 640 : i32
    %mul3A_378 = arith.muli %arg1, %mul3A_377 : i32
    %add3A_379 = arith.constant 128 : i32
    %add3A_380 = arith.addi %mul3A_378, %add3A_379 : i32
    %dma_wait3A_381 = arith.constant 0 : i32
    %dma_wait3A_382 = arith.constant 0 : i32
    %dma_wait3A_383 = tpu.memref_slice %arg15[%dma_wait3A_381, %dma_wait3A_382] : memref<104x128xf32, #tpu.memory_space<vmem>> -> memref<64x128xf32, #tpu.memory_space<vmem>>
    %dma_wait3A_384 = arith.constant 0 : i32
    %dma_wait3A_385 = tpu.memref_slice %arg6[%arg0, %add3A_380, %dma_wait3A_384] : memref<2x10240x128xf32, #tpu.memory_space<hbm>> -> memref<1x64x128xf32, #tpu.memory_space<hbm>>
    %dma_wait3A_386 = tpu.memref_squeeze %dma_wait3A_385 : memref<1x64x128xf32, #tpu.memory_space<hbm>> -> memref<64x128xf32, #tpu.memory_space<hbm>>
    %dma_wait3A_387 = arith.constant 0 : i32
    %dma_wait3A_388 = tpu.memref_slice %arg6[%arg0, %add3A_380, %dma_wait3A_387] : memref<2x10240x128xf32, #tpu.memory_space<hbm>> -> memref<1x64x128xf32, #tpu.memory_space<hbm>>
    %dma_wait3A_389 = tpu.memref_squeeze %dma_wait3A_388 : memref<1x64x128xf32, #tpu.memory_space<hbm>> -> memref<64x128xf32, #tpu.memory_space<hbm>>
    %dma_wait3A_390 = arith.constant 0 : i32
    %dma_wait3A_391 = arith.constant 0 : i32
    %dma_wait3A_392 = tpu.memref_slice %arg15[%dma_wait3A_390, %dma_wait3A_391] : memref<104x128xf32, #tpu.memory_space<vmem>> -> memref<64x128xf32, #tpu.memory_space<vmem>>
    tpu.wait_dma2 semaphore(%arg20 : memref<!tpu.dma_semaphore, #tpu.memory_space<semaphore_mem>>) src(%dma_wait3A_392 : memref<64x128xf32, #tpu.memory_space<vmem>>) dst(%dma_wait3A_389 : memref<64x128xf32, #tpu.memory_space<hbm>>)
    %mul3A_393 = arith.constant 640 : i32
    %mul3A_394 = arith.muli %arg1, %mul3A_393 : i32
    %add3A_395 = arith.constant 256 : i32
    %add3A_396 = arith.addi %mul3A_394, %add3A_395 : i32
    "tpu.region"() ({
      %run_scoped3A = tpu.sem_alloc : memref<!tpu.dma_semaphore, #tpu.memory_space<semaphore_mem>>
      %dma_start3A_625 = arith.constant 0 : i32
      %dma_start3A_626 = arith.constant 0 : i32
      %dma_start3A_627 = tpu.memref_slice %arg15[%dma_start3A_625, %dma_start3A_626] : memref<104x128xf32, #tpu.memory_space<vmem>> -> memref<64x128xf32, #tpu.memory_space<vmem>>
      %dma_start3A_628 = arith.constant 0 : i32
      %dma_start3A_629 = tpu.memref_slice %arg19[%add3A_396, %dma_start3A_628] : memref<10240x128xf32, #tpu.memory_space<vmem_shared>> -> memref<64x128xf32, #tpu.memory_space<vmem_shared>>
      %dma_start3A_630 = arith.constant 0 : i32
      %dma_start3A_631 = arith.constant 0 : i32
      %dma_start3A_632 = tpu.memref_slice %arg15[%dma_start3A_630, %dma_start3A_631] : memref<104x128xf32, #tpu.memory_space<vmem>> -> memref<64x128xf32, #tpu.memory_space<vmem>>
      %dma_start3A_633 = arith.constant 0 : i32
      %dma_start3A_634 = tpu.memref_slice %arg19[%add3A_396, %dma_start3A_633] : memref<10240x128xf32, #tpu.memory_space<vmem_shared>> -> memref<64x128xf32, #tpu.memory_space<vmem_shared>>
      tpu.enqueue_dma source(%dma_start3A_634 : memref<64x128xf32, #tpu.memory_space<vmem_shared>>) target(%dma_start3A_632 : memref<64x128xf32, #tpu.memory_space<vmem>>) target_semaphore(%run_scoped3A : memref<!tpu.dma_semaphore, #tpu.memory_space<semaphore_mem>>)
      %dma_wait3A_635 = arith.constant 0 : i32
      %dma_wait3A_636 = arith.constant 0 : i32
      %dma_wait3A_637 = tpu.memref_slice %arg15[%dma_wait3A_635, %dma_wait3A_636] : memref<104x128xf32, #tpu.memory_space<vmem>> -> memref<64x128xf32, #tpu.memory_space<vmem>>
      %dma_wait3A_638 = arith.constant 0 : i32
      %dma_wait3A_639 = tpu.memref_slice %arg19[%add3A_396, %dma_wait3A_638] : memref<10240x128xf32, #tpu.memory_space<vmem_shared>> -> memref<64x128xf32, #tpu.memory_space<vmem_shared>>
      %dma_wait3A_640 = arith.constant 0 : i32
      %dma_wait3A_641 = arith.constant 0 : i32
      %dma_wait3A_642 = tpu.memref_slice %arg15[%dma_wait3A_640, %dma_wait3A_641] : memref<104x128xf32, #tpu.memory_space<vmem>> -> memref<64x128xf32, #tpu.memory_space<vmem>>
      %dma_wait3A_643 = arith.constant 0 : i32
      %dma_wait3A_644 = tpu.memref_slice %arg19[%add3A_396, %dma_wait3A_643] : memref<10240x128xf32, #tpu.memory_space<vmem_shared>> -> memref<64x128xf32, #tpu.memory_space<vmem_shared>>
      tpu.wait_dma2 semaphore(%run_scoped3A : memref<!tpu.dma_semaphore, #tpu.memory_space<semaphore_mem>>) src(%dma_wait3A_644 : memref<64x128xf32, #tpu.memory_space<vmem_shared>>) dst(%dma_wait3A_642 : memref<64x128xf32, #tpu.memory_space<vmem>>)
      tpu.yield
    }) : () -> ()
    %mul3A_397 = arith.constant 640 : i32
    %mul3A_398 = arith.muli %arg1, %mul3A_397 : i32
    %add3A_399 = arith.constant 256 : i32
    %add3A_400 = arith.addi %mul3A_398, %add3A_399 : i32
    %dma_start3A_401 = arith.constant 0 : i32
    %dma_start3A_402 = arith.constant 0 : i32
    %dma_start3A_403 = tpu.memref_slice %arg15[%dma_start3A_401, %dma_start3A_402] : memref<104x128xf32, #tpu.memory_space<vmem>> -> memref<64x128xf32, #tpu.memory_space<vmem>>
    %dma_start3A_404 = arith.constant 0 : i32
    %dma_start3A_405 = tpu.memref_slice %arg6[%arg0, %add3A_400, %dma_start3A_404] : memref<2x10240x128xf32, #tpu.memory_space<hbm>> -> memref<1x64x128xf32, #tpu.memory_space<hbm>>
    %dma_start3A_406 = tpu.memref_squeeze %dma_start3A_405 : memref<1x64x128xf32, #tpu.memory_space<hbm>> -> memref<64x128xf32, #tpu.memory_space<hbm>>
    %dma_start3A_407 = arith.constant 0 : i32
    %dma_start3A_408 = tpu.memref_slice %arg6[%arg0, %add3A_400, %dma_start3A_407] : memref<2x10240x128xf32, #tpu.memory_space<hbm>> -> memref<1x64x128xf32, #tpu.memory_space<hbm>>
    %dma_start3A_409 = tpu.memref_squeeze %dma_start3A_408 : memref<1x64x128xf32, #tpu.memory_space<hbm>> -> memref<64x128xf32, #tpu.memory_space<hbm>>
    %dma_start3A_410 = arith.constant 0 : i32
    %dma_start3A_411 = arith.constant 0 : i32
    %dma_start3A_412 = tpu.memref_slice %arg15[%dma_start3A_410, %dma_start3A_411] : memref<104x128xf32, #tpu.memory_space<vmem>> -> memref<64x128xf32, #tpu.memory_space<vmem>>
    tpu.enqueue_dma source(%dma_start3A_412 : memref<64x128xf32, #tpu.memory_space<vmem>>) target(%dma_start3A_409 : memref<64x128xf32, #tpu.memory_space<hbm>>) target_semaphore(%arg20 : memref<!tpu.dma_semaphore, #tpu.memory_space<semaphore_mem>>)
    %mul3A_413 = arith.constant 640 : i32
    %mul3A_414 = arith.muli %arg1, %mul3A_413 : i32
    %add3A_415 = arith.constant 192 : i32
    %add3A_416 = arith.addi %mul3A_414, %add3A_415 : i32
    %dma_wait3A_417 = arith.constant 0 : i32
    %dma_wait3A_418 = arith.constant 0 : i32
    %dma_wait3A_419 = tpu.memref_slice %arg16[%dma_wait3A_417, %dma_wait3A_418] : memref<104x128xf32, #tpu.memory_space<vmem>> -> memref<64x128xf32, #tpu.memory_space<vmem>>
    %dma_wait3A_420 = arith.constant 0 : i32
    %dma_wait3A_421 = tpu.memref_slice %arg6[%arg0, %add3A_416, %dma_wait3A_420] : memref<2x10240x128xf32, #tpu.memory_space<hbm>> -> memref<1x64x128xf32, #tpu.memory_space<hbm>>
    %dma_wait3A_422 = tpu.memref_squeeze %dma_wait3A_421 : memref<1x64x128xf32, #tpu.memory_space<hbm>> -> memref<64x128xf32, #tpu.memory_space<hbm>>
    %dma_wait3A_423 = arith.constant 0 : i32
    %dma_wait3A_424 = tpu.memref_slice %arg6[%arg0, %add3A_416, %dma_wait3A_423] : memref<2x10240x128xf32, #tpu.memory_space<hbm>> -> memref<1x64x128xf32, #tpu.memory_space<hbm>>
    %dma_wait3A_425 = tpu.memref_squeeze %dma_wait3A_424 : memref<1x64x128xf32, #tpu.memory_space<hbm>> -> memref<64x128xf32, #tpu.memory_space<hbm>>
    %dma_wait3A_426 = arith.constant 0 : i32
    %dma_wait3A_427 = arith.constant 0 : i32
    %dma_wait3A_428 = tpu.memref_slice %arg16[%dma_wait3A_426, %dma_wait3A_427] : memref<104x128xf32, #tpu.memory_space<vmem>> -> memref<64x128xf32, #tpu.memory_space<vmem>>
    tpu.wait_dma2 semaphore(%arg21 : memref<!tpu.dma_semaphore, #tpu.memory_space<semaphore_mem>>) src(%dma_wait3A_428 : memref<64x128xf32, #tpu.memory_space<vmem>>) dst(%dma_wait3A_425 : memref<64x128xf32, #tpu.memory_space<hbm>>)
    %mul3A_429 = arith.constant 640 : i32
    %mul3A_430 = arith.muli %arg1, %mul3A_429 : i32
    %add3A_431 = arith.constant 320 : i32
    %add3A_432 = arith.addi %mul3A_430, %add3A_431 : i32
    "tpu.region"() ({
      %run_scoped3A = tpu.sem_alloc : memref<!tpu.dma_semaphore, #tpu.memory_space<semaphore_mem>>
      %dma_start3A_625 = arith.constant 0 : i32
      %dma_start3A_626 = arith.constant 0 : i32
      %dma_start3A_627 = tpu.memref_slice %arg16[%dma_start3A_625, %dma_start3A_626] : memref<104x128xf32, #tpu.memory_space<vmem>> -> memref<64x128xf32, #tpu.memory_space<vmem>>
      %dma_start3A_628 = arith.constant 0 : i32
      %dma_start3A_629 = tpu.memref_slice %arg19[%add3A_432, %dma_start3A_628] : memref<10240x128xf32, #tpu.memory_space<vmem_shared>> -> memref<64x128xf32, #tpu.memory_space<vmem_shared>>
      %dma_start3A_630 = arith.constant 0 : i32
      %dma_start3A_631 = arith.constant 0 : i32
      %dma_start3A_632 = tpu.memref_slice %arg16[%dma_start3A_630, %dma_start3A_631] : memref<104x128xf32, #tpu.memory_space<vmem>> -> memref<64x128xf32, #tpu.memory_space<vmem>>
      %dma_start3A_633 = arith.constant 0 : i32
      %dma_start3A_634 = tpu.memref_slice %arg19[%add3A_432, %dma_start3A_633] : memref<10240x128xf32, #tpu.memory_space<vmem_shared>> -> memref<64x128xf32, #tpu.memory_space<vmem_shared>>
      tpu.enqueue_dma source(%dma_start3A_634 : memref<64x128xf32, #tpu.memory_space<vmem_shared>>) target(%dma_start3A_632 : memref<64x128xf32, #tpu.memory_space<vmem>>) target_semaphore(%run_scoped3A : memref<!tpu.dma_semaphore, #tpu.memory_space<semaphore_mem>>)
      %dma_wait3A_635 = arith.constant 0 : i32
      %dma_wait3A_636 = arith.constant 0 : i32
      %dma_wait3A_637 = tpu.memref_slice %arg16[%dma_wait3A_635, %dma_wait3A_636] : memref<104x128xf32, #tpu.memory_space<vmem>> -> memref<64x128xf32, #tpu.memory_space<vmem>>
      %dma_wait3A_638 = arith.constant 0 : i32
      %dma_wait3A_639 = tpu.memref_slice %arg19[%add3A_432, %dma_wait3A_638] : memref<10240x128xf32, #tpu.memory_space<vmem_shared>> -> memref<64x128xf32, #tpu.memory_space<vmem_shared>>
      %dma_wait3A_640 = arith.constant 0 : i32
      %dma_wait3A_641 = arith.constant 0 : i32
      %dma_wait3A_642 = tpu.memref_slice %arg16[%dma_wait3A_640, %dma_wait3A_641] : memref<104x128xf32, #tpu.memory_space<vmem>> -> memref<64x128xf32, #tpu.memory_space<vmem>>
      %dma_wait3A_643 = arith.constant 0 : i32
      %dma_wait3A_644 = tpu.memref_slice %arg19[%add3A_432, %dma_wait3A_643] : memref<10240x128xf32, #tpu.memory_space<vmem_shared>> -> memref<64x128xf32, #tpu.memory_space<vmem_shared>>
      tpu.wait_dma2 semaphore(%run_scoped3A : memref<!tpu.dma_semaphore, #tpu.memory_space<semaphore_mem>>) src(%dma_wait3A_644 : memref<64x128xf32, #tpu.memory_space<vmem_shared>>) dst(%dma_wait3A_642 : memref<64x128xf32, #tpu.memory_space<vmem>>)
      tpu.yield
    }) : () -> ()
    %mul3A_433 = arith.constant 640 : i32
    %mul3A_434 = arith.muli %arg1, %mul3A_433 : i32
    %add3A_435 = arith.constant 320 : i32
    %add3A_436 = arith.addi %mul3A_434, %add3A_435 : i32
    %dma_start3A_437 = arith.constant 0 : i32
    %dma_start3A_438 = arith.constant 0 : i32
    %dma_start3A_439 = tpu.memref_slice %arg16[%dma_start3A_437, %dma_start3A_438] : memref<104x128xf32, #tpu.memory_space<vmem>> -> memref<64x128xf32, #tpu.memory_space<vmem>>
    %dma_start3A_440 = arith.constant 0 : i32
    %dma_start3A_441 = tpu.memref_slice %arg6[%arg0, %add3A_436, %dma_start3A_440] : memref<2x10240x128xf32, #tpu.memory_space<hbm>> -> memref<1x64x128xf32, #tpu.memory_space<hbm>>
    %dma_start3A_442 = tpu.memref_squeeze %dma_start3A_441 : memref<1x64x128xf32, #tpu.memory_space<hbm>> -> memref<64x128xf32, #tpu.memory_space<hbm>>
    %dma_start3A_443 = arith.constant 0 : i32
    %dma_start3A_444 = tpu.memref_slice %arg6[%arg0, %add3A_436, %dma_start3A_443] : memref<2x10240x128xf32, #tpu.memory_space<hbm>> -> memref<1x64x128xf32, #tpu.memory_space<hbm>>
    %dma_start3A_445 = tpu.memref_squeeze %dma_start3A_444 : memref<1x64x128xf32, #tpu.memory_space<hbm>> -> memref<64x128xf32, #tpu.memory_space<hbm>>
    %dma_start3A_446 = arith.constant 0 : i32
    %dma_start3A_447 = arith.constant 0 : i32
    %dma_start3A_448 = tpu.memref_slice %arg16[%dma_start3A_446, %dma_start3A_447] : memref<104x128xf32, #tpu.memory_space<vmem>> -> memref<64x128xf32, #tpu.memory_space<vmem>>
    tpu.enqueue_dma source(%dma_start3A_448 : memref<64x128xf32, #tpu.memory_space<vmem>>) target(%dma_start3A_445 : memref<64x128xf32, #tpu.memory_space<hbm>>) target_semaphore(%arg21 : memref<!tpu.dma_semaphore, #tpu.memory_space<semaphore_mem>>)
    %mul3A_449 = arith.constant 640 : i32
    %mul3A_450 = arith.muli %arg1, %mul3A_449 : i32
    %add3A_451 = arith.constant 256 : i32
    %add3A_452 = arith.addi %mul3A_450, %add3A_451 : i32
    %dma_wait3A_453 = arith.constant 0 : i32
    %dma_wait3A_454 = arith.constant 0 : i32
    %dma_wait3A_455 = tpu.memref_slice %arg15[%dma_wait3A_453, %dma_wait3A_454] : memref<104x128xf32, #tpu.memory_space<vmem>> -> memref<64x128xf32, #tpu.memory_space<vmem>>
    %dma_wait3A_456 = arith.constant 0 : i32
    %dma_wait3A_457 = tpu.memref_slice %arg6[%arg0, %add3A_452, %dma_wait3A_456] : memref<2x10240x128xf32, #tpu.memory_space<hbm>> -> memref<1x64x128xf32, #tpu.memory_space<hbm>>
    %dma_wait3A_458 = tpu.memref_squeeze %dma_wait3A_457 : memref<1x64x128xf32, #tpu.memory_space<hbm>> -> memref<64x128xf32, #tpu.memory_space<hbm>>
    %dma_wait3A_459 = arith.constant 0 : i32
    %dma_wait3A_460 = tpu.memref_slice %arg6[%arg0, %add3A_452, %dma_wait3A_459] : memref<2x10240x128xf32, #tpu.memory_space<hbm>> -> memref<1x64x128xf32, #tpu.memory_space<hbm>>
    %dma_wait3A_461 = tpu.memref_squeeze %dma_wait3A_460 : memref<1x64x128xf32, #tpu.memory_space<hbm>> -> memref<64x128xf32, #tpu.memory_space<hbm>>
    %dma_wait3A_462 = arith.constant 0 : i32
    %dma_wait3A_463 = arith.constant 0 : i32
    %dma_wait3A_464 = tpu.memref_slice %arg15[%dma_wait3A_462, %dma_wait3A_463] : memref<104x128xf32, #tpu.memory_space<vmem>> -> memref<64x128xf32, #tpu.memory_space<vmem>>
    tpu.wait_dma2 semaphore(%arg20 : memref<!tpu.dma_semaphore, #tpu.memory_space<semaphore_mem>>) src(%dma_wait3A_464 : memref<64x128xf32, #tpu.memory_space<vmem>>) dst(%dma_wait3A_461 : memref<64x128xf32, #tpu.memory_space<hbm>>)
    %mul3A_465 = arith.constant 640 : i32
    %mul3A_466 = arith.muli %arg1, %mul3A_465 : i32
    %add3A_467 = arith.constant 384 : i32
    %add3A_468 = arith.addi %mul3A_466, %add3A_467 : i32
    "tpu.region"() ({
      %run_scoped3A = tpu.sem_alloc : memref<!tpu.dma_semaphore, #tpu.memory_space<semaphore_mem>>
      %dma_start3A_625 = arith.constant 0 : i32
      %dma_start3A_626 = arith.constant 0 : i32
      %dma_start3A_627 = tpu.memref_slice %arg15[%dma_start3A_625, %dma_start3A_626] : memref<104x128xf32, #tpu.memory_space<vmem>> -> memref<64x128xf32, #tpu.memory_space<vmem>>
      %dma_start3A_628 = arith.constant 0 : i32
      %dma_start3A_629 = tpu.memref_slice %arg19[%add3A_468, %dma_start3A_628] : memref<10240x128xf32, #tpu.memory_space<vmem_shared>> -> memref<64x128xf32, #tpu.memory_space<vmem_shared>>
      %dma_start3A_630 = arith.constant 0 : i32
      %dma_start3A_631 = arith.constant 0 : i32
      %dma_start3A_632 = tpu.memref_slice %arg15[%dma_start3A_630, %dma_start3A_631] : memref<104x128xf32, #tpu.memory_space<vmem>> -> memref<64x128xf32, #tpu.memory_space<vmem>>
      %dma_start3A_633 = arith.constant 0 : i32
      %dma_start3A_634 = tpu.memref_slice %arg19[%add3A_468, %dma_start3A_633] : memref<10240x128xf32, #tpu.memory_space<vmem_shared>> -> memref<64x128xf32, #tpu.memory_space<vmem_shared>>
      tpu.enqueue_dma source(%dma_start3A_634 : memref<64x128xf32, #tpu.memory_space<vmem_shared>>) target(%dma_start3A_632 : memref<64x128xf32, #tpu.memory_space<vmem>>) target_semaphore(%run_scoped3A : memref<!tpu.dma_semaphore, #tpu.memory_space<semaphore_mem>>)
      %dma_wait3A_635 = arith.constant 0 : i32
      %dma_wait3A_636 = arith.constant 0 : i32
      %dma_wait3A_637 = tpu.memref_slice %arg15[%dma_wait3A_635, %dma_wait3A_636] : memref<104x128xf32, #tpu.memory_space<vmem>> -> memref<64x128xf32, #tpu.memory_space<vmem>>
      %dma_wait3A_638 = arith.constant 0 : i32
      %dma_wait3A_639 = tpu.memref_slice %arg19[%add3A_468, %dma_wait3A_638] : memref<10240x128xf32, #tpu.memory_space<vmem_shared>> -> memref<64x128xf32, #tpu.memory_space<vmem_shared>>
      %dma_wait3A_640 = arith.constant 0 : i32
      %dma_wait3A_641 = arith.constant 0 : i32
      %dma_wait3A_642 = tpu.memref_slice %arg15[%dma_wait3A_640, %dma_wait3A_641] : memref<104x128xf32, #tpu.memory_space<vmem>> -> memref<64x128xf32, #tpu.memory_space<vmem>>
      %dma_wait3A_643 = arith.constant 0 : i32
      %dma_wait3A_644 = tpu.memref_slice %arg19[%add3A_468, %dma_wait3A_643] : memref<10240x128xf32, #tpu.memory_space<vmem_shared>> -> memref<64x128xf32, #tpu.memory_space<vmem_shared>>
      tpu.wait_dma2 semaphore(%run_scoped3A : memref<!tpu.dma_semaphore, #tpu.memory_space<semaphore_mem>>) src(%dma_wait3A_644 : memref<64x128xf32, #tpu.memory_space<vmem_shared>>) dst(%dma_wait3A_642 : memref<64x128xf32, #tpu.memory_space<vmem>>)
      tpu.yield
    }) : () -> ()
    %mul3A_469 = arith.constant 640 : i32
    %mul3A_470 = arith.muli %arg1, %mul3A_469 : i32
    %add3A_471 = arith.constant 384 : i32
    %add3A_472 = arith.addi %mul3A_470, %add3A_471 : i32
    %dma_start3A_473 = arith.constant 0 : i32
    %dma_start3A_474 = arith.constant 0 : i32
    %dma_start3A_475 = tpu.memref_slice %arg15[%dma_start3A_473, %dma_start3A_474] : memref<104x128xf32, #tpu.memory_space<vmem>> -> memref<64x128xf32, #tpu.memory_space<vmem>>
    %dma_start3A_476 = arith.constant 0 : i32
    %dma_start3A_477 = tpu.memref_slice %arg6[%arg0, %add3A_472, %dma_start3A_476] : memref<2x10240x128xf32, #tpu.memory_space<hbm>> -> memref<1x64x128xf32, #tpu.memory_space<hbm>>
    %dma_start3A_478 = tpu.memref_squeeze %dma_start3A_477 : memref<1x64x128xf32, #tpu.memory_space<hbm>> -> memref<64x128xf32, #tpu.memory_space<hbm>>
    %dma_start3A_479 = arith.constant 0 : i32
    %dma_start3A_480 = tpu.memref_slice %arg6[%arg0, %add3A_472, %dma_start3A_479] : memref<2x10240x128xf32, #tpu.memory_space<hbm>> -> memref<1x64x128xf32, #tpu.memory_space<hbm>>
    %dma_start3A_481 = tpu.memref_squeeze %dma_start3A_480 : memref<1x64x128xf32, #tpu.memory_space<hbm>> -> memref<64x128xf32, #tpu.memory_space<hbm>>
    %dma_start3A_482 = arith.constant 0 : i32
    %dma_start3A_483 = arith.constant 0 : i32
    %dma_start3A_484 = tpu.memref_slice %arg15[%dma_start3A_482, %dma_start3A_483] : memref<104x128xf32, #tpu.memory_space<vmem>> -> memref<64x128xf32, #tpu.memory_space<vmem>>
    tpu.enqueue_dma source(%dma_start3A_484 : memref<64x128xf32, #tpu.memory_space<vmem>>) target(%dma_start3A_481 : memref<64x128xf32, #tpu.memory_space<hbm>>) target_semaphore(%arg20 : memref<!tpu.dma_semaphore, #tpu.memory_space<semaphore_mem>>)
    %mul3A_485 = arith.constant 640 : i32
    %mul3A_486 = arith.muli %arg1, %mul3A_485 : i32
    %add3A_487 = arith.constant 320 : i32
    %add3A_488 = arith.addi %mul3A_486, %add3A_487 : i32
    %dma_wait3A_489 = arith.constant 0 : i32
    %dma_wait3A_490 = arith.constant 0 : i32
    %dma_wait3A_491 = tpu.memref_slice %arg16[%dma_wait3A_489, %dma_wait3A_490] : memref<104x128xf32, #tpu.memory_space<vmem>> -> memref<64x128xf32, #tpu.memory_space<vmem>>
    %dma_wait3A_492 = arith.constant 0 : i32
    %dma_wait3A_493 = tpu.memref_slice %arg6[%arg0, %add3A_488, %dma_wait3A_492] : memref<2x10240x128xf32, #tpu.memory_space<hbm>> -> memref<1x64x128xf32, #tpu.memory_space<hbm>>
    %dma_wait3A_494 = tpu.memref_squeeze %dma_wait3A_493 : memref<1x64x128xf32, #tpu.memory_space<hbm>> -> memref<64x128xf32, #tpu.memory_space<hbm>>
    %dma_wait3A_495 = arith.constant 0 : i32
    %dma_wait3A_496 = tpu.memref_slice %arg6[%arg0, %add3A_488, %dma_wait3A_495] : memref<2x10240x128xf32, #tpu.memory_space<hbm>> -> memref<1x64x128xf32, #tpu.memory_space<hbm>>
    %dma_wait3A_497 = tpu.memref_squeeze %dma_wait3A_496 : memref<1x64x128xf32, #tpu.memory_space<hbm>> -> memref<64x128xf32, #tpu.memory_space<hbm>>
    %dma_wait3A_498 = arith.constant 0 : i32
    %dma_wait3A_499 = arith.constant 0 : i32
    %dma_wait3A_500 = tpu.memref_slice %arg16[%dma_wait3A_498, %dma_wait3A_499] : memref<104x128xf32, #tpu.memory_space<vmem>> -> memref<64x128xf32, #tpu.memory_space<vmem>>
    tpu.wait_dma2 semaphore(%arg21 : memref<!tpu.dma_semaphore, #tpu.memory_space<semaphore_mem>>) src(%dma_wait3A_500 : memref<64x128xf32, #tpu.memory_space<vmem>>) dst(%dma_wait3A_497 : memref<64x128xf32, #tpu.memory_space<hbm>>)
    %mul3A_501 = arith.constant 640 : i32
    %mul3A_502 = arith.muli %arg1, %mul3A_501 : i32
    %add3A_503 = arith.constant 448 : i32
    %add3A_504 = arith.addi %mul3A_502, %add3A_503 : i32
    "tpu.region"() ({
      %run_scoped3A = tpu.sem_alloc : memref<!tpu.dma_semaphore, #tpu.memory_space<semaphore_mem>>
      %dma_start3A_625 = arith.constant 0 : i32
      %dma_start3A_626 = arith.constant 0 : i32
      %dma_start3A_627 = tpu.memref_slice %arg16[%dma_start3A_625, %dma_start3A_626] : memref<104x128xf32, #tpu.memory_space<vmem>> -> memref<64x128xf32, #tpu.memory_space<vmem>>
      %dma_start3A_628 = arith.constant 0 : i32
      %dma_start3A_629 = tpu.memref_slice %arg19[%add3A_504, %dma_start3A_628] : memref<10240x128xf32, #tpu.memory_space<vmem_shared>> -> memref<64x128xf32, #tpu.memory_space<vmem_shared>>
      %dma_start3A_630 = arith.constant 0 : i32
      %dma_start3A_631 = arith.constant 0 : i32
      %dma_start3A_632 = tpu.memref_slice %arg16[%dma_start3A_630, %dma_start3A_631] : memref<104x128xf32, #tpu.memory_space<vmem>> -> memref<64x128xf32, #tpu.memory_space<vmem>>
      %dma_start3A_633 = arith.constant 0 : i32
      %dma_start3A_634 = tpu.memref_slice %arg19[%add3A_504, %dma_start3A_633] : memref<10240x128xf32, #tpu.memory_space<vmem_shared>> -> memref<64x128xf32, #tpu.memory_space<vmem_shared>>
      tpu.enqueue_dma source(%dma_start3A_634 : memref<64x128xf32, #tpu.memory_space<vmem_shared>>) target(%dma_start3A_632 : memref<64x128xf32, #tpu.memory_space<vmem>>) target_semaphore(%run_scoped3A : memref<!tpu.dma_semaphore, #tpu.memory_space<semaphore_mem>>)
      %dma_wait3A_635 = arith.constant 0 : i32
      %dma_wait3A_636 = arith.constant 0 : i32
      %dma_wait3A_637 = tpu.memref_slice %arg16[%dma_wait3A_635, %dma_wait3A_636] : memref<104x128xf32, #tpu.memory_space<vmem>> -> memref<64x128xf32, #tpu.memory_space<vmem>>
      %dma_wait3A_638 = arith.constant 0 : i32
      %dma_wait3A_639 = tpu.memref_slice %arg19[%add3A_504, %dma_wait3A_638] : memref<10240x128xf32, #tpu.memory_space<vmem_shared>> -> memref<64x128xf32, #tpu.memory_space<vmem_shared>>
      %dma_wait3A_640 = arith.constant 0 : i32
      %dma_wait3A_641 = arith.constant 0 : i32
      %dma_wait3A_642 = tpu.memref_slice %arg16[%dma_wait3A_640, %dma_wait3A_641] : memref<104x128xf32, #tpu.memory_space<vmem>> -> memref<64x128xf32, #tpu.memory_space<vmem>>
      %dma_wait3A_643 = arith.constant 0 : i32
      %dma_wait3A_644 = tpu.memref_slice %arg19[%add3A_504, %dma_wait3A_643] : memref<10240x128xf32, #tpu.memory_space<vmem_shared>> -> memref<64x128xf32, #tpu.memory_space<vmem_shared>>
      tpu.wait_dma2 semaphore(%run_scoped3A : memref<!tpu.dma_semaphore, #tpu.memory_space<semaphore_mem>>) src(%dma_wait3A_644 : memref<64x128xf32, #tpu.memory_space<vmem_shared>>) dst(%dma_wait3A_642 : memref<64x128xf32, #tpu.memory_space<vmem>>)
      tpu.yield
    }) : () -> ()
    %mul3A_505 = arith.constant 640 : i32
    %mul3A_506 = arith.muli %arg1, %mul3A_505 : i32
    %add3A_507 = arith.constant 448 : i32
    %add3A_508 = arith.addi %mul3A_506, %add3A_507 : i32
    %dma_start3A_509 = arith.constant 0 : i32
    %dma_start3A_510 = arith.constant 0 : i32
    %dma_start3A_511 = tpu.memref_slice %arg16[%dma_start3A_509, %dma_start3A_510] : memref<104x128xf32, #tpu.memory_space<vmem>> -> memref<64x128xf32, #tpu.memory_space<vmem>>
    %dma_start3A_512 = arith.constant 0 : i32
    %dma_start3A_513 = tpu.memref_slice %arg6[%arg0, %add3A_508, %dma_start3A_512] : memref<2x10240x128xf32, #tpu.memory_space<hbm>> -> memref<1x64x128xf32, #tpu.memory_space<hbm>>
    %dma_start3A_514 = tpu.memref_squeeze %dma_start3A_513 : memref<1x64x128xf32, #tpu.memory_space<hbm>> -> memref<64x128xf32, #tpu.memory_space<hbm>>
    %dma_start3A_515 = arith.constant 0 : i32
    %dma_start3A_516 = tpu.memref_slice %arg6[%arg0, %add3A_508, %dma_start3A_515] : memref<2x10240x128xf32, #tpu.memory_space<hbm>> -> memref<1x64x128xf32, #tpu.memory_space<hbm>>
    %dma_start3A_517 = tpu.memref_squeeze %dma_start3A_516 : memref<1x64x128xf32, #tpu.memory_space<hbm>> -> memref<64x128xf32, #tpu.memory_space<hbm>>
    %dma_start3A_518 = arith.constant 0 : i32
    %dma_start3A_519 = arith.constant 0 : i32
    %dma_start3A_520 = tpu.memref_slice %arg16[%dma_start3A_518, %dma_start3A_519] : memref<104x128xf32, #tpu.memory_space<vmem>> -> memref<64x128xf32, #tpu.memory_space<vmem>>
    tpu.enqueue_dma source(%dma_start3A_520 : memref<64x128xf32, #tpu.memory_space<vmem>>) target(%dma_start3A_517 : memref<64x128xf32, #tpu.memory_space<hbm>>) target_semaphore(%arg21 : memref<!tpu.dma_semaphore, #tpu.memory_space<semaphore_mem>>)
    %mul3A_521 = arith.constant 640 : i32
    %mul3A_522 = arith.muli %arg1, %mul3A_521 : i32
    %add3A_523 = arith.constant 384 : i32
    %add3A_524 = arith.addi %mul3A_522, %add3A_523 : i32
    %dma_wait3A_525 = arith.constant 0 : i32
    %dma_wait3A_526 = arith.constant 0 : i32
    %dma_wait3A_527 = tpu.memref_slice %arg15[%dma_wait3A_525, %dma_wait3A_526] : memref<104x128xf32, #tpu.memory_space<vmem>> -> memref<64x128xf32, #tpu.memory_space<vmem>>
    %dma_wait3A_528 = arith.constant 0 : i32
    %dma_wait3A_529 = tpu.memref_slice %arg6[%arg0, %add3A_524, %dma_wait3A_528] : memref<2x10240x128xf32, #tpu.memory_space<hbm>> -> memref<1x64x128xf32, #tpu.memory_space<hbm>>
    %dma_wait3A_530 = tpu.memref_squeeze %dma_wait3A_529 : memref<1x64x128xf32, #tpu.memory_space<hbm>> -> memref<64x128xf32, #tpu.memory_space<hbm>>
    %dma_wait3A_531 = arith.constant 0 : i32
    %dma_wait3A_532 = tpu.memref_slice %arg6[%arg0, %add3A_524, %dma_wait3A_531] : memref<2x10240x128xf32, #tpu.memory_space<hbm>> -> memref<1x64x128xf32, #tpu.memory_space<hbm>>
    %dma_wait3A_533 = tpu.memref_squeeze %dma_wait3A_532 : memref<1x64x128xf32, #tpu.memory_space<hbm>> -> memref<64x128xf32, #tpu.memory_space<hbm>>
    %dma_wait3A_534 = arith.constant 0 : i32
    %dma_wait3A_535 = arith.constant 0 : i32
    %dma_wait3A_536 = tpu.memref_slice %arg15[%dma_wait3A_534, %dma_wait3A_535] : memref<104x128xf32, #tpu.memory_space<vmem>> -> memref<64x128xf32, #tpu.memory_space<vmem>>
    tpu.wait_dma2 semaphore(%arg20 : memref<!tpu.dma_semaphore, #tpu.memory_space<semaphore_mem>>) src(%dma_wait3A_536 : memref<64x128xf32, #tpu.memory_space<vmem>>) dst(%dma_wait3A_533 : memref<64x128xf32, #tpu.memory_space<hbm>>)
    %mul3A_537 = arith.constant 640 : i32
    %mul3A_538 = arith.muli %arg1, %mul3A_537 : i32
    %add3A_539 = arith.constant 512 : i32
    %add3A_540 = arith.addi %mul3A_538, %add3A_539 : i32
    "tpu.region"() ({
      %run_scoped3A = tpu.sem_alloc : memref<!tpu.dma_semaphore, #tpu.memory_space<semaphore_mem>>
      %dma_start3A_625 = arith.constant 0 : i32
      %dma_start3A_626 = arith.constant 0 : i32
      %dma_start3A_627 = tpu.memref_slice %arg15[%dma_start3A_625, %dma_start3A_626] : memref<104x128xf32, #tpu.memory_space<vmem>> -> memref<64x128xf32, #tpu.memory_space<vmem>>
      %dma_start3A_628 = arith.constant 0 : i32
      %dma_start3A_629 = tpu.memref_slice %arg19[%add3A_540, %dma_start3A_628] : memref<10240x128xf32, #tpu.memory_space<vmem_shared>> -> memref<64x128xf32, #tpu.memory_space<vmem_shared>>
      %dma_start3A_630 = arith.constant 0 : i32
      %dma_start3A_631 = arith.constant 0 : i32
      %dma_start3A_632 = tpu.memref_slice %arg15[%dma_start3A_630, %dma_start3A_631] : memref<104x128xf32, #tpu.memory_space<vmem>> -> memref<64x128xf32, #tpu.memory_space<vmem>>
      %dma_start3A_633 = arith.constant 0 : i32
      %dma_start3A_634 = tpu.memref_slice %arg19[%add3A_540, %dma_start3A_633] : memref<10240x128xf32, #tpu.memory_space<vmem_shared>> -> memref<64x128xf32, #tpu.memory_space<vmem_shared>>
      tpu.enqueue_dma source(%dma_start3A_634 : memref<64x128xf32, #tpu.memory_space<vmem_shared>>) target(%dma_start3A_632 : memref<64x128xf32, #tpu.memory_space<vmem>>) target_semaphore(%run_scoped3A : memref<!tpu.dma_semaphore, #tpu.memory_space<semaphore_mem>>)
      %dma_wait3A_635 = arith.constant 0 : i32
      %dma_wait3A_636 = arith.constant 0 : i32
      %dma_wait3A_637 = tpu.memref_slice %arg15[%dma_wait3A_635, %dma_wait3A_636] : memref<104x128xf32, #tpu.memory_space<vmem>> -> memref<64x128xf32, #tpu.memory_space<vmem>>
      %dma_wait3A_638 = arith.constant 0 : i32
      %dma_wait3A_639 = tpu.memref_slice %arg19[%add3A_540, %dma_wait3A_638] : memref<10240x128xf32, #tpu.memory_space<vmem_shared>> -> memref<64x128xf32, #tpu.memory_space<vmem_shared>>
      %dma_wait3A_640 = arith.constant 0 : i32
      %dma_wait3A_641 = arith.constant 0 : i32
      %dma_wait3A_642 = tpu.memref_slice %arg15[%dma_wait3A_640, %dma_wait3A_641] : memref<104x128xf32, #tpu.memory_space<vmem>> -> memref<64x128xf32, #tpu.memory_space<vmem>>
      %dma_wait3A_643 = arith.constant 0 : i32
      %dma_wait3A_644 = tpu.memref_slice %arg19[%add3A_540, %dma_wait3A_643] : memref<10240x128xf32, #tpu.memory_space<vmem_shared>> -> memref<64x128xf32, #tpu.memory_space<vmem_shared>>
      tpu.wait_dma2 semaphore(%run_scoped3A : memref<!tpu.dma_semaphore, #tpu.memory_space<semaphore_mem>>) src(%dma_wait3A_644 : memref<64x128xf32, #tpu.memory_space<vmem_shared>>) dst(%dma_wait3A_642 : memref<64x128xf32, #tpu.memory_space<vmem>>)
      tpu.yield
    }) : () -> ()
    %mul3A_541 = arith.constant 640 : i32
    %mul3A_542 = arith.muli %arg1, %mul3A_541 : i32
    %add3A_543 = arith.constant 512 : i32
    %add3A_544 = arith.addi %mul3A_542, %add3A_543 : i32
    %dma_start3A_545 = arith.constant 0 : i32
    %dma_start3A_546 = arith.constant 0 : i32
    %dma_start3A_547 = tpu.memref_slice %arg15[%dma_start3A_545, %dma_start3A_546] : memref<104x128xf32, #tpu.memory_space<vmem>> -> memref<64x128xf32, #tpu.memory_space<vmem>>
    %dma_start3A_548 = arith.constant 0 : i32
    %dma_start3A_549 = tpu.memref_slice %arg6[%arg0, %add3A_544, %dma_start3A_548] : memref<2x10240x128xf32, #tpu.memory_space<hbm>> -> memref<1x64x128xf32, #tpu.memory_space<hbm>>
    %dma_start3A_550 = tpu.memref_squeeze %dma_start3A_549 : memref<1x64x128xf32, #tpu.memory_space<hbm>> -> memref<64x128xf32, #tpu.memory_space<hbm>>
    %dma_start3A_551 = arith.constant 0 : i32
    %dma_start3A_552 = tpu.memref_slice %arg6[%arg0, %add3A_544, %dma_start3A_551] : memref<2x10240x128xf32, #tpu.memory_space<hbm>> -> memref<1x64x128xf32, #tpu.memory_space<hbm>>
    %dma_start3A_553 = tpu.memref_squeeze %dma_start3A_552 : memref<1x64x128xf32, #tpu.memory_space<hbm>> -> memref<64x128xf32, #tpu.memory_space<hbm>>
    %dma_start3A_554 = arith.constant 0 : i32
    %dma_start3A_555 = arith.constant 0 : i32
    %dma_start3A_556 = tpu.memref_slice %arg15[%dma_start3A_554, %dma_start3A_555] : memref<104x128xf32, #tpu.memory_space<vmem>> -> memref<64x128xf32, #tpu.memory_space<vmem>>
    tpu.enqueue_dma source(%dma_start3A_556 : memref<64x128xf32, #tpu.memory_space<vmem>>) target(%dma_start3A_553 : memref<64x128xf32, #tpu.memory_space<hbm>>) target_semaphore(%arg20 : memref<!tpu.dma_semaphore, #tpu.memory_space<semaphore_mem>>)
    %mul3A_557 = arith.constant 640 : i32
    %mul3A_558 = arith.muli %arg1, %mul3A_557 : i32
    %add3A_559 = arith.constant 448 : i32
    %add3A_560 = arith.addi %mul3A_558, %add3A_559 : i32
    %dma_wait3A_561 = arith.constant 0 : i32
    %dma_wait3A_562 = arith.constant 0 : i32
    %dma_wait3A_563 = tpu.memref_slice %arg16[%dma_wait3A_561, %dma_wait3A_562] : memref<104x128xf32, #tpu.memory_space<vmem>> -> memref<64x128xf32, #tpu.memory_space<vmem>>
    %dma_wait3A_564 = arith.constant 0 : i32
    %dma_wait3A_565 = tpu.memref_slice %arg6[%arg0, %add3A_560, %dma_wait3A_564] : memref<2x10240x128xf32, #tpu.memory_space<hbm>> -> memref<1x64x128xf32, #tpu.memory_space<hbm>>
    %dma_wait3A_566 = tpu.memref_squeeze %dma_wait3A_565 : memref<1x64x128xf32, #tpu.memory_space<hbm>> -> memref<64x128xf32, #tpu.memory_space<hbm>>
    %dma_wait3A_567 = arith.constant 0 : i32
    %dma_wait3A_568 = tpu.memref_slice %arg6[%arg0, %add3A_560, %dma_wait3A_567] : memref<2x10240x128xf32, #tpu.memory_space<hbm>> -> memref<1x64x128xf32, #tpu.memory_space<hbm>>
    %dma_wait3A_569 = tpu.memref_squeeze %dma_wait3A_568 : memref<1x64x128xf32, #tpu.memory_space<hbm>> -> memref<64x128xf32, #tpu.memory_space<hbm>>
    %dma_wait3A_570 = arith.constant 0 : i32
    %dma_wait3A_571 = arith.constant 0 : i32
    %dma_wait3A_572 = tpu.memref_slice %arg16[%dma_wait3A_570, %dma_wait3A_571] : memref<104x128xf32, #tpu.memory_space<vmem>> -> memref<64x128xf32, #tpu.memory_space<vmem>>
    tpu.wait_dma2 semaphore(%arg21 : memref<!tpu.dma_semaphore, #tpu.memory_space<semaphore_mem>>) src(%dma_wait3A_572 : memref<64x128xf32, #tpu.memory_space<vmem>>) dst(%dma_wait3A_569 : memref<64x128xf32, #tpu.memory_space<hbm>>)
    %mul3A_573 = arith.constant 640 : i32
    %mul3A_574 = arith.muli %arg1, %mul3A_573 : i32
    %add3A_575 = arith.constant 576 : i32
    %add3A_576 = arith.addi %mul3A_574, %add3A_575 : i32
    "tpu.region"() ({
      %run_scoped3A = tpu.sem_alloc : memref<!tpu.dma_semaphore, #tpu.memory_space<semaphore_mem>>
      %dma_start3A_625 = arith.constant 0 : i32
      %dma_start3A_626 = arith.constant 0 : i32
      %dma_start3A_627 = tpu.memref_slice %arg16[%dma_start3A_625, %dma_start3A_626] : memref<104x128xf32, #tpu.memory_space<vmem>> -> memref<64x128xf32, #tpu.memory_space<vmem>>
      %dma_start3A_628 = arith.constant 0 : i32
      %dma_start3A_629 = tpu.memref_slice %arg19[%add3A_576, %dma_start3A_628] : memref<10240x128xf32, #tpu.memory_space<vmem_shared>> -> memref<64x128xf32, #tpu.memory_space<vmem_shared>>
      %dma_start3A_630 = arith.constant 0 : i32
      %dma_start3A_631 = arith.constant 0 : i32
      %dma_start3A_632 = tpu.memref_slice %arg16[%dma_start3A_630, %dma_start3A_631] : memref<104x128xf32, #tpu.memory_space<vmem>> -> memref<64x128xf32, #tpu.memory_space<vmem>>
      %dma_start3A_633 = arith.constant 0 : i32
      %dma_start3A_634 = tpu.memref_slice %arg19[%add3A_576, %dma_start3A_633] : memref<10240x128xf32, #tpu.memory_space<vmem_shared>> -> memref<64x128xf32, #tpu.memory_space<vmem_shared>>
      tpu.enqueue_dma source(%dma_start3A_634 : memref<64x128xf32, #tpu.memory_space<vmem_shared>>) target(%dma_start3A_632 : memref<64x128xf32, #tpu.memory_space<vmem>>) target_semaphore(%run_scoped3A : memref<!tpu.dma_semaphore, #tpu.memory_space<semaphore_mem>>)
      %dma_wait3A_635 = arith.constant 0 : i32
      %dma_wait3A_636 = arith.constant 0 : i32
      %dma_wait3A_637 = tpu.memref_slice %arg16[%dma_wait3A_635, %dma_wait3A_636] : memref<104x128xf32, #tpu.memory_space<vmem>> -> memref<64x128xf32, #tpu.memory_space<vmem>>
      %dma_wait3A_638 = arith.constant 0 : i32
      %dma_wait3A_639 = tpu.memref_slice %arg19[%add3A_576, %dma_wait3A_638] : memref<10240x128xf32, #tpu.memory_space<vmem_shared>> -> memref<64x128xf32, #tpu.memory_space<vmem_shared>>
      %dma_wait3A_640 = arith.constant 0 : i32
      %dma_wait3A_641 = arith.constant 0 : i32
      %dma_wait3A_642 = tpu.memref_slice %arg16[%dma_wait3A_640, %dma_wait3A_641] : memref<104x128xf32, #tpu.memory_space<vmem>> -> memref<64x128xf32, #tpu.memory_space<vmem>>
      %dma_wait3A_643 = arith.constant 0 : i32
      %dma_wait3A_644 = tpu.memref_slice %arg19[%add3A_576, %dma_wait3A_643] : memref<10240x128xf32, #tpu.memory_space<vmem_shared>> -> memref<64x128xf32, #tpu.memory_space<vmem_shared>>
      tpu.wait_dma2 semaphore(%run_scoped3A : memref<!tpu.dma_semaphore, #tpu.memory_space<semaphore_mem>>) src(%dma_wait3A_644 : memref<64x128xf32, #tpu.memory_space<vmem_shared>>) dst(%dma_wait3A_642 : memref<64x128xf32, #tpu.memory_space<vmem>>)
      tpu.yield
    }) : () -> ()
    %mul3A_577 = arith.constant 640 : i32
    %mul3A_578 = arith.muli %arg1, %mul3A_577 : i32
    %add3A_579 = arith.constant 576 : i32
    %add3A_580 = arith.addi %mul3A_578, %add3A_579 : i32
    %dma_start3A_581 = arith.constant 0 : i32
    %dma_start3A_582 = arith.constant 0 : i32
    %dma_start3A_583 = tpu.memref_slice %arg16[%dma_start3A_581, %dma_start3A_582] : memref<104x128xf32, #tpu.memory_space<vmem>> -> memref<64x128xf32, #tpu.memory_space<vmem>>
    %dma_start3A_584 = arith.constant 0 : i32
    %dma_start3A_585 = tpu.memref_slice %arg6[%arg0, %add3A_580, %dma_start3A_584] : memref<2x10240x128xf32, #tpu.memory_space<hbm>> -> memref<1x64x128xf32, #tpu.memory_space<hbm>>
    %dma_start3A_586 = tpu.memref_squeeze %dma_start3A_585 : memref<1x64x128xf32, #tpu.memory_space<hbm>> -> memref<64x128xf32, #tpu.memory_space<hbm>>
    %dma_start3A_587 = arith.constant 0 : i32
    %dma_start3A_588 = tpu.memref_slice %arg6[%arg0, %add3A_580, %dma_start3A_587] : memref<2x10240x128xf32, #tpu.memory_space<hbm>> -> memref<1x64x128xf32, #tpu.memory_space<hbm>>
    %dma_start3A_589 = tpu.memref_squeeze %dma_start3A_588 : memref<1x64x128xf32, #tpu.memory_space<hbm>> -> memref<64x128xf32, #tpu.memory_space<hbm>>
    %dma_start3A_590 = arith.constant 0 : i32
    %dma_start3A_591 = arith.constant 0 : i32
    %dma_start3A_592 = tpu.memref_slice %arg16[%dma_start3A_590, %dma_start3A_591] : memref<104x128xf32, #tpu.memory_space<vmem>> -> memref<64x128xf32, #tpu.memory_space<vmem>>
    tpu.enqueue_dma source(%dma_start3A_592 : memref<64x128xf32, #tpu.memory_space<vmem>>) target(%dma_start3A_589 : memref<64x128xf32, #tpu.memory_space<hbm>>) target_semaphore(%arg21 : memref<!tpu.dma_semaphore, #tpu.memory_space<semaphore_mem>>)
    %mul3A_593 = arith.constant 640 : i32
    %mul3A_594 = arith.muli %arg1, %mul3A_593 : i32
    %add3A_595 = arith.constant 512 : i32
    %add3A_596 = arith.addi %mul3A_594, %add3A_595 : i32
    %dma_wait3A_597 = arith.constant 0 : i32
    %dma_wait3A_598 = arith.constant 0 : i32
    %dma_wait3A_599 = tpu.memref_slice %arg15[%dma_wait3A_597, %dma_wait3A_598] : memref<104x128xf32, #tpu.memory_space<vmem>> -> memref<64x128xf32, #tpu.memory_space<vmem>>
    %dma_wait3A_600 = arith.constant 0 : i32
    %dma_wait3A_601 = tpu.memref_slice %arg6[%arg0, %add3A_596, %dma_wait3A_600] : memref<2x10240x128xf32, #tpu.memory_space<hbm>> -> memref<1x64x128xf32, #tpu.memory_space<hbm>>
    %dma_wait3A_602 = tpu.memref_squeeze %dma_wait3A_601 : memref<1x64x128xf32, #tpu.memory_space<hbm>> -> memref<64x128xf32, #tpu.memory_space<hbm>>
    %dma_wait3A_603 = arith.constant 0 : i32
    %dma_wait3A_604 = tpu.memref_slice %arg6[%arg0, %add3A_596, %dma_wait3A_603] : memref<2x10240x128xf32, #tpu.memory_space<hbm>> -> memref<1x64x128xf32, #tpu.memory_space<hbm>>
    %dma_wait3A_605 = tpu.memref_squeeze %dma_wait3A_604 : memref<1x64x128xf32, #tpu.memory_space<hbm>> -> memref<64x128xf32, #tpu.memory_space<hbm>>
    %dma_wait3A_606 = arith.constant 0 : i32
    %dma_wait3A_607 = arith.constant 0 : i32
    %dma_wait3A_608 = tpu.memref_slice %arg15[%dma_wait3A_606, %dma_wait3A_607] : memref<104x128xf32, #tpu.memory_space<vmem>> -> memref<64x128xf32, #tpu.memory_space<vmem>>
    tpu.wait_dma2 semaphore(%arg20 : memref<!tpu.dma_semaphore, #tpu.memory_space<semaphore_mem>>) src(%dma_wait3A_608 : memref<64x128xf32, #tpu.memory_space<vmem>>) dst(%dma_wait3A_605 : memref<64x128xf32, #tpu.memory_space<hbm>>)
    %mul3A_609 = arith.constant 640 : i32
    %mul3A_610 = arith.muli %arg1, %mul3A_609 : i32
    %add3A_611 = arith.constant 576 : i32
    %add3A_612 = arith.addi %mul3A_610, %add3A_611 : i32
    %dma_wait3A_613 = arith.constant 0 : i32
    %dma_wait3A_614 = arith.constant 0 : i32
    %dma_wait3A_615 = tpu.memref_slice %arg16[%dma_wait3A_613, %dma_wait3A_614] : memref<104x128xf32, #tpu.memory_space<vmem>> -> memref<64x128xf32, #tpu.memory_space<vmem>>
    %dma_wait3A_616 = arith.constant 0 : i32
    %dma_wait3A_617 = tpu.memref_slice %arg6[%arg0, %add3A_612, %dma_wait3A_616] : memref<2x10240x128xf32, #tpu.memory_space<hbm>> -> memref<1x64x128xf32, #tpu.memory_space<hbm>>
    %dma_wait3A_618 = tpu.memref_squeeze %dma_wait3A_617 : memref<1x64x128xf32, #tpu.memory_space<hbm>> -> memref<64x128xf32, #tpu.memory_space<hbm>>
    %dma_wait3A_619 = arith.constant 0 : i32
    %dma_wait3A_620 = tpu.memref_slice %arg6[%arg0, %add3A_612, %dma_wait3A_619] : memref<2x10240x128xf32, #tpu.memory_space<hbm>> -> memref<1x64x128xf32, #tpu.memory_space<hbm>>
    %dma_wait3A_621 = tpu.memref_squeeze %dma_wait3A_620 : memref<1x64x128xf32, #tpu.memory_space<hbm>> -> memref<64x128xf32, #tpu.memory_space<hbm>>
    %dma_wait3A_622 = arith.constant 0 : i32
    %dma_wait3A_623 = arith.constant 0 : i32
    %dma_wait3A_624 = tpu.memref_slice %arg16[%dma_wait3A_622, %dma_wait3A_623] : memref<104x128xf32, #tpu.memory_space<vmem>> -> memref<64x128xf32, #tpu.memory_space<vmem>>
    tpu.wait_dma2 semaphore(%arg21 : memref<!tpu.dma_semaphore, #tpu.memory_space<semaphore_mem>>) src(%dma_wait3A_624 : memref<64x128xf32, #tpu.memory_space<vmem>>) dst(%dma_wait3A_621 : memref<64x128xf32, #tpu.memory_space<hbm>>)
    return
  }
}

#map = affine_map<(d0, d1) -> (0)>
#map1 = affine_map<(d0, d1) -> (0, 0)>
#map2 = affine_map<(d0, d1) -> (0, 0, 0)>
module attributes {stable_mosaic.version = 14 : i64} {
  func.func @_count_body(%arg0: i32, %arg1: i32, %arg2: memref<320000xi32, #tpu.memory_space<hbm>>, %arg3: memref<64x128xf32, #tpu.memory_space<hbm>>, %arg4: memref<128x128xf32, #tpu.memory_space<hbm>>, %arg5: memref<2x10240x128xf32, #tpu.memory_space<hbm>>, %arg6: memref<128xi32, #tpu.memory_space<vmem>>, %arg7: memref<128xi32, #tpu.memory_space<vmem>>, %arg8: memref<16xi32, #tpu.memory_space<vmem>>, %arg9: memref<128x128xf32, #tpu.memory_space<vmem>>, %arg10: memref<64x128xf32, #tpu.memory_space<vmem>>, %arg11: memref<10240x128xf32, #tpu.memory_space<vmem_shared>>, %arg12: memref<!tpu.dma_semaphore, #tpu.memory_space<semaphore_mem>>, %arg13: memref<!tpu.dma_semaphore, #tpu.memory_space<semaphore_mem>>) attributes {dimension_semantics = [#tpu.dimension_semantics<core_parallel>, #tpu.dimension_semantics<subcore_parallel>], iteration_bounds = array<i64: 2, 16>, scalar_prefetch = 0 : i64, scratch_operands = 8 : i64, tpu.core_type = #tpu.core_type<sc_vector_subcore>, window_params = [{transform_indices = #map}, {transform_indices = #map1}, {transform_indices = #map1}, {transform_indices = #map2}]} {
    %mul3A = arith.constant 16 : i32
    %mul3A_0 = arith.muli %arg0, %mul3A : i32
    %add3A = arith.addi %mul3A_0, %arg1 : i32
    "tpu.region"() ({
      %run_scoped3A = tpu.sem_alloc : memref<!tpu.dma_semaphore, #tpu.memory_space<semaphore_mem>>
      tpu.enqueue_dma source(%arg3 : memref<64x128xf32, #tpu.memory_space<hbm>>) target(%arg10 : memref<64x128xf32, #tpu.memory_space<vmem>>) target_semaphore(%run_scoped3A : memref<!tpu.dma_semaphore, #tpu.memory_space<semaphore_mem>>)
      tpu.wait_dma2 semaphore(%run_scoped3A : memref<!tpu.dma_semaphore, #tpu.memory_space<semaphore_mem>>) src(%arg3 : memref<64x128xf32, #tpu.memory_space<hbm>>) dst(%arg10 : memref<64x128xf32, #tpu.memory_space<vmem>>)
      tpu.yield
    }) : () -> ()
    "tpu.region"() ({
      %run_scoped3A = tpu.sem_alloc : memref<!tpu.dma_semaphore, #tpu.memory_space<semaphore_mem>>
      tpu.enqueue_dma source(%arg4 : memref<128x128xf32, #tpu.memory_space<hbm>>) target(%arg9 : memref<128x128xf32, #tpu.memory_space<vmem>>) target_semaphore(%run_scoped3A : memref<!tpu.dma_semaphore, #tpu.memory_space<semaphore_mem>>)
      tpu.wait_dma2 semaphore(%run_scoped3A : memref<!tpu.dma_semaphore, #tpu.memory_space<semaphore_mem>>) src(%arg4 : memref<128x128xf32, #tpu.memory_space<hbm>>) dst(%arg9 : memref<128x128xf32, #tpu.memory_space<vmem>>)
      tpu.yield
    }) : () -> ()
    %mul3A_1 = arith.constant 640 : i32
    %mul3A_2 = arith.muli %arg1, %mul3A_1 : i32
    %add3A_3 = arith.constant 0 : i32
    %add3A_4 = arith.addi %mul3A_2, %add3A_3 : i32
    %dma_start3A = arith.constant 0 : i32
    %dma_start3A_5 = tpu.memref_slice %arg11[%add3A_4, %dma_start3A] : memref<10240x128xf32, #tpu.memory_space<vmem_shared>> -> memref<64x128xf32, #tpu.memory_space<vmem_shared>>
    %dma_start3A_6 = arith.constant 0 : i32
    %dma_start3A_7 = tpu.memref_slice %arg11[%add3A_4, %dma_start3A_6] : memref<10240x128xf32, #tpu.memory_space<vmem_shared>> -> memref<64x128xf32, #tpu.memory_space<vmem_shared>>
    tpu.enqueue_dma source(%arg10 : memref<64x128xf32, #tpu.memory_space<vmem>>) target(%dma_start3A_7 : memref<64x128xf32, #tpu.memory_space<vmem_shared>>) target_semaphore(%arg12 : memref<!tpu.dma_semaphore, #tpu.memory_space<semaphore_mem>>)
    %mul3A_8 = arith.constant 640 : i32
    %mul3A_9 = arith.muli %arg1, %mul3A_8 : i32
    %add3A_10 = arith.constant 64 : i32
    %add3A_11 = arith.addi %mul3A_9, %add3A_10 : i32
    %dma_start3A_12 = arith.constant 0 : i32
    %dma_start3A_13 = tpu.memref_slice %arg11[%add3A_11, %dma_start3A_12] : memref<10240x128xf32, #tpu.memory_space<vmem_shared>> -> memref<64x128xf32, #tpu.memory_space<vmem_shared>>
    %dma_start3A_14 = arith.constant 0 : i32
    %dma_start3A_15 = tpu.memref_slice %arg11[%add3A_11, %dma_start3A_14] : memref<10240x128xf32, #tpu.memory_space<vmem_shared>> -> memref<64x128xf32, #tpu.memory_space<vmem_shared>>
    tpu.enqueue_dma source(%arg10 : memref<64x128xf32, #tpu.memory_space<vmem>>) target(%dma_start3A_15 : memref<64x128xf32, #tpu.memory_space<vmem_shared>>) target_semaphore(%arg12 : memref<!tpu.dma_semaphore, #tpu.memory_space<semaphore_mem>>)
    %mul3A_16 = arith.constant 640 : i32
    %mul3A_17 = arith.muli %arg1, %mul3A_16 : i32
    %add3A_18 = arith.constant 128 : i32
    %add3A_19 = arith.addi %mul3A_17, %add3A_18 : i32
    %dma_start3A_20 = arith.constant 0 : i32
    %dma_start3A_21 = tpu.memref_slice %arg11[%add3A_19, %dma_start3A_20] : memref<10240x128xf32, #tpu.memory_space<vmem_shared>> -> memref<64x128xf32, #tpu.memory_space<vmem_shared>>
    %dma_start3A_22 = arith.constant 0 : i32
    %dma_start3A_23 = tpu.memref_slice %arg11[%add3A_19, %dma_start3A_22] : memref<10240x128xf32, #tpu.memory_space<vmem_shared>> -> memref<64x128xf32, #tpu.memory_space<vmem_shared>>
    tpu.enqueue_dma source(%arg10 : memref<64x128xf32, #tpu.memory_space<vmem>>) target(%dma_start3A_23 : memref<64x128xf32, #tpu.memory_space<vmem_shared>>) target_semaphore(%arg12 : memref<!tpu.dma_semaphore, #tpu.memory_space<semaphore_mem>>)
    %mul3A_24 = arith.constant 640 : i32
    %mul3A_25 = arith.muli %arg1, %mul3A_24 : i32
    %add3A_26 = arith.constant 192 : i32
    %add3A_27 = arith.addi %mul3A_25, %add3A_26 : i32
    %dma_start3A_28 = arith.constant 0 : i32
    %dma_start3A_29 = tpu.memref_slice %arg11[%add3A_27, %dma_start3A_28] : memref<10240x128xf32, #tpu.memory_space<vmem_shared>> -> memref<64x128xf32, #tpu.memory_space<vmem_shared>>
    %dma_start3A_30 = arith.constant 0 : i32
    %dma_start3A_31 = tpu.memref_slice %arg11[%add3A_27, %dma_start3A_30] : memref<10240x128xf32, #tpu.memory_space<vmem_shared>> -> memref<64x128xf32, #tpu.memory_space<vmem_shared>>
    tpu.enqueue_dma source(%arg10 : memref<64x128xf32, #tpu.memory_space<vmem>>) target(%dma_start3A_31 : memref<64x128xf32, #tpu.memory_space<vmem_shared>>) target_semaphore(%arg12 : memref<!tpu.dma_semaphore, #tpu.memory_space<semaphore_mem>>)
    %mul3A_32 = arith.constant 640 : i32
    %mul3A_33 = arith.muli %arg1, %mul3A_32 : i32
    %add3A_34 = arith.constant 256 : i32
    %add3A_35 = arith.addi %mul3A_33, %add3A_34 : i32
    %dma_start3A_36 = arith.constant 0 : i32
    %dma_start3A_37 = tpu.memref_slice %arg11[%add3A_35, %dma_start3A_36] : memref<10240x128xf32, #tpu.memory_space<vmem_shared>> -> memref<64x128xf32, #tpu.memory_space<vmem_shared>>
    %dma_start3A_38 = arith.constant 0 : i32
    %dma_start3A_39 = tpu.memref_slice %arg11[%add3A_35, %dma_start3A_38] : memref<10240x128xf32, #tpu.memory_space<vmem_shared>> -> memref<64x128xf32, #tpu.memory_space<vmem_shared>>
    tpu.enqueue_dma source(%arg10 : memref<64x128xf32, #tpu.memory_space<vmem>>) target(%dma_start3A_39 : memref<64x128xf32, #tpu.memory_space<vmem_shared>>) target_semaphore(%arg12 : memref<!tpu.dma_semaphore, #tpu.memory_space<semaphore_mem>>)
    %mul3A_40 = arith.constant 640 : i32
    %mul3A_41 = arith.muli %arg1, %mul3A_40 : i32
    %add3A_42 = arith.constant 320 : i32
    %add3A_43 = arith.addi %mul3A_41, %add3A_42 : i32
    %dma_start3A_44 = arith.constant 0 : i32
    %dma_start3A_45 = tpu.memref_slice %arg11[%add3A_43, %dma_start3A_44] : memref<10240x128xf32, #tpu.memory_space<vmem_shared>> -> memref<64x128xf32, #tpu.memory_space<vmem_shared>>
    %dma_start3A_46 = arith.constant 0 : i32
    %dma_start3A_47 = tpu.memref_slice %arg11[%add3A_43, %dma_start3A_46] : memref<10240x128xf32, #tpu.memory_space<vmem_shared>> -> memref<64x128xf32, #tpu.memory_space<vmem_shared>>
    tpu.enqueue_dma source(%arg10 : memref<64x128xf32, #tpu.memory_space<vmem>>) target(%dma_start3A_47 : memref<64x128xf32, #tpu.memory_space<vmem_shared>>) target_semaphore(%arg12 : memref<!tpu.dma_semaphore, #tpu.memory_space<semaphore_mem>>)
    %mul3A_48 = arith.constant 640 : i32
    %mul3A_49 = arith.muli %arg1, %mul3A_48 : i32
    %add3A_50 = arith.constant 384 : i32
    %add3A_51 = arith.addi %mul3A_49, %add3A_50 : i32
    %dma_start3A_52 = arith.constant 0 : i32
    %dma_start3A_53 = tpu.memref_slice %arg11[%add3A_51, %dma_start3A_52] : memref<10240x128xf32, #tpu.memory_space<vmem_shared>> -> memref<64x128xf32, #tpu.memory_space<vmem_shared>>
    %dma_start3A_54 = arith.constant 0 : i32
    %dma_start3A_55 = tpu.memref_slice %arg11[%add3A_51, %dma_start3A_54] : memref<10240x128xf32, #tpu.memory_space<vmem_shared>> -> memref<64x128xf32, #tpu.memory_space<vmem_shared>>
    tpu.enqueue_dma source(%arg10 : memref<64x128xf32, #tpu.memory_space<vmem>>) target(%dma_start3A_55 : memref<64x128xf32, #tpu.memory_space<vmem_shared>>) target_semaphore(%arg12 : memref<!tpu.dma_semaphore, #tpu.memory_space<semaphore_mem>>)
    %mul3A_56 = arith.constant 640 : i32
    %mul3A_57 = arith.muli %arg1, %mul3A_56 : i32
    %add3A_58 = arith.constant 448 : i32
    %add3A_59 = arith.addi %mul3A_57, %add3A_58 : i32
    %dma_start3A_60 = arith.constant 0 : i32
    %dma_start3A_61 = tpu.memref_slice %arg11[%add3A_59, %dma_start3A_60] : memref<10240x128xf32, #tpu.memory_space<vmem_shared>> -> memref<64x128xf32, #tpu.memory_space<vmem_shared>>
    %dma_start3A_62 = arith.constant 0 : i32
    %dma_start3A_63 = tpu.memref_slice %arg11[%add3A_59, %dma_start3A_62] : memref<10240x128xf32, #tpu.memory_space<vmem_shared>> -> memref<64x128xf32, #tpu.memory_space<vmem_shared>>
    tpu.enqueue_dma source(%arg10 : memref<64x128xf32, #tpu.memory_space<vmem>>) target(%dma_start3A_63 : memref<64x128xf32, #tpu.memory_space<vmem_shared>>) target_semaphore(%arg12 : memref<!tpu.dma_semaphore, #tpu.memory_space<semaphore_mem>>)
    %mul3A_64 = arith.constant 640 : i32
    %mul3A_65 = arith.muli %arg1, %mul3A_64 : i32
    %add3A_66 = arith.constant 512 : i32
    %add3A_67 = arith.addi %mul3A_65, %add3A_66 : i32
    %dma_start3A_68 = arith.constant 0 : i32
    %dma_start3A_69 = tpu.memref_slice %arg11[%add3A_67, %dma_start3A_68] : memref<10240x128xf32, #tpu.memory_space<vmem_shared>> -> memref<64x128xf32, #tpu.memory_space<vmem_shared>>
    %dma_start3A_70 = arith.constant 0 : i32
    %dma_start3A_71 = tpu.memref_slice %arg11[%add3A_67, %dma_start3A_70] : memref<10240x128xf32, #tpu.memory_space<vmem_shared>> -> memref<64x128xf32, #tpu.memory_space<vmem_shared>>
    tpu.enqueue_dma source(%arg10 : memref<64x128xf32, #tpu.memory_space<vmem>>) target(%dma_start3A_71 : memref<64x128xf32, #tpu.memory_space<vmem_shared>>) target_semaphore(%arg12 : memref<!tpu.dma_semaphore, #tpu.memory_space<semaphore_mem>>)
    %mul3A_72 = arith.constant 640 : i32
    %mul3A_73 = arith.muli %arg1, %mul3A_72 : i32
    %add3A_74 = arith.constant 576 : i32
    %add3A_75 = arith.addi %mul3A_73, %add3A_74 : i32
    %dma_start3A_76 = arith.constant 0 : i32
    %dma_start3A_77 = tpu.memref_slice %arg11[%add3A_75, %dma_start3A_76] : memref<10240x128xf32, #tpu.memory_space<vmem_shared>> -> memref<64x128xf32, #tpu.memory_space<vmem_shared>>
    %dma_start3A_78 = arith.constant 0 : i32
    %dma_start3A_79 = tpu.memref_slice %arg11[%add3A_75, %dma_start3A_78] : memref<10240x128xf32, #tpu.memory_space<vmem_shared>> -> memref<64x128xf32, #tpu.memory_space<vmem_shared>>
    tpu.enqueue_dma source(%arg10 : memref<64x128xf32, #tpu.memory_space<vmem>>) target(%dma_start3A_79 : memref<64x128xf32, #tpu.memory_space<vmem_shared>>) target_semaphore(%arg12 : memref<!tpu.dma_semaphore, #tpu.memory_space<semaphore_mem>>)
    %mul3A_80 = arith.constant 640 : i32
    %mul3A_81 = arith.muli %arg1, %mul3A_80 : i32
    %add3A_82 = arith.constant 0 : i32
    %add3A_83 = arith.addi %mul3A_81, %add3A_82 : i32
    %dma_wait3A = arith.constant 0 : i32
    %dma_wait3A_84 = tpu.memref_slice %arg11[%add3A_83, %dma_wait3A] : memref<10240x128xf32, #tpu.memory_space<vmem_shared>> -> memref<64x128xf32, #tpu.memory_space<vmem_shared>>
    %dma_wait3A_85 = arith.constant 0 : i32
    %dma_wait3A_86 = tpu.memref_slice %arg11[%add3A_83, %dma_wait3A_85] : memref<10240x128xf32, #tpu.memory_space<vmem_shared>> -> memref<64x128xf32, #tpu.memory_space<vmem_shared>>
    tpu.wait_dma2 semaphore(%arg12 : memref<!tpu.dma_semaphore, #tpu.memory_space<semaphore_mem>>) src(%arg10 : memref<64x128xf32, #tpu.memory_space<vmem>>) dst(%dma_wait3A_86 : memref<64x128xf32, #tpu.memory_space<vmem_shared>>)
    %mul3A_87 = arith.constant 640 : i32
    %mul3A_88 = arith.muli %arg1, %mul3A_87 : i32
    %add3A_89 = arith.constant 64 : i32
    %add3A_90 = arith.addi %mul3A_88, %add3A_89 : i32
    %dma_wait3A_91 = arith.constant 0 : i32
    %dma_wait3A_92 = tpu.memref_slice %arg11[%add3A_90, %dma_wait3A_91] : memref<10240x128xf32, #tpu.memory_space<vmem_shared>> -> memref<64x128xf32, #tpu.memory_space<vmem_shared>>
    %dma_wait3A_93 = arith.constant 0 : i32
    %dma_wait3A_94 = tpu.memref_slice %arg11[%add3A_90, %dma_wait3A_93] : memref<10240x128xf32, #tpu.memory_space<vmem_shared>> -> memref<64x128xf32, #tpu.memory_space<vmem_shared>>
    tpu.wait_dma2 semaphore(%arg12 : memref<!tpu.dma_semaphore, #tpu.memory_space<semaphore_mem>>) src(%arg10 : memref<64x128xf32, #tpu.memory_space<vmem>>) dst(%dma_wait3A_94 : memref<64x128xf32, #tpu.memory_space<vmem_shared>>)
    %mul3A_95 = arith.constant 640 : i32
    %mul3A_96 = arith.muli %arg1, %mul3A_95 : i32
    %add3A_97 = arith.constant 128 : i32
    %add3A_98 = arith.addi %mul3A_96, %add3A_97 : i32
    %dma_wait3A_99 = arith.constant 0 : i32
    %dma_wait3A_100 = tpu.memref_slice %arg11[%add3A_98, %dma_wait3A_99] : memref<10240x128xf32, #tpu.memory_space<vmem_shared>> -> memref<64x128xf32, #tpu.memory_space<vmem_shared>>
    %dma_wait3A_101 = arith.constant 0 : i32
    %dma_wait3A_102 = tpu.memref_slice %arg11[%add3A_98, %dma_wait3A_101] : memref<10240x128xf32, #tpu.memory_space<vmem_shared>> -> memref<64x128xf32, #tpu.memory_space<vmem_shared>>
    tpu.wait_dma2 semaphore(%arg12 : memref<!tpu.dma_semaphore, #tpu.memory_space<semaphore_mem>>) src(%arg10 : memref<64x128xf32, #tpu.memory_space<vmem>>) dst(%dma_wait3A_102 : memref<64x128xf32, #tpu.memory_space<vmem_shared>>)
    %mul3A_103 = arith.constant 640 : i32
    %mul3A_104 = arith.muli %arg1, %mul3A_103 : i32
    %add3A_105 = arith.constant 192 : i32
    %add3A_106 = arith.addi %mul3A_104, %add3A_105 : i32
    %dma_wait3A_107 = arith.constant 0 : i32
    %dma_wait3A_108 = tpu.memref_slice %arg11[%add3A_106, %dma_wait3A_107] : memref<10240x128xf32, #tpu.memory_space<vmem_shared>> -> memref<64x128xf32, #tpu.memory_space<vmem_shared>>
    %dma_wait3A_109 = arith.constant 0 : i32
    %dma_wait3A_110 = tpu.memref_slice %arg11[%add3A_106, %dma_wait3A_109] : memref<10240x128xf32, #tpu.memory_space<vmem_shared>> -> memref<64x128xf32, #tpu.memory_space<vmem_shared>>
    tpu.wait_dma2 semaphore(%arg12 : memref<!tpu.dma_semaphore, #tpu.memory_space<semaphore_mem>>) src(%arg10 : memref<64x128xf32, #tpu.memory_space<vmem>>) dst(%dma_wait3A_110 : memref<64x128xf32, #tpu.memory_space<vmem_shared>>)
    %mul3A_111 = arith.constant 640 : i32
    %mul3A_112 = arith.muli %arg1, %mul3A_111 : i32
    %add3A_113 = arith.constant 256 : i32
    %add3A_114 = arith.addi %mul3A_112, %add3A_113 : i32
    %dma_wait3A_115 = arith.constant 0 : i32
    %dma_wait3A_116 = tpu.memref_slice %arg11[%add3A_114, %dma_wait3A_115] : memref<10240x128xf32, #tpu.memory_space<vmem_shared>> -> memref<64x128xf32, #tpu.memory_space<vmem_shared>>
    %dma_wait3A_117 = arith.constant 0 : i32
    %dma_wait3A_118 = tpu.memref_slice %arg11[%add3A_114, %dma_wait3A_117] : memref<10240x128xf32, #tpu.memory_space<vmem_shared>> -> memref<64x128xf32, #tpu.memory_space<vmem_shared>>
    tpu.wait_dma2 semaphore(%arg12 : memref<!tpu.dma_semaphore, #tpu.memory_space<semaphore_mem>>) src(%arg10 : memref<64x128xf32, #tpu.memory_space<vmem>>) dst(%dma_wait3A_118 : memref<64x128xf32, #tpu.memory_space<vmem_shared>>)
    %mul3A_119 = arith.constant 640 : i32
    %mul3A_120 = arith.muli %arg1, %mul3A_119 : i32
    %add3A_121 = arith.constant 320 : i32
    %add3A_122 = arith.addi %mul3A_120, %add3A_121 : i32
    %dma_wait3A_123 = arith.constant 0 : i32
    %dma_wait3A_124 = tpu.memref_slice %arg11[%add3A_122, %dma_wait3A_123] : memref<10240x128xf32, #tpu.memory_space<vmem_shared>> -> memref<64x128xf32, #tpu.memory_space<vmem_shared>>
    %dma_wait3A_125 = arith.constant 0 : i32
    %dma_wait3A_126 = tpu.memref_slice %arg11[%add3A_122, %dma_wait3A_125] : memref<10240x128xf32, #tpu.memory_space<vmem_shared>> -> memref<64x128xf32, #tpu.memory_space<vmem_shared>>
    tpu.wait_dma2 semaphore(%arg12 : memref<!tpu.dma_semaphore, #tpu.memory_space<semaphore_mem>>) src(%arg10 : memref<64x128xf32, #tpu.memory_space<vmem>>) dst(%dma_wait3A_126 : memref<64x128xf32, #tpu.memory_space<vmem_shared>>)
    %mul3A_127 = arith.constant 640 : i32
    %mul3A_128 = arith.muli %arg1, %mul3A_127 : i32
    %add3A_129 = arith.constant 384 : i32
    %add3A_130 = arith.addi %mul3A_128, %add3A_129 : i32
    %dma_wait3A_131 = arith.constant 0 : i32
    %dma_wait3A_132 = tpu.memref_slice %arg11[%add3A_130, %dma_wait3A_131] : memref<10240x128xf32, #tpu.memory_space<vmem_shared>> -> memref<64x128xf32, #tpu.memory_space<vmem_shared>>
    %dma_wait3A_133 = arith.constant 0 : i32
    %dma_wait3A_134 = tpu.memref_slice %arg11[%add3A_130, %dma_wait3A_133] : memref<10240x128xf32, #tpu.memory_space<vmem_shared>> -> memref<64x128xf32, #tpu.memory_space<vmem_shared>>
    tpu.wait_dma2 semaphore(%arg12 : memref<!tpu.dma_semaphore, #tpu.memory_space<semaphore_mem>>) src(%arg10 : memref<64x128xf32, #tpu.memory_space<vmem>>) dst(%dma_wait3A_134 : memref<64x128xf32, #tpu.memory_space<vmem_shared>>)
    %mul3A_135 = arith.constant 640 : i32
    %mul3A_136 = arith.muli %arg1, %mul3A_135 : i32
    %add3A_137 = arith.constant 448 : i32
    %add3A_138 = arith.addi %mul3A_136, %add3A_137 : i32
    %dma_wait3A_139 = arith.constant 0 : i32
    %dma_wait3A_140 = tpu.memref_slice %arg11[%add3A_138, %dma_wait3A_139] : memref<10240x128xf32, #tpu.memory_space<vmem_shared>> -> memref<64x128xf32, #tpu.memory_space<vmem_shared>>
    %dma_wait3A_141 = arith.constant 0 : i32
    %dma_wait3A_142 = tpu.memref_slice %arg11[%add3A_138, %dma_wait3A_141] : memref<10240x128xf32, #tpu.memory_space<vmem_shared>> -> memref<64x128xf32, #tpu.memory_space<vmem_shared>>
    tpu.wait_dma2 semaphore(%arg12 : memref<!tpu.dma_semaphore, #tpu.memory_space<semaphore_mem>>) src(%arg10 : memref<64x128xf32, #tpu.memory_space<vmem>>) dst(%dma_wait3A_142 : memref<64x128xf32, #tpu.memory_space<vmem_shared>>)
    %mul3A_143 = arith.constant 640 : i32
    %mul3A_144 = arith.muli %arg1, %mul3A_143 : i32
    %add3A_145 = arith.constant 512 : i32
    %add3A_146 = arith.addi %mul3A_144, %add3A_145 : i32
    %dma_wait3A_147 = arith.constant 0 : i32
    %dma_wait3A_148 = tpu.memref_slice %arg11[%add3A_146, %dma_wait3A_147] : memref<10240x128xf32, #tpu.memory_space<vmem_shared>> -> memref<64x128xf32, #tpu.memory_space<vmem_shared>>
    %dma_wait3A_149 = arith.constant 0 : i32
    %dma_wait3A_150 = tpu.memref_slice %arg11[%add3A_146, %dma_wait3A_149] : memref<10240x128xf32, #tpu.memory_space<vmem_shared>> -> memref<64x128xf32, #tpu.memory_space<vmem_shared>>
    tpu.wait_dma2 semaphore(%arg12 : memref<!tpu.dma_semaphore, #tpu.memory_space<semaphore_mem>>) src(%arg10 : memref<64x128xf32, #tpu.memory_space<vmem>>) dst(%dma_wait3A_150 : memref<64x128xf32, #tpu.memory_space<vmem_shared>>)
    %mul3A_151 = arith.constant 640 : i32
    %mul3A_152 = arith.muli %arg1, %mul3A_151 : i32
    %add3A_153 = arith.constant 576 : i32
    %add3A_154 = arith.addi %mul3A_152, %add3A_153 : i32
    %dma_wait3A_155 = arith.constant 0 : i32
    %dma_wait3A_156 = tpu.memref_slice %arg11[%add3A_154, %dma_wait3A_155] : memref<10240x128xf32, #tpu.memory_space<vmem_shared>> -> memref<64x128xf32, #tpu.memory_space<vmem_shared>>
    %dma_wait3A_157 = arith.constant 0 : i32
    %dma_wait3A_158 = tpu.memref_slice %arg11[%add3A_154, %dma_wait3A_157] : memref<10240x128xf32, #tpu.memory_space<vmem_shared>> -> memref<64x128xf32, #tpu.memory_space<vmem_shared>>
    tpu.wait_dma2 semaphore(%arg12 : memref<!tpu.dma_semaphore, #tpu.memory_space<semaphore_mem>>) src(%arg10 : memref<64x128xf32, #tpu.memory_space<vmem>>) dst(%dma_wait3A_158 : memref<64x128xf32, #tpu.memory_space<vmem_shared>>)
    %barrier3A = arith.constant 0 : index
    tpu.barrier barrier_id(%barrier3A)
    %mul3A_159 = arith.constant 10000 : i32
    %mul3A_160 = arith.muli %add3A, %mul3A_159 : i32
    %add3A_161 = arith.constant 0 : i32
    %add3A_162 = arith.addi %mul3A_160, %add3A_161 : i32
    "tpu.region"() ({
      %run_scoped3A = tpu.sem_alloc : memref<!tpu.dma_semaphore, #tpu.memory_space<semaphore_mem>>
      %dma_start3A_485 = tpu.memref_slice %arg2[%add3A_162] : memref<320000xi32, #tpu.memory_space<hbm>> -> memref<128xi32, #tpu.memory_space<hbm>>
      %dma_start3A_486 = tpu.memref_slice %arg2[%add3A_162] : memref<320000xi32, #tpu.memory_space<hbm>> -> memref<128xi32, #tpu.memory_space<hbm>>
      tpu.enqueue_dma source(%dma_start3A_486 : memref<128xi32, #tpu.memory_space<hbm>>) target(%arg6 : memref<128xi32, #tpu.memory_space<vmem>>) target_semaphore(%run_scoped3A : memref<!tpu.dma_semaphore, #tpu.memory_space<semaphore_mem>>)
      %dma_wait3A_487 = tpu.memref_slice %arg2[%add3A_162] : memref<320000xi32, #tpu.memory_space<hbm>> -> memref<128xi32, #tpu.memory_space<hbm>>
      %dma_wait3A_488 = tpu.memref_slice %arg2[%add3A_162] : memref<320000xi32, #tpu.memory_space<hbm>> -> memref<128xi32, #tpu.memory_space<hbm>>
      tpu.wait_dma2 semaphore(%run_scoped3A : memref<!tpu.dma_semaphore, #tpu.memory_space<semaphore_mem>>) src(%dma_wait3A_488 : memref<128xi32, #tpu.memory_space<hbm>>) dst(%arg6 : memref<128xi32, #tpu.memory_space<vmem>>)
      tpu.yield
    }) : () -> ()
    %dma_start3A_163 = arith.constant 0 : i32
    %dma_start3A_164 = arith.constant 0 : i32
    %dma_start3A_165 = tpu.memref_slice %arg11[%dma_start3A_163, %dma_start3A_164] : memref<10240x128xf32, #tpu.memory_space<vmem_shared>> -> memref<10240x128xf32, #tpu.memory_space<vmem_shared>>
    tpu.enqueue_indirect_dma source(%arg9 : memref<128x128xf32, #tpu.memory_space<vmem>>) target(%dma_start3A_165 : memref<10240x128xf32, #tpu.memory_space<vmem_shared>>) offsets(%arg6 : memref<128xi32, #tpu.memory_space<vmem>>) semaphore(%arg12 : memref<!tpu.dma_semaphore, #tpu.memory_space<semaphore_mem>>) {add = true}
    %scan3A = arith.constant 0 : i32
    %scan3A_166 = arith.constant 0 : i32
    %scan3A_167 = arith.constant 38 : i32
    %scan3A_168 = arith.addi %scan3A_166, %scan3A_167 : i32
    %scan3A_169 = arith.constant 1 : i32
    scf.for %scan3A_485 = %scan3A_166 to %scan3A_168 step %scan3A_169  : i32 {
      %mul3A_486 = arith.constant 2 : i32
      %mul3A_487 = arith.muli %mul3A_486, %scan3A_485 : i32
      %add3A_488 = arith.constant 1 : i32
      %add3A_489 = arith.addi %mul3A_487, %add3A_488 : i32
      %mul3A_490 = arith.constant 128 : i32
      %mul3A_491 = arith.muli %add3A_489, %mul3A_490 : i32
      %add3A_492 = arith.addi %mul3A_160, %mul3A_491 : i32
      "tpu.region"() ({
        %run_scoped3A = tpu.sem_alloc : memref<!tpu.dma_semaphore, #tpu.memory_space<semaphore_mem>>
        %dma_start3A_510 = tpu.memref_slice %arg2[%add3A_492] : memref<320000xi32, #tpu.memory_space<hbm>> -> memref<128xi32, #tpu.memory_space<hbm>>
        %dma_start3A_511 = tpu.memref_slice %arg2[%add3A_492] : memref<320000xi32, #tpu.memory_space<hbm>> -> memref<128xi32, #tpu.memory_space<hbm>>
        tpu.enqueue_dma source(%dma_start3A_511 : memref<128xi32, #tpu.memory_space<hbm>>) target(%arg7 : memref<128xi32, #tpu.memory_space<vmem>>) target_semaphore(%run_scoped3A : memref<!tpu.dma_semaphore, #tpu.memory_space<semaphore_mem>>)
        %dma_wait3A_512 = tpu.memref_slice %arg2[%add3A_492] : memref<320000xi32, #tpu.memory_space<hbm>> -> memref<128xi32, #tpu.memory_space<hbm>>
        %dma_wait3A_513 = tpu.memref_slice %arg2[%add3A_492] : memref<320000xi32, #tpu.memory_space<hbm>> -> memref<128xi32, #tpu.memory_space<hbm>>
        tpu.wait_dma2 semaphore(%run_scoped3A : memref<!tpu.dma_semaphore, #tpu.memory_space<semaphore_mem>>) src(%dma_wait3A_513 : memref<128xi32, #tpu.memory_space<hbm>>) dst(%arg7 : memref<128xi32, #tpu.memory_space<vmem>>)
        tpu.yield
      }) : () -> ()
      %dma_start3A_493 = arith.constant 0 : i32
      %dma_start3A_494 = arith.constant 0 : i32
      %dma_start3A_495 = tpu.memref_slice %arg11[%dma_start3A_493, %dma_start3A_494] : memref<10240x128xf32, #tpu.memory_space<vmem_shared>> -> memref<10240x128xf32, #tpu.memory_space<vmem_shared>>
      tpu.enqueue_indirect_dma source(%arg9 : memref<128x128xf32, #tpu.memory_space<vmem>>) target(%dma_start3A_495 : memref<10240x128xf32, #tpu.memory_space<vmem_shared>>) offsets(%arg7 : memref<128xi32, #tpu.memory_space<vmem>>) semaphore(%arg13 : memref<!tpu.dma_semaphore, #tpu.memory_space<semaphore_mem>>) {add = true}
      %dma_wait3A_496 = arith.constant 0 : i32
      %dma_wait3A_497 = arith.constant 0 : i32
      %dma_wait3A_498 = tpu.memref_slice %arg11[%dma_wait3A_496, %dma_wait3A_497] : memref<10240x128xf32, #tpu.memory_space<vmem_shared>> -> memref<10240x128xf32, #tpu.memory_space<vmem_shared>>
      tpu.wait_indirect_dma semaphore(%arg12 : memref<!tpu.dma_semaphore, #tpu.memory_space<semaphore_mem>>) src(%arg9 : memref<128x128xf32, #tpu.memory_space<vmem>>) dst(%dma_wait3A_498 : memref<10240x128xf32, #tpu.memory_space<vmem_shared>>)
      %add3A_499 = arith.constant 2 : i32
      %add3A_500 = arith.addi %mul3A_487, %add3A_499 : i32
      %mul3A_501 = arith.constant 128 : i32
      %mul3A_502 = arith.muli %add3A_500, %mul3A_501 : i32
      %add3A_503 = arith.addi %mul3A_160, %mul3A_502 : i32
      "tpu.region"() ({
        %run_scoped3A = tpu.sem_alloc : memref<!tpu.dma_semaphore, #tpu.memory_space<semaphore_mem>>
        %dma_start3A_510 = tpu.memref_slice %arg2[%add3A_503] : memref<320000xi32, #tpu.memory_space<hbm>> -> memref<128xi32, #tpu.memory_space<hbm>>
        %dma_start3A_511 = tpu.memref_slice %arg2[%add3A_503] : memref<320000xi32, #tpu.memory_space<hbm>> -> memref<128xi32, #tpu.memory_space<hbm>>
        tpu.enqueue_dma source(%dma_start3A_511 : memref<128xi32, #tpu.memory_space<hbm>>) target(%arg6 : memref<128xi32, #tpu.memory_space<vmem>>) target_semaphore(%run_scoped3A : memref<!tpu.dma_semaphore, #tpu.memory_space<semaphore_mem>>)
        %dma_wait3A_512 = tpu.memref_slice %arg2[%add3A_503] : memref<320000xi32, #tpu.memory_space<hbm>> -> memref<128xi32, #tpu.memory_space<hbm>>
        %dma_wait3A_513 = tpu.memref_slice %arg2[%add3A_503] : memref<320000xi32, #tpu.memory_space<hbm>> -> memref<128xi32, #tpu.memory_space<hbm>>
        tpu.wait_dma2 semaphore(%run_scoped3A : memref<!tpu.dma_semaphore, #tpu.memory_space<semaphore_mem>>) src(%dma_wait3A_513 : memref<128xi32, #tpu.memory_space<hbm>>) dst(%arg6 : memref<128xi32, #tpu.memory_space<vmem>>)
        tpu.yield
      }) : () -> ()
      %dma_start3A_504 = arith.constant 0 : i32
      %dma_start3A_505 = arith.constant 0 : i32
      %dma_start3A_506 = tpu.memref_slice %arg11[%dma_start3A_504, %dma_start3A_505] : memref<10240x128xf32, #tpu.memory_space<vmem_shared>> -> memref<10240x128xf32, #tpu.memory_space<vmem_shared>>
      tpu.enqueue_indirect_dma source(%arg9 : memref<128x128xf32, #tpu.memory_space<vmem>>) target(%dma_start3A_506 : memref<10240x128xf32, #tpu.memory_space<vmem_shared>>) offsets(%arg6 : memref<128xi32, #tpu.memory_space<vmem>>) semaphore(%arg12 : memref<!tpu.dma_semaphore, #tpu.memory_space<semaphore_mem>>) {add = true}
      %dma_wait3A_507 = arith.constant 0 : i32
      %dma_wait3A_508 = arith.constant 0 : i32
      %dma_wait3A_509 = tpu.memref_slice %arg11[%dma_wait3A_507, %dma_wait3A_508] : memref<10240x128xf32, #tpu.memory_space<vmem_shared>> -> memref<10240x128xf32, #tpu.memory_space<vmem_shared>>
      tpu.wait_indirect_dma semaphore(%arg13 : memref<!tpu.dma_semaphore, #tpu.memory_space<semaphore_mem>>) src(%arg9 : memref<128x128xf32, #tpu.memory_space<vmem>>) dst(%dma_wait3A_509 : memref<10240x128xf32, #tpu.memory_space<vmem_shared>>)
    }
    %scan3A_170 = arith.constant 38 : i32
    %add3A_171 = arith.constant 9856 : i32
    %add3A_172 = arith.addi %mul3A_160, %add3A_171 : i32
    "tpu.region"() ({
      %run_scoped3A = tpu.sem_alloc : memref<!tpu.dma_semaphore, #tpu.memory_space<semaphore_mem>>
      %dma_start3A_485 = tpu.memref_slice %arg2[%add3A_172] : memref<320000xi32, #tpu.memory_space<hbm>> -> memref<128xi32, #tpu.memory_space<hbm>>
      %dma_start3A_486 = tpu.memref_slice %arg2[%add3A_172] : memref<320000xi32, #tpu.memory_space<hbm>> -> memref<128xi32, #tpu.memory_space<hbm>>
      tpu.enqueue_dma source(%dma_start3A_486 : memref<128xi32, #tpu.memory_space<hbm>>) target(%arg7 : memref<128xi32, #tpu.memory_space<vmem>>) target_semaphore(%run_scoped3A : memref<!tpu.dma_semaphore, #tpu.memory_space<semaphore_mem>>)
      %dma_wait3A_487 = tpu.memref_slice %arg2[%add3A_172] : memref<320000xi32, #tpu.memory_space<hbm>> -> memref<128xi32, #tpu.memory_space<hbm>>
      %dma_wait3A_488 = tpu.memref_slice %arg2[%add3A_172] : memref<320000xi32, #tpu.memory_space<hbm>> -> memref<128xi32, #tpu.memory_space<hbm>>
      tpu.wait_dma2 semaphore(%run_scoped3A : memref<!tpu.dma_semaphore, #tpu.memory_space<semaphore_mem>>) src(%dma_wait3A_488 : memref<128xi32, #tpu.memory_space<hbm>>) dst(%arg7 : memref<128xi32, #tpu.memory_space<vmem>>)
      tpu.yield
    }) : () -> ()
    %dma_start3A_173 = arith.constant 0 : i32
    %dma_start3A_174 = arith.constant 0 : i32
    %dma_start3A_175 = tpu.memref_slice %arg11[%dma_start3A_173, %dma_start3A_174] : memref<10240x128xf32, #tpu.memory_space<vmem_shared>> -> memref<10240x128xf32, #tpu.memory_space<vmem_shared>>
    tpu.enqueue_indirect_dma source(%arg9 : memref<128x128xf32, #tpu.memory_space<vmem>>) target(%dma_start3A_175 : memref<10240x128xf32, #tpu.memory_space<vmem_shared>>) offsets(%arg7 : memref<128xi32, #tpu.memory_space<vmem>>) semaphore(%arg13 : memref<!tpu.dma_semaphore, #tpu.memory_space<semaphore_mem>>) {add = true}
    %dma_wait3A_176 = arith.constant 0 : i32
    %dma_wait3A_177 = arith.constant 0 : i32
    %dma_wait3A_178 = tpu.memref_slice %arg11[%dma_wait3A_176, %dma_wait3A_177] : memref<10240x128xf32, #tpu.memory_space<vmem_shared>> -> memref<10240x128xf32, #tpu.memory_space<vmem_shared>>
    tpu.wait_indirect_dma semaphore(%arg12 : memref<!tpu.dma_semaphore, #tpu.memory_space<semaphore_mem>>) src(%arg9 : memref<128x128xf32, #tpu.memory_space<vmem>>) dst(%dma_wait3A_178 : memref<10240x128xf32, #tpu.memory_space<vmem_shared>>)
    %dma_wait3A_179 = arith.constant 0 : i32
    %dma_wait3A_180 = arith.constant 0 : i32
    %dma_wait3A_181 = tpu.memref_slice %arg11[%dma_wait3A_179, %dma_wait3A_180] : memref<10240x128xf32, #tpu.memory_space<vmem_shared>> -> memref<10240x128xf32, #tpu.memory_space<vmem_shared>>
    tpu.wait_indirect_dma semaphore(%arg13 : memref<!tpu.dma_semaphore, #tpu.memory_space<semaphore_mem>>) src(%arg9 : memref<128x128xf32, #tpu.memory_space<vmem>>) dst(%dma_wait3A_181 : memref<10240x128xf32, #tpu.memory_space<vmem_shared>>)
    %add3A_182 = arith.constant 9984 : i32
    %add3A_183 = arith.addi %mul3A_160, %add3A_182 : i32
    "tpu.region"() ({
      %run_scoped3A = tpu.sem_alloc : memref<!tpu.dma_semaphore, #tpu.memory_space<semaphore_mem>>
      %dma_start3A_485 = tpu.memref_slice %arg2[%add3A_183] : memref<320000xi32, #tpu.memory_space<hbm>> -> memref<16xi32, #tpu.memory_space<hbm>>
      %dma_start3A_486 = tpu.memref_slice %arg2[%add3A_183] : memref<320000xi32, #tpu.memory_space<hbm>> -> memref<16xi32, #tpu.memory_space<hbm>>
      tpu.enqueue_dma source(%dma_start3A_486 : memref<16xi32, #tpu.memory_space<hbm>>) target(%arg8 : memref<16xi32, #tpu.memory_space<vmem>>) target_semaphore(%run_scoped3A : memref<!tpu.dma_semaphore, #tpu.memory_space<semaphore_mem>>)
      %dma_wait3A_487 = tpu.memref_slice %arg2[%add3A_183] : memref<320000xi32, #tpu.memory_space<hbm>> -> memref<16xi32, #tpu.memory_space<hbm>>
      %dma_wait3A_488 = tpu.memref_slice %arg2[%add3A_183] : memref<320000xi32, #tpu.memory_space<hbm>> -> memref<16xi32, #tpu.memory_space<hbm>>
      tpu.wait_dma2 semaphore(%run_scoped3A : memref<!tpu.dma_semaphore, #tpu.memory_space<semaphore_mem>>) src(%dma_wait3A_488 : memref<16xi32, #tpu.memory_space<hbm>>) dst(%arg8 : memref<16xi32, #tpu.memory_space<vmem>>)
      tpu.yield
    }) : () -> ()
    "tpu.region"() ({
      %run_scoped3A = tpu.sem_alloc : memref<!tpu.dma_semaphore, #tpu.memory_space<semaphore_mem>>
      %dma_start3A_485 = arith.constant 0 : i32
      %dma_start3A_486 = arith.constant 0 : i32
      %dma_start3A_487 = tpu.memref_slice %arg9[%dma_start3A_485, %dma_start3A_486] : memref<128x128xf32, #tpu.memory_space<vmem>> -> memref<16x128xf32, #tpu.memory_space<vmem>>
      %dma_start3A_488 = arith.constant 0 : i32
      %dma_start3A_489 = arith.constant 0 : i32
      %dma_start3A_490 = tpu.memref_slice %arg11[%dma_start3A_488, %dma_start3A_489] : memref<10240x128xf32, #tpu.memory_space<vmem_shared>> -> memref<10240x128xf32, #tpu.memory_space<vmem_shared>>
      tpu.enqueue_indirect_dma source(%dma_start3A_487 : memref<16x128xf32, #tpu.memory_space<vmem>>) target(%dma_start3A_490 : memref<10240x128xf32, #tpu.memory_space<vmem_shared>>) offsets(%arg8 : memref<16xi32, #tpu.memory_space<vmem>>) semaphore(%run_scoped3A : memref<!tpu.dma_semaphore, #tpu.memory_space<semaphore_mem>>) {add = true}
      %dma_wait3A_491 = arith.constant 0 : i32
      %dma_wait3A_492 = arith.constant 0 : i32
      %dma_wait3A_493 = tpu.memref_slice %arg9[%dma_wait3A_491, %dma_wait3A_492] : memref<128x128xf32, #tpu.memory_space<vmem>> -> memref<16x128xf32, #tpu.memory_space<vmem>>
      %dma_wait3A_494 = arith.constant 0 : i32
      %dma_wait3A_495 = arith.constant 0 : i32
      %dma_wait3A_496 = tpu.memref_slice %arg11[%dma_wait3A_494, %dma_wait3A_495] : memref<10240x128xf32, #tpu.memory_space<vmem_shared>> -> memref<10240x128xf32, #tpu.memory_space<vmem_shared>>
      tpu.wait_indirect_dma semaphore(%run_scoped3A : memref<!tpu.dma_semaphore, #tpu.memory_space<semaphore_mem>>) src(%dma_wait3A_493 : memref<16x128xf32, #tpu.memory_space<vmem>>) dst(%dma_wait3A_496 : memref<10240x128xf32, #tpu.memory_space<vmem_shared>>)
      tpu.yield
    }) : () -> ()
    %barrier3A_184 = arith.constant 0 : index
    tpu.barrier barrier_id(%barrier3A_184)
    %mul3A_185 = arith.constant 640 : i32
    %mul3A_186 = arith.muli %arg1, %mul3A_185 : i32
    %add3A_187 = arith.constant 0 : i32
    %add3A_188 = arith.addi %mul3A_186, %add3A_187 : i32
    "tpu.region"() ({
      %run_scoped3A = tpu.sem_alloc : memref<!tpu.dma_semaphore, #tpu.memory_space<semaphore_mem>>
      %dma_start3A_485 = arith.constant 0 : i32
      %dma_start3A_486 = arith.constant 0 : i32
      %dma_start3A_487 = tpu.memref_slice %arg9[%dma_start3A_485, %dma_start3A_486] : memref<128x128xf32, #tpu.memory_space<vmem>> -> memref<64x128xf32, #tpu.memory_space<vmem>>
      %dma_start3A_488 = arith.constant 0 : i32
      %dma_start3A_489 = tpu.memref_slice %arg11[%add3A_188, %dma_start3A_488] : memref<10240x128xf32, #tpu.memory_space<vmem_shared>> -> memref<64x128xf32, #tpu.memory_space<vmem_shared>>
      %dma_start3A_490 = arith.constant 0 : i32
      %dma_start3A_491 = arith.constant 0 : i32
      %dma_start3A_492 = tpu.memref_slice %arg9[%dma_start3A_490, %dma_start3A_491] : memref<128x128xf32, #tpu.memory_space<vmem>> -> memref<64x128xf32, #tpu.memory_space<vmem>>
      %dma_start3A_493 = arith.constant 0 : i32
      %dma_start3A_494 = tpu.memref_slice %arg11[%add3A_188, %dma_start3A_493] : memref<10240x128xf32, #tpu.memory_space<vmem_shared>> -> memref<64x128xf32, #tpu.memory_space<vmem_shared>>
      tpu.enqueue_dma source(%dma_start3A_494 : memref<64x128xf32, #tpu.memory_space<vmem_shared>>) target(%dma_start3A_492 : memref<64x128xf32, #tpu.memory_space<vmem>>) target_semaphore(%run_scoped3A : memref<!tpu.dma_semaphore, #tpu.memory_space<semaphore_mem>>)
      %dma_wait3A_495 = arith.constant 0 : i32
      %dma_wait3A_496 = arith.constant 0 : i32
      %dma_wait3A_497 = tpu.memref_slice %arg9[%dma_wait3A_495, %dma_wait3A_496] : memref<128x128xf32, #tpu.memory_space<vmem>> -> memref<64x128xf32, #tpu.memory_space<vmem>>
      %dma_wait3A_498 = arith.constant 0 : i32
      %dma_wait3A_499 = tpu.memref_slice %arg11[%add3A_188, %dma_wait3A_498] : memref<10240x128xf32, #tpu.memory_space<vmem_shared>> -> memref<64x128xf32, #tpu.memory_space<vmem_shared>>
      %dma_wait3A_500 = arith.constant 0 : i32
      %dma_wait3A_501 = arith.constant 0 : i32
      %dma_wait3A_502 = tpu.memref_slice %arg9[%dma_wait3A_500, %dma_wait3A_501] : memref<128x128xf32, #tpu.memory_space<vmem>> -> memref<64x128xf32, #tpu.memory_space<vmem>>
      %dma_wait3A_503 = arith.constant 0 : i32
      %dma_wait3A_504 = tpu.memref_slice %arg11[%add3A_188, %dma_wait3A_503] : memref<10240x128xf32, #tpu.memory_space<vmem_shared>> -> memref<64x128xf32, #tpu.memory_space<vmem_shared>>
      tpu.wait_dma2 semaphore(%run_scoped3A : memref<!tpu.dma_semaphore, #tpu.memory_space<semaphore_mem>>) src(%dma_wait3A_504 : memref<64x128xf32, #tpu.memory_space<vmem_shared>>) dst(%dma_wait3A_502 : memref<64x128xf32, #tpu.memory_space<vmem>>)
      tpu.yield
    }) : () -> ()
    %mul3A_189 = arith.constant 640 : i32
    %mul3A_190 = arith.muli %arg1, %mul3A_189 : i32
    %add3A_191 = arith.constant 0 : i32
    %add3A_192 = arith.addi %mul3A_190, %add3A_191 : i32
    %dma_start3A_193 = arith.constant 0 : i32
    %dma_start3A_194 = arith.constant 0 : i32
    %dma_start3A_195 = tpu.memref_slice %arg9[%dma_start3A_193, %dma_start3A_194] : memref<128x128xf32, #tpu.memory_space<vmem>> -> memref<64x128xf32, #tpu.memory_space<vmem>>
    %dma_start3A_196 = arith.constant 0 : i32
    %dma_start3A_197 = tpu.memref_slice %arg5[%arg0, %add3A_192, %dma_start3A_196] : memref<2x10240x128xf32, #tpu.memory_space<hbm>> -> memref<1x64x128xf32, #tpu.memory_space<hbm>>
    %dma_start3A_198 = tpu.memref_squeeze %dma_start3A_197 : memref<1x64x128xf32, #tpu.memory_space<hbm>> -> memref<64x128xf32, #tpu.memory_space<hbm>>
    %dma_start3A_199 = arith.constant 0 : i32
    %dma_start3A_200 = tpu.memref_slice %arg5[%arg0, %add3A_192, %dma_start3A_199] : memref<2x10240x128xf32, #tpu.memory_space<hbm>> -> memref<1x64x128xf32, #tpu.memory_space<hbm>>
    %dma_start3A_201 = tpu.memref_squeeze %dma_start3A_200 : memref<1x64x128xf32, #tpu.memory_space<hbm>> -> memref<64x128xf32, #tpu.memory_space<hbm>>
    %dma_start3A_202 = arith.constant 0 : i32
    %dma_start3A_203 = arith.constant 0 : i32
    %dma_start3A_204 = tpu.memref_slice %arg9[%dma_start3A_202, %dma_start3A_203] : memref<128x128xf32, #tpu.memory_space<vmem>> -> memref<64x128xf32, #tpu.memory_space<vmem>>
    tpu.enqueue_dma source(%dma_start3A_204 : memref<64x128xf32, #tpu.memory_space<vmem>>) target(%dma_start3A_201 : memref<64x128xf32, #tpu.memory_space<hbm>>) target_semaphore(%arg12 : memref<!tpu.dma_semaphore, #tpu.memory_space<semaphore_mem>>)
    %mul3A_205 = arith.constant 640 : i32
    %mul3A_206 = arith.muli %arg1, %mul3A_205 : i32
    %add3A_207 = arith.constant 64 : i32
    %add3A_208 = arith.addi %mul3A_206, %add3A_207 : i32
    "tpu.region"() ({
      %run_scoped3A = tpu.sem_alloc : memref<!tpu.dma_semaphore, #tpu.memory_space<semaphore_mem>>
      %dma_start3A_485 = arith.constant 0 : i32
      %dma_start3A_486 = tpu.memref_slice %arg11[%add3A_208, %dma_start3A_485] : memref<10240x128xf32, #tpu.memory_space<vmem_shared>> -> memref<64x128xf32, #tpu.memory_space<vmem_shared>>
      %dma_start3A_487 = arith.constant 0 : i32
      %dma_start3A_488 = tpu.memref_slice %arg11[%add3A_208, %dma_start3A_487] : memref<10240x128xf32, #tpu.memory_space<vmem_shared>> -> memref<64x128xf32, #tpu.memory_space<vmem_shared>>
      tpu.enqueue_dma source(%dma_start3A_488 : memref<64x128xf32, #tpu.memory_space<vmem_shared>>) target(%arg10 : memref<64x128xf32, #tpu.memory_space<vmem>>) target_semaphore(%run_scoped3A : memref<!tpu.dma_semaphore, #tpu.memory_space<semaphore_mem>>)
      %dma_wait3A_489 = arith.constant 0 : i32
      %dma_wait3A_490 = tpu.memref_slice %arg11[%add3A_208, %dma_wait3A_489] : memref<10240x128xf32, #tpu.memory_space<vmem_shared>> -> memref<64x128xf32, #tpu.memory_space<vmem_shared>>
      %dma_wait3A_491 = arith.constant 0 : i32
      %dma_wait3A_492 = tpu.memref_slice %arg11[%add3A_208, %dma_wait3A_491] : memref<10240x128xf32, #tpu.memory_space<vmem_shared>> -> memref<64x128xf32, #tpu.memory_space<vmem_shared>>
      tpu.wait_dma2 semaphore(%run_scoped3A : memref<!tpu.dma_semaphore, #tpu.memory_space<semaphore_mem>>) src(%dma_wait3A_492 : memref<64x128xf32, #tpu.memory_space<vmem_shared>>) dst(%arg10 : memref<64x128xf32, #tpu.memory_space<vmem>>)
      tpu.yield
    }) : () -> ()
    %mul3A_209 = arith.constant 640 : i32
    %mul3A_210 = arith.muli %arg1, %mul3A_209 : i32
    %add3A_211 = arith.constant 64 : i32
    %add3A_212 = arith.addi %mul3A_210, %add3A_211 : i32
    %dma_start3A_213 = arith.constant 0 : i32
    %dma_start3A_214 = tpu.memref_slice %arg5[%arg0, %add3A_212, %dma_start3A_213] : memref<2x10240x128xf32, #tpu.memory_space<hbm>> -> memref<1x64x128xf32, #tpu.memory_space<hbm>>
    %dma_start3A_215 = tpu.memref_squeeze %dma_start3A_214 : memref<1x64x128xf32, #tpu.memory_space<hbm>> -> memref<64x128xf32, #tpu.memory_space<hbm>>
    %dma_start3A_216 = arith.constant 0 : i32
    %dma_start3A_217 = tpu.memref_slice %arg5[%arg0, %add3A_212, %dma_start3A_216] : memref<2x10240x128xf32, #tpu.memory_space<hbm>> -> memref<1x64x128xf32, #tpu.memory_space<hbm>>
    %dma_start3A_218 = tpu.memref_squeeze %dma_start3A_217 : memref<1x64x128xf32, #tpu.memory_space<hbm>> -> memref<64x128xf32, #tpu.memory_space<hbm>>
    tpu.enqueue_dma source(%arg10 : memref<64x128xf32, #tpu.memory_space<vmem>>) target(%dma_start3A_218 : memref<64x128xf32, #tpu.memory_space<hbm>>) target_semaphore(%arg13 : memref<!tpu.dma_semaphore, #tpu.memory_space<semaphore_mem>>)
    %mul3A_219 = arith.constant 640 : i32
    %mul3A_220 = arith.muli %arg1, %mul3A_219 : i32
    %add3A_221 = arith.constant 0 : i32
    %add3A_222 = arith.addi %mul3A_220, %add3A_221 : i32
    %dma_wait3A_223 = arith.constant 0 : i32
    %dma_wait3A_224 = arith.constant 0 : i32
    %dma_wait3A_225 = tpu.memref_slice %arg9[%dma_wait3A_223, %dma_wait3A_224] : memref<128x128xf32, #tpu.memory_space<vmem>> -> memref<64x128xf32, #tpu.memory_space<vmem>>
    %dma_wait3A_226 = arith.constant 0 : i32
    %dma_wait3A_227 = tpu.memref_slice %arg5[%arg0, %add3A_222, %dma_wait3A_226] : memref<2x10240x128xf32, #tpu.memory_space<hbm>> -> memref<1x64x128xf32, #tpu.memory_space<hbm>>
    %dma_wait3A_228 = tpu.memref_squeeze %dma_wait3A_227 : memref<1x64x128xf32, #tpu.memory_space<hbm>> -> memref<64x128xf32, #tpu.memory_space<hbm>>
    %dma_wait3A_229 = arith.constant 0 : i32
    %dma_wait3A_230 = tpu.memref_slice %arg5[%arg0, %add3A_222, %dma_wait3A_229] : memref<2x10240x128xf32, #tpu.memory_space<hbm>> -> memref<1x64x128xf32, #tpu.memory_space<hbm>>
    %dma_wait3A_231 = tpu.memref_squeeze %dma_wait3A_230 : memref<1x64x128xf32, #tpu.memory_space<hbm>> -> memref<64x128xf32, #tpu.memory_space<hbm>>
    %dma_wait3A_232 = arith.constant 0 : i32
    %dma_wait3A_233 = arith.constant 0 : i32
    %dma_wait3A_234 = tpu.memref_slice %arg9[%dma_wait3A_232, %dma_wait3A_233] : memref<128x128xf32, #tpu.memory_space<vmem>> -> memref<64x128xf32, #tpu.memory_space<vmem>>
    tpu.wait_dma2 semaphore(%arg12 : memref<!tpu.dma_semaphore, #tpu.memory_space<semaphore_mem>>) src(%dma_wait3A_234 : memref<64x128xf32, #tpu.memory_space<vmem>>) dst(%dma_wait3A_231 : memref<64x128xf32, #tpu.memory_space<hbm>>)
    %mul3A_235 = arith.constant 640 : i32
    %mul3A_236 = arith.muli %arg1, %mul3A_235 : i32
    %add3A_237 = arith.constant 128 : i32
    %add3A_238 = arith.addi %mul3A_236, %add3A_237 : i32
    "tpu.region"() ({
      %run_scoped3A = tpu.sem_alloc : memref<!tpu.dma_semaphore, #tpu.memory_space<semaphore_mem>>
      %dma_start3A_485 = arith.constant 0 : i32
      %dma_start3A_486 = arith.constant 0 : i32
      %dma_start3A_487 = tpu.memref_slice %arg9[%dma_start3A_485, %dma_start3A_486] : memref<128x128xf32, #tpu.memory_space<vmem>> -> memref<64x128xf32, #tpu.memory_space<vmem>>
      %dma_start3A_488 = arith.constant 0 : i32
      %dma_start3A_489 = tpu.memref_slice %arg11[%add3A_238, %dma_start3A_488] : memref<10240x128xf32, #tpu.memory_space<vmem_shared>> -> memref<64x128xf32, #tpu.memory_space<vmem_shared>>
      %dma_start3A_490 = arith.constant 0 : i32
      %dma_start3A_491 = arith.constant 0 : i32
      %dma_start3A_492 = tpu.memref_slice %arg9[%dma_start3A_490, %dma_start3A_491] : memref<128x128xf32, #tpu.memory_space<vmem>> -> memref<64x128xf32, #tpu.memory_space<vmem>>
      %dma_start3A_493 = arith.constant 0 : i32
      %dma_start3A_494 = tpu.memref_slice %arg11[%add3A_238, %dma_start3A_493] : memref<10240x128xf32, #tpu.memory_space<vmem_shared>> -> memref<64x128xf32, #tpu.memory_space<vmem_shared>>
      tpu.enqueue_dma source(%dma_start3A_494 : memref<64x128xf32, #tpu.memory_space<vmem_shared>>) target(%dma_start3A_492 : memref<64x128xf32, #tpu.memory_space<vmem>>) target_semaphore(%run_scoped3A : memref<!tpu.dma_semaphore, #tpu.memory_space<semaphore_mem>>)
      %dma_wait3A_495 = arith.constant 0 : i32
      %dma_wait3A_496 = arith.constant 0 : i32
      %dma_wait3A_497 = tpu.memref_slice %arg9[%dma_wait3A_495, %dma_wait3A_496] : memref<128x128xf32, #tpu.memory_space<vmem>> -> memref<64x128xf32, #tpu.memory_space<vmem>>
      %dma_wait3A_498 = arith.constant 0 : i32
      %dma_wait3A_499 = tpu.memref_slice %arg11[%add3A_238, %dma_wait3A_498] : memref<10240x128xf32, #tpu.memory_space<vmem_shared>> -> memref<64x128xf32, #tpu.memory_space<vmem_shared>>
      %dma_wait3A_500 = arith.constant 0 : i32
      %dma_wait3A_501 = arith.constant 0 : i32
      %dma_wait3A_502 = tpu.memref_slice %arg9[%dma_wait3A_500, %dma_wait3A_501] : memref<128x128xf32, #tpu.memory_space<vmem>> -> memref<64x128xf32, #tpu.memory_space<vmem>>
      %dma_wait3A_503 = arith.constant 0 : i32
      %dma_wait3A_504 = tpu.memref_slice %arg11[%add3A_238, %dma_wait3A_503] : memref<10240x128xf32, #tpu.memory_space<vmem_shared>> -> memref<64x128xf32, #tpu.memory_space<vmem_shared>>
      tpu.wait_dma2 semaphore(%run_scoped3A : memref<!tpu.dma_semaphore, #tpu.memory_space<semaphore_mem>>) src(%dma_wait3A_504 : memref<64x128xf32, #tpu.memory_space<vmem_shared>>) dst(%dma_wait3A_502 : memref<64x128xf32, #tpu.memory_space<vmem>>)
      tpu.yield
    }) : () -> ()
    %mul3A_239 = arith.constant 640 : i32
    %mul3A_240 = arith.muli %arg1, %mul3A_239 : i32
    %add3A_241 = arith.constant 128 : i32
    %add3A_242 = arith.addi %mul3A_240, %add3A_241 : i32
    %dma_start3A_243 = arith.constant 0 : i32
    %dma_start3A_244 = arith.constant 0 : i32
    %dma_start3A_245 = tpu.memref_slice %arg9[%dma_start3A_243, %dma_start3A_244] : memref<128x128xf32, #tpu.memory_space<vmem>> -> memref<64x128xf32, #tpu.memory_space<vmem>>
    %dma_start3A_246 = arith.constant 0 : i32
    %dma_start3A_247 = tpu.memref_slice %arg5[%arg0, %add3A_242, %dma_start3A_246] : memref<2x10240x128xf32, #tpu.memory_space<hbm>> -> memref<1x64x128xf32, #tpu.memory_space<hbm>>
    %dma_start3A_248 = tpu.memref_squeeze %dma_start3A_247 : memref<1x64x128xf32, #tpu.memory_space<hbm>> -> memref<64x128xf32, #tpu.memory_space<hbm>>
    %dma_start3A_249 = arith.constant 0 : i32
    %dma_start3A_250 = tpu.memref_slice %arg5[%arg0, %add3A_242, %dma_start3A_249] : memref<2x10240x128xf32, #tpu.memory_space<hbm>> -> memref<1x64x128xf32, #tpu.memory_space<hbm>>
    %dma_start3A_251 = tpu.memref_squeeze %dma_start3A_250 : memref<1x64x128xf32, #tpu.memory_space<hbm>> -> memref<64x128xf32, #tpu.memory_space<hbm>>
    %dma_start3A_252 = arith.constant 0 : i32
    %dma_start3A_253 = arith.constant 0 : i32
    %dma_start3A_254 = tpu.memref_slice %arg9[%dma_start3A_252, %dma_start3A_253] : memref<128x128xf32, #tpu.memory_space<vmem>> -> memref<64x128xf32, #tpu.memory_space<vmem>>
    tpu.enqueue_dma source(%dma_start3A_254 : memref<64x128xf32, #tpu.memory_space<vmem>>) target(%dma_start3A_251 : memref<64x128xf32, #tpu.memory_space<hbm>>) target_semaphore(%arg12 : memref<!tpu.dma_semaphore, #tpu.memory_space<semaphore_mem>>)
    %mul3A_255 = arith.constant 640 : i32
    %mul3A_256 = arith.muli %arg1, %mul3A_255 : i32
    %add3A_257 = arith.constant 64 : i32
    %add3A_258 = arith.addi %mul3A_256, %add3A_257 : i32
    %dma_wait3A_259 = arith.constant 0 : i32
    %dma_wait3A_260 = tpu.memref_slice %arg5[%arg0, %add3A_258, %dma_wait3A_259] : memref<2x10240x128xf32, #tpu.memory_space<hbm>> -> memref<1x64x128xf32, #tpu.memory_space<hbm>>
    %dma_wait3A_261 = tpu.memref_squeeze %dma_wait3A_260 : memref<1x64x128xf32, #tpu.memory_space<hbm>> -> memref<64x128xf32, #tpu.memory_space<hbm>>
    %dma_wait3A_262 = arith.constant 0 : i32
    %dma_wait3A_263 = tpu.memref_slice %arg5[%arg0, %add3A_258, %dma_wait3A_262] : memref<2x10240x128xf32, #tpu.memory_space<hbm>> -> memref<1x64x128xf32, #tpu.memory_space<hbm>>
    %dma_wait3A_264 = tpu.memref_squeeze %dma_wait3A_263 : memref<1x64x128xf32, #tpu.memory_space<hbm>> -> memref<64x128xf32, #tpu.memory_space<hbm>>
    tpu.wait_dma2 semaphore(%arg13 : memref<!tpu.dma_semaphore, #tpu.memory_space<semaphore_mem>>) src(%arg10 : memref<64x128xf32, #tpu.memory_space<vmem>>) dst(%dma_wait3A_264 : memref<64x128xf32, #tpu.memory_space<hbm>>)
    %mul3A_265 = arith.constant 640 : i32
    %mul3A_266 = arith.muli %arg1, %mul3A_265 : i32
    %add3A_267 = arith.constant 192 : i32
    %add3A_268 = arith.addi %mul3A_266, %add3A_267 : i32
    "tpu.region"() ({
      %run_scoped3A = tpu.sem_alloc : memref<!tpu.dma_semaphore, #tpu.memory_space<semaphore_mem>>
      %dma_start3A_485 = arith.constant 0 : i32
      %dma_start3A_486 = tpu.memref_slice %arg11[%add3A_268, %dma_start3A_485] : memref<10240x128xf32, #tpu.memory_space<vmem_shared>> -> memref<64x128xf32, #tpu.memory_space<vmem_shared>>
      %dma_start3A_487 = arith.constant 0 : i32
      %dma_start3A_488 = tpu.memref_slice %arg11[%add3A_268, %dma_start3A_487] : memref<10240x128xf32, #tpu.memory_space<vmem_shared>> -> memref<64x128xf32, #tpu.memory_space<vmem_shared>>
      tpu.enqueue_dma source(%dma_start3A_488 : memref<64x128xf32, #tpu.memory_space<vmem_shared>>) target(%arg10 : memref<64x128xf32, #tpu.memory_space<vmem>>) target_semaphore(%run_scoped3A : memref<!tpu.dma_semaphore, #tpu.memory_space<semaphore_mem>>)
      %dma_wait3A_489 = arith.constant 0 : i32
      %dma_wait3A_490 = tpu.memref_slice %arg11[%add3A_268, %dma_wait3A_489] : memref<10240x128xf32, #tpu.memory_space<vmem_shared>> -> memref<64x128xf32, #tpu.memory_space<vmem_shared>>
      %dma_wait3A_491 = arith.constant 0 : i32
      %dma_wait3A_492 = tpu.memref_slice %arg11[%add3A_268, %dma_wait3A_491] : memref<10240x128xf32, #tpu.memory_space<vmem_shared>> -> memref<64x128xf32, #tpu.memory_space<vmem_shared>>
      tpu.wait_dma2 semaphore(%run_scoped3A : memref<!tpu.dma_semaphore, #tpu.memory_space<semaphore_mem>>) src(%dma_wait3A_492 : memref<64x128xf32, #tpu.memory_space<vmem_shared>>) dst(%arg10 : memref<64x128xf32, #tpu.memory_space<vmem>>)
      tpu.yield
    }) : () -> ()
    %mul3A_269 = arith.constant 640 : i32
    %mul3A_270 = arith.muli %arg1, %mul3A_269 : i32
    %add3A_271 = arith.constant 192 : i32
    %add3A_272 = arith.addi %mul3A_270, %add3A_271 : i32
    %dma_start3A_273 = arith.constant 0 : i32
    %dma_start3A_274 = tpu.memref_slice %arg5[%arg0, %add3A_272, %dma_start3A_273] : memref<2x10240x128xf32, #tpu.memory_space<hbm>> -> memref<1x64x128xf32, #tpu.memory_space<hbm>>
    %dma_start3A_275 = tpu.memref_squeeze %dma_start3A_274 : memref<1x64x128xf32, #tpu.memory_space<hbm>> -> memref<64x128xf32, #tpu.memory_space<hbm>>
    %dma_start3A_276 = arith.constant 0 : i32
    %dma_start3A_277 = tpu.memref_slice %arg5[%arg0, %add3A_272, %dma_start3A_276] : memref<2x10240x128xf32, #tpu.memory_space<hbm>> -> memref<1x64x128xf32, #tpu.memory_space<hbm>>
    %dma_start3A_278 = tpu.memref_squeeze %dma_start3A_277 : memref<1x64x128xf32, #tpu.memory_space<hbm>> -> memref<64x128xf32, #tpu.memory_space<hbm>>
    tpu.enqueue_dma source(%arg10 : memref<64x128xf32, #tpu.memory_space<vmem>>) target(%dma_start3A_278 : memref<64x128xf32, #tpu.memory_space<hbm>>) target_semaphore(%arg13 : memref<!tpu.dma_semaphore, #tpu.memory_space<semaphore_mem>>)
    %mul3A_279 = arith.constant 640 : i32
    %mul3A_280 = arith.muli %arg1, %mul3A_279 : i32
    %add3A_281 = arith.constant 128 : i32
    %add3A_282 = arith.addi %mul3A_280, %add3A_281 : i32
    %dma_wait3A_283 = arith.constant 0 : i32
    %dma_wait3A_284 = arith.constant 0 : i32
    %dma_wait3A_285 = tpu.memref_slice %arg9[%dma_wait3A_283, %dma_wait3A_284] : memref<128x128xf32, #tpu.memory_space<vmem>> -> memref<64x128xf32, #tpu.memory_space<vmem>>
    %dma_wait3A_286 = arith.constant 0 : i32
    %dma_wait3A_287 = tpu.memref_slice %arg5[%arg0, %add3A_282, %dma_wait3A_286] : memref<2x10240x128xf32, #tpu.memory_space<hbm>> -> memref<1x64x128xf32, #tpu.memory_space<hbm>>
    %dma_wait3A_288 = tpu.memref_squeeze %dma_wait3A_287 : memref<1x64x128xf32, #tpu.memory_space<hbm>> -> memref<64x128xf32, #tpu.memory_space<hbm>>
    %dma_wait3A_289 = arith.constant 0 : i32
    %dma_wait3A_290 = tpu.memref_slice %arg5[%arg0, %add3A_282, %dma_wait3A_289] : memref<2x10240x128xf32, #tpu.memory_space<hbm>> -> memref<1x64x128xf32, #tpu.memory_space<hbm>>
    %dma_wait3A_291 = tpu.memref_squeeze %dma_wait3A_290 : memref<1x64x128xf32, #tpu.memory_space<hbm>> -> memref<64x128xf32, #tpu.memory_space<hbm>>
    %dma_wait3A_292 = arith.constant 0 : i32
    %dma_wait3A_293 = arith.constant 0 : i32
    %dma_wait3A_294 = tpu.memref_slice %arg9[%dma_wait3A_292, %dma_wait3A_293] : memref<128x128xf32, #tpu.memory_space<vmem>> -> memref<64x128xf32, #tpu.memory_space<vmem>>
    tpu.wait_dma2 semaphore(%arg12 : memref<!tpu.dma_semaphore, #tpu.memory_space<semaphore_mem>>) src(%dma_wait3A_294 : memref<64x128xf32, #tpu.memory_space<vmem>>) dst(%dma_wait3A_291 : memref<64x128xf32, #tpu.memory_space<hbm>>)
    %mul3A_295 = arith.constant 640 : i32
    %mul3A_296 = arith.muli %arg1, %mul3A_295 : i32
    %add3A_297 = arith.constant 256 : i32
    %add3A_298 = arith.addi %mul3A_296, %add3A_297 : i32
    "tpu.region"() ({
      %run_scoped3A = tpu.sem_alloc : memref<!tpu.dma_semaphore, #tpu.memory_space<semaphore_mem>>
      %dma_start3A_485 = arith.constant 0 : i32
      %dma_start3A_486 = arith.constant 0 : i32
      %dma_start3A_487 = tpu.memref_slice %arg9[%dma_start3A_485, %dma_start3A_486] : memref<128x128xf32, #tpu.memory_space<vmem>> -> memref<64x128xf32, #tpu.memory_space<vmem>>
      %dma_start3A_488 = arith.constant 0 : i32
      %dma_start3A_489 = tpu.memref_slice %arg11[%add3A_298, %dma_start3A_488] : memref<10240x128xf32, #tpu.memory_space<vmem_shared>> -> memref<64x128xf32, #tpu.memory_space<vmem_shared>>
      %dma_start3A_490 = arith.constant 0 : i32
      %dma_start3A_491 = arith.constant 0 : i32
      %dma_start3A_492 = tpu.memref_slice %arg9[%dma_start3A_490, %dma_start3A_491] : memref<128x128xf32, #tpu.memory_space<vmem>> -> memref<64x128xf32, #tpu.memory_space<vmem>>
      %dma_start3A_493 = arith.constant 0 : i32
      %dma_start3A_494 = tpu.memref_slice %arg11[%add3A_298, %dma_start3A_493] : memref<10240x128xf32, #tpu.memory_space<vmem_shared>> -> memref<64x128xf32, #tpu.memory_space<vmem_shared>>
      tpu.enqueue_dma source(%dma_start3A_494 : memref<64x128xf32, #tpu.memory_space<vmem_shared>>) target(%dma_start3A_492 : memref<64x128xf32, #tpu.memory_space<vmem>>) target_semaphore(%run_scoped3A : memref<!tpu.dma_semaphore, #tpu.memory_space<semaphore_mem>>)
      %dma_wait3A_495 = arith.constant 0 : i32
      %dma_wait3A_496 = arith.constant 0 : i32
      %dma_wait3A_497 = tpu.memref_slice %arg9[%dma_wait3A_495, %dma_wait3A_496] : memref<128x128xf32, #tpu.memory_space<vmem>> -> memref<64x128xf32, #tpu.memory_space<vmem>>
      %dma_wait3A_498 = arith.constant 0 : i32
      %dma_wait3A_499 = tpu.memref_slice %arg11[%add3A_298, %dma_wait3A_498] : memref<10240x128xf32, #tpu.memory_space<vmem_shared>> -> memref<64x128xf32, #tpu.memory_space<vmem_shared>>
      %dma_wait3A_500 = arith.constant 0 : i32
      %dma_wait3A_501 = arith.constant 0 : i32
      %dma_wait3A_502 = tpu.memref_slice %arg9[%dma_wait3A_500, %dma_wait3A_501] : memref<128x128xf32, #tpu.memory_space<vmem>> -> memref<64x128xf32, #tpu.memory_space<vmem>>
      %dma_wait3A_503 = arith.constant 0 : i32
      %dma_wait3A_504 = tpu.memref_slice %arg11[%add3A_298, %dma_wait3A_503] : memref<10240x128xf32, #tpu.memory_space<vmem_shared>> -> memref<64x128xf32, #tpu.memory_space<vmem_shared>>
      tpu.wait_dma2 semaphore(%run_scoped3A : memref<!tpu.dma_semaphore, #tpu.memory_space<semaphore_mem>>) src(%dma_wait3A_504 : memref<64x128xf32, #tpu.memory_space<vmem_shared>>) dst(%dma_wait3A_502 : memref<64x128xf32, #tpu.memory_space<vmem>>)
      tpu.yield
    }) : () -> ()
    %mul3A_299 = arith.constant 640 : i32
    %mul3A_300 = arith.muli %arg1, %mul3A_299 : i32
    %add3A_301 = arith.constant 256 : i32
    %add3A_302 = arith.addi %mul3A_300, %add3A_301 : i32
    %dma_start3A_303 = arith.constant 0 : i32
    %dma_start3A_304 = arith.constant 0 : i32
    %dma_start3A_305 = tpu.memref_slice %arg9[%dma_start3A_303, %dma_start3A_304] : memref<128x128xf32, #tpu.memory_space<vmem>> -> memref<64x128xf32, #tpu.memory_space<vmem>>
    %dma_start3A_306 = arith.constant 0 : i32
    %dma_start3A_307 = tpu.memref_slice %arg5[%arg0, %add3A_302, %dma_start3A_306] : memref<2x10240x128xf32, #tpu.memory_space<hbm>> -> memref<1x64x128xf32, #tpu.memory_space<hbm>>
    %dma_start3A_308 = tpu.memref_squeeze %dma_start3A_307 : memref<1x64x128xf32, #tpu.memory_space<hbm>> -> memref<64x128xf32, #tpu.memory_space<hbm>>
    %dma_start3A_309 = arith.constant 0 : i32
    %dma_start3A_310 = tpu.memref_slice %arg5[%arg0, %add3A_302, %dma_start3A_309] : memref<2x10240x128xf32, #tpu.memory_space<hbm>> -> memref<1x64x128xf32, #tpu.memory_space<hbm>>
    %dma_start3A_311 = tpu.memref_squeeze %dma_start3A_310 : memref<1x64x128xf32, #tpu.memory_space<hbm>> -> memref<64x128xf32, #tpu.memory_space<hbm>>
    %dma_start3A_312 = arith.constant 0 : i32
    %dma_start3A_313 = arith.constant 0 : i32
    %dma_start3A_314 = tpu.memref_slice %arg9[%dma_start3A_312, %dma_start3A_313] : memref<128x128xf32, #tpu.memory_space<vmem>> -> memref<64x128xf32, #tpu.memory_space<vmem>>
    tpu.enqueue_dma source(%dma_start3A_314 : memref<64x128xf32, #tpu.memory_space<vmem>>) target(%dma_start3A_311 : memref<64x128xf32, #tpu.memory_space<hbm>>) target_semaphore(%arg12 : memref<!tpu.dma_semaphore, #tpu.memory_space<semaphore_mem>>)
    %mul3A_315 = arith.constant 640 : i32
    %mul3A_316 = arith.muli %arg1, %mul3A_315 : i32
    %add3A_317 = arith.constant 192 : i32
    %add3A_318 = arith.addi %mul3A_316, %add3A_317 : i32
    %dma_wait3A_319 = arith.constant 0 : i32
    %dma_wait3A_320 = tpu.memref_slice %arg5[%arg0, %add3A_318, %dma_wait3A_319] : memref<2x10240x128xf32, #tpu.memory_space<hbm>> -> memref<1x64x128xf32, #tpu.memory_space<hbm>>
    %dma_wait3A_321 = tpu.memref_squeeze %dma_wait3A_320 : memref<1x64x128xf32, #tpu.memory_space<hbm>> -> memref<64x128xf32, #tpu.memory_space<hbm>>
    %dma_wait3A_322 = arith.constant 0 : i32
    %dma_wait3A_323 = tpu.memref_slice %arg5[%arg0, %add3A_318, %dma_wait3A_322] : memref<2x10240x128xf32, #tpu.memory_space<hbm>> -> memref<1x64x128xf32, #tpu.memory_space<hbm>>
    %dma_wait3A_324 = tpu.memref_squeeze %dma_wait3A_323 : memref<1x64x128xf32, #tpu.memory_space<hbm>> -> memref<64x128xf32, #tpu.memory_space<hbm>>
    tpu.wait_dma2 semaphore(%arg13 : memref<!tpu.dma_semaphore, #tpu.memory_space<semaphore_mem>>) src(%arg10 : memref<64x128xf32, #tpu.memory_space<vmem>>) dst(%dma_wait3A_324 : memref<64x128xf32, #tpu.memory_space<hbm>>)
    %mul3A_325 = arith.constant 640 : i32
    %mul3A_326 = arith.muli %arg1, %mul3A_325 : i32
    %add3A_327 = arith.constant 320 : i32
    %add3A_328 = arith.addi %mul3A_326, %add3A_327 : i32
    "tpu.region"() ({
      %run_scoped3A = tpu.sem_alloc : memref<!tpu.dma_semaphore, #tpu.memory_space<semaphore_mem>>
      %dma_start3A_485 = arith.constant 0 : i32
      %dma_start3A_486 = tpu.memref_slice %arg11[%add3A_328, %dma_start3A_485] : memref<10240x128xf32, #tpu.memory_space<vmem_shared>> -> memref<64x128xf32, #tpu.memory_space<vmem_shared>>
      %dma_start3A_487 = arith.constant 0 : i32
      %dma_start3A_488 = tpu.memref_slice %arg11[%add3A_328, %dma_start3A_487] : memref<10240x128xf32, #tpu.memory_space<vmem_shared>> -> memref<64x128xf32, #tpu.memory_space<vmem_shared>>
      tpu.enqueue_dma source(%dma_start3A_488 : memref<64x128xf32, #tpu.memory_space<vmem_shared>>) target(%arg10 : memref<64x128xf32, #tpu.memory_space<vmem>>) target_semaphore(%run_scoped3A : memref<!tpu.dma_semaphore, #tpu.memory_space<semaphore_mem>>)
      %dma_wait3A_489 = arith.constant 0 : i32
      %dma_wait3A_490 = tpu.memref_slice %arg11[%add3A_328, %dma_wait3A_489] : memref<10240x128xf32, #tpu.memory_space<vmem_shared>> -> memref<64x128xf32, #tpu.memory_space<vmem_shared>>
      %dma_wait3A_491 = arith.constant 0 : i32
      %dma_wait3A_492 = tpu.memref_slice %arg11[%add3A_328, %dma_wait3A_491] : memref<10240x128xf32, #tpu.memory_space<vmem_shared>> -> memref<64x128xf32, #tpu.memory_space<vmem_shared>>
      tpu.wait_dma2 semaphore(%run_scoped3A : memref<!tpu.dma_semaphore, #tpu.memory_space<semaphore_mem>>) src(%dma_wait3A_492 : memref<64x128xf32, #tpu.memory_space<vmem_shared>>) dst(%arg10 : memref<64x128xf32, #tpu.memory_space<vmem>>)
      tpu.yield
    }) : () -> ()
    %mul3A_329 = arith.constant 640 : i32
    %mul3A_330 = arith.muli %arg1, %mul3A_329 : i32
    %add3A_331 = arith.constant 320 : i32
    %add3A_332 = arith.addi %mul3A_330, %add3A_331 : i32
    %dma_start3A_333 = arith.constant 0 : i32
    %dma_start3A_334 = tpu.memref_slice %arg5[%arg0, %add3A_332, %dma_start3A_333] : memref<2x10240x128xf32, #tpu.memory_space<hbm>> -> memref<1x64x128xf32, #tpu.memory_space<hbm>>
    %dma_start3A_335 = tpu.memref_squeeze %dma_start3A_334 : memref<1x64x128xf32, #tpu.memory_space<hbm>> -> memref<64x128xf32, #tpu.memory_space<hbm>>
    %dma_start3A_336 = arith.constant 0 : i32
    %dma_start3A_337 = tpu.memref_slice %arg5[%arg0, %add3A_332, %dma_start3A_336] : memref<2x10240x128xf32, #tpu.memory_space<hbm>> -> memref<1x64x128xf32, #tpu.memory_space<hbm>>
    %dma_start3A_338 = tpu.memref_squeeze %dma_start3A_337 : memref<1x64x128xf32, #tpu.memory_space<hbm>> -> memref<64x128xf32, #tpu.memory_space<hbm>>
    tpu.enqueue_dma source(%arg10 : memref<64x128xf32, #tpu.memory_space<vmem>>) target(%dma_start3A_338 : memref<64x128xf32, #tpu.memory_space<hbm>>) target_semaphore(%arg13 : memref<!tpu.dma_semaphore, #tpu.memory_space<semaphore_mem>>)
    %mul3A_339 = arith.constant 640 : i32
    %mul3A_340 = arith.muli %arg1, %mul3A_339 : i32
    %add3A_341 = arith.constant 256 : i32
    %add3A_342 = arith.addi %mul3A_340, %add3A_341 : i32
    %dma_wait3A_343 = arith.constant 0 : i32
    %dma_wait3A_344 = arith.constant 0 : i32
    %dma_wait3A_345 = tpu.memref_slice %arg9[%dma_wait3A_343, %dma_wait3A_344] : memref<128x128xf32, #tpu.memory_space<vmem>> -> memref<64x128xf32, #tpu.memory_space<vmem>>
    %dma_wait3A_346 = arith.constant 0 : i32
    %dma_wait3A_347 = tpu.memref_slice %arg5[%arg0, %add3A_342, %dma_wait3A_346] : memref<2x10240x128xf32, #tpu.memory_space<hbm>> -> memref<1x64x128xf32, #tpu.memory_space<hbm>>
    %dma_wait3A_348 = tpu.memref_squeeze %dma_wait3A_347 : memref<1x64x128xf32, #tpu.memory_space<hbm>> -> memref<64x128xf32, #tpu.memory_space<hbm>>
    %dma_wait3A_349 = arith.constant 0 : i32
    %dma_wait3A_350 = tpu.memref_slice %arg5[%arg0, %add3A_342, %dma_wait3A_349] : memref<2x10240x128xf32, #tpu.memory_space<hbm>> -> memref<1x64x128xf32, #tpu.memory_space<hbm>>
    %dma_wait3A_351 = tpu.memref_squeeze %dma_wait3A_350 : memref<1x64x128xf32, #tpu.memory_space<hbm>> -> memref<64x128xf32, #tpu.memory_space<hbm>>
    %dma_wait3A_352 = arith.constant 0 : i32
    %dma_wait3A_353 = arith.constant 0 : i32
    %dma_wait3A_354 = tpu.memref_slice %arg9[%dma_wait3A_352, %dma_wait3A_353] : memref<128x128xf32, #tpu.memory_space<vmem>> -> memref<64x128xf32, #tpu.memory_space<vmem>>
    tpu.wait_dma2 semaphore(%arg12 : memref<!tpu.dma_semaphore, #tpu.memory_space<semaphore_mem>>) src(%dma_wait3A_354 : memref<64x128xf32, #tpu.memory_space<vmem>>) dst(%dma_wait3A_351 : memref<64x128xf32, #tpu.memory_space<hbm>>)
    %mul3A_355 = arith.constant 640 : i32
    %mul3A_356 = arith.muli %arg1, %mul3A_355 : i32
    %add3A_357 = arith.constant 384 : i32
    %add3A_358 = arith.addi %mul3A_356, %add3A_357 : i32
    "tpu.region"() ({
      %run_scoped3A = tpu.sem_alloc : memref<!tpu.dma_semaphore, #tpu.memory_space<semaphore_mem>>
      %dma_start3A_485 = arith.constant 0 : i32
      %dma_start3A_486 = arith.constant 0 : i32
      %dma_start3A_487 = tpu.memref_slice %arg9[%dma_start3A_485, %dma_start3A_486] : memref<128x128xf32, #tpu.memory_space<vmem>> -> memref<64x128xf32, #tpu.memory_space<vmem>>
      %dma_start3A_488 = arith.constant 0 : i32
      %dma_start3A_489 = tpu.memref_slice %arg11[%add3A_358, %dma_start3A_488] : memref<10240x128xf32, #tpu.memory_space<vmem_shared>> -> memref<64x128xf32, #tpu.memory_space<vmem_shared>>
      %dma_start3A_490 = arith.constant 0 : i32
      %dma_start3A_491 = arith.constant 0 : i32
      %dma_start3A_492 = tpu.memref_slice %arg9[%dma_start3A_490, %dma_start3A_491] : memref<128x128xf32, #tpu.memory_space<vmem>> -> memref<64x128xf32, #tpu.memory_space<vmem>>
      %dma_start3A_493 = arith.constant 0 : i32
      %dma_start3A_494 = tpu.memref_slice %arg11[%add3A_358, %dma_start3A_493] : memref<10240x128xf32, #tpu.memory_space<vmem_shared>> -> memref<64x128xf32, #tpu.memory_space<vmem_shared>>
      tpu.enqueue_dma source(%dma_start3A_494 : memref<64x128xf32, #tpu.memory_space<vmem_shared>>) target(%dma_start3A_492 : memref<64x128xf32, #tpu.memory_space<vmem>>) target_semaphore(%run_scoped3A : memref<!tpu.dma_semaphore, #tpu.memory_space<semaphore_mem>>)
      %dma_wait3A_495 = arith.constant 0 : i32
      %dma_wait3A_496 = arith.constant 0 : i32
      %dma_wait3A_497 = tpu.memref_slice %arg9[%dma_wait3A_495, %dma_wait3A_496] : memref<128x128xf32, #tpu.memory_space<vmem>> -> memref<64x128xf32, #tpu.memory_space<vmem>>
      %dma_wait3A_498 = arith.constant 0 : i32
      %dma_wait3A_499 = tpu.memref_slice %arg11[%add3A_358, %dma_wait3A_498] : memref<10240x128xf32, #tpu.memory_space<vmem_shared>> -> memref<64x128xf32, #tpu.memory_space<vmem_shared>>
      %dma_wait3A_500 = arith.constant 0 : i32
      %dma_wait3A_501 = arith.constant 0 : i32
      %dma_wait3A_502 = tpu.memref_slice %arg9[%dma_wait3A_500, %dma_wait3A_501] : memref<128x128xf32, #tpu.memory_space<vmem>> -> memref<64x128xf32, #tpu.memory_space<vmem>>
      %dma_wait3A_503 = arith.constant 0 : i32
      %dma_wait3A_504 = tpu.memref_slice %arg11[%add3A_358, %dma_wait3A_503] : memref<10240x128xf32, #tpu.memory_space<vmem_shared>> -> memref<64x128xf32, #tpu.memory_space<vmem_shared>>
      tpu.wait_dma2 semaphore(%run_scoped3A : memref<!tpu.dma_semaphore, #tpu.memory_space<semaphore_mem>>) src(%dma_wait3A_504 : memref<64x128xf32, #tpu.memory_space<vmem_shared>>) dst(%dma_wait3A_502 : memref<64x128xf32, #tpu.memory_space<vmem>>)
      tpu.yield
    }) : () -> ()
    %mul3A_359 = arith.constant 640 : i32
    %mul3A_360 = arith.muli %arg1, %mul3A_359 : i32
    %add3A_361 = arith.constant 384 : i32
    %add3A_362 = arith.addi %mul3A_360, %add3A_361 : i32
    %dma_start3A_363 = arith.constant 0 : i32
    %dma_start3A_364 = arith.constant 0 : i32
    %dma_start3A_365 = tpu.memref_slice %arg9[%dma_start3A_363, %dma_start3A_364] : memref<128x128xf32, #tpu.memory_space<vmem>> -> memref<64x128xf32, #tpu.memory_space<vmem>>
    %dma_start3A_366 = arith.constant 0 : i32
    %dma_start3A_367 = tpu.memref_slice %arg5[%arg0, %add3A_362, %dma_start3A_366] : memref<2x10240x128xf32, #tpu.memory_space<hbm>> -> memref<1x64x128xf32, #tpu.memory_space<hbm>>
    %dma_start3A_368 = tpu.memref_squeeze %dma_start3A_367 : memref<1x64x128xf32, #tpu.memory_space<hbm>> -> memref<64x128xf32, #tpu.memory_space<hbm>>
    %dma_start3A_369 = arith.constant 0 : i32
    %dma_start3A_370 = tpu.memref_slice %arg5[%arg0, %add3A_362, %dma_start3A_369] : memref<2x10240x128xf32, #tpu.memory_space<hbm>> -> memref<1x64x128xf32, #tpu.memory_space<hbm>>
    %dma_start3A_371 = tpu.memref_squeeze %dma_start3A_370 : memref<1x64x128xf32, #tpu.memory_space<hbm>> -> memref<64x128xf32, #tpu.memory_space<hbm>>
    %dma_start3A_372 = arith.constant 0 : i32
    %dma_start3A_373 = arith.constant 0 : i32
    %dma_start3A_374 = tpu.memref_slice %arg9[%dma_start3A_372, %dma_start3A_373] : memref<128x128xf32, #tpu.memory_space<vmem>> -> memref<64x128xf32, #tpu.memory_space<vmem>>
    tpu.enqueue_dma source(%dma_start3A_374 : memref<64x128xf32, #tpu.memory_space<vmem>>) target(%dma_start3A_371 : memref<64x128xf32, #tpu.memory_space<hbm>>) target_semaphore(%arg12 : memref<!tpu.dma_semaphore, #tpu.memory_space<semaphore_mem>>)
    %mul3A_375 = arith.constant 640 : i32
    %mul3A_376 = arith.muli %arg1, %mul3A_375 : i32
    %add3A_377 = arith.constant 320 : i32
    %add3A_378 = arith.addi %mul3A_376, %add3A_377 : i32
    %dma_wait3A_379 = arith.constant 0 : i32
    %dma_wait3A_380 = tpu.memref_slice %arg5[%arg0, %add3A_378, %dma_wait3A_379] : memref<2x10240x128xf32, #tpu.memory_space<hbm>> -> memref<1x64x128xf32, #tpu.memory_space<hbm>>
    %dma_wait3A_381 = tpu.memref_squeeze %dma_wait3A_380 : memref<1x64x128xf32, #tpu.memory_space<hbm>> -> memref<64x128xf32, #tpu.memory_space<hbm>>
    %dma_wait3A_382 = arith.constant 0 : i32
    %dma_wait3A_383 = tpu.memref_slice %arg5[%arg0, %add3A_378, %dma_wait3A_382] : memref<2x10240x128xf32, #tpu.memory_space<hbm>> -> memref<1x64x128xf32, #tpu.memory_space<hbm>>
    %dma_wait3A_384 = tpu.memref_squeeze %dma_wait3A_383 : memref<1x64x128xf32, #tpu.memory_space<hbm>> -> memref<64x128xf32, #tpu.memory_space<hbm>>
    tpu.wait_dma2 semaphore(%arg13 : memref<!tpu.dma_semaphore, #tpu.memory_space<semaphore_mem>>) src(%arg10 : memref<64x128xf32, #tpu.memory_space<vmem>>) dst(%dma_wait3A_384 : memref<64x128xf32, #tpu.memory_space<hbm>>)
    %mul3A_385 = arith.constant 640 : i32
    %mul3A_386 = arith.muli %arg1, %mul3A_385 : i32
    %add3A_387 = arith.constant 448 : i32
    %add3A_388 = arith.addi %mul3A_386, %add3A_387 : i32
    "tpu.region"() ({
      %run_scoped3A = tpu.sem_alloc : memref<!tpu.dma_semaphore, #tpu.memory_space<semaphore_mem>>
      %dma_start3A_485 = arith.constant 0 : i32
      %dma_start3A_486 = tpu.memref_slice %arg11[%add3A_388, %dma_start3A_485] : memref<10240x128xf32, #tpu.memory_space<vmem_shared>> -> memref<64x128xf32, #tpu.memory_space<vmem_shared>>
      %dma_start3A_487 = arith.constant 0 : i32
      %dma_start3A_488 = tpu.memref_slice %arg11[%add3A_388, %dma_start3A_487] : memref<10240x128xf32, #tpu.memory_space<vmem_shared>> -> memref<64x128xf32, #tpu.memory_space<vmem_shared>>
      tpu.enqueue_dma source(%dma_start3A_488 : memref<64x128xf32, #tpu.memory_space<vmem_shared>>) target(%arg10 : memref<64x128xf32, #tpu.memory_space<vmem>>) target_semaphore(%run_scoped3A : memref<!tpu.dma_semaphore, #tpu.memory_space<semaphore_mem>>)
      %dma_wait3A_489 = arith.constant 0 : i32
      %dma_wait3A_490 = tpu.memref_slice %arg11[%add3A_388, %dma_wait3A_489] : memref<10240x128xf32, #tpu.memory_space<vmem_shared>> -> memref<64x128xf32, #tpu.memory_space<vmem_shared>>
      %dma_wait3A_491 = arith.constant 0 : i32
      %dma_wait3A_492 = tpu.memref_slice %arg11[%add3A_388, %dma_wait3A_491] : memref<10240x128xf32, #tpu.memory_space<vmem_shared>> -> memref<64x128xf32, #tpu.memory_space<vmem_shared>>
      tpu.wait_dma2 semaphore(%run_scoped3A : memref<!tpu.dma_semaphore, #tpu.memory_space<semaphore_mem>>) src(%dma_wait3A_492 : memref<64x128xf32, #tpu.memory_space<vmem_shared>>) dst(%arg10 : memref<64x128xf32, #tpu.memory_space<vmem>>)
      tpu.yield
    }) : () -> ()
    %mul3A_389 = arith.constant 640 : i32
    %mul3A_390 = arith.muli %arg1, %mul3A_389 : i32
    %add3A_391 = arith.constant 448 : i32
    %add3A_392 = arith.addi %mul3A_390, %add3A_391 : i32
    %dma_start3A_393 = arith.constant 0 : i32
    %dma_start3A_394 = tpu.memref_slice %arg5[%arg0, %add3A_392, %dma_start3A_393] : memref<2x10240x128xf32, #tpu.memory_space<hbm>> -> memref<1x64x128xf32, #tpu.memory_space<hbm>>
    %dma_start3A_395 = tpu.memref_squeeze %dma_start3A_394 : memref<1x64x128xf32, #tpu.memory_space<hbm>> -> memref<64x128xf32, #tpu.memory_space<hbm>>
    %dma_start3A_396 = arith.constant 0 : i32
    %dma_start3A_397 = tpu.memref_slice %arg5[%arg0, %add3A_392, %dma_start3A_396] : memref<2x10240x128xf32, #tpu.memory_space<hbm>> -> memref<1x64x128xf32, #tpu.memory_space<hbm>>
    %dma_start3A_398 = tpu.memref_squeeze %dma_start3A_397 : memref<1x64x128xf32, #tpu.memory_space<hbm>> -> memref<64x128xf32, #tpu.memory_space<hbm>>
    tpu.enqueue_dma source(%arg10 : memref<64x128xf32, #tpu.memory_space<vmem>>) target(%dma_start3A_398 : memref<64x128xf32, #tpu.memory_space<hbm>>) target_semaphore(%arg13 : memref<!tpu.dma_semaphore, #tpu.memory_space<semaphore_mem>>)
    %mul3A_399 = arith.constant 640 : i32
    %mul3A_400 = arith.muli %arg1, %mul3A_399 : i32
    %add3A_401 = arith.constant 384 : i32
    %add3A_402 = arith.addi %mul3A_400, %add3A_401 : i32
    %dma_wait3A_403 = arith.constant 0 : i32
    %dma_wait3A_404 = arith.constant 0 : i32
    %dma_wait3A_405 = tpu.memref_slice %arg9[%dma_wait3A_403, %dma_wait3A_404] : memref<128x128xf32, #tpu.memory_space<vmem>> -> memref<64x128xf32, #tpu.memory_space<vmem>>
    %dma_wait3A_406 = arith.constant 0 : i32
    %dma_wait3A_407 = tpu.memref_slice %arg5[%arg0, %add3A_402, %dma_wait3A_406] : memref<2x10240x128xf32, #tpu.memory_space<hbm>> -> memref<1x64x128xf32, #tpu.memory_space<hbm>>
    %dma_wait3A_408 = tpu.memref_squeeze %dma_wait3A_407 : memref<1x64x128xf32, #tpu.memory_space<hbm>> -> memref<64x128xf32, #tpu.memory_space<hbm>>
    %dma_wait3A_409 = arith.constant 0 : i32
    %dma_wait3A_410 = tpu.memref_slice %arg5[%arg0, %add3A_402, %dma_wait3A_409] : memref<2x10240x128xf32, #tpu.memory_space<hbm>> -> memref<1x64x128xf32, #tpu.memory_space<hbm>>
    %dma_wait3A_411 = tpu.memref_squeeze %dma_wait3A_410 : memref<1x64x128xf32, #tpu.memory_space<hbm>> -> memref<64x128xf32, #tpu.memory_space<hbm>>
    %dma_wait3A_412 = arith.constant 0 : i32
    %dma_wait3A_413 = arith.constant 0 : i32
    %dma_wait3A_414 = tpu.memref_slice %arg9[%dma_wait3A_412, %dma_wait3A_413] : memref<128x128xf32, #tpu.memory_space<vmem>> -> memref<64x128xf32, #tpu.memory_space<vmem>>
    tpu.wait_dma2 semaphore(%arg12 : memref<!tpu.dma_semaphore, #tpu.memory_space<semaphore_mem>>) src(%dma_wait3A_414 : memref<64x128xf32, #tpu.memory_space<vmem>>) dst(%dma_wait3A_411 : memref<64x128xf32, #tpu.memory_space<hbm>>)
    %mul3A_415 = arith.constant 640 : i32
    %mul3A_416 = arith.muli %arg1, %mul3A_415 : i32
    %add3A_417 = arith.constant 512 : i32
    %add3A_418 = arith.addi %mul3A_416, %add3A_417 : i32
    "tpu.region"() ({
      %run_scoped3A = tpu.sem_alloc : memref<!tpu.dma_semaphore, #tpu.memory_space<semaphore_mem>>
      %dma_start3A_485 = arith.constant 0 : i32
      %dma_start3A_486 = arith.constant 0 : i32
      %dma_start3A_487 = tpu.memref_slice %arg9[%dma_start3A_485, %dma_start3A_486] : memref<128x128xf32, #tpu.memory_space<vmem>> -> memref<64x128xf32, #tpu.memory_space<vmem>>
      %dma_start3A_488 = arith.constant 0 : i32
      %dma_start3A_489 = tpu.memref_slice %arg11[%add3A_418, %dma_start3A_488] : memref<10240x128xf32, #tpu.memory_space<vmem_shared>> -> memref<64x128xf32, #tpu.memory_space<vmem_shared>>
      %dma_start3A_490 = arith.constant 0 : i32
      %dma_start3A_491 = arith.constant 0 : i32
      %dma_start3A_492 = tpu.memref_slice %arg9[%dma_start3A_490, %dma_start3A_491] : memref<128x128xf32, #tpu.memory_space<vmem>> -> memref<64x128xf32, #tpu.memory_space<vmem>>
      %dma_start3A_493 = arith.constant 0 : i32
      %dma_start3A_494 = tpu.memref_slice %arg11[%add3A_418, %dma_start3A_493] : memref<10240x128xf32, #tpu.memory_space<vmem_shared>> -> memref<64x128xf32, #tpu.memory_space<vmem_shared>>
      tpu.enqueue_dma source(%dma_start3A_494 : memref<64x128xf32, #tpu.memory_space<vmem_shared>>) target(%dma_start3A_492 : memref<64x128xf32, #tpu.memory_space<vmem>>) target_semaphore(%run_scoped3A : memref<!tpu.dma_semaphore, #tpu.memory_space<semaphore_mem>>)
      %dma_wait3A_495 = arith.constant 0 : i32
      %dma_wait3A_496 = arith.constant 0 : i32
      %dma_wait3A_497 = tpu.memref_slice %arg9[%dma_wait3A_495, %dma_wait3A_496] : memref<128x128xf32, #tpu.memory_space<vmem>> -> memref<64x128xf32, #tpu.memory_space<vmem>>
      %dma_wait3A_498 = arith.constant 0 : i32
      %dma_wait3A_499 = tpu.memref_slice %arg11[%add3A_418, %dma_wait3A_498] : memref<10240x128xf32, #tpu.memory_space<vmem_shared>> -> memref<64x128xf32, #tpu.memory_space<vmem_shared>>
      %dma_wait3A_500 = arith.constant 0 : i32
      %dma_wait3A_501 = arith.constant 0 : i32
      %dma_wait3A_502 = tpu.memref_slice %arg9[%dma_wait3A_500, %dma_wait3A_501] : memref<128x128xf32, #tpu.memory_space<vmem>> -> memref<64x128xf32, #tpu.memory_space<vmem>>
      %dma_wait3A_503 = arith.constant 0 : i32
      %dma_wait3A_504 = tpu.memref_slice %arg11[%add3A_418, %dma_wait3A_503] : memref<10240x128xf32, #tpu.memory_space<vmem_shared>> -> memref<64x128xf32, #tpu.memory_space<vmem_shared>>
      tpu.wait_dma2 semaphore(%run_scoped3A : memref<!tpu.dma_semaphore, #tpu.memory_space<semaphore_mem>>) src(%dma_wait3A_504 : memref<64x128xf32, #tpu.memory_space<vmem_shared>>) dst(%dma_wait3A_502 : memref<64x128xf32, #tpu.memory_space<vmem>>)
      tpu.yield
    }) : () -> ()
    %mul3A_419 = arith.constant 640 : i32
    %mul3A_420 = arith.muli %arg1, %mul3A_419 : i32
    %add3A_421 = arith.constant 512 : i32
    %add3A_422 = arith.addi %mul3A_420, %add3A_421 : i32
    %dma_start3A_423 = arith.constant 0 : i32
    %dma_start3A_424 = arith.constant 0 : i32
    %dma_start3A_425 = tpu.memref_slice %arg9[%dma_start3A_423, %dma_start3A_424] : memref<128x128xf32, #tpu.memory_space<vmem>> -> memref<64x128xf32, #tpu.memory_space<vmem>>
    %dma_start3A_426 = arith.constant 0 : i32
    %dma_start3A_427 = tpu.memref_slice %arg5[%arg0, %add3A_422, %dma_start3A_426] : memref<2x10240x128xf32, #tpu.memory_space<hbm>> -> memref<1x64x128xf32, #tpu.memory_space<hbm>>
    %dma_start3A_428 = tpu.memref_squeeze %dma_start3A_427 : memref<1x64x128xf32, #tpu.memory_space<hbm>> -> memref<64x128xf32, #tpu.memory_space<hbm>>
    %dma_start3A_429 = arith.constant 0 : i32
    %dma_start3A_430 = tpu.memref_slice %arg5[%arg0, %add3A_422, %dma_start3A_429] : memref<2x10240x128xf32, #tpu.memory_space<hbm>> -> memref<1x64x128xf32, #tpu.memory_space<hbm>>
    %dma_start3A_431 = tpu.memref_squeeze %dma_start3A_430 : memref<1x64x128xf32, #tpu.memory_space<hbm>> -> memref<64x128xf32, #tpu.memory_space<hbm>>
    %dma_start3A_432 = arith.constant 0 : i32
    %dma_start3A_433 = arith.constant 0 : i32
    %dma_start3A_434 = tpu.memref_slice %arg9[%dma_start3A_432, %dma_start3A_433] : memref<128x128xf32, #tpu.memory_space<vmem>> -> memref<64x128xf32, #tpu.memory_space<vmem>>
    tpu.enqueue_dma source(%dma_start3A_434 : memref<64x128xf32, #tpu.memory_space<vmem>>) target(%dma_start3A_431 : memref<64x128xf32, #tpu.memory_space<hbm>>) target_semaphore(%arg12 : memref<!tpu.dma_semaphore, #tpu.memory_space<semaphore_mem>>)
    %mul3A_435 = arith.constant 640 : i32
    %mul3A_436 = arith.muli %arg1, %mul3A_435 : i32
    %add3A_437 = arith.constant 448 : i32
    %add3A_438 = arith.addi %mul3A_436, %add3A_437 : i32
    %dma_wait3A_439 = arith.constant 0 : i32
    %dma_wait3A_440 = tpu.memref_slice %arg5[%arg0, %add3A_438, %dma_wait3A_439] : memref<2x10240x128xf32, #tpu.memory_space<hbm>> -> memref<1x64x128xf32, #tpu.memory_space<hbm>>
    %dma_wait3A_441 = tpu.memref_squeeze %dma_wait3A_440 : memref<1x64x128xf32, #tpu.memory_space<hbm>> -> memref<64x128xf32, #tpu.memory_space<hbm>>
    %dma_wait3A_442 = arith.constant 0 : i32
    %dma_wait3A_443 = tpu.memref_slice %arg5[%arg0, %add3A_438, %dma_wait3A_442] : memref<2x10240x128xf32, #tpu.memory_space<hbm>> -> memref<1x64x128xf32, #tpu.memory_space<hbm>>
    %dma_wait3A_444 = tpu.memref_squeeze %dma_wait3A_443 : memref<1x64x128xf32, #tpu.memory_space<hbm>> -> memref<64x128xf32, #tpu.memory_space<hbm>>
    tpu.wait_dma2 semaphore(%arg13 : memref<!tpu.dma_semaphore, #tpu.memory_space<semaphore_mem>>) src(%arg10 : memref<64x128xf32, #tpu.memory_space<vmem>>) dst(%dma_wait3A_444 : memref<64x128xf32, #tpu.memory_space<hbm>>)
    %mul3A_445 = arith.constant 640 : i32
    %mul3A_446 = arith.muli %arg1, %mul3A_445 : i32
    %add3A_447 = arith.constant 576 : i32
    %add3A_448 = arith.addi %mul3A_446, %add3A_447 : i32
    "tpu.region"() ({
      %run_scoped3A = tpu.sem_alloc : memref<!tpu.dma_semaphore, #tpu.memory_space<semaphore_mem>>
      %dma_start3A_485 = arith.constant 0 : i32
      %dma_start3A_486 = tpu.memref_slice %arg11[%add3A_448, %dma_start3A_485] : memref<10240x128xf32, #tpu.memory_space<vmem_shared>> -> memref<64x128xf32, #tpu.memory_space<vmem_shared>>
      %dma_start3A_487 = arith.constant 0 : i32
      %dma_start3A_488 = tpu.memref_slice %arg11[%add3A_448, %dma_start3A_487] : memref<10240x128xf32, #tpu.memory_space<vmem_shared>> -> memref<64x128xf32, #tpu.memory_space<vmem_shared>>
      tpu.enqueue_dma source(%dma_start3A_488 : memref<64x128xf32, #tpu.memory_space<vmem_shared>>) target(%arg10 : memref<64x128xf32, #tpu.memory_space<vmem>>) target_semaphore(%run_scoped3A : memref<!tpu.dma_semaphore, #tpu.memory_space<semaphore_mem>>)
      %dma_wait3A_489 = arith.constant 0 : i32
      %dma_wait3A_490 = tpu.memref_slice %arg11[%add3A_448, %dma_wait3A_489] : memref<10240x128xf32, #tpu.memory_space<vmem_shared>> -> memref<64x128xf32, #tpu.memory_space<vmem_shared>>
      %dma_wait3A_491 = arith.constant 0 : i32
      %dma_wait3A_492 = tpu.memref_slice %arg11[%add3A_448, %dma_wait3A_491] : memref<10240x128xf32, #tpu.memory_space<vmem_shared>> -> memref<64x128xf32, #tpu.memory_space<vmem_shared>>
      tpu.wait_dma2 semaphore(%run_scoped3A : memref<!tpu.dma_semaphore, #tpu.memory_space<semaphore_mem>>) src(%dma_wait3A_492 : memref<64x128xf32, #tpu.memory_space<vmem_shared>>) dst(%arg10 : memref<64x128xf32, #tpu.memory_space<vmem>>)
      tpu.yield
    }) : () -> ()
    %mul3A_449 = arith.constant 640 : i32
    %mul3A_450 = arith.muli %arg1, %mul3A_449 : i32
    %add3A_451 = arith.constant 576 : i32
    %add3A_452 = arith.addi %mul3A_450, %add3A_451 : i32
    %dma_start3A_453 = arith.constant 0 : i32
    %dma_start3A_454 = tpu.memref_slice %arg5[%arg0, %add3A_452, %dma_start3A_453] : memref<2x10240x128xf32, #tpu.memory_space<hbm>> -> memref<1x64x128xf32, #tpu.memory_space<hbm>>
    %dma_start3A_455 = tpu.memref_squeeze %dma_start3A_454 : memref<1x64x128xf32, #tpu.memory_space<hbm>> -> memref<64x128xf32, #tpu.memory_space<hbm>>
    %dma_start3A_456 = arith.constant 0 : i32
    %dma_start3A_457 = tpu.memref_slice %arg5[%arg0, %add3A_452, %dma_start3A_456] : memref<2x10240x128xf32, #tpu.memory_space<hbm>> -> memref<1x64x128xf32, #tpu.memory_space<hbm>>
    %dma_start3A_458 = tpu.memref_squeeze %dma_start3A_457 : memref<1x64x128xf32, #tpu.memory_space<hbm>> -> memref<64x128xf32, #tpu.memory_space<hbm>>
    tpu.enqueue_dma source(%arg10 : memref<64x128xf32, #tpu.memory_space<vmem>>) target(%dma_start3A_458 : memref<64x128xf32, #tpu.memory_space<hbm>>) target_semaphore(%arg13 : memref<!tpu.dma_semaphore, #tpu.memory_space<semaphore_mem>>)
    %mul3A_459 = arith.constant 640 : i32
    %mul3A_460 = arith.muli %arg1, %mul3A_459 : i32
    %add3A_461 = arith.constant 512 : i32
    %add3A_462 = arith.addi %mul3A_460, %add3A_461 : i32
    %dma_wait3A_463 = arith.constant 0 : i32
    %dma_wait3A_464 = arith.constant 0 : i32
    %dma_wait3A_465 = tpu.memref_slice %arg9[%dma_wait3A_463, %dma_wait3A_464] : memref<128x128xf32, #tpu.memory_space<vmem>> -> memref<64x128xf32, #tpu.memory_space<vmem>>
    %dma_wait3A_466 = arith.constant 0 : i32
    %dma_wait3A_467 = tpu.memref_slice %arg5[%arg0, %add3A_462, %dma_wait3A_466] : memref<2x10240x128xf32, #tpu.memory_space<hbm>> -> memref<1x64x128xf32, #tpu.memory_space<hbm>>
    %dma_wait3A_468 = tpu.memref_squeeze %dma_wait3A_467 : memref<1x64x128xf32, #tpu.memory_space<hbm>> -> memref<64x128xf32, #tpu.memory_space<hbm>>
    %dma_wait3A_469 = arith.constant 0 : i32
    %dma_wait3A_470 = tpu.memref_slice %arg5[%arg0, %add3A_462, %dma_wait3A_469] : memref<2x10240x128xf32, #tpu.memory_space<hbm>> -> memref<1x64x128xf32, #tpu.memory_space<hbm>>
    %dma_wait3A_471 = tpu.memref_squeeze %dma_wait3A_470 : memref<1x64x128xf32, #tpu.memory_space<hbm>> -> memref<64x128xf32, #tpu.memory_space<hbm>>
    %dma_wait3A_472 = arith.constant 0 : i32
    %dma_wait3A_473 = arith.constant 0 : i32
    %dma_wait3A_474 = tpu.memref_slice %arg9[%dma_wait3A_472, %dma_wait3A_473] : memref<128x128xf32, #tpu.memory_space<vmem>> -> memref<64x128xf32, #tpu.memory_space<vmem>>
    tpu.wait_dma2 semaphore(%arg12 : memref<!tpu.dma_semaphore, #tpu.memory_space<semaphore_mem>>) src(%dma_wait3A_474 : memref<64x128xf32, #tpu.memory_space<vmem>>) dst(%dma_wait3A_471 : memref<64x128xf32, #tpu.memory_space<hbm>>)
    %mul3A_475 = arith.constant 640 : i32
    %mul3A_476 = arith.muli %arg1, %mul3A_475 : i32
    %add3A_477 = arith.constant 576 : i32
    %add3A_478 = arith.addi %mul3A_476, %add3A_477 : i32
    %dma_wait3A_479 = arith.constant 0 : i32
    %dma_wait3A_480 = tpu.memref_slice %arg5[%arg0, %add3A_478, %dma_wait3A_479] : memref<2x10240x128xf32, #tpu.memory_space<hbm>> -> memref<1x64x128xf32, #tpu.memory_space<hbm>>
    %dma_wait3A_481 = tpu.memref_squeeze %dma_wait3A_480 : memref<1x64x128xf32, #tpu.memory_space<hbm>> -> memref<64x128xf32, #tpu.memory_space<hbm>>
    %dma_wait3A_482 = arith.constant 0 : i32
    %dma_wait3A_483 = tpu.memref_slice %arg5[%arg0, %add3A_478, %dma_wait3A_482] : memref<2x10240x128xf32, #tpu.memory_space<hbm>> -> memref<1x64x128xf32, #tpu.memory_space<hbm>>
    %dma_wait3A_484 = tpu.memref_squeeze %dma_wait3A_483 : memref<1x64x128xf32, #tpu.memory_space<hbm>> -> memref<64x128xf32, #tpu.memory_space<hbm>>
    tpu.wait_dma2 semaphore(%arg13 : memref<!tpu.dma_semaphore, #tpu.memory_space<semaphore_mem>>) src(%arg10 : memref<64x128xf32, #tpu.memory_space<vmem>>) dst(%dma_wait3A_484 : memref<64x128xf32, #tpu.memory_space<hbm>>)
    return
  }
}

module attributes {stable_mosaic.version = 14 : i64} {
  func.func @_dense1_body(%arg0: i32, %arg1: memref<2000x128xf32, #tpu.memory_space<vmem>>, %arg2: memref<2x2000x128xf32, #tpu.memory_space<vmem>>, %arg3: memref<2x2000x128xf32, #tpu.memory_space<vmem>>, %arg4: memref<128x128xf32, #tpu.memory_space<vmem>>, %arg5: memref<1x128xf32, #tpu.memory_space<vmem>>, %arg6: memref<128x128xf32, #tpu.memory_space<vmem>>, %arg7: memref<2000x128xf32, #tpu.memory_space<vmem>>) attributes {dimension_semantics = [#tpu.dimension_semantics<arbitrary>], iteration_bounds = array<i64: 5>, scalar_prefetch = 0 : i64, scratch_operands = 0 : i64, tpu.core_type = #tpu.core_type<tc>, window_params = [{transform_indices = @transform_0, window_bounds = array<i64: 2000, 128>}, {transform_indices = @transform_1, window_bounds = array<i64: 2, 2000, 128>}, {transform_indices = @transform_2, window_bounds = array<i64: 2, 2000, 128>}, {pipeline_mode = #tpu.pipeline_mode<synchronous>, transform_indices = @transform_3, window_bounds = array<i64: 128, 128>}, {pipeline_mode = #tpu.pipeline_mode<synchronous>, transform_indices = @transform_4, window_bounds = array<i64: 1, 128>}, {pipeline_mode = #tpu.pipeline_mode<synchronous>, transform_indices = @transform_5, window_bounds = array<i64: 128, 128>}, {transform_indices = @transform_6, window_bounds = array<i64: 2000, 128>}]} {
    %get3A = arith.constant 0 : index
    %get3A_0 = arith.constant 0 : index
    %get3A_1 = arith.constant 0 : index
    %get3A_2 = vector.load %arg2[%get3A, %get3A_0, %get3A_1] : memref<2x2000x128xf32, #tpu.memory_space<vmem>>, vector<1x2000x128xf32>
    %get3A_3 = vector.shape_cast %get3A_2 : vector<1x2000x128xf32> to vector<2000x128xf32>
    %get3A_4 = arith.constant 1 : index
    %get3A_5 = arith.constant 0 : index
    %get3A_6 = arith.constant 0 : index
    %get3A_7 = vector.load %arg2[%get3A_4, %get3A_5, %get3A_6] : memref<2x2000x128xf32, #tpu.memory_space<vmem>>, vector<1x2000x128xf32>
    %get3A_8 = vector.shape_cast %get3A_7 : vector<1x2000x128xf32> to vector<2000x128xf32>
    %add3A = arith.addf %get3A_3, %get3A_8 : vector<2000x128xf32>
    %get3A_9 = arith.constant 0 : index
    %get3A_10 = arith.constant 0 : index
    %get3A_11 = arith.constant 0 : index
    %get3A_12 = vector.load %arg3[%get3A_9, %get3A_10, %get3A_11] : memref<2x2000x128xf32, #tpu.memory_space<vmem>>, vector<1x2000x1xf32>
    %get3A_13 = vector.shape_cast %get3A_12 : vector<1x2000x1xf32> to vector<2000xf32>
    %get3A_14 = arith.constant 1 : index
    %get3A_15 = arith.constant 0 : index
    %get3A_16 = arith.constant 0 : index
    %get3A_17 = vector.load %arg3[%get3A_14, %get3A_15, %get3A_16] : memref<2x2000x128xf32, #tpu.memory_space<vmem>>, vector<1x2000x1xf32>
    %get3A_18 = vector.shape_cast %get3A_17 : vector<1x2000x1xf32> to vector<2000xf32>
    %add3A_19 = arith.addf %get3A_13, %get3A_18 : vector<2000xf32>
    %max3A = arith.constant 1.000000e+00 : f32
    %max3A_20 = vector.broadcast %max3A : f32 to vector<2000xf32>
    %max3A_21 = arith.maximumf %add3A_19, %max3A_20 : vector<2000xf32>
    %broadcast_in_dim3A = vector.shape_cast %max3A_21 : vector<2000xf32> to vector<2000x1xf32>
    %div3A = vector.broadcast %broadcast_in_dim3A : vector<2000x1xf32> to vector<2000x128xf32>
    %div3A_22 = arith.divf %add3A, %div3A : vector<2000x128xf32>
    %get3A_23 = arith.constant 0 : index
    %get3A_24 = arith.constant 0 : index
    %get3A_25 = vector.load %arg4[%get3A_23, %get3A_24] : memref<128x128xf32, #tpu.memory_space<vmem>>, vector<128x128xf32>
    %dot_general3A = arith.constant dense<0.000000e+00> : vector<2000x128xf32>
    %dot_general3A_26 = tpu.matmul %div3A_22, %get3A_25, %dot_general3A {dimension_numbers = #tpu.dot_dimension_numbers<[1], [0], [0], [1], [0, 0, 1, 1], [], []>, transpose_lhs_hint = false} : vector<2000x128xf32>, vector<128x128xf32>, vector<2000x128xf32> -> vector<2000x128xf32>
    %get3A_27 = arith.constant 0 : index
    %get3A_28 = arith.constant 0 : index
    %get3A_29 = vector.load %arg5[%get3A_27, %get3A_28] : memref<1x128xf32, #tpu.memory_space<vmem>>, vector<1x128xf32>
    %add3A_30 = vector.broadcast %get3A_29 : vector<1x128xf32> to vector<2000x128xf32>
    %add3A_31 = arith.addf %dot_general3A_26, %add3A_30 : vector<2000x128xf32>
    %get3A_32 = arith.constant 0 : index
    %get3A_33 = arith.constant 0 : index
    %get3A_34 = vector.load %arg1[%get3A_32, %get3A_33] : memref<2000x128xf32, #tpu.memory_space<vmem>>, vector<2000x128xf32>
    %get3A_35 = arith.constant 0 : index
    %get3A_36 = arith.constant 0 : index
    %get3A_37 = vector.load %arg6[%get3A_35, %get3A_36] : memref<128x128xf32, #tpu.memory_space<vmem>>, vector<128x128xf32>
    %dot_general3A_38 = arith.constant dense<0.000000e+00> : vector<2000x128xf32>
    %dot_general3A_39 = tpu.matmul %get3A_34, %get3A_37, %dot_general3A_38 {dimension_numbers = #tpu.dot_dimension_numbers<[1], [0], [0], [1], [0, 0, 1, 1], [], []>, transpose_lhs_hint = false} : vector<2000x128xf32>, vector<128x128xf32>, vector<2000x128xf32> -> vector<2000x128xf32>
    %add3A_40 = arith.addf %add3A_31, %dot_general3A_39 : vector<2000x128xf32>
    %max3A_41 = arith.constant 0.000000e+00 : f32
    %max3A_42 = vector.broadcast %max3A_41 : f32 to vector<2000x128xf32>
    %max3A_43 = arith.maximumf %add3A_40, %max3A_42 : vector<2000x128xf32>
    %swap3A = arith.constant 0 : index
    %swap3A_44 = arith.constant 0 : index
    %swap3A_45 = vector.load %arg7[%swap3A, %swap3A_44] : memref<2000x128xf32, #tpu.memory_space<vmem>>, vector<2000x128xf32>
    tpu.vector_store %arg7[%swap3A, %swap3A_44], %max3A_43 {strides = array<i32>} : memref<2000x128xf32, #tpu.memory_space<vmem>>, vector<2000x128xf32>,
    return
  }
  func.func @transform_0(%arg0: i32) -> (i32, i32) {
    %c0_i32 = arith.constant 0 : i32
    %c0_i32_0 = arith.constant 0 : i32
    return %arg0, %c0_i32 : i32, i32
  }
  func.func @transform_1(%arg0: i32) -> (i32, i32, i32) {
    %c0_i32 = arith.constant 0 : i32
    %c0_i32_0 = arith.constant 0 : i32
    %c0_i32_1 = arith.constant 0 : i32
    return %c0_i32, %arg0, %c0_i32_0 : i32, i32, i32
  }
  func.func @transform_2(%arg0: i32) -> (i32, i32, i32) {
    %c0_i32 = arith.constant 0 : i32
    %c0_i32_0 = arith.constant 0 : i32
    %c0_i32_1 = arith.constant 0 : i32
    return %c0_i32, %arg0, %c0_i32_0 : i32, i32, i32
  }
  func.func @transform_3(%arg0: i32) -> (i32, i32) {
    %c0_i32 = arith.constant 0 : i32
    %c0_i32_0 = arith.constant 0 : i32
    %c0_i32_1 = arith.constant 0 : i32
    return %c0_i32, %c0_i32_0 : i32, i32
  }
  func.func @transform_4(%arg0: i32) -> (i32, i32) {
    %c0_i32 = arith.constant 0 : i32
    %c0_i32_0 = arith.constant 0 : i32
    %c0_i32_1 = arith.constant 0 : i32
    return %c0_i32, %c0_i32_0 : i32, i32
  }
  func.func @transform_5(%arg0: i32) -> (i32, i32) {
    %c0_i32 = arith.constant 0 : i32
    %c0_i32_0 = arith.constant 0 : i32
    %c0_i32_1 = arith.constant 0 : i32
    return %c0_i32, %c0_i32_0 : i32, i32
  }
  func.func @transform_6(%arg0: i32) -> (i32, i32) {
    %c0_i32 = arith.constant 0 : i32
    %c0_i32_0 = arith.constant 0 : i32
    return %arg0, %c0_i32 : i32, i32
  }
}

module attributes {stable_mosaic.version = 14 : i64} {
  func.func @_dense2_body(%arg0: i32, %arg1: memref<2000x128xf32, #tpu.memory_space<vmem>>, %arg2: memref<2x2000x128xf32, #tpu.memory_space<vmem>>, %arg3: memref<2x2000x128xf32, #tpu.memory_space<vmem>>, %arg4: memref<128x128xf32, #tpu.memory_space<vmem>>, %arg5: memref<1x128xf32, #tpu.memory_space<vmem>>, %arg6: memref<128x128xf32, #tpu.memory_space<vmem>>, %arg7: memref<1x128xf32, #tpu.memory_space<vmem>>, %arg8: memref<1x1xf32, #tpu.memory_space<vmem>>, %arg9: memref<1x128xf32, #tpu.memory_space<vmem>>, %arg10: memref<1x1xf32, #tpu.memory_space<vmem>>, %arg11: memref<2000x1xf32, #tpu.memory_space<vmem>>, %arg12: memref<2000x1xf32, #tpu.memory_space<vmem>>) attributes {dimension_semantics = [#tpu.dimension_semantics<arbitrary>], iteration_bounds = array<i64: 5>, scalar_prefetch = 0 : i64, scratch_operands = 0 : i64, tpu.core_type = #tpu.core_type<tc>, window_params = [{transform_indices = @transform_0, window_bounds = array<i64: 2000, 128>}, {transform_indices = @transform_1, window_bounds = array<i64: 2, 2000, 128>}, {transform_indices = @transform_2, window_bounds = array<i64: 2, 2000, 128>}, {pipeline_mode = #tpu.pipeline_mode<synchronous>, transform_indices = @transform_3, window_bounds = array<i64: 128, 128>}, {pipeline_mode = #tpu.pipeline_mode<synchronous>, transform_indices = @transform_4, window_bounds = array<i64: 1, 128>}, {pipeline_mode = #tpu.pipeline_mode<synchronous>, transform_indices = @transform_5, window_bounds = array<i64: 128, 128>}, {pipeline_mode = #tpu.pipeline_mode<synchronous>, transform_indices = @transform_6, window_bounds = array<i64: 1, 128>}, {pipeline_mode = #tpu.pipeline_mode<synchronous>, transform_indices = @transform_7, window_bounds = array<i64: 1, 1>}, {pipeline_mode = #tpu.pipeline_mode<synchronous>, transform_indices = @transform_8, window_bounds = array<i64: 1, 128>}, {pipeline_mode = #tpu.pipeline_mode<synchronous>, transform_indices = @transform_9, window_bounds = array<i64: 1, 1>}, {transform_indices = @transform_10, window_bounds = array<i64: 2000, 1>}, {transform_indices = @transform_11, window_bounds = array<i64: 2000, 1>}]} {
    %get3A = arith.constant 0 : index
    %get3A_0 = arith.constant 0 : index
    %get3A_1 = arith.constant 0 : index
    %get3A_2 = vector.load %arg2[%get3A, %get3A_0, %get3A_1] : memref<2x2000x128xf32, #tpu.memory_space<vmem>>, vector<1x2000x128xf32>
    %get3A_3 = vector.shape_cast %get3A_2 : vector<1x2000x128xf32> to vector<2000x128xf32>
    %get3A_4 = arith.constant 1 : index
    %get3A_5 = arith.constant 0 : index
    %get3A_6 = arith.constant 0 : index
    %get3A_7 = vector.load %arg2[%get3A_4, %get3A_5, %get3A_6] : memref<2x2000x128xf32, #tpu.memory_space<vmem>>, vector<1x2000x128xf32>
    %get3A_8 = vector.shape_cast %get3A_7 : vector<1x2000x128xf32> to vector<2000x128xf32>
    %add3A = arith.addf %get3A_3, %get3A_8 : vector<2000x128xf32>
    %get3A_9 = arith.constant 0 : index
    %get3A_10 = arith.constant 0 : index
    %get3A_11 = arith.constant 0 : index
    %get3A_12 = vector.load %arg3[%get3A_9, %get3A_10, %get3A_11] : memref<2x2000x128xf32, #tpu.memory_space<vmem>>, vector<1x2000x1xf32>
    %get3A_13 = vector.shape_cast %get3A_12 : vector<1x2000x1xf32> to vector<2000xf32>
    %get3A_14 = arith.constant 1 : index
    %get3A_15 = arith.constant 0 : index
    %get3A_16 = arith.constant 0 : index
    %get3A_17 = vector.load %arg3[%get3A_14, %get3A_15, %get3A_16] : memref<2x2000x128xf32, #tpu.memory_space<vmem>>, vector<1x2000x1xf32>
    %get3A_18 = vector.shape_cast %get3A_17 : vector<1x2000x1xf32> to vector<2000xf32>
    %add3A_19 = arith.addf %get3A_13, %get3A_18 : vector<2000xf32>
    %max3A = arith.constant 1.000000e+00 : f32
    %max3A_20 = vector.broadcast %max3A : f32 to vector<2000xf32>
    %max3A_21 = arith.maximumf %add3A_19, %max3A_20 : vector<2000xf32>
    %broadcast_in_dim3A = vector.shape_cast %max3A_21 : vector<2000xf32> to vector<2000x1xf32>
    %div3A = vector.broadcast %broadcast_in_dim3A : vector<2000x1xf32> to vector<2000x128xf32>
    %div3A_22 = arith.divf %add3A, %div3A : vector<2000x128xf32>
    %get3A_23 = arith.constant 0 : index
    %get3A_24 = arith.constant 0 : index
    %get3A_25 = vector.load %arg4[%get3A_23, %get3A_24] : memref<128x128xf32, #tpu.memory_space<vmem>>, vector<128x128xf32>
    %dot_general3A = arith.constant dense<0.000000e+00> : vector<2000x128xf32>
    %dot_general3A_26 = tpu.matmul %div3A_22, %get3A_25, %dot_general3A {dimension_numbers = #tpu.dot_dimension_numbers<[1], [0], [0], [1], [0, 0, 1, 1], [], []>, transpose_lhs_hint = false} : vector<2000x128xf32>, vector<128x128xf32>, vector<2000x128xf32> -> vector<2000x128xf32>
    %get3A_27 = arith.constant 0 : index
    %get3A_28 = arith.constant 0 : index
    %get3A_29 = vector.load %arg5[%get3A_27, %get3A_28] : memref<1x128xf32, #tpu.memory_space<vmem>>, vector<1x128xf32>
    %add3A_30 = vector.broadcast %get3A_29 : vector<1x128xf32> to vector<2000x128xf32>
    %add3A_31 = arith.addf %dot_general3A_26, %add3A_30 : vector<2000x128xf32>
    %get3A_32 = arith.constant 0 : index
    %get3A_33 = arith.constant 0 : index
    %get3A_34 = vector.load %arg1[%get3A_32, %get3A_33] : memref<2000x128xf32, #tpu.memory_space<vmem>>, vector<2000x128xf32>
    %get3A_35 = arith.constant 0 : index
    %get3A_36 = arith.constant 0 : index
    %get3A_37 = vector.load %arg6[%get3A_35, %get3A_36] : memref<128x128xf32, #tpu.memory_space<vmem>>, vector<128x128xf32>
    %dot_general3A_38 = arith.constant dense<0.000000e+00> : vector<2000x128xf32>
    %dot_general3A_39 = tpu.matmul %get3A_34, %get3A_37, %dot_general3A_38 {dimension_numbers = #tpu.dot_dimension_numbers<[1], [0], [0], [1], [0, 0, 1, 1], [], []>, transpose_lhs_hint = false} : vector<2000x128xf32>, vector<128x128xf32>, vector<2000x128xf32> -> vector<2000x128xf32>
    %add3A_40 = arith.addf %add3A_31, %dot_general3A_39 : vector<2000x128xf32>
    %max3A_41 = arith.constant 0.000000e+00 : f32
    %max3A_42 = vector.broadcast %max3A_41 : f32 to vector<2000x128xf32>
    %max3A_43 = arith.maximumf %add3A_40, %max3A_42 : vector<2000x128xf32>
    %get3A_44 = arith.constant 0 : index
    %get3A_45 = arith.constant 0 : index
    %get3A_46 = vector.load %arg7[%get3A_44, %get3A_45] : memref<1x128xf32, #tpu.memory_space<vmem>>, vector<1x128xf32>
    %mul3A = vector.broadcast %get3A_46 : vector<1x128xf32> to vector<2000x128xf32>
    %mul3A_47 = arith.mulf %max3A_43, %mul3A : vector<2000x128xf32>
    %reduce_sum3A = arith.constant dense<0.000000e+00> : vector<2000xf32>
    %reduce_sum3A_48 = vector.multi_reduction <add>, %mul3A_47, %reduce_sum3A [1] : vector<2000x128xf32> to vector<2000xf32>
    %get3A_49 = arith.constant 0 : index
    %get3A_50 = arith.constant 0 : index
    %get3A_51 = vector.load %arg8[%get3A_49, %get3A_50] : memref<1x1xf32, #tpu.memory_space<vmem>>, vector<1x1xf32>
    %get3A_52 = vector.extract %get3A_51[0, 0] : f32 from vector<1x1xf32>
    %add3A_53 = vector.broadcast %get3A_52 : f32 to vector<2000xf32>
    %add3A_54 = arith.addf %reduce_sum3A_48, %add3A_53 : vector<2000xf32>
    %get3A_55 = arith.constant 0 : index
    %get3A_56 = arith.constant 0 : index
    %get3A_57 = vector.load %arg9[%get3A_55, %get3A_56] : memref<1x128xf32, #tpu.memory_space<vmem>>, vector<1x128xf32>
    %mul3A_58 = vector.broadcast %get3A_57 : vector<1x128xf32> to vector<2000x128xf32>
    %mul3A_59 = arith.mulf %max3A_43, %mul3A_58 : vector<2000x128xf32>
    %reduce_sum3A_60 = arith.constant dense<0.000000e+00> : vector<2000xf32>
    %reduce_sum3A_61 = vector.multi_reduction <add>, %mul3A_59, %reduce_sum3A_60 [1] : vector<2000x128xf32> to vector<2000xf32>
    %get3A_62 = arith.constant 0 : index
    %get3A_63 = arith.constant 0 : index
    %get3A_64 = vector.load %arg10[%get3A_62, %get3A_63] : memref<1x1xf32, #tpu.memory_space<vmem>>, vector<1x1xf32>
    %get3A_65 = vector.extract %get3A_64[0, 0] : f32 from vector<1x1xf32>
    %add3A_66 = vector.broadcast %get3A_65 : f32 to vector<2000xf32>
    %add3A_67 = arith.addf %reduce_sum3A_61, %add3A_66 : vector<2000xf32>
    %logistic3A = arith.negf %add3A_67 : vector<2000xf32>
    %logistic3A_68 = math.exp %logistic3A : vector<2000xf32>
    %logistic3A_69 = arith.constant 1.000000e+00 : f32
    %logistic3A_70 = vector.broadcast %logistic3A_69 : f32 to vector<2000xf32>
    %logistic3A_71 = arith.addf %logistic3A_70, %logistic3A_68 : vector<2000xf32>
    %logistic3A_72 = arith.divf %logistic3A_70, %logistic3A_71 : vector<2000xf32>
    %sub3A = arith.subf %add3A_54, %logistic3A_72 : vector<2000xf32>
    %broadcast_in_dim3A_73 = vector.shape_cast %sub3A : vector<2000xf32> to vector<2000x1xf32>
    %swap3A = arith.constant 0 : index
    %swap3A_74 = arith.constant 0 : index
    %swap3A_75 = vector.load %arg11[%swap3A, %swap3A_74] : memref<2000x1xf32, #tpu.memory_space<vmem>>, vector<2000x1xf32>
    tpu.vector_store %arg11[%swap3A, %swap3A_74], %broadcast_in_dim3A_73 {strides = array<i32>} : memref<2000x1xf32, #tpu.memory_space<vmem>>, vector<2000x1xf32>,
    %add3A_76 = arith.addf %add3A_54, %logistic3A_72 : vector<2000xf32>
    %broadcast_in_dim3A_77 = vector.shape_cast %add3A_76 : vector<2000xf32> to vector<2000x1xf32>
    %swap3A_78 = arith.constant 0 : index
    %swap3A_79 = arith.constant 0 : index
    %swap3A_80 = vector.load %arg12[%swap3A_78, %swap3A_79] : memref<2000x1xf32, #tpu.memory_space<vmem>>, vector<2000x1xf32>
    tpu.vector_store %arg12[%swap3A_78, %swap3A_79], %broadcast_in_dim3A_77 {strides = array<i32>} : memref<2000x1xf32, #tpu.memory_space<vmem>>, vector<2000x1xf32>,
    return
  }
  func.func @transform_0(%arg0: i32) -> (i32, i32) {
    %c0_i32 = arith.constant 0 : i32
    %c0_i32_0 = arith.constant 0 : i32
    return %arg0, %c0_i32 : i32, i32
  }
  func.func @transform_1(%arg0: i32) -> (i32, i32, i32) {
    %c0_i32 = arith.constant 0 : i32
    %c0_i32_0 = arith.constant 0 : i32
    %c0_i32_1 = arith.constant 0 : i32
    return %c0_i32, %arg0, %c0_i32_0 : i32, i32, i32
  }
  func.func @transform_2(%arg0: i32) -> (i32, i32, i32) {
    %c0_i32 = arith.constant 0 : i32
    %c0_i32_0 = arith.constant 0 : i32
    %c0_i32_1 = arith.constant 0 : i32
    return %c0_i32, %arg0, %c0_i32_0 : i32, i32, i32
  }
  func.func @transform_3(%arg0: i32) -> (i32, i32) {
    %c0_i32 = arith.constant 0 : i32
    %c0_i32_0 = arith.constant 0 : i32
    %c0_i32_1 = arith.constant 0 : i32
    return %c0_i32, %c0_i32_0 : i32, i32
  }
  func.func @transform_4(%arg0: i32) -> (i32, i32) {
    %c0_i32 = arith.constant 0 : i32
    %c0_i32_0 = arith.constant 0 : i32
    %c0_i32_1 = arith.constant 0 : i32
    return %c0_i32, %c0_i32_0 : i32, i32
  }
  func.func @transform_5(%arg0: i32) -> (i32, i32) {
    %c0_i32 = arith.constant 0 : i32
    %c0_i32_0 = arith.constant 0 : i32
    %c0_i32_1 = arith.constant 0 : i32
    return %c0_i32, %c0_i32_0 : i32, i32
  }
  func.func @transform_6(%arg0: i32) -> (i32, i32) {
    %c0_i32 = arith.constant 0 : i32
    %c0_i32_0 = arith.constant 0 : i32
    %c0_i32_1 = arith.constant 0 : i32
    return %c0_i32, %c0_i32_0 : i32, i32
  }
  func.func @transform_7(%arg0: i32) -> (i32, i32) {
    %c0_i32 = arith.constant 0 : i32
    %c0_i32_0 = arith.constant 0 : i32
    %c0_i32_1 = arith.constant 0 : i32
    return %c0_i32, %c0_i32_0 : i32, i32
  }
  func.func @transform_8(%arg0: i32) -> (i32, i32) {
    %c0_i32 = arith.constant 0 : i32
    %c0_i32_0 = arith.constant 0 : i32
    %c0_i32_1 = arith.constant 0 : i32
    return %c0_i32, %c0_i32_0 : i32, i32
  }
  func.func @transform_9(%arg0: i32) -> (i32, i32) {
    %c0_i32 = arith.constant 0 : i32
    %c0_i32_0 = arith.constant 0 : i32
    %c0_i32_1 = arith.constant 0 : i32
    return %c0_i32, %c0_i32_0 : i32, i32
  }
  func.func @transform_10(%arg0: i32) -> (i32, i32) {
    %c0_i32 = arith.constant 0 : i32
    %c0_i32_0 = arith.constant 0 : i32
    return %arg0, %c0_i32 : i32, i32
  }
  func.func @transform_11(%arg0: i32) -> (i32, i32) {
    %c0_i32 = arith.constant 0 : i32
    %c0_i32_0 = arith.constant 0 : i32
    return %arg0, %c0_i32 : i32, i32
  }
}

</mosaic_0001>

<sc_bundles>
// kernel: kernel.10.cloned.1.call-start
scs
__scs_entry_jumppad:
0x0: {  	(pc) =	sbr.rel $0x88, $3  }
0x1: {  	(tag) =	ssettag $0x0;
	lr =	simm.s32 $0x1  }
0x2: {  	[smem:$0x3F95] =	sst lr;
	_ =	strace $0xD0000000  }
0x3: {  	_ = 	snop  }
0x4: {  	_ = 	snop  }
0x5: {  	_ = 	snop  }
0x6: {  	_ = 	snop  }
0x7: {  	_ = 	snop  }
__scs_overlays_trampoline_lowered:
0x8: {  	[smem:$0x3FA4] =	sst s0  }
0x9: {  	[smem:$0x3FA5] =	sst s1  }
0xa: {  	[smem:$0x3FA6] =	sst s2  }
0xb: {  	[smem:$0x3FA7] =	sst s3  }
0xc: {  	[smem:$0x3FA8] =	sst s4  }
0xd: {  	[smem:$0x3FA9] =	sst s5  }
0xe: {  	[smem:$0x3FAA] =	sst s6  }
0xf: {  	[smem:$0x3FAB] =	sst s7  }
0x10: {  	[smem:$0x3FAC] =	sst s8  }
0x11: {  	[smem:$0x3FAD] =	sst s9;
	s0 =	simm.s32 @!p0 $0x0  }
0x12: {  	s1 =	sld [smem:$0x3F93];
	s0 =	simm.s32 @p0 $0x1  }
0x13: {  	[smem:$0x3FAE] =	sst s0;
	s0 =	simm.s32 @!p1 $0x0  }
0x14: {  	s2 =	sld [smem:$0x3F92];
	s0 =	simm.s32 @p1 $0x1  }
0x15: {  	[smem:$0x3FAF] =	sst s0;
	s0 =	simm.s32 @!p2 $0x0  }
0x16: {  	s3 =	sld [smem:$0x3FDB];
	s0 =	simm.s32 @p2 $0x1  }
0x17: {  	s4 =	simm.s32 $0x1BF5;
	[smem:$0x3FB1] =	sst s0  }
0x18: {  	s0 =	sld [smem:$0x3F94];
	_ =	swait.ge [sflag:s4], $0x0  }
0x19: {  	s7 =	sld [smem:$0x3F95]  }
0x1a: {  	s8 =	sadd.s32 $0xFFFFE003, lr  }
0x1b: {  	s9 =	sadd.s32 $0xFFFFFEF7, lr;
	s5 =	simm.s32 $0xFFFFFFFF;
	p2 =	slt.u32 s8, $0xFFFFF086  }
0x1c: {  	p1 =	slt.u32 s9, $0xF7A;
	s5 =	simm.s32 @!p2 $0x0  }
0x1d: {  	s5 =	simm.s32 @p1 $0x1;
	p0 =	seq.s32 s7, s2  }
0x1e: {  	s7 =	smul.u32 @!p0 $0xF7A, s2;
	p2 =	seq.s32 @!p0 s5, $0x0  }
0x1f: {  	s9 =	smul.u32 $0xF7A, s1;
	s8 =	simm.s32 @!p0 $0x1BF5;
	p2 =	por !p2, p0  }
0x20: {  	[sflag:s8] =	ssyncset.s32 @!p0 $0xFFFFF086;
	s6 =	sadd.s32 @!p0 s3, s7;
	s7 =	simm.s32 @!p0 $0x108  }
0x21: {  	s3 =	sadd.s32 s3, s9;
	s6 =	sadd.s32 @!p0 $0x88, s6;
	s7 =	simm.s32 @p2 $0x1082  }
0x22: {  	[simem:s7], [sflag:s8] =	dma.local @!p0 [hbm:s6], $0xF7A  }
0x23: {  	s9 =	sor.u32 $0xD0000000, s2;
	s6 =	simm.s32 $0x108;
	_ =	swait.ge @!p0 [sflag:s8], $0x0  }
0x24: {  	s3 =	sadd.s32 $0x88, s3;
	s6 =	simm.s32 @!p1 $0x1082;
	[sflag:s4] =	ssyncset.s32 $0xFFFFF086  }
0x25: {  	[simem:s6], [sflag:s4] =	dma.local [hbm:s3], $0xF7A  }
0x26: {  	[smem:$0x3F95] =	sst s1;
	(tag) =	ssettag s2;
	_ =	strace s9  }
0x27: {  	s1 =	sld [smem:$0x3FA5]  }
0x28: {  	s2 =	sld [smem:$0x3FA6]  }
0x29: {  	s4 =	sld [smem:$0x3FA8]  }
0x2a: {  	p0 =	seq.s32 s5, $0x0;
	s5 =	sld [smem:$0x3FA9]  }
0x2b: {  	s6 =	sld [smem:$0x3FAA]  }
0x2c: {  	s7 =	sld [smem:$0x3FAB]  }
0x2d: {  	s3 =	simm.s32 $0x108;
	s8 =	sld [smem:$0x3FAC]  }
0x2e: {  	s3 =	simm.s32 @!p0 $0x1082;
	s9 =	sld [smem:$0x3FAD]  }
0x2f: {  	lr =	sadd.s32 s0, s3;
	s0 =	sld [smem:$0x3FA4]  }
0x30: {  	s3 =	sld [smem:$0x3FA7]  }
0x31: {  	[smem:$0x3FB0] =	sst s10  }
0x32: {  	s10 =	sld [smem:$0x3FAE];
	_ =	sdelay $0x3  }
0x33: {  	p0 =	seq.s32 s10, $0x1;
	s10 =	sld [smem:$0x3FB0];
	_ =	sdelay $0x3  }
0x34: {  	[smem:$0x3FB0] =	sst s10  }
0x35: {  	s10 =	sld [smem:$0x3FAF];
	_ =	sdelay $0x3  }
0x36: {  	p1 =	seq.s32 s10, $0x1;
	s10 =	sld [smem:$0x3FB0];
	_ =	sdelay $0x3  }
0x37: {  	[smem:$0x3FB0] =	sst s10  }
0x38: {  	s10 =	sld [smem:$0x3FB1]  }
0x39: {  	_ = 	snop;
	(pc) =	sbr.ind lr, $3  }
0x3a: {  	_ = 	snop  }
0x3b: {  	_ = 	snop  }
0x3c: {  	p2 =	seq.s32 s10, $0x1;
	s10 =	sld [smem:$0x3FB0]  }
0x3d: {  	_ =	shalt  }
0x3e: {  	_ =	shalt  }
0x3f: {  	_ =	shalt  }
0x40: {  	_ =	shalt  }
0x41: {  	_ =	shalt  }
0x42: {  	_ =	shalt  }
0x43: {  	_ =	shalt  }
0x44: {  	_ =	shalt  }
0x45: {  	_ =	shalt  }
0x46: {  	_ =	shalt  }
0x47: {  	_ =	shalt  }
0x48: {  	_ =	shalt  }
0x49: {  	_ =	shalt  }
0x4a: {  	_ =	shalt  }
0x4b: {  	_ =	shalt  }
0x4c: {  	_ =	shalt  }
0x4d: {  	_ =	shalt  }
0x4e: {  	_ =	shalt  }
0x4f: {  	_ =	shalt  }
0x50: {  	_ =	shalt  }
0x51: {  	_ =	shalt  }
0x52: {  	_ =	shalt  }
0x53: {  	_ =	shalt  }
0x54: {  	_ =	shalt  }
0x55: {  	_ =	shalt  }
0x56: {  	_ =	shalt  }
0x57: {  	_ =	shalt  }
0x58: {  	_ =	shalt  }
0x59: {  	_ =	shalt  }
0x5a: {  	_ =	shalt  }
0x5b: {  	_ =	shalt  }
0x5c: {  	_ =	shalt  }
0x5d: {  	_ =	shalt  }
0x5e: {  	_ =	shalt  }
0x5f: {  	_ =	shalt  }
0x60: {  	_ =	shalt  }
0x61: {  	_ =	shalt  }
0x62: {  	_ =	shalt  }
0x63: {  	_ =	shalt  }
0x64: {  	_ =	shalt  }
0x65: {  	_ =	shalt  }
0x66: {  	_ =	shalt  }
0x67: {  	_ =	shalt  }
0x68: {  	_ =	shalt  }
0x69: {  	_ =	shalt  }
0x6a: {  	_ =	shalt  }
0x6b: {  	_ =	shalt  }
0x6c: {  	_ =	shalt  }
0x6d: {  	_ =	shalt  }
0x6e: {  	_ =	shalt  }
0x6f: {  	_ =	shalt  }
0x70: {  	_ =	shalt  }
0x71: {  	_ =	shalt  }
0x72: {  	_ =	shalt  }
0x73: {  	_ =	shalt  }
0x74: {  	_ =	shalt  }
0x75: {  	_ =	shalt  }
0x76: {  	_ =	shalt  }
0x77: {  	_ =	shalt  }
0x78: {  	_ =	shalt  }
0x79: {  	_ =	shalt  }
0x7a: {  	_ =	shalt  }
0x7b: {  	_ =	shalt  }
0x7c: {  	_ =	shalt  }
0x7d: {  	_ =	shalt  }
0x7e: {  	_ =	shalt  }
0x7f: {  	_ =	shalt  }
0x80: {  	_ =	shalt  }
0x81: {  	_ =	shalt  }
0x82: {  	_ =	shalt  }
0x83: {  	_ =	shalt  }
0x84: {  	_ =	shalt  }
0x85: {  	_ =	shalt  }
0x86: {  	_ =	shalt  }
0x87: {  	_ =	shalt  }
.Lfunc_end0:
.L_simem_size_0:
called_computation.1_lowered:
.L_overlay_start_0:
0x88: {  	s2 =	sld [smem:$0x3FD9]  }
0x89: {  	s3 =	sld [smem:$0x3FFE];
	_ =	sdelay $0x1  }
0x8a: {  	s1 =	srdreg.scid  }
0x8b: {  	s0 =	sand.u32 $0x1, s1  }
0x8c: {  	s15 =	sshll.u32 s0, $0xA;
	s2 =	sadd.s32 s3, s2  }
0x8d: {  	s2 =	sadd.s32 s2, s15  }
0x8e: {  	[smem:$0x3FBC] =	sst s2  }
0x8f: {  	_ = 	snop  }
0x90: {  	s2 =	sld [smem:$0x3FD0];
	_ =	sdelay $0x2  }
0x91: {  	s16 =	simm.s32 $0xB;
	s4 =	simm.s32 $0x10  }
0x92: {  	[smem:s4], [sflag:s16] =	dma.local [hbm:s2], $0x1  }
0x93: {  	_ =	swait.eq [sflag:s16], $0x1  }
0x94: {  	[sflag:s16] =	ssyncset.done $0x0  }
0x95: {  	[sflag:s16] =	ssyncadd.s32 $0xFFFFFFFF  }
0x96: {  	s17 =	sld [smem:$0x11];
	(tm) =	ssettm $0x1  }
0x97: {  	s18 =	sld [smem:$0x3FFB];
	_ =	sdelay $0x3  }
0x98: {  	_ =	strace s18  }
0x99: {  	s2 =	sld [smem:$0x3FFC];
	_ =	sdelay $0x3  }
0x9a: {  	_ =	strace s2  }
0x9b: {  	s2 =	sld [smem:$0x3FFD];
	_ =	sdelay $0x3  }
0x9c: {  	_ =	strace s2  }
0x9d: {  	_ =	strace $0x8FFFFFFF  }
0x9e: {  	s19 =	sld [smem:$0x3FDB];
	_ =	sdelay $0x1  }
0x9f: {  	s20 =	simm.s32 $_scs_section_size  }
0xa0: {  	s5 =	simm.s32 $_size__tile_overlayer_lowered;
	s6 =	simm.s32 $_tile_overlayer_lowered  }
0xa1: {  	s7 =	simm.s32 $0x1BFF;
	s21 =	sshll.u32 s6, $0x1;
	s4 =	sadd.s32 s20, s19  }
0xa2: {  	s22 =	simm.s32 $0x0;
	s5 =	sshll.u32 s5, $0x1;
	s6 =	sadd.s32 s21, s4  }
0xa3: {  	[timem:s22], [sflag:s7] =	dma.local [hbm:s6], s5  }
0xa4: {  	_ =	swait.ge [sflag:s7], s5  }
0xa5: {  	s5 =	ssub.s32 $0x0, s5;
	[sflag:s7] =	ssyncset.done $0x0  }
0xa6: {  	[sflag:s7] =	ssyncadd.s32 s5;
	_ =	sdelay $0x1  }
0xa7: {  	s23 =	simm.s32 $0x1B8B  }
0xa8: {  	_ =	swait.ge [sflag:s23], $0x1  }
0xa9: {  	[sflag:s23] =	ssyncset.done $0x0  }
0xaa: {  	[sflag:s23] =	ssyncadd.s32 $0xFFFFFFFF  }
0xab: {  	s5 =	sld [smem:$0x0]  }
0xac: {  	s6 =	sand.u32 $0xFFFFFFFE, s1  }
0xad: {  	p0 =	sne.s32 s1, s6  }
0xae: {  	s6 =	sshll.u32 @p0 s6, $0xE  }
0xaf: {  	s6 =	sadd.s32 @p0 $0x11B8D, s6;
	s7 =	sshll.u32 @p0 s5, $0x11  }
0xb0: {  	s6 =	sor.u32 @p0 s7, s6  }
0xb1: {  	[sflag:s6] =	ssyncadd.remote.s32 @p0 $0x1;
	_ =	sdelay $0x1  }
0xb2: {  	s6 =	simm.s32 @p0 $0x1B8D  }
0xb3: {  	_ =	swait.eq @p0 [sflag:s6], $0x1  }
0xb4: {  	[sflag:s6] =	ssyncadd.s32 @p0 $0xFFFFFFFF  }
0xb5: {  	s7 =	sshll.u32 @!p0 s1, $0xE  }
0xb6: {  	s7 =	sor.u32 @!p0 $0x4000, s7;
	s6 =	simm.s32 @!p0 $0x1B8D  }
0xb7: {  	s5 =	sshll.u32 @!p0 s5, $0x11;
	s7 =	sadd.s32 @!p0 $0x11B8D, s7;
	_ =	swait.eq @!p0 [sflag:s6], $0x1  }
0xb8: {  	s5 =	sor.u32 @!p0 s5, s7;
	[sflag:s6] =	ssyncadd.s32 @!p0 $0xFFFFFFFF  }
0xb9: {  	s25 =	simm.s32 $0x1B8E;
	s24 =	sld [smem:$0x3FFE];
	[sflag:s5] =	ssyncadd.remote.s32 @!p0 $0x1  }
0xba: {  	s26 =	simm.s32 $execute0_lowered;
	[smem:$0x3FD2] =	sst s25  }
0xbb: {  	s6 =	sshll.u32 s26, $0x1;
	_ =	strace $0x80000049;
	[dreg:$0x1] =	wrdreg $0xFFFFFFFF  }
0xbc: {  	s28 =	simm.s32 $_size_execute0_lowered;
	s4 =	sadd.s32 s4, s6;
	[dreg:$0x0] =	wrdreg $0x0  }
0xbd: {  	s6 =	sshll.u32 s28, $0x1;
	[dreg:$0x2] =	wrdreg s4  }
0xbe: {  	[dreg:$0x3] =	wrdreg s6  }
0xbf: {  	[dreg:$0x4] =	wrdreg $0xC0  }
0xc0: {  	_ =	task [dreg:s22], $0x5FFFF  }
0xc1: {  	[dreg:$0x1] =	wrdreg $0xFFFFFFFF  }
0xc2: {  	[dreg:$0x0] =	wrdreg $0x60  }
0xc3: {  	[dreg:$0x2] =	wrdreg s24  }
0xc4: {  	[dreg:$0x3] =	wrdreg s17  }
0xc5: {  	[dreg:$0x4] =	wrdreg $0x61800  }
0xc6: {  	[dreg:$0x5] =	wrdreg $0xA  }
0xc7: {  	_ =	task.clear_ibuf [dreg:s22], $0x6FFFF;
	_ =	strace $0x90000049  }
0xc8: {  	s29 =	simm.s32 $0xA;
	_ =	strace $0x8000004B  }
0xc9: {  	_ =	swait.ge [sflag:s29], $0x1  }
0xca: {  	[sflag:s29] =	ssyncadd.s32 $0xFFFFFFFF  }
0xcb: {  	_ =	strace $0x9000004B  }
0xcc: {  	_ =	sfence  }
0xcd: {  	s30 =	sld [smem:$0x0];
	_ =	sdelay $0x2  }
0xce: {  	s31 =	sshll.u32 s1, $0xD;
	s1 =	sshrl.u32 s1, $0x2  }
0xcf: {  	s4 =	sand.u32 $0x4000, s31;
	s1 =	sadd.s32 s1, s30  }
0xd0: {  	s0 =	sor.u32 s4, s0;
	s1 =	sshll.u32 s1, $0x11  }
0xd1: {  	s0 =	sor.u32 s1, s0  }
0xd2: {  	s0 =	sadd.s32 $0x8F2B, s0  }
0xd3: {  	[sflag:s0] =	ssyncadd.remote.s32 $0x1  }
0xd4: {  	_ =	sfence.sel $0xFFFF  }
0xd5: {  	[dreg:$0x0] =	wrdreg $0xFFFFFFFF;
	(pc) =	sbr.abs _section_cstart, $3  }
0xd6: {  	[dreg:$0x1] =	wrdreg $0xFFFFFFFF  }
0xd7: {  	_ =	task.clear_ibuf [dreg:s22], $0x2FFFF;
	_ =	strace $0x9FFFFFFF  }
0xd8: {  	(tm) =	ssettm $0x7FFFFFFF  }
0xd9: {  	_ =	shalt  }
tec
execute0_lowered:
.L_overlay_start_1:
0x0: {  	(tag) =	ssettag $0x1  }
0x1: {  	s0 =	srdreg.scid  }
0x2: {  	s1 =	rddreg [dreg:$0x0];
	s16 =	stileid.u32  }
0x3: {  	s2 =	simm.s32 $0x0;
	s3 =	sand.u32 $0x1, s0;
	s5 =	smul.u32 $0x14000, s16  }
0x4: {  	[smem:$0x7FF] =	sst s2;
	s6 =	sadd.s32 $0x66800, s1;
	s0 =	ssub.s32 $0x2, s3  }
0x5: {  	s11 =	smul.u32 $0x140000, s3;
	s4 =	sshrl.u32 s0, $0x1;
	s7 =	sadd.s32 $0x4000, s5  }
0x6: {  	s8 =	sadd.s32 $0x6000, s5;
	s9 =	sadd.s32 $0x8000, s5;
	s10 =	sadd.s32 $0xA000, s5  }
0x7: {  	s12 =	sadd.s32 $0xC000, s5;
	s14 =	sadd.s32 $0xE000, s5;
	s25 =	sadd.s32 $0x10000, s5  }
0x8: {  	s26 =	sadd.s32 $0x12000, s5;
	s0 =	ssub.s32 s0, s4;
	s4 =	sor.u32 $0x2000, s5  }
0x9: {  	s5 =	sadd.s32 s5, s11;
	s15 =	sadd.s32 s11, s7;
	s22 =	sadd.s32 s11, s8  }
0xa: {  	s23 =	sadd.s32 s11, s9;
	s24 =	sadd.s32 s11, s10;
	s17 =	sadd.s32 s11, s14  }
0xb: {  	s18 =	sadd.s32 s11, s25;
	s13 =	sadd.s32 s11, s4;
	s5 =	sshrl.u32 s5, $0x3  }
0xc: {  	s21 =	sshrl.u32 s15, $0x3;
	s15 =	sadd.s32 s11, s12;
	s5 =	sadd.s32 s6, s5  }
0xd: {  	s0 =	smax.u32 s0, $0x1;
	s13 =	sshrl.u32 s13, $0x3;
	[dreg:$0x4] =	wrdreg s5  }
0xe: {  	s20 =	sadd.s32 s6, s13;
	s5 =	sadd.s32 s6, s21;
	s13 =	sshrl.u32 s23, $0x3  }
0xf: {  	s21 =	sadd.s32 s11, s26;
	s23 =	smul.u32 $0x2710, s16;
	[dreg:$0x5] =	wrdreg s20  }
0x10: {  	[dreg:$0x6] =	wrdreg s5;
	s5 =	sshrl.u32 s22, $0x3;
	s29 =	sadd.s32 s6, s13  }
0x11: {  	s13 =	sshrl.u32 s24, $0x3;
	s20 =	sshrl.u32 s18, $0x3;
	s22 =	smul.u32 $0x27100, s3  }
0x12: {  	s24 =	smul.u32 $0x50000, s16;
	s5 =	sadd.s32 s6, s5;
	[dreg:$0x8] =	wrdreg s29  }
0x13: {  	s3 =	sshll.u32 s3, $0x4;
	[dreg:$0x7] =	wrdreg s5;
	s5 =	sadd.s32 s6, s13  }
0x14: {  	s13 =	sshrl.u32 s17, $0x3;
	s29 =	sadd.s32 s23, s22;
	s11 =	sshrl.u32 s24, $0x2  }
0x15: {  	[dreg:$0x9] =	wrdreg s5;
	s5 =	sshrl.u32 s15, $0x3;
	s19 =	sadd.s32 s6, s13  }
0x16: {  	s13 =	rddreg [dreg:$0x2];
	s15 =	sadd.s32 $0x2400, s1;
	s1 =	sadd.s32 $0x66000, s1  }
0x17: {  	s30 =	sadd.s32 $0x100, s29;
	s5 =	sadd.s32 s6, s5;
	[dreg:$0xb] =	wrdreg s19  }
0x18: {  	s17 =	sadd.s32 s11, s13;
	s18 =	sadd.s32 s4, s13;
	s19 =	sadd.s32 s7, s13  }
0x19: {  	s22 =	sadd.s32 s10, s13;
	s23 =	sadd.s32 s12, s13;
	s24 =	sadd.s32 s14, s13  }
0x1a: {  	s25 =	sadd.s32 s25, s13;
	[dreg:$0xa] =	wrdreg s5;
	s5 =	sadd.s32 s6, s20  }
0x1b: {  	s26 =	sadd.s32 s26, s13;
	[dreg:$0xc] =	wrdreg s5;
	s5 =	sshrl.u32 s21, $0x3  }
0x1c: {  	s4 =	simm.s32 $0x180;
	s7 =	simm.s32 $0x2;
	s5 =	sadd.s32 s6, s5  }
0x1d: {  	s20 =	sadd.s32 s8, s13;
	s8 =	simm.s32 $0x100;
	[dreg:$0xd] =	wrdreg s5  }
0x1e: {  	_ =	strace $0x8000004A;
	[dreg:$0xe] =	wrdreg s1;
	s1 =	sor.u32 s16, s3  }
0x1f: {  	s21 =	sadd.s32 s9, s13;
	s9 =	simm.s32 $0x0;
	s1 =	smul.u32 $0x2710, s1  }
0x20: {  	s6 =	simm.s32 $0x80;
	s5 =	simm.s32 $0x1;
	s16 =	sadd.s32 $0x80, s29  }
0x21: {  	[dreg:$0xf] =	wrdreg s0;
	s29 =	sshrl.u32 s16, $0x3;
	s1 =	sshrl.u32 s1, $0x3  }
0x22: {  	s3 =	simm.s32 $0x3;
	s31 =	sadd.s32 s29, s15;
	s28 =	sadd.s32 s15, s1  }
0x23: {  	s1 =	simm.s32 $0x4180;
	s12 =	sadd.s32 $0x4D0, s28;
	s0 =	sadd.s32 $0x4E0, s28  }
.LBB2_1:
0x24: {  	s10 =	rddreg [dreg:$0x1]  }
0x25: {  	[tilespmem:s1], [sflag:$0x3] =	stream.linear.gather [hbm4b:s10+s2], $0x2000, $0x38;
	[tilespmem:$0x1A180] =	vst v63  }
0x26: {  	_ =	swait.ge [sflag:s3], $0x2000  }
0x27: {  	[sflag:s3] =	ssyncset.done $0x0  }
0x28: {  	s14 =	rddreg [dreg:$0xe];
	[sflag:s3] =	ssyncadd.s32 $0xFFFFE000  }
0x29: {  	[tilespmem:s4], [sflag:$0x3] =	stream.linear.gather [hbm4b:s14+s2], $0x4000, $0x38;
	[tilespmem:$0x1A180] =	vst v63  }
0x2a: {  	_ =	swait.ge [sflag:s3], $0x4000  }
0x2b: {  	[sflag:s3] =	ssyncset.done $0x0  }
0x2c: {  	[sflag:s3] =	ssyncadd.s32 $0xFFFFC000  }
0x2d: {  	[spmem:s17] =	stream.linear.scatter [tilespmem:s1], [sflag:$0x1], $0x2000, $0x38;
	[tilespmem:$0x1A180] =	vst v63  }
0x2e: {  	_ = 	snop  }
0x2f: {  	[spmem:s18] =	stream.linear.scatter [tilespmem:s1], [sflag:$0x1], $0x2000, $0x38;
	[tilespmem:$0x1A180] =	vst v63  }
0x30: {  	_ = 	snop  }
0x31: {  	[spmem:s19] =	stream.linear.scatter [tilespmem:s1], [sflag:$0x1], $0x2000, $0x38;
	[tilespmem:$0x1A180] =	vst v63  }
0x32: {  	_ = 	snop  }
0x33: {  	[spmem:s20] =	stream.linear.scatter [tilespmem:s1], [sflag:$0x1], $0x2000, $0x38;
	[tilespmem:$0x1A180] =	vst v63  }
0x34: {  	_ = 	snop  }
0x35: {  	[spmem:s21] =	stream.linear.scatter [tilespmem:s1], [sflag:$0x1], $0x2000, $0x38;
	[tilespmem:$0x1A180] =	vst v63  }
0x36: {  	_ = 	snop  }
0x37: {  	[spmem:s22] =	stream.linear.scatter [tilespmem:s1], [sflag:$0x1], $0x2000, $0x38;
	[tilespmem:$0x1A180] =	vst v63  }
0x38: {  	_ = 	snop  }
0x39: {  	[spmem:s23] =	stream.linear.scatter [tilespmem:s1], [sflag:$0x1], $0x2000, $0x38;
	[tilespmem:$0x1A180] =	vst v63  }
0x3a: {  	_ = 	snop  }
0x3b: {  	[spmem:s24] =	stream.linear.scatter [tilespmem:s1], [sflag:$0x1], $0x2000, $0x38;
	[tilespmem:$0x1A180] =	vst v63  }
0x3c: {  	_ = 	snop  }
0x3d: {  	[spmem:s25] =	stream.linear.scatter [tilespmem:s1], [sflag:$0x1], $0x2000, $0x38;
	[tilespmem:$0x1A180] =	vst v63  }
0x3e: {  	_ = 	snop  }
0x3f: {  	[spmem:s26] =	stream.linear.scatter [tilespmem:s1], [sflag:$0x1], $0x2000, $0x38;
	[tilespmem:$0x1A180] =	vst v63  }
0x40: {  	_ =	swait.ge [sflag:s5], $0x2000  }
0x41: {  	[sflag:s5] =	ssyncset.done $0x0  }
0x42: {  	[sflag:s5] =	ssyncadd.s32 $0xFFFFE000  }
0x43: {  	_ =	swait.ge [sflag:s5], $0x2000  }
0x44: {  	[sflag:s5] =	ssyncset.done $0x0  }
0x45: {  	[sflag:s5] =	ssyncadd.s32 $0xFFFFE000  }
0x46: {  	_ =	swait.ge [sflag:s5], $0x2000  }
0x47: {  	[sflag:s5] =	ssyncset.done $0x0  }
0x48: {  	[sflag:s5] =	ssyncadd.s32 $0xFFFFE000  }
0x49: {  	_ =	swait.ge [sflag:s5], $0x2000  }
0x4a: {  	[sflag:s5] =	ssyncset.done $0x0  }
0x4b: {  	[sflag:s5] =	ssyncadd.s32 $0xFFFFE000  }
0x4c: {  	_ =	swait.ge [sflag:s5], $0x2000  }
0x4d: {  	[sflag:s5] =	ssyncset.done $0x0  }
0x4e: {  	[sflag:s5] =	ssyncadd.s32 $0xFFFFE000  }
0x4f: {  	_ =	swait.ge [sflag:s5], $0x2000  }
0x50: {  	[sflag:s5] =	ssyncset.done $0x0  }
0x51: {  	[sflag:s5] =	ssyncadd.s32 $0xFFFFE000  }
0x52: {  	_ =	swait.ge [sflag:s5], $0x2000  }
0x53: {  	[sflag:s5] =	ssyncset.done $0x0  }
0x54: {  	[sflag:s5] =	ssyncadd.s32 $0xFFFFE000  }
0x55: {  	_ =	swait.ge [sflag:s5], $0x2000  }
0x56: {  	[sflag:s5] =	ssyncset.done $0x0  }
0x57: {  	[sflag:s5] =	ssyncadd.s32 $0xFFFFE000  }
0x58: {  	_ =	swait.ge [sflag:s5], $0x2000  }
0x59: {  	[sflag:s5] =	ssyncset.done $0x0  }
0x5a: {  	[sflag:s5] =	ssyncadd.s32 $0xFFFFE000  }
0x5b: {  	_ =	swait.ge [sflag:s5], $0x2000  }
0x5c: {  	[sflag:s5] =	ssyncset.done $0x0  }
0x5d: {  	[sflag:s5] =	ssyncadd.s32 $0xFFFFE000  }
0x5e: {  	[bflag:$0x0] =	sbarrier.arrive $0xFFFF  }
0x5f: {  	[tilespmem:s2], [sflag:$0x3] =	stream.linear.gather [hbm4b:s28+s2], $0x80, $0x38;
	[tilespmem:$0x1A180] =	vst v63  }
0x60: {  	_ =	swait.ge [sflag:s3], $0x80  }
0x61: {  	[sflag:s3] =	ssyncset.done $0x0  }
0x62: {  	[sflag:s3] =	ssyncadd.s32 $0xFFFFFF80  }
0x63: {  	[spmem:s13] =	stream.indirect.scatter.add.f32 [tilespmem:s4], [sflag:$0x1], $0x80, s2, s6, $0xb8;
	[tilespmem:$0x1A180] =	vst v63  }
0x64: {  	s16 =	sadd.s32 $0x0, s31  }
0x65: {  	[tilespmem:s6], [sflag:$0x3] =	stream.linear.gather [hbm4b:s16+s2], $0x80, $0x38;
	[tilespmem:$0x1A180] =	vst v63  }
0x66: {  	_ =	swait.ge [sflag:s3], $0x80  }
0x67: {  	[sflag:s3] =	ssyncset.done $0x0  }
0x68: {  	[sflag:s3] =	ssyncadd.s32 $0xFFFFFF80  }
0x69: {  	[spmem:s13] =	stream.indirect.scatter.add.f32 [tilespmem:s4], [sflag:$0x2], $0x80, s6, s6, $0xb8;
	[tilespmem:$0x1A180] =	vst v63  }
0x6a: {  	_ =	swait.ge [sflag:s5], $0x4000  }
0x6b: {  	s29 =	sshrl.u32 s30, $0x3;
	[sflag:s5] =	ssyncset.done $0x0  }
0x6c: {  	s10 =	sadd.s32 s15, s29;
	[sflag:s5] =	ssyncadd.s32 $0xFFFFC000  }
0x6d: {  	[tilespmem:s2], [sflag:$0x3] =	stream.linear.gather [hbm4b:s10+s2], $0x80, $0x38;
	[tilespmem:$0x1A180] =	vst v63  }
0x6e: {  	_ =	swait.ge [sflag:s3], $0x80  }
0x6f: {  	[sflag:s3] =	ssyncset.done $0x0  }
0x70: {  	[sflag:s3] =	ssyncadd.s32 $0xFFFFFF80  }
0x71: {  	[spmem:s13] =	stream.indirect.scatter.add.f32 [tilespmem:s4], [sflag:$0x1], $0x80, s2, s6, $0xb8;
	[tilespmem:$0x1A180] =	vst v63  }
0x72: {  	s11 =	simm.s32 $0x20;
	_ =	swait.ge [sflag:s7], $0x4000  }
0x73: {  	s14 =	simm.s32 $0x40;
	s10 =	sadd.s32 $0x100, s30;
	[sflag:s7] =	ssyncset.done $0x0  }
.LBB2_2:
0x74: {  	s16 =	sadd.s32 s11, s31  }
0x75: {  	[sflag:s7] =	ssyncadd.s32 $0xFFFFC000;
	s11 =	smov.u32 s14;
	s29 =	sadd.s32 $0x20, s14  }
0x76: {  	[tilespmem:s6], [sflag:$0x3] =	stream.linear.gather [hbm4b:s16+s2], $0x80, $0x38;
	[tilespmem:$0x1A180] =	vst v63  }
0x77: {  	p0 =	sne.s32 s14, $0x4A0;
	_ =	swait.ge [sflag:s3], $0x80  }
0x78: {  	[sflag:s3] =	ssyncset.done $0x0  }
0x79: {  	[sflag:s3] =	ssyncadd.s32 $0xFFFFFF80  }
0x7a: {  	[spmem:s13] =	stream.indirect.scatter.add.f32 [tilespmem:s4], [sflag:$0x2], $0x80, s6, s6, $0xb8;
	[tilespmem:$0x1A180] =	vst v63  }
0x7b: {  	_ =	swait.ge [sflag:s5], $0x4000  }
0x7c: {  	s14 =	sshrl.u32 s10, $0x3;
	[sflag:s5] =	ssyncset.done $0x0  }
0x7d: {  	s14 =	sadd.s32 s15, s14;
	[sflag:s5] =	ssyncadd.s32 $0xFFFFC000  }
0x7e: {  	[tilespmem:s2], [sflag:$0x3] =	stream.linear.gather [hbm4b:s14+s2], $0x80, $0x38;
	[tilespmem:$0x1A180] =	vst v63  }
0x7f: {  	_ =	swait.ge [sflag:s3], $0x80  }
.Ltmp0:
0x80: {  	[sflag:s3] =	ssyncset.done $0x0;
	(pc) =	sbr.rel @p0 .LBB2_2-.Ltmp0, $4  }
0x81: {  	[sflag:s3] =	ssyncadd.s32 $0xFFFFFF80  }
0x82: {  	[spmem:s13] =	stream.indirect.scatter.add.f32 [tilespmem:s4], [sflag:$0x1], $0x80, s2, s6, $0xb8;
	[tilespmem:$0x1A180] =	vst v63  }
0x83: {  	_ =	swait.ge [sflag:s7], $0x4000  }
0x84: {  	s10 =	sadd.s32 $0x100, s10;
	s14 =	smov.u32 s29;
	[sflag:s7] =	ssyncset.done $0x0  }
0x85: {  	s11 =	sadd.s32 s11, s31;
	[sflag:s7] =	ssyncadd.s32 $0xFFFFC000  }
0x86: {  	[tilespmem:s6], [sflag:$0x3] =	stream.linear.gather [hbm4b:s11+s2], $0x80, $0x38;
	[tilespmem:$0x1A180] =	vst v63  }
0x87: {  	_ =	swait.ge [sflag:s3], $0x80  }
0x88: {  	[sflag:s3] =	ssyncset.done $0x0  }
0x89: {  	[sflag:s3] =	ssyncadd.s32 $0xFFFFFF80  }
0x8a: {  	[spmem:s13] =	stream.indirect.scatter.add.f32 [tilespmem:s4], [sflag:$0x2], $0x80, s6, s6, $0xb8;
	[tilespmem:$0x1A180] =	vst v63  }
0x8b: {  	_ =	swait.ge [sflag:s5], $0x4000  }
0x8c: {  	s10 =	sshrl.u32 s10, $0x3;
	[sflag:s5] =	ssyncset.done $0x0  }
0x8d: {  	s10 =	sadd.s32 s15, s10;
	[sflag:s5] =	ssyncadd.s32 $0xFFFFC000  }
0x8e: {  	[tilespmem:s2], [sflag:$0x3] =	stream.linear.gather [hbm4b:s10+s2], $0x80, $0x38;
	[tilespmem:$0x1A180] =	vst v63  }
0x8f: {  	_ =	swait.ge [sflag:s3], $0x80  }
0x90: {  	[sflag:s3] =	ssyncset.done $0x0  }
0x91: {  	[sflag:s3] =	ssyncadd.s32 $0xFFFFFF80  }
0x92: {  	[spmem:s13] =	stream.indirect.scatter.add.f32 [tilespmem:s4], [sflag:$0x1], $0x80, s2, s6, $0xb8;
	[tilespmem:$0x1A180] =	vst v63  }
0x93: {  	_ =	swait.ge [sflag:s7], $0x4000  }
0x94: {  	[sflag:s7] =	ssyncset.done $0x0  }
0x95: {  	[sflag:s7] =	ssyncadd.s32 $0xFFFFC000  }
0x96: {  	[tilespmem:s6], [sflag:$0x3] =	stream.linear.gather [hbm4b:s12+s2], $0x80, $0x38;
	[tilespmem:$0x1A180] =	vst v63  }
0x97: {  	_ =	swait.ge [sflag:s3], $0x80  }
0x98: {  	[sflag:s3] =	ssyncset.done $0x0  }
0x99: {  	[sflag:s3] =	ssyncadd.s32 $0xFFFFFF80  }
0x9a: {  	[spmem:s13] =	stream.indirect.scatter.add.f32 [tilespmem:s4], [sflag:$0x2], $0x80, s6, s6, $0xb8;
	[tilespmem:$0x1A180] =	vst v63  }
0x9b: {  	_ =	swait.ge [sflag:s5], $0x4000  }
0x9c: {  	[sflag:s5] =	ssyncset.done $0x0  }
0x9d: {  	[sflag:s5] =	ssyncadd.s32 $0xFFFFC000  }
0x9e: {  	_ =	swait.ge [sflag:s7], $0x4000  }
0x9f: {  	[sflag:s7] =	ssyncset.done $0x0  }
0xa0: {  	[sflag:s7] =	ssyncadd.s32 $0xFFFFC000  }
0xa1: {  	[tilespmem:s8], [sflag:$0x3] =	stream.linear.gather [hbm4b:s0+s2], $0x10, $0x38;
	[tilespmem:$0x1A180] =	vst v63  }
0xa2: {  	_ =	swait.ge [sflag:s3], $0x10  }
0xa3: {  	[sflag:s3] =	ssyncset.done $0x0  }
0xa4: {  	s11 =	simm.s32 $0x10;
	[sflag:s3] =	ssyncadd.s32 $0xFFFFFFF0  }
0xa5: {  	[spmem:s13] =	stream.indirect.scatter.add.f32 [tilespmem:s4], [sflag:$0x3], $0x80, s8, s11, $0xb8;
	[tilespmem:$0x1A180] =	vst v63  }
0xa6: {  	_ =	swait.ge [sflag:s3], $0x800  }
0xa7: {  	[sflag:s3] =	ssyncset.done $0x0  }
0xa8: {  	[sflag:s3] =	ssyncadd.s32 $0xFFFFF800  }
0xa9: {  	[bflag:$0x0] =	sbarrier.arrive $0xFFFF  }
0xaa: {  	[tilespmem:s4], [sflag:$0x3] =	stream.linear.gather [spmem:s17], $0x2000, $0x38;
	[tilespmem:$0x1A180] =	vst v63  }
0xab: {  	_ =	swait.ge [sflag:s3], $0x2000  }
0xac: {  	[sflag:s3] =	ssyncset.done $0x0  }
0xad: {  	s14 =	rddreg [dreg:$0x4];
	[sflag:s3] =	ssyncadd.s32 $0xFFFFE000  }
0xae: {  	[hbm4b:s14+s2] =	stream.linear.scatter [tilespmem:s4], [sflag:$0x1], $0x2000, $0x38;
	[tilespmem:$0x1A180] =	vst v63  }
0xaf: {  	_ = 	snop  }
0xb0: {  	[tilespmem:s1], [sflag:$0x3] =	stream.linear.gather [spmem:s18], $0x2000, $0x38;
	[tilespmem:$0x1A180] =	vst v63  }
0xb1: {  	_ =	swait.ge [sflag:s3], $0x2000  }
0xb2: {  	[sflag:s3] =	ssyncset.done $0x0  }
0xb3: {  	s16 =	rddreg [dreg:$0x5];
	[sflag:s3] =	ssyncadd.s32 $0xFFFFE000  }
0xb4: {  	[hbm4b:s16+s2] =	stream.linear.scatter [tilespmem:s1], [sflag:$0x2], $0x2000, $0x38;
	[tilespmem:$0x1A180] =	vst v63  }
0xb5: {  	_ =	swait.ge [sflag:s5], $0x2000  }
0xb6: {  	[sflag:s5] =	ssyncset.done $0x0  }
0xb7: {  	[sflag:s5] =	ssyncadd.s32 $0xFFFFE000  }
0xb8: {  	[tilespmem:s4], [sflag:$0x3] =	stream.linear.gather [spmem:s19], $0x2000, $0x38;
	[tilespmem:$0x1A180] =	vst v63  }
0xb9: {  	_ =	swait.ge [sflag:s3], $0x2000  }
0xba: {  	[sflag:s3] =	ssyncset.done $0x0  }
0xbb: {  	s29 =	rddreg [dreg:$0x6];
	[sflag:s3] =	ssyncadd.s32 $0xFFFFE000  }
0xbc: {  	[hbm4b:s29+s2] =	stream.linear.scatter [tilespmem:s4], [sflag:$0x1], $0x2000, $0x38;
	[tilespmem:$0x1A180] =	vst v63  }
0xbd: {  	_ =	swait.ge [sflag:s7], $0x2000  }
0xbe: {  	[sflag:s7] =	ssyncset.done $0x0  }
0xbf: {  	[sflag:s7] =	ssyncadd.s32 $0xFFFFE000  }
0xc0: {  	[tilespmem:s1], [sflag:$0x3] =	stream.linear.gather [spmem:s20], $0x2000, $0x38;
	[tilespmem:$0x1A180] =	vst v63  }
0xc1: {  	_ =	swait.ge [sflag:s3], $0x2000  }
0xc2: {  	[sflag:s3] =	ssyncset.done $0x0  }
0xc3: {  	s11 =	rddreg [dreg:$0x7];
	[sflag:s3] =	ssyncadd.s32 $0xFFFFE000  }
0xc4: {  	[hbm4b:s11+s2] =	stream.linear.scatter [tilespmem:s1], [sflag:$0x2], $0x2000, $0x38;
	[tilespmem:$0x1A180] =	vst v63  }
0xc5: {  	_ =	swait.ge [sflag:s5], $0x2000  }
0xc6: {  	[sflag:s5] =	ssyncset.done $0x0  }
0xc7: {  	[sflag:s5] =	ssyncadd.s32 $0xFFFFE000  }
0xc8: {  	[tilespmem:s4], [sflag:$0x3] =	stream.linear.gather [spmem:s21], $0x2000, $0x38;
	[tilespmem:$0x1A180] =	vst v63  }
0xc9: {  	_ =	swait.ge [sflag:s3], $0x2000  }
0xca: {  	[sflag:s3] =	ssyncset.done $0x0  }
0xcb: {  	s14 =	rddreg [dreg:$0x8];
	[sflag:s3] =	ssyncadd.s32 $0xFFFFE000  }
0xcc: {  	[hbm4b:s14+s2] =	stream.linear.scatter [tilespmem:s4], [sflag:$0x1], $0x2000, $0x38;
	[tilespmem:$0x1A180] =	vst v63  }
0xcd: {  	_ =	swait.ge [sflag:s7], $0x2000  }
0xce: {  	[sflag:s7] =	ssyncset.done $0x0  }
0xcf: {  	[sflag:s7] =	ssyncadd.s32 $0xFFFFE000  }
0xd0: {  	[tilespmem:s1], [sflag:$0x3] =	stream.linear.gather [spmem:s22], $0x2000, $0x38;
	[tilespmem:$0x1A180] =	vst v63  }
0xd1: {  	_ =	swait.ge [sflag:s3], $0x2000  }
0xd2: {  	[sflag:s3] =	ssyncset.done $0x0  }
0xd3: {  	s16 =	rddreg [dreg:$0x9];
	[sflag:s3] =	ssyncadd.s32 $0xFFFFE000  }
0xd4: {  	[hbm4b:s16+s2] =	stream.linear.scatter [tilespmem:s1], [sflag:$0x2], $0x2000, $0x38;
	[tilespmem:$0x1A180] =	vst v63  }
0xd5: {  	_ =	swait.ge [sflag:s5], $0x2000  }
0xd6: {  	[sflag:s5] =	ssyncset.done $0x0  }
0xd7: {  	[sflag:s5] =	ssyncadd.s32 $0xFFFFE000  }
0xd8: {  	[tilespmem:s4], [sflag:$0x3] =	stream.linear.gather [spmem:s23], $0x2000, $0x38;
	[tilespmem:$0x1A180] =	vst v63  }
0xd9: {  	_ =	swait.ge [sflag:s3], $0x2000  }
0xda: {  	[sflag:s3] =	ssyncset.done $0x0  }
0xdb: {  	s29 =	rddreg [dreg:$0xa];
	[sflag:s3] =	ssyncadd.s32 $0xFFFFE000  }
0xdc: {  	[hbm4b:s29+s2] =	stream.linear.scatter [tilespmem:s4], [sflag:$0x1], $0x2000, $0x38;
	[tilespmem:$0x1A180] =	vst v63  }
0xdd: {  	_ =	swait.ge [sflag:s7], $0x2000  }
0xde: {  	[sflag:s7] =	ssyncset.done $0x0  }
0xdf: {  	[sflag:s7] =	ssyncadd.s32 $0xFFFFE000  }
0xe0: {  	[tilespmem:s1], [sflag:$0x3] =	stream.linear.gather [spmem:s24], $0x2000, $0x38;
	[tilespmem:$0x1A180] =	vst v63  }
0xe1: {  	_ =	swait.ge [sflag:s3], $0x2000  }
0xe2: {  	[sflag:s3] =	ssyncset.done $0x0  }
0xe3: {  	s11 =	rddreg [dreg:$0xb];
	[sflag:s3] =	ssyncadd.s32 $0xFFFFE000  }
0xe4: {  	[hbm4b:s11+s2] =	stream.linear.scatter [tilespmem:s1], [sflag:$0x2], $0x2000, $0x38;
	[tilespmem:$0x1A180] =	vst v63  }
0xe5: {  	_ =	swait.ge [sflag:s5], $0x2000  }
0xe6: {  	[sflag:s5] =	ssyncset.done $0x0  }
0xe7: {  	[sflag:s5] =	ssyncadd.s32 $0xFFFFE000  }
0xe8: {  	[tilespmem:s4], [sflag:$0x3] =	stream.linear.gather [spmem:s25], $0x2000, $0x38;
	[tilespmem:$0x1A180] =	vst v63  }
0xe9: {  	_ =	swait.ge [sflag:s3], $0x2000  }
0xea: {  	[sflag:s3] =	ssyncset.done $0x0  }
0xeb: {  	s14 =	rddreg [dreg:$0xc];
	[sflag:s3] =	ssyncadd.s32 $0xFFFFE000  }
0xec: {  	[hbm4b:s14+s2] =	stream.linear.scatter [tilespmem:s4], [sflag:$0x1], $0x2000, $0x38;
	[tilespmem:$0x1A180] =	vst v63  }
0xed: {  	_ =	swait.ge [sflag:s7], $0x2000  }
0xee: {  	[sflag:s7] =	ssyncset.done $0x0  }
0xef: {  	[sflag:s7] =	ssyncadd.s32 $0xFFFFE000  }
0xf0: {  	[tilespmem:s1], [sflag:$0x3] =	stream.linear.gather [spmem:s26], $0x2000, $0x38;
	[tilespmem:$0x1A180] =	vst v63  }
0xf1: {  	_ =	swait.ge [sflag:s3], $0x2000  }
0xf2: {  	[sflag:s3] =	ssyncset.done $0x0  }
0xf3: {  	s16 =	rddreg [dreg:$0xd];
	[sflag:s3] =	ssyncadd.s32 $0xFFFFE000  }
0xf4: {  	[hbm4b:s16+s2] =	stream.linear.scatter [tilespmem:s1], [sflag:$0x2], $0x2000, $0x38;
	[tilespmem:$0x1A180] =	vst v63  }
0xf5: {  	_ =	swait.ge [sflag:s5], $0x2000  }
0xf6: {  	[sflag:s5] =	ssyncset.done $0x0  }
0xf7: {  	[sflag:s5] =	ssyncadd.s32 $0xFFFFE000  }
0xf8: {  	_ =	swait.ge [sflag:s7], $0x2000  }
0xf9: {  	s9 =	sadd.s32 $0x1, s9;
	s29 =	rddreg [dreg:$0xf]  }
0xfa: {  	p0 =	sne.s32 s9, s29  }
.Ltmp1:
0xfb: {  	_ = 	snop;
	(pc) =	sbr.rel @p0 .LBB2_1-.Ltmp1, $3  }
0xfc: {  	_ =	sdelay $0x1  }
0xfd: {  	[sflag:s7] =	ssyncset.done $0x0  }
0xfe: {  	[sflag:s7] =	ssyncadd.s32 $0xFFFFE000  }
0xff: {  	_ =	sfence.sel $0x180000  }
0x100: {  	[bflag:$0x0] =	sbarrier.arrive $0xFFFF  }
0x101: {  	_ =	strace $0x9000004A  }
0x102: {  	s0 =	stileid.u32;
	[bflag:$0x2] =	sbarrier.arrive $0xFFFF  }
0x103: {  	p0 =	sne.s32 s0, $0x0;
	s0 =	rddreg [dreg:$0x3]  }
0x104: {  	s0 =	sadd.s32 @!p0 $0x100000, s0  }
0x105: {  	[sflag:s0] =	ssyncadd.tile.s32 @!p0 $0x1;
	_ =	shalt  }
.Lfunc_end2:
_tile_overlayer_lowered:
.L_overlay_start_2:
0x106: {  	(tag) =	ssettag $0x2  }
0x107: {  	s0 =	rddreg [dreg:$0x0];
	s2 =	stileid.u32  }
0x108: {  	s1 =	rddreg [dreg:$0x1];
	p0 =	sne.s32 s2, $0x0  }
0x109: {  	s3 =	rddreg [dreg:$0x2];
	[bflag:$0x3] =	sbarrier.arrive $0xFFFF;
	s2 =	simm.s32 @!p0 $0x1C03  }
0x10a: {  	[timem:s3], [sflag:s2] =	dma.local @!p0 [hbm:s0], s1  }
0x10b: {  	s0 =	simm.s32 @!p0 $0x3  }
0x10c: {  	_ =	swait.ge @!p0 [sflag:s0], s1  }
0x10d: {  	s1 =	ssub.s32 @!p0 $0x0, s1;
	[sflag:s0] =	ssyncset.done @!p0 $0x0  }
0x10e: {  	[sflag:s0] =	ssyncadd.s32 @!p0 s1  }
0x10f: {  	[bflag:$0x3] =	sbarrier.arrive $0xFFFF  }
0x110: {  	_ =	shalt  }

// kernel: kernel.13.cloned.1.call-start
scs
__scs_entry_jumppad:
0x0: {  	(pc) =	sbr.rel $0x88, $3  }
0x1: {  	(tag) =	ssettag $0x0;
	lr =	simm.s32 $0x1  }
0x2: {  	[smem:$0x3F95] =	sst lr;
	_ =	strace $0xD0000000  }
0x3: {  	_ = 	snop  }
0x4: {  	_ = 	snop  }
0x5: {  	_ = 	snop  }
0x6: {  	_ = 	snop  }
0x7: {  	_ = 	snop  }
__scs_overlays_trampoline_lowered:
0x8: {  	[smem:$0x3FA4] =	sst s0  }
0x9: {  	[smem:$0x3FA5] =	sst s1  }
0xa: {  	[smem:$0x3FA6] =	sst s2  }
0xb: {  	[smem:$0x3FA7] =	sst s3  }
0xc: {  	[smem:$0x3FA8] =	sst s4  }
0xd: {  	[smem:$0x3FA9] =	sst s5  }
0xe: {  	[smem:$0x3FAA] =	sst s6  }
0xf: {  	[smem:$0x3FAB] =	sst s7  }
0x10: {  	[smem:$0x3FAC] =	sst s8  }
0x11: {  	[smem:$0x3FAD] =	sst s9;
	s0 =	simm.s32 @!p0 $0x0  }
0x12: {  	s1 =	sld [smem:$0x3F93];
	s0 =	simm.s32 @p0 $0x1  }
0x13: {  	[smem:$0x3FAE] =	sst s0;
	s0 =	simm.s32 @!p1 $0x0  }
0x14: {  	s2 =	sld [smem:$0x3F92];
	s0 =	simm.s32 @p1 $0x1  }
0x15: {  	[smem:$0x3FAF] =	sst s0;
	s0 =	simm.s32 @!p2 $0x0  }
0x16: {  	s3 =	sld [smem:$0x3FDB];
	s0 =	simm.s32 @p2 $0x1  }
0x17: {  	s4 =	simm.s32 $0x1BF5;
	[smem:$0x3FB1] =	sst s0  }
0x18: {  	s0 =	sld [smem:$0x3F94];
	_ =	swait.ge [sflag:s4], $0x0  }
0x19: {  	s7 =	sld [smem:$0x3F95]  }
0x1a: {  	s8 =	sadd.s32 $0xFFFFE003, lr  }
0x1b: {  	s9 =	sadd.s32 $0xFFFFFEF7, lr;
	s5 =	simm.s32 $0xFFFFFFFF;
	p2 =	slt.u32 s8, $0xFFFFF086  }
0x1c: {  	p1 =	slt.u32 s9, $0xF7A;
	s5 =	simm.s32 @!p2 $0x0  }
0x1d: {  	s5 =	simm.s32 @p1 $0x1;
	p0 =	seq.s32 s7, s2  }
0x1e: {  	s7 =	smul.u32 @!p0 $0xF7A, s2;
	p2 =	seq.s32 @!p0 s5, $0x0  }
0x1f: {  	s9 =	smul.u32 $0xF7A, s1;
	s8 =	simm.s32 @!p0 $0x1BF5;
	p2 =	por !p2, p0  }
0x20: {  	[sflag:s8] =	ssyncset.s32 @!p0 $0xFFFFF086;
	s6 =	sadd.s32 @!p0 s3, s7;
	s7 =	simm.s32 @!p0 $0x108  }
0x21: {  	s3 =	sadd.s32 s3, s9;
	s6 =	sadd.s32 @!p0 $0x88, s6;
	s7 =	simm.s32 @p2 $0x1082  }
0x22: {  	[simem:s7], [sflag:s8] =	dma.local @!p0 [hbm:s6], $0xF7A  }
0x23: {  	s9 =	sor.u32 $0xD0000000, s2;
	s6 =	simm.s32 $0x108;
	_ =	swait.ge @!p0 [sflag:s8], $0x0  }
0x24: {  	s3 =	sadd.s32 $0x88, s3;
	s6 =	simm.s32 @!p1 $0x1082;
	[sflag:s4] =	ssyncset.s32 $0xFFFFF086  }
0x25: {  	[simem:s6], [sflag:s4] =	dma.local [hbm:s3], $0xF7A  }
0x26: {  	[smem:$0x3F95] =	sst s1;
	(tag) =	ssettag s2;
	_ =	strace s9  }
0x27: {  	s1 =	sld [smem:$0x3FA5]  }
0x28: {  	s2 =	sld [smem:$0x3FA6]  }
0x29: {  	s4 =	sld [smem:$0x3FA8]  }
0x2a: {  	p0 =	seq.s32 s5, $0x0;
	s5 =	sld [smem:$0x3FA9]  }
0x2b: {  	s6 =	sld [smem:$0x3FAA]  }
0x2c: {  	s7 =	sld [smem:$0x3FAB]  }
0x2d: {  	s3 =	simm.s32 $0x108;
	s8 =	sld [smem:$0x3FAC]  }
0x2e: {  	s3 =	simm.s32 @!p0 $0x1082;
	s9 =	sld [smem:$0x3FAD]  }
0x2f: {  	lr =	sadd.s32 s0, s3;
	s0 =	sld [smem:$0x3FA4]  }
0x30: {  	s3 =	sld [smem:$0x3FA7]  }
0x31: {  	[smem:$0x3FB0] =	sst s10  }
0x32: {  	s10 =	sld [smem:$0x3FAE];
	_ =	sdelay $0x3  }
0x33: {  	p0 =	seq.s32 s10, $0x1;
	s10 =	sld [smem:$0x3FB0];
	_ =	sdelay $0x3  }
0x34: {  	[smem:$0x3FB0] =	sst s10  }
0x35: {  	s10 =	sld [smem:$0x3FAF];
	_ =	sdelay $0x3  }
0x36: {  	p1 =	seq.s32 s10, $0x1;
	s10 =	sld [smem:$0x3FB0];
	_ =	sdelay $0x3  }
0x37: {  	[smem:$0x3FB0] =	sst s10  }
0x38: {  	s10 =	sld [smem:$0x3FB1]  }
0x39: {  	_ = 	snop;
	(pc) =	sbr.ind lr, $3  }
0x3a: {  	_ = 	snop  }
0x3b: {  	_ = 	snop  }
0x3c: {  	p2 =	seq.s32 s10, $0x1;
	s10 =	sld [smem:$0x3FB0]  }
0x3d: {  	_ =	shalt  }
0x3e: {  	_ =	shalt  }
0x3f: {  	_ =	shalt  }
0x40: {  	_ =	shalt  }
0x41: {  	_ =	shalt  }
0x42: {  	_ =	shalt  }
0x43: {  	_ =	shalt  }
0x44: {  	_ =	shalt  }
0x45: {  	_ =	shalt  }
0x46: {  	_ =	shalt  }
0x47: {  	_ =	shalt  }
0x48: {  	_ =	shalt  }
0x49: {  	_ =	shalt  }
0x4a: {  	_ =	shalt  }
0x4b: {  	_ =	shalt  }
0x4c: {  	_ =	shalt  }
0x4d: {  	_ =	shalt  }
0x4e: {  	_ =	shalt  }
0x4f: {  	_ =	shalt  }
0x50: {  	_ =	shalt  }
0x51: {  	_ =	shalt  }
0x52: {  	_ =	shalt  }
0x53: {  	_ =	shalt  }
0x54: {  	_ =	shalt  }
0x55: {  	_ =	shalt  }
0x56: {  	_ =	shalt  }
0x57: {  	_ =	shalt  }
0x58: {  	_ =	shalt  }
0x59: {  	_ =	shalt  }
0x5a: {  	_ =	shalt  }
0x5b: {  	_ =	shalt  }
0x5c: {  	_ =	shalt  }
0x5d: {  	_ =	shalt  }
0x5e: {  	_ =	shalt  }
0x5f: {  	_ =	shalt  }
0x60: {  	_ =	shalt  }
0x61: {  	_ =	shalt  }
0x62: {  	_ =	shalt  }
0x63: {  	_ =	shalt  }
0x64: {  	_ =	shalt  }
0x65: {  	_ =	shalt  }
0x66: {  	_ =	shalt  }
0x67: {  	_ =	shalt  }
0x68: {  	_ =	shalt  }
0x69: {  	_ =	shalt  }
0x6a: {  	_ =	shalt  }
0x6b: {  	_ =	shalt  }
0x6c: {  	_ =	shalt  }
0x6d: {  	_ =	shalt  }
0x6e: {  	_ =	shalt  }
0x6f: {  	_ =	shalt  }
0x70: {  	_ =	shalt  }
0x71: {  	_ =	shalt  }
0x72: {  	_ =	shalt  }
0x73: {  	_ =	shalt  }
0x74: {  	_ =	shalt  }
0x75: {  	_ =	shalt  }
0x76: {  	_ =	shalt  }
0x77: {  	_ =	shalt  }
0x78: {  	_ =	shalt  }
0x79: {  	_ =	shalt  }
0x7a: {  	_ =	shalt  }
0x7b: {  	_ =	shalt  }
0x7c: {  	_ =	shalt  }
0x7d: {  	_ =	shalt  }
0x7e: {  	_ =	shalt  }
0x7f: {  	_ =	shalt  }
0x80: {  	_ =	shalt  }
0x81: {  	_ =	shalt  }
0x82: {  	_ =	shalt  }
0x83: {  	_ =	shalt  }
0x84: {  	_ =	shalt  }
0x85: {  	_ =	shalt  }
0x86: {  	_ =	shalt  }
0x87: {  	_ =	shalt  }
.Lfunc_end0:
.L_simem_size_0:
called_computation.2_lowered:
.L_overlay_start_0:
0x88: {  	s2 =	sld [smem:$0x3FD9]  }
0x89: {  	s3 =	sld [smem:$0x3FFE];
	_ =	sdelay $0x1  }
0x8a: {  	s1 =	srdreg.scid  }
0x8b: {  	s0 =	sand.u32 $0x1, s1  }
0x8c: {  	s14 =	sshll.u32 s0, $0xA;
	s2 =	sadd.s32 s3, s2  }
0x8d: {  	s2 =	sadd.s32 s2, s14  }
0x8e: {  	[smem:$0x3FBC] =	sst s2  }
0x8f: {  	_ = 	snop  }
0x90: {  	s2 =	sld [smem:$0x3FD0];
	_ =	sdelay $0x2  }
0x91: {  	s15 =	simm.s32 $0xB;
	s4 =	simm.s32 $0x10  }
0x92: {  	[smem:s4], [sflag:s15] =	dma.local [hbm:s2], $0x1  }
0x93: {  	_ =	swait.eq [sflag:s15], $0x1  }
0x94: {  	[sflag:s15] =	ssyncset.done $0x0  }
0x95: {  	[sflag:s15] =	ssyncadd.s32 $0xFFFFFFFF  }
0x96: {  	s16 =	sld [smem:$0x11];
	(tm) =	ssettm $0x1  }
0x97: {  	s17 =	sld [smem:$0x3FFB];
	_ =	sdelay $0x3  }
0x98: {  	_ =	strace s17  }
0x99: {  	s3 =	sld [smem:$0x3FFC];
	_ =	sdelay $0x3  }
0x9a: {  	_ =	strace s3  }
0x9b: {  	s3 =	sld [smem:$0x3FFD];
	_ =	sdelay $0x3  }
0x9c: {  	_ =	strace s3  }
0x9d: {  	_ =	strace $0x8FFFFFFF  }
0x9e: {  	s18 =	sld [smem:$0x3FDB];
	_ =	sdelay $0x1  }
0x9f: {  	s19 =	simm.s32 $_scs_section_size  }
0xa0: {  	s5 =	simm.s32 $_size__tile_overlayer_lowered;
	s6 =	simm.s32 $_tile_overlayer_lowered  }
0xa1: {  	s22 =	simm.s32 $0x1BFF;
	s21 =	sshll.u32 s6, $0x1;
	s3 =	sadd.s32 s19, s18  }
0xa2: {  	s7 =	simm.s32 $0x0;
	s20 =	sshll.u32 s5, $0x1;
	s5 =	sadd.s32 s21, s3  }
0xa3: {  	[timem:s7], [sflag:s22] =	dma.local [hbm:s5], s20  }
0xa4: {  	_ =	swait.ge [sflag:s22], s20  }
0xa5: {  	s4 =	ssub.s32 $0x0, s20;
	[sflag:s22] =	ssyncset.done $0x0  }
0xa6: {  	[sflag:s22] =	ssyncadd.s32 s4;
	_ =	sdelay $0x1  }
0xa7: {  	s23 =	simm.s32 $0x1B8B  }
0xa8: {  	_ =	swait.ge [sflag:s23], $0x1  }
0xa9: {  	[sflag:s23] =	ssyncset.done $0x0  }
0xaa: {  	s25 =	simm.s32 $0x1B8E;
	s24 =	sld [smem:$0x3FFE];
	[sflag:s23] =	ssyncadd.s32 $0xFFFFFFFF  }
0xab: {  	s26 =	simm.s32 $execute0_lowered;
	[smem:$0x3FD2] =	sst s25  }
0xac: {  	s5 =	sshll.u32 s26, $0x1;
	_ =	strace $0x8000004C;
	[dreg:$0x1] =	wrdreg $0xFFFFFFFF  }
0xad: {  	s28 =	simm.s32 $_size_execute0_lowered;
	s3 =	sadd.s32 s3, s5;
	[dreg:$0x0] =	wrdreg $0x0  }
0xae: {  	s5 =	sshll.u32 s28, $0x1;
	[dreg:$0x2] =	wrdreg s3  }
0xaf: {  	[dreg:$0x3] =	wrdreg s5  }
0xb0: {  	[dreg:$0x4] =	wrdreg $0xC0  }
0xb1: {  	_ =	task [dreg:s7], $0x5FFFF  }
0xb2: {  	[dreg:$0x1] =	wrdreg $0xFFFFFFFF  }
0xb3: {  	[dreg:$0x0] =	wrdreg $0x60  }
0xb4: {  	[dreg:$0x2] =	wrdreg s24  }
0xb5: {  	[dreg:$0x3] =	wrdreg s16  }
0xb6: {  	[dreg:$0x4] =	wrdreg $0xC0000  }
0xb7: {  	[dreg:$0x5] =	wrdreg $0x9  }
0xb8: {  	_ =	task.clear_ibuf [dreg:s7], $0x6FFFF;
	_ =	strace $0x9000004C  }
0xb9: {  	s29 =	simm.s32 $0x9;
	_ =	strace $0x8000004E  }
0xba: {  	_ =	swait.ge [sflag:s29], $0x1  }
0xbb: {  	[sflag:s29] =	ssyncadd.s32 $0xFFFFFFFF  }
0xbc: {  	_ =	strace $0x9000004E  }
0xbd: {  	_ =	sfence  }
0xbe: {  	s30 =	sld [smem:$0x0];
	_ =	sdelay $0x2  }
0xbf: {  	s31 =	sshll.u32 s1, $0xD;
	s1 =	sshrl.u32 s1, $0x2  }
0xc0: {  	s3 =	sand.u32 $0x4000, s31;
	s1 =	sadd.s32 s1, s30  }
0xc1: {  	s0 =	sor.u32 s3, s0;
	s1 =	sshll.u32 s1, $0x11  }
0xc2: {  	s0 =	sor.u32 s1, s0  }
0xc3: {  	s0 =	sadd.s32 $0x8F2B, s0  }
0xc4: {  	[sflag:s0] =	ssyncadd.remote.s32 $0x1  }
0xc5: {  	_ =	sfence.sel $0xFFFF  }
0xc6: {  	[dreg:$0x0] =	wrdreg $0xFFFFFFFF;
	(pc) =	sbr.abs _section_cstart, $3  }
0xc7: {  	[dreg:$0x1] =	wrdreg $0xFFFFFFFF  }
0xc8: {  	_ =	task.clear_ibuf [dreg:s7], $0x2FFFF;
	_ =	strace $0x9FFFFFFF  }
0xc9: {  	(tm) =	ssettm $0x7FFFFFFF  }
tec
execute0_lowered:
.L_overlay_start_1:
0x0: {  	(tag) =	ssettag $0x1  }
0x1: {  	s3 =	rddreg [dreg:$0x0]  }
0x2: {  	s2 =	rddreg [dreg:$0x2]  }
0x3: {  	s4 =	simm.s32 $0x0;
	s0 =	srdreg.scid;
	s22 =	stileid.u32  }
0x4: {  	s31 =	simm.s32 $0x1;
	[smem:$0x7FF] =	sst s4;
	s8 =	smul.u32 $0x14000, s22  }
0x5: {  	s7 =	sand.u32 $0x1, s0;
	s5 =	sadd.s32 $0xC200, s3;
	s15 =	smul.u32 $0x2710, s22  }
0x6: {  	s6 =	sadd.s32 $0x2400, s3;
	s9 =	sadd.s32 $0xB6800, s3;
	s25 =	smul.u32 $0x27100, s7  }
0x7: {  	_ =	strace $0x8000004D;
	s0 =	ssub.s32 $0x2, s7;
	s17 =	smul.u32 $0x140000, s7  }
0x8: {  	s7 =	sshll.u32 s7, $0x4;
	s1 =	sshrl.u32 s0, $0x1;
	s10 =	sor.u32 $0x2000, s8  }
0x9: {  	s11 =	sadd.s32 $0x4000, s8;
	s12 =	sadd.s32 $0x6000, s8;
	s13 =	sadd.s32 $0x8000, s8  }
0xa: {  	s14 =	sadd.s32 $0xA000, s8;
	s16 =	sadd.s32 $0xC000, s8;
	s18 =	sadd.s32 $0xE000, s8  }
0xb: {  	s19 =	sadd.s32 $0x10000, s8;
	s30 =	sadd.s32 $0x12000, s8;
	s0 =	ssub.s32 s0, s1  }
0xc: {  	s1 =	sadd.s32 s15, s25;
	s8 =	sadd.s32 s8, s17;
	s26 =	sadd.s32 s17, s10  }
0xd: {  	s24 =	sadd.s32 s17, s11;
	s11 =	sadd.s32 s11, s2;
	s28 =	sadd.s32 s14, s2  }
0xe: {  	s29 =	sadd.s32 s18, s2;
	s21 =	sadd.s32 $0x208, s1;
	[smem:$0x7F3] =	sst s11  }
0xf: {  	s8 =	sshrl.u32 s8, $0x3;
	s15 =	sshrl.u32 s26, $0x3;
	[dreg:$0x14] =	wrdreg s28  }
0x10: {  	s26 =	sadd.s32 s17, s12;
	s0 =	smax.u32 s0, $0x1;
	[dreg:$0x16] =	wrdreg s29  }
0x11: {  	s21 =	sshrl.u32 s21, $0x3;
	s8 =	sadd.s32 s9, s8;
	[smem:$0x7FC] =	sst s0  }
0x12: {  	s20 =	sadd.s32 s9, s15;
	s0 =	simm.s32 $0x180;
	[dreg:$0x8] =	wrdreg s8  }
0x13: {  	[dreg:$0x9] =	wrdreg s20;
	s23 =	sadd.s32 s21, s6;
	s25 =	sadd.s32 s21, s5  }
0x14: {  	s8 =	sshrl.u32 s24, $0x3;
	s20 =	sshrl.u32 s26, $0x3;
	s21 =	sadd.s32 s17, s13  }
0x15: {  	s24 =	sadd.s32 s17, s14;
	s26 =	sadd.s32 s17, s16;
	[dreg:$0x4] =	wrdreg s23  }
0x16: {  	s16 =	sadd.s32 s16, s2;
	[dreg:$0x5] =	wrdreg s25;
	s8 =	sadd.s32 s9, s8  }
0x17: {  	s23 =	sshrl.u32 s21, $0x3;
	s25 =	sshrl.u32 s24, $0x3;
	[dreg:$0x15] =	wrdreg s16  }
0x18: {  	s21 =	sadd.s32 s17, s18;
	s24 =	sadd.s32 s17, s19;
	[dreg:$0xa] =	wrdreg s8  }
0x19: {  	s8 =	sadd.s32 s9, s20;
	s20 =	sshrl.u32 s26, $0x3;
	s26 =	sadd.s32 $0x1A0, s1  }
0x1a: {  	[dreg:$0xb] =	wrdreg s8;
	s8 =	sadd.s32 s9, s23;
	s23 =	sshrl.u32 s21, $0x3  }
0x1b: {  	s15 =	sshrl.u32 s26, $0x3;
	[dreg:$0xc] =	wrdreg s8;
	s8 =	sadd.s32 s9, s25  }
0x1c: {  	s25 =	sshrl.u32 s24, $0x3;
	s24 =	sadd.s32 s15, s5;
	[dreg:$0xd] =	wrdreg s8  }
0x1d: {  	s26 =	sor.u32 s22, s7;
	s8 =	sadd.s32 s9, s20;
	[dreg:$0x7] =	wrdreg s24  }
0x1e: {  	s20 =	smul.u32 $0x50000, s22;
	s22 =	sadd.s32 s13, s2;
	[dreg:$0xe] =	wrdreg s8  }
0x1f: {  	s17 =	sadd.s32 s17, s30;
	s8 =	sadd.s32 s9, s23;
	[dreg:$0x13] =	wrdreg s22  }
0x20: {  	s23 =	sadd.s32 s15, s6;
	[dreg:$0xf] =	wrdreg s8;
	s8 =	sadd.s32 s9, s25  }
0x21: {  	[dreg:$0x6] =	wrdreg s23;
	s25 =	sshrl.u32 s20, $0x2;
	s20 =	sadd.s32 s19, s2  }
0x22: {  	[dreg:$0x10] =	wrdreg s8;
	s8 =	sshrl.u32 s17, $0x3;
	s17 =	sadd.s32 $0x16000, s3  }
0x23: {  	s3 =	smul.u32 $0x2710, s26;
	s26 =	sadd.s32 s30, s2;
	[dreg:$0x17] =	wrdreg s20  }
0x24: {  	s23 =	sadd.s32 s10, s2;
	s8 =	sadd.s32 s9, s8;
	[dreg:$0x18] =	wrdreg s26  }
0x25: {  	s30 =	simm.s32 $0x7;
	s9 =	sadd.s32 s25, s2;
	[dreg:$0x11] =	wrdreg s8  }
0x26: {  	s25 =	sadd.s32 s12, s2;
	[dreg:$0x19] =	wrdreg s9;
	s8 =	sshrl.u32 s3, $0x3  }
0x27: {  	s14 =	sadd.s32 $0x68, s3;
	[dreg:$0x12] =	wrdreg s25;
	s13 =	sadd.s32 s5, s8  }
0x28: {  	s7 =	sshrl.u32 s14, $0x3;
	s14 =	sadd.s32 s6, s8;
	[smem:$0x7F6] =	sst s13  }
0x29: {  	s18 =	sadd.s32 $0x25C8, s3;
	s15 =	sadd.s32 s5, s7;
	[smem:$0x7F7] =	sst s14  }
0x2a: {  	s21 =	sadd.s32 $0x1A, s8;
	s7 =	sadd.s32 s6, s7;
	[dreg:$0x1a] =	wrdreg s15  }
0x2b: {  	s3 =	sadd.s32 $0x2698, s3;
	s24 =	sadd.s32 s5, s21;
	[dreg:$0x1b] =	wrdreg s7  }
0x2c: {  	s19 =	sshrl.u32 s18, $0x3;
	s9 =	sadd.s32 s6, s21;
	[dreg:$0x1c] =	wrdreg s24  }
0x2d: {  	s11 =	sadd.s32 $0x4C6, s8;
	s10 =	sadd.s32 s5, s19;
	[dreg:$0x1d] =	wrdreg s9  }
0x2e: {  	s3 =	sshrl.u32 s3, $0x3;
	s12 =	sadd.s32 s5, s11;
	[dreg:$0x1e] =	wrdreg s10  }
0x2f: {  	s18 =	sadd.s32 s5, s3;
	s3 =	sadd.s32 s6, s3;
	[smem:$0x7F4] =	sst s12  }
0x30: {  	s13 =	simm.s32 $0x2;
	s14 =	simm.s32 $0x4;
	[smem:$0x7F8] =	sst s18  }
0x31: {  	s7 =	sadd.s32 s6, s19;
	s15 =	sadd.s32 $0x4E0, s8;
	[smem:$0x7F9] =	sst s3  }
0x32: {  	s24 =	sadd.s32 $0x138, s1;
	s3 =	simm.s32 $0x68;
	s1 =	simm.s32 $0x400  }
0x33: {  	s8 =	simm.s32 $0x200;
	s9 =	simm.s32 $0x3800;
	s10 =	simm.s32 $0x100  }
0x34: {  	s12 =	simm.s32 $0x6C00;
	s18 =	simm.s32 $0x5;
	[dreg:$0x1f] =	wrdreg s7  }
0x35: {  	s7 =	sadd.s32 s6, s11;
	s19 =	sadd.s32 s5, s15;
	[smem:$0x7FD] =	sst s24  }
0x36: {  	s21 =	sadd.s32 s6, s15;
	s11 =	simm.s32 $0x280;
	[smem:$0x7F5] =	sst s7  }
0x37: {  	s15 =	simm.s32 $0x3;
	s24 =	simm.s32 $0x0;
	[smem:$0x7FA] =	sst s19  }
0x38: {  	[smem:$0x7FB] =	sst s21;
	s7 =	simm.s32 $0x80;
	s19 =	simm.s32 $0x6  }
.LBB2_1:
0x39: {  	[smem:$0x7F2] =	sst s24  }
0x3a: {  	s21 =	rddreg [dreg:$0x1];
	s24 =	simm.s32 $0xA000  }
0x3b: {  	[tilespmem:s24], [sflag:$0x7] =	stream.linear.gather [hbm4b:s21+s4], $0x2000, $0x38;
	v63 =	vld [tilespmem:$0x0]  }
0x3c: {  	_ =	swait.ge [sflag:s30], $0x2000  }
0x3d: {  	[sflag:s30] =	ssyncset.done $0x0  }
0x3e: {  	s21 =	smov.u32 s22;
	s22 =	rddreg [dreg:$0x19];
	[sflag:s30] =	ssyncadd.s32 $0xFFFFE000  }
0x3f: {  	[spmem:s22] =	stream.linear.scatter [tilespmem:s24], [sflag:$0x1], $0x2000, $0x38;
	v63 =	vld [tilespmem:$0x0]  }
0x40: {  	s22 =	smov.u32 s28  }
0x41: {  	[spmem:s23] =	stream.linear.scatter [tilespmem:s24], [sflag:$0x1], $0x2000, $0x38;
	v63 =	vld [tilespmem:$0x0]  }
0x42: {  	s28 =	smov.u32 s23;
	s23 =	smov.u32 s16;
	s16 =	sld [smem:$0x7F3]  }
0x43: {  	_ =	sdelay $0x1  }
0x44: {  	[spmem:s16] =	stream.linear.scatter [tilespmem:s24], [sflag:$0x1], $0x2000, $0x38;
	v63 =	vld [tilespmem:$0x0]  }
0x45: {  	_ = 	snop  }
0x46: {  	[spmem:s25] =	stream.linear.scatter [tilespmem:s24], [sflag:$0x1], $0x2000, $0x38;
	v63 =	vld [tilespmem:$0x0]  }
0x47: {  	_ = 	snop  }
0x48: {  	[spmem:s21] =	stream.linear.scatter [tilespmem:s24], [sflag:$0x1], $0x2000, $0x38;
	v63 =	vld [tilespmem:$0x0]  }
0x49: {  	_ = 	snop  }
0x4a: {  	[spmem:s22] =	stream.linear.scatter [tilespmem:s24], [sflag:$0x1], $0x2000, $0x38;
	v63 =	vld [tilespmem:$0x0]  }
0x4b: {  	_ = 	snop  }
0x4c: {  	[spmem:s23] =	stream.linear.scatter [tilespmem:s24], [sflag:$0x1], $0x2000, $0x38;
	v63 =	vld [tilespmem:$0x0]  }
0x4d: {  	_ = 	snop  }
0x4e: {  	[spmem:s29] =	stream.linear.scatter [tilespmem:s24], [sflag:$0x1], $0x2000, $0x38;
	v63 =	vld [tilespmem:$0x0]  }
0x4f: {  	_ = 	snop  }
0x50: {  	[spmem:s20] =	stream.linear.scatter [tilespmem:s24], [sflag:$0x1], $0x2000, $0x38;
	v63 =	vld [tilespmem:$0x0]  }
0x51: {  	_ = 	snop  }
0x52: {  	[spmem:s26] =	stream.linear.scatter [tilespmem:s24], [sflag:$0x1], $0x2000, $0x38;
	v63 =	vld [tilespmem:$0x0]  }
0x53: {  	_ =	swait.ge [sflag:s31], $0x2000  }
0x54: {  	[sflag:s31] =	ssyncset.done $0x0  }
0x55: {  	[sflag:s31] =	ssyncadd.s32 $0xFFFFE000  }
0x56: {  	_ =	swait.ge [sflag:s31], $0x2000  }
0x57: {  	[sflag:s31] =	ssyncset.done $0x0  }
0x58: {  	[sflag:s31] =	ssyncadd.s32 $0xFFFFE000  }
0x59: {  	_ =	swait.ge [sflag:s31], $0x2000  }
0x5a: {  	[sflag:s31] =	ssyncset.done $0x0  }
0x5b: {  	[sflag:s31] =	ssyncadd.s32 $0xFFFFE000  }
0x5c: {  	_ =	swait.ge [sflag:s31], $0x2000  }
0x5d: {  	[sflag:s31] =	ssyncset.done $0x0  }
0x5e: {  	[sflag:s31] =	ssyncadd.s32 $0xFFFFE000  }
0x5f: {  	_ =	swait.ge [sflag:s31], $0x2000  }
0x60: {  	[sflag:s31] =	ssyncset.done $0x0  }
0x61: {  	[sflag:s31] =	ssyncadd.s32 $0xFFFFE000  }
0x62: {  	_ =	swait.ge [sflag:s31], $0x2000  }
0x63: {  	[sflag:s31] =	ssyncset.done $0x0  }
0x64: {  	[sflag:s31] =	ssyncadd.s32 $0xFFFFE000  }
0x65: {  	_ =	swait.ge [sflag:s31], $0x2000  }
0x66: {  	[sflag:s31] =	ssyncset.done $0x0  }
0x67: {  	[sflag:s31] =	ssyncadd.s32 $0xFFFFE000  }
0x68: {  	_ =	swait.ge [sflag:s31], $0x2000  }
0x69: {  	[sflag:s31] =	ssyncset.done $0x0  }
0x6a: {  	[sflag:s31] =	ssyncadd.s32 $0xFFFFE000  }
0x6b: {  	_ =	swait.ge [sflag:s31], $0x2000  }
0x6c: {  	[sflag:s31] =	ssyncset.done $0x0  }
0x6d: {  	[sflag:s31] =	ssyncadd.s32 $0xFFFFE000  }
0x6e: {  	_ =	swait.ge [sflag:s31], $0x2000  }
0x6f: {  	[sflag:s31] =	ssyncset.done $0x0  }
0x70: {  	[sflag:s31] =	ssyncadd.s32 $0xFFFFE000  }
0x71: {  	[bflag:$0x0] =	sbarrier.arrive $0xFFFF  }
0x72: {  	s22 =	sld [smem:$0x7F6];
	_ =	sdelay $0x2  }
0x73: {  	[tilespmem:s4], [sflag:$0x7] =	stream.linear.gather [hbm4b:s22+s4], $0x68, $0x38;
	v63 =	vld [tilespmem:$0x0]  }
0x74: {  	_ =	swait.ge [sflag:s30], $0x68  }
0x75: {  	s23 =	sld [smem:$0x7F7]  }
0x76: {  	[sflag:s30] =	ssyncset.done $0x0  }
0x77: {  	[sflag:s30] =	ssyncadd.s32 $0xFFFFFF98  }
0x78: {  	[tilespmem:s0], [sflag:$0x7] =	stream.linear.gather [hbm4b:s23+s4], $0x68, $0x38;
	v63 =	vld [tilespmem:$0x0]  }
0x79: {  	_ =	swait.ge [sflag:s30], $0x68  }
0x7a: {  	[sflag:s30] =	ssyncset.done $0x0  }
0x7b: {  	[sflag:s30] =	ssyncadd.s32 $0xFFFFFF98  }
0x7c: {  	[tilespmem:s1], [sflag:$0x1] =	stream.indirect.gather [hbm4b:s17+s3], $0x80, s4, s3, $0xb8;
	v63 =	vld [tilespmem:$0x0]  }
0x7d: {  	s24 =	rddreg [dreg:$0x1a]  }
0x7e: {  	[tilespmem:s7], [sflag:$0x7] =	stream.linear.gather [hbm4b:s24+s4], $0x68, $0x38;
	v63 =	vld [tilespmem:$0x0]  }
0x7f: {  	_ =	swait.ge [sflag:s30], $0x68  }
0x80: {  	[sflag:s30] =	ssyncset.done $0x0  }
0x81: {  	s25 =	rddreg [dreg:$0x1b];
	[sflag:s30] =	ssyncadd.s32 $0xFFFFFF98  }
0x82: {  	[tilespmem:s8], [sflag:$0x7] =	stream.linear.gather [hbm4b:s25+s4], $0x68, $0x38;
	v63 =	vld [tilespmem:$0x0]  }
0x83: {  	_ =	swait.ge [sflag:s30], $0x68  }
0x84: {  	[sflag:s30] =	ssyncset.done $0x0  }
0x85: {  	[sflag:s30] =	ssyncadd.s32 $0xFFFFFF98  }
0x86: {  	[tilespmem:s9], [sflag:$0x2] =	stream.indirect.gather [hbm4b:s17+s3], $0x80, s7, s3, $0xb8;
	v63 =	vld [tilespmem:$0x0]  }
0x87: {  	_ =	swait.ge [sflag:s31], $0x3400  }
0x88: {  	[sflag:s31] =	ssyncset.done $0x0  }
0x89: {  	[sflag:s31] =	ssyncadd.s32 $0xFFFFCC00  }
0x8a: {  	[spmem:s2] =	stream.indirect.scatter.add.f32 [tilespmem:s1], [sflag:$0x4], $0x80, s0, s3, $0xb8;
	v63 =	vld [tilespmem:$0x0]  }
0x8b: {  	s26 =	rddreg [dreg:$0x1c]  }
0x8c: {  	[tilespmem:s10], [sflag:$0x7] =	stream.linear.gather [hbm4b:s26+s4], $0x68, $0x38;
	v63 =	vld [tilespmem:$0x0]  }
0x8d: {  	_ =	swait.ge [sflag:s30], $0x68  }
0x8e: {  	[sflag:s30] =	ssyncset.done $0x0  }
0x8f: {  	s29 =	rddreg [dreg:$0x1d];
	[sflag:s30] =	ssyncadd.s32 $0xFFFFFF98  }
0x90: {  	[tilespmem:s11], [sflag:$0x7] =	stream.linear.gather [hbm4b:s29+s4], $0x68, $0x38;
	v63 =	vld [tilespmem:$0x0]  }
0x91: {  	_ =	swait.ge [sflag:s30], $0x68  }
0x92: {  	[sflag:s30] =	ssyncset.done $0x0  }
0x93: {  	[sflag:s30] =	ssyncadd.s32 $0xFFFFFF98  }
0x94: {  	[tilespmem:s12], [sflag:$0x3] =	stream.indirect.gather [hbm4b:s17+s3], $0x80, s10, s3, $0xb8;
	v63 =	vld [tilespmem:$0x0]  }
0x95: {  	_ =	swait.ge [sflag:s13], $0x3400  }
0x96: {  	[sflag:s13] =	ssyncset.done $0x0  }
0x97: {  	[sflag:s13] =	ssyncadd.s32 $0xFFFFCC00  }
0x98: {  	[spmem:s2] =	stream.indirect.scatter.add.f32 [tilespmem:s9], [sflag:$0x5], $0x80, s8, s3, $0xb8;
	v63 =	vld [tilespmem:$0x0]  }
0x99: {  	_ =	swait.ge [sflag:s14], $0x3400  }
0x9a: {  	s20 =	sld [smem:$0x7FD];
	_ =	sdelay $0x2  }
0x9b: {  	[sflag:s14] =	ssyncset.done $0x0;
	s16 =	sshrl.u32 s20, $0x3  }
0x9c: {  	[sflag:s14] =	ssyncadd.s32 $0xFFFFCC00;
	s23 =	sadd.s32 s5, s16  }
0x9d: {  	[tilespmem:s4], [sflag:$0x7] =	stream.linear.gather [hbm4b:s23+s4], $0x68, $0x38;
	v63 =	vld [tilespmem:$0x0]  }
0x9e: {  	_ =	swait.ge [sflag:s30], $0x68  }
0x9f: {  	[sflag:s30] =	ssyncset.done $0x0  }
0xa0: {  	s21 =	sadd.s32 s6, s16;
	[sflag:s30] =	ssyncadd.s32 $0xFFFFFF98  }
0xa1: {  	[tilespmem:s0], [sflag:$0x7] =	stream.linear.gather [hbm4b:s21+s4], $0x68, $0x38;
	v63 =	vld [tilespmem:$0x0]  }
0xa2: {  	_ =	swait.ge [sflag:s30], $0x68  }
0xa3: {  	[sflag:s30] =	ssyncset.done $0x0  }
0xa4: {  	[sflag:s30] =	ssyncadd.s32 $0xFFFFFF98  }
0xa5: {  	[tilespmem:s1], [sflag:$0x1] =	stream.indirect.gather [hbm4b:s17+s3], $0x80, s4, s3, $0xb8;
	v63 =	vld [tilespmem:$0x0]  }
0xa6: {  	_ =	swait.ge [sflag:s15], $0x3400  }
0xa7: {  	[sflag:s15] =	ssyncset.done $0x0  }
0xa8: {  	[sflag:s15] =	ssyncadd.s32 $0xFFFFCC00  }
0xa9: {  	[spmem:s2] =	stream.indirect.scatter.add.f32 [tilespmem:s12], [sflag:$0x6], $0x80, s11, s3, $0xb8;
	v63 =	vld [tilespmem:$0x0]  }
0xaa: {  	_ =	swait.ge [sflag:s18], $0x3400  }
0xab: {  	s24 =	rddreg [dreg:$0x7];
	[sflag:s18] =	ssyncset.done $0x0  }
0xac: {  	[sflag:s18] =	ssyncadd.s32 $0xFFFFCC00;
	s21 =	sadd.s32 $0x0, s24  }
0xad: {  	[tilespmem:s7], [sflag:$0x7] =	stream.linear.gather [hbm4b:s21+s4], $0x68, $0x38;
	v63 =	vld [tilespmem:$0x0]  }
0xae: {  	_ =	swait.ge [sflag:s30], $0x68  }
0xaf: {  	s25 =	rddreg [dreg:$0x6];
	[sflag:s30] =	ssyncset.done $0x0  }
0xb0: {  	[sflag:s30] =	ssyncadd.s32 $0xFFFFFF98;
	s21 =	sadd.s32 $0x0, s25  }
0xb1: {  	[tilespmem:s8], [sflag:$0x7] =	stream.linear.gather [hbm4b:s21+s4], $0x68, $0x38;
	v63 =	vld [tilespmem:$0x0]  }
0xb2: {  	_ =	swait.ge [sflag:s30], $0x68  }
0xb3: {  	[sflag:s30] =	ssyncset.done $0x0  }
0xb4: {  	[sflag:s30] =	ssyncadd.s32 $0xFFFFFF98  }
0xb5: {  	[tilespmem:s9], [sflag:$0x2] =	stream.indirect.gather [hbm4b:s17+s3], $0x80, s7, s3, $0xb8;
	v63 =	vld [tilespmem:$0x0]  }
0xb6: {  	_ =	swait.ge [sflag:s31], $0x3400  }
0xb7: {  	[sflag:s31] =	ssyncset.done $0x0  }
0xb8: {  	[sflag:s31] =	ssyncadd.s32 $0xFFFFCC00  }
0xb9: {  	[spmem:s2] =	stream.indirect.scatter.add.f32 [tilespmem:s1], [sflag:$0x4], $0x80, s0, s3, $0xb8;
	v63 =	vld [tilespmem:$0x0]  }
0xba: {  	_ =	swait.ge [sflag:s19], $0x3400  }
0xbb: {  	s26 =	rddreg [dreg:$0x5];
	[sflag:s19] =	ssyncset.done $0x0  }
0xbc: {  	[sflag:s19] =	ssyncadd.s32 $0xFFFFCC00;
	s21 =	sadd.s32 $0x0, s26  }
0xbd: {  	[tilespmem:s10], [sflag:$0x7] =	stream.linear.gather [hbm4b:s21+s4], $0x68, $0x38;
	v63 =	vld [tilespmem:$0x0]  }
0xbe: {  	_ =	swait.ge [sflag:s30], $0x68  }
0xbf: {  	s29 =	rddreg [dreg:$0x4];
	[sflag:s30] =	ssyncset.done $0x0  }
0xc0: {  	[sflag:s30] =	ssyncadd.s32 $0xFFFFFF98;
	s21 =	sadd.s32 $0x0, s29  }
0xc1: {  	[tilespmem:s11], [sflag:$0x7] =	stream.linear.gather [hbm4b:s21+s4], $0x68, $0x38;
	v63 =	vld [tilespmem:$0x0]  }
0xc2: {  	_ =	swait.ge [sflag:s30], $0x68  }
0xc3: {  	[sflag:s30] =	ssyncset.done $0x0  }
0xc4: {  	s22 =	sadd.s32 $0x138, s20;
	s21 =	simm.s32 $0x27;
	[sflag:s30] =	ssyncadd.s32 $0xFFFFFF98  }
.LBB2_2:
0xc5: {  	[tilespmem:s12], [sflag:$0x3] =	stream.indirect.gather [hbm4b:s17+s3], $0x80, s10, s3, $0xb8;
	v63 =	vld [tilespmem:$0x0]  }
0xc6: {  	_ =	swait.ge [sflag:s13], $0x3400  }
0xc7: {  	[sflag:s13] =	ssyncset.done $0x0  }
0xc8: {  	[sflag:s13] =	ssyncadd.s32 $0xFFFFCC00  }
0xc9: {  	[spmem:s2] =	stream.indirect.scatter.add.f32 [tilespmem:s9], [sflag:$0x5], $0x80, s8, s3, $0xb8;
	v63 =	vld [tilespmem:$0x0]  }
0xca: {  	_ =	swait.ge [sflag:s14], $0x3400  }
0xcb: {  	s24 =	sshrl.u32 s22, $0x3;
	[sflag:s14] =	ssyncset.done $0x0  }
0xcc: {  	s25 =	sadd.s32 s5, s24;
	[sflag:s14] =	ssyncadd.s32 $0xFFFFCC00  }
0xcd: {  	[tilespmem:s4], [sflag:$0x7] =	stream.linear.gather [hbm4b:s25+s4], $0x68, $0x38;
	v63 =	vld [tilespmem:$0x0]  }
0xce: {  	_ =	swait.ge [sflag:s30], $0x68  }
0xcf: {  	[sflag:s30] =	ssyncset.done $0x0  }
0xd0: {  	s24 =	sadd.s32 s6, s24;
	[sflag:s30] =	ssyncadd.s32 $0xFFFFFF98  }
0xd1: {  	[tilespmem:s0], [sflag:$0x7] =	stream.linear.gather [hbm4b:s24+s4], $0x68, $0x38;
	v63 =	vld [tilespmem:$0x0]  }
0xd2: {  	_ =	swait.ge [sflag:s30], $0x68  }
0xd3: {  	[sflag:s30] =	ssyncset.done $0x0  }
0xd4: {  	[sflag:s30] =	ssyncadd.s32 $0xFFFFFF98  }
0xd5: {  	[tilespmem:s1], [sflag:$0x1] =	stream.indirect.gather [hbm4b:s17+s3], $0x80, s4, s3, $0xb8;
	v63 =	vld [tilespmem:$0x0]  }
0xd6: {  	_ =	swait.ge [sflag:s15], $0x3400  }
0xd7: {  	[sflag:s15] =	ssyncset.done $0x0  }
0xd8: {  	[sflag:s15] =	ssyncadd.s32 $0xFFFFCC00  }
0xd9: {  	[spmem:s2] =	stream.indirect.scatter.add.f32 [tilespmem:s12], [sflag:$0x6], $0x80, s11, s3, $0xb8;
	v63 =	vld [tilespmem:$0x0]  }
0xda: {  	_ =	swait.ge [sflag:s18], $0x3400  }
0xdb: {  	s23 =	smov.u32 s21;
	s20 =	rddreg [dreg:$0x7];
	[sflag:s18] =	ssyncset.done $0x0  }
0xdc: {  	[sflag:s18] =	ssyncadd.s32 $0xFFFFCC00;
	s24 =	sadd.s32 s23, s20  }
0xdd: {  	[tilespmem:s7], [sflag:$0x7] =	stream.linear.gather [hbm4b:s24+s4], $0x68, $0x38;
	v63 =	vld [tilespmem:$0x0]  }
0xde: {  	_ =	swait.ge [sflag:s30], $0x68  }
0xdf: {  	s25 =	rddreg [dreg:$0x6];
	[sflag:s30] =	ssyncset.done $0x0  }
0xe0: {  	[sflag:s30] =	ssyncadd.s32 $0xFFFFFF98;
	s24 =	sadd.s32 s23, s25  }
0xe1: {  	[tilespmem:s8], [sflag:$0x7] =	stream.linear.gather [hbm4b:s24+s4], $0x68, $0x38;
	v63 =	vld [tilespmem:$0x0]  }
0xe2: {  	_ =	swait.ge [sflag:s30], $0x68  }
0xe3: {  	[sflag:s30] =	ssyncset.done $0x0  }
0xe4: {  	[sflag:s30] =	ssyncadd.s32 $0xFFFFFF98  }
0xe5: {  	[tilespmem:s9], [sflag:$0x2] =	stream.indirect.gather [hbm4b:s17+s3], $0x80, s7, s3, $0xb8;
	v63 =	vld [tilespmem:$0x0]  }
0xe6: {  	_ =	swait.ge [sflag:s31], $0x3400  }
0xe7: {  	[sflag:s31] =	ssyncset.done $0x0  }
0xe8: {  	[sflag:s31] =	ssyncadd.s32 $0xFFFFCC00  }
0xe9: {  	[spmem:s2] =	stream.indirect.scatter.add.f32 [tilespmem:s1], [sflag:$0x4], $0x80, s0, s3, $0xb8;
	v63 =	vld [tilespmem:$0x0]  }
0xea: {  	_ =	swait.ge [sflag:s19], $0x3400  }
0xeb: {  	s26 =	rddreg [dreg:$0x5];
	[sflag:s19] =	ssyncset.done $0x0  }
0xec: {  	[sflag:s19] =	ssyncadd.s32 $0xFFFFCC00;
	s24 =	sadd.s32 s23, s26  }
0xed: {  	[tilespmem:s10], [sflag:$0x7] =	stream.linear.gather [hbm4b:s24+s4], $0x68, $0x38;
	v63 =	vld [tilespmem:$0x0]  }
0xee: {  	_ =	swait.ge [sflag:s30], $0x68  }
0xef: {  	p0 =	sne.s32 s21, $0x46B;
	s29 =	rddreg [dreg:$0x4];
	[sflag:s30] =	ssyncset.done $0x0  }
.Ltmp0:
0xf0: {  	[sflag:s30] =	ssyncadd.s32 $0xFFFFFF98;
	s23 =	sadd.s32 s23, s29;
	(pc) =	sbr.rel @p0 .LBB2_2-.Ltmp0, $4  }
0xf1: {  	[tilespmem:s11], [sflag:$0x7] =	stream.linear.gather [hbm4b:s23+s4], $0x68, $0x38;
	v63 =	vld [tilespmem:$0x0]  }
0xf2: {  	_ =	swait.ge [sflag:s30], $0x68  }
0xf3: {  	[sflag:s30] =	ssyncset.done $0x0  }
0xf4: {  	s21 =	sadd.s32 $0x27, s21;
	s22 =	sadd.s32 $0x138, s22;
	[sflag:s30] =	ssyncadd.s32 $0xFFFFFF98  }
0xf5: {  	[tilespmem:s12], [sflag:$0x3] =	stream.indirect.gather [hbm4b:s17+s3], $0x80, s10, s3, $0xb8;
	v63 =	vld [tilespmem:$0x0]  }
0xf6: {  	_ =	swait.ge [sflag:s13], $0x3400  }
0xf7: {  	[sflag:s13] =	ssyncset.done $0x0  }
0xf8: {  	[sflag:s13] =	ssyncadd.s32 $0xFFFFCC00  }
0xf9: {  	[spmem:s2] =	stream.indirect.scatter.add.f32 [tilespmem:s9], [sflag:$0x5], $0x80, s8, s3, $0xb8;
	v63 =	vld [tilespmem:$0x0]  }
0xfa: {  	_ =	swait.ge [sflag:s14], $0x3400  }
0xfb: {  	[sflag:s14] =	ssyncset.done $0x0  }
0xfc: {  	s20 =	rddreg [dreg:$0x1e];
	[sflag:s14] =	ssyncadd.s32 $0xFFFFCC00  }
0xfd: {  	[tilespmem:s4], [sflag:$0x7] =	stream.linear.gather [hbm4b:s20+s4], $0x68, $0x38;
	v63 =	vld [tilespmem:$0x0]  }
0xfe: {  	_ =	swait.ge [sflag:s30], $0x68  }
0xff: {  	[sflag:s30] =	ssyncset.done $0x0  }
0x100: {  	s25 =	rddreg [dreg:$0x1f];
	[sflag:s30] =	ssyncadd.s32 $0xFFFFFF98  }
0x101: {  	[tilespmem:s0], [sflag:$0x7] =	stream.linear.gather [hbm4b:s25+s4], $0x68, $0x38;
	v63 =	vld [tilespmem:$0x0]  }
0x102: {  	_ =	swait.ge [sflag:s30], $0x68  }
0x103: {  	[sflag:s30] =	ssyncset.done $0x0  }
0x104: {  	[sflag:s30] =	ssyncadd.s32 $0xFFFFFF98  }
0x105: {  	[tilespmem:s1], [sflag:$0x1] =	stream.indirect.gather [hbm4b:s17+s3], $0x80, s4, s3, $0xb8;
	v63 =	vld [tilespmem:$0x0]  }
0x106: {  	_ =	swait.ge [sflag:s15], $0x3400  }
0x107: {  	[sflag:s15] =	ssyncset.done $0x0  }
0x108: {  	[sflag:s15] =	ssyncadd.s32 $0xFFFFCC00  }
0x109: {  	[spmem:s2] =	stream.indirect.scatter.add.f32 [tilespmem:s12], [sflag:$0x6], $0x80, s11, s3, $0xb8;
	v63 =	vld [tilespmem:$0x0]  }
0x10a: {  	_ =	swait.ge [sflag:s18], $0x3400  }
0x10b: {  	s26 =	sld [smem:$0x7F4]  }
0x10c: {  	[sflag:s18] =	ssyncset.done $0x0  }
0x10d: {  	[sflag:s18] =	ssyncadd.s32 $0xFFFFCC00  }
0x10e: {  	[tilespmem:s7], [sflag:$0x7] =	stream.linear.gather [hbm4b:s26+s4], $0x68, $0x38;
	v63 =	vld [tilespmem:$0x0]  }
0x10f: {  	_ =	swait.ge [sflag:s30], $0x68  }
0x110: {  	s16 =	sld [smem:$0x7F5]  }
0x111: {  	[sflag:s30] =	ssyncset.done $0x0  }
0x112: {  	[sflag:s30] =	ssyncadd.s32 $0xFFFFFF98  }
0x113: {  	[tilespmem:s8], [sflag:$0x7] =	stream.linear.gather [hbm4b:s16+s4], $0x68, $0x38;
	v63 =	vld [tilespmem:$0x0]  }
0x114: {  	_ =	swait.ge [sflag:s30], $0x68  }
0x115: {  	[sflag:s30] =	ssyncset.done $0x0  }
0x116: {  	[sflag:s30] =	ssyncadd.s32 $0xFFFFFF98  }
0x117: {  	[tilespmem:s9], [sflag:$0x2] =	stream.indirect.gather [hbm4b:s17+s3], $0x80, s7, s3, $0xb8;
	v63 =	vld [tilespmem:$0x0]  }
0x118: {  	_ =	swait.ge [sflag:s31], $0x3400  }
0x119: {  	[sflag:s31] =	ssyncset.done $0x0  }
0x11a: {  	[sflag:s31] =	ssyncadd.s32 $0xFFFFCC00  }
0x11b: {  	[spmem:s2] =	stream.indirect.scatter.add.f32 [tilespmem:s1], [sflag:$0x4], $0x80, s0, s3, $0xb8;
	v63 =	vld [tilespmem:$0x0]  }
0x11c: {  	_ =	swait.ge [sflag:s19], $0x3400  }
0x11d: {  	s21 =	sld [smem:$0x7F8]  }
0x11e: {  	[sflag:s19] =	ssyncset.done $0x0  }
0x11f: {  	[sflag:s19] =	ssyncadd.s32 $0xFFFFCC00  }
0x120: {  	[tilespmem:s10], [sflag:$0x7] =	stream.linear.gather [hbm4b:s21+s4], $0x68, $0x38;
	v63 =	vld [tilespmem:$0x0]  }
0x121: {  	_ =	swait.ge [sflag:s30], $0x68  }
0x122: {  	s22 =	sld [smem:$0x7F9]  }
0x123: {  	[sflag:s30] =	ssyncset.done $0x0  }
0x124: {  	[sflag:s30] =	ssyncadd.s32 $0xFFFFFF98  }
0x125: {  	[tilespmem:s11], [sflag:$0x7] =	stream.linear.gather [hbm4b:s22+s4], $0x68, $0x38;
	v63 =	vld [tilespmem:$0x0]  }
0x126: {  	_ =	swait.ge [sflag:s30], $0x68  }
0x127: {  	[sflag:s30] =	ssyncset.done $0x0  }
0x128: {  	[sflag:s30] =	ssyncadd.s32 $0xFFFFFF98  }
0x129: {  	[tilespmem:s12], [sflag:$0x3] =	stream.indirect.gather [hbm4b:s17+s3], $0x80, s10, s3, $0xb8;
	v63 =	vld [tilespmem:$0x0]  }
0x12a: {  	_ =	swait.ge [sflag:s13], $0x3400  }
0x12b: {  	[sflag:s13] =	ssyncset.done $0x0  }
0x12c: {  	[sflag:s13] =	ssyncadd.s32 $0xFFFFCC00  }
0x12d: {  	[spmem:s2] =	stream.indirect.scatter.add.f32 [tilespmem:s9], [sflag:$0x5], $0x80, s8, s3, $0xb8;
	v63 =	vld [tilespmem:$0x0]  }
0x12e: {  	_ =	swait.ge [sflag:s14], $0x3400  }
0x12f: {  	[sflag:s14] =	ssyncset.done $0x0  }
0x130: {  	[sflag:s14] =	ssyncadd.s32 $0xFFFFCC00  }
0x131: {  	_ =	swait.ge [sflag:s15], $0x3400  }
0x132: {  	[sflag:s15] =	ssyncset.done $0x0  }
0x133: {  	[sflag:s15] =	ssyncadd.s32 $0xFFFFCC00  }
0x134: {  	[spmem:s2] =	stream.indirect.scatter.add.f32 [tilespmem:s12], [sflag:$0x6], $0x80, s11, s3, $0xb8;
	v63 =	vld [tilespmem:$0x0]  }
0x135: {  	_ =	swait.ge [sflag:s18], $0x3400  }
0x136: {  	[sflag:s18] =	ssyncset.done $0x0  }
0x137: {  	[sflag:s18] =	ssyncadd.s32 $0xFFFFCC00  }
0x138: {  	_ =	swait.ge [sflag:s19], $0x3400  }
0x139: {  	s23 =	sld [smem:$0x7FA]  }
0x13a: {  	[sflag:s19] =	ssyncset.done $0x0  }
0x13b: {  	s21 =	simm.s32 $0x300;
	[sflag:s19] =	ssyncadd.s32 $0xFFFFCC00  }
0x13c: {  	[tilespmem:s21], [sflag:$0x7] =	stream.linear.gather [hbm4b:s23+s4], $0x10, $0x38;
	v63 =	vld [tilespmem:$0x0]  }
0x13d: {  	_ =	swait.ge [sflag:s30], $0x10  }
0x13e: {  	s24 =	sld [smem:$0x7FB]  }
0x13f: {  	[sflag:s30] =	ssyncset.done $0x0  }
0x140: {  	s22 =	simm.s32 $0x380;
	[sflag:s30] =	ssyncadd.s32 $0xFFFFFFF0  }
0x141: {  	[tilespmem:s22], [sflag:$0x7] =	stream.linear.gather [hbm4b:s24+s4], $0x10, $0x38;
	v63 =	vld [tilespmem:$0x0]  }
0x142: {  	_ =	swait.ge [sflag:s30], $0x10  }
0x143: {  	[sflag:s30] =	ssyncset.done $0x0  }
0x144: {  	s25 =	simm.s32 $0x10;
	[sflag:s30] =	ssyncadd.s32 $0xFFFFFFF0  }
0x145: {  	[tilespmem:s1], [sflag:$0x1] =	stream.indirect.gather [hbm4b:s17+s25], $0x80, s21, s25, $0xb8;
	v63 =	vld [tilespmem:$0x0]  }
0x146: {  	_ =	swait.ge [sflag:s31], $0x800  }
0x147: {  	[sflag:s31] =	ssyncset.done $0x0  }
0x148: {  	[sflag:s31] =	ssyncadd.s32 $0xFFFFF800  }
0x149: {  	[spmem:s2] =	stream.indirect.scatter.add.f32 [tilespmem:s1], [sflag:$0x7], $0x80, s22, s25, $0xb8;
	v63 =	vld [tilespmem:$0x0]  }
0x14a: {  	_ =	swait.ge [sflag:s30], $0x800  }
0x14b: {  	[sflag:s30] =	ssyncset.done $0x0  }
0x14c: {  	[sflag:s30] =	ssyncadd.s32 $0xFFFFF800  }
0x14d: {  	[bflag:$0x0] =	sbarrier.arrive $0xFFFF  }
0x14e: {  	s26 =	rddreg [dreg:$0x19]  }
0x14f: {  	[tilespmem:s1], [sflag:$0x7] =	stream.linear.gather [spmem:s26], $0x2000, $0x38;
	v63 =	vld [tilespmem:$0x0]  }
0x150: {  	_ =	swait.ge [sflag:s30], $0x2000  }
0x151: {  	[sflag:s30] =	ssyncset.done $0x0  }
0x152: {  	s16 =	rddreg [dreg:$0x8];
	[sflag:s30] =	ssyncadd.s32 $0xFFFFE000  }
0x153: {  	[hbm4b:s16+s4] =	stream.linear.scatter [tilespmem:s1], [sflag:$0x1], $0x2000, $0x38;
	v63 =	vld [tilespmem:$0x0]  }
0x154: {  	_ = 	snop  }
0x155: {  	[tilespmem:s9], [sflag:$0x7] =	stream.linear.gather [spmem:s28], $0x2000, $0x38;
	v63 =	vld [tilespmem:$0x0]  }
0x156: {  	_ =	swait.ge [sflag:s30], $0x2000  }
0x157: {  	[sflag:s30] =	ssyncset.done $0x0  }
0x158: {  	s20 =	rddreg [dreg:$0x9];
	[sflag:s30] =	ssyncadd.s32 $0xFFFFE000  }
0x159: {  	[hbm4b:s20+s4] =	stream.linear.scatter [tilespmem:s9], [sflag:$0x2], $0x2000, $0x38;
	v63 =	vld [tilespmem:$0x0]  }
0x15a: {  	_ =	swait.ge [sflag:s31], $0x2000  }
0x15b: {  	s16 =	sld [smem:$0x7F3]  }
0x15c: {  	[sflag:s31] =	ssyncset.done $0x0  }
0x15d: {  	[sflag:s31] =	ssyncadd.s32 $0xFFFFE000  }
0x15e: {  	[tilespmem:s1], [sflag:$0x7] =	stream.linear.gather [spmem:s16], $0x2000, $0x38;
	v63 =	vld [tilespmem:$0x0]  }
0x15f: {  	_ =	swait.ge [sflag:s30], $0x2000  }
0x160: {  	[sflag:s30] =	ssyncset.done $0x0  }
0x161: {  	s22 =	rddreg [dreg:$0xa];
	[sflag:s30] =	ssyncadd.s32 $0xFFFFE000  }
0x162: {  	[hbm4b:s22+s4] =	stream.linear.scatter [tilespmem:s1], [sflag:$0x1], $0x2000, $0x38;
	v63 =	vld [tilespmem:$0x0]  }
0x163: {  	_ =	swait.ge [sflag:s13], $0x2000  }
0x164: {  	[sflag:s13] =	ssyncset.done $0x0  }
0x165: {  	s25 =	rddreg [dreg:$0x12];
	[sflag:s13] =	ssyncadd.s32 $0xFFFFE000  }
0x166: {  	[tilespmem:s9], [sflag:$0x7] =	stream.linear.gather [spmem:s25], $0x2000, $0x38;
	v63 =	vld [tilespmem:$0x0]  }
0x167: {  	_ =	swait.ge [sflag:s30], $0x2000  }
0x168: {  	[sflag:s30] =	ssyncset.done $0x0  }
0x169: {  	s24 =	rddreg [dreg:$0xb];
	[sflag:s30] =	ssyncadd.s32 $0xFFFFE000  }
0x16a: {  	[hbm4b:s24+s4] =	stream.linear.scatter [tilespmem:s9], [sflag:$0x2], $0x2000, $0x38;
	v63 =	vld [tilespmem:$0x0]  }
0x16b: {  	_ =	swait.ge [sflag:s31], $0x2000  }
0x16c: {  	[sflag:s31] =	ssyncset.done $0x0  }
0x16d: {  	s22 =	rddreg [dreg:$0x13];
	[sflag:s31] =	ssyncadd.s32 $0xFFFFE000  }
0x16e: {  	[tilespmem:s1], [sflag:$0x7] =	stream.linear.gather [spmem:s22], $0x2000, $0x38;
	v63 =	vld [tilespmem:$0x0]  }
0x16f: {  	_ =	swait.ge [sflag:s30], $0x2000  }
0x170: {  	[sflag:s30] =	ssyncset.done $0x0  }
0x171: {  	s26 =	rddreg [dreg:$0xc];
	[sflag:s30] =	ssyncadd.s32 $0xFFFFE000  }
0x172: {  	[hbm4b:s26+s4] =	stream.linear.scatter [tilespmem:s1], [sflag:$0x1], $0x2000, $0x38;
	v63 =	vld [tilespmem:$0x0]  }
0x173: {  	_ =	swait.ge [sflag:s13], $0x2000  }
0x174: {  	[sflag:s13] =	ssyncset.done $0x0  }
0x175: {  	s23 =	smov.u32 s28;
	s28 =	rddreg [dreg:$0x14];
	[sflag:s13] =	ssyncadd.s32 $0xFFFFE000  }
0x176: {  	[tilespmem:s9], [sflag:$0x7] =	stream.linear.gather [spmem:s28], $0x2000, $0x38;
	v63 =	vld [tilespmem:$0x0]  }
0x177: {  	_ =	swait.ge [sflag:s30], $0x2000  }
0x178: {  	[sflag:s30] =	ssyncset.done $0x0  }
0x179: {  	s16 =	rddreg [dreg:$0xd];
	[sflag:s30] =	ssyncadd.s32 $0xFFFFE000  }
0x17a: {  	[hbm4b:s16+s4] =	stream.linear.scatter [tilespmem:s9], [sflag:$0x2], $0x2000, $0x38;
	v63 =	vld [tilespmem:$0x0]  }
0x17b: {  	_ =	swait.ge [sflag:s31], $0x2000  }
0x17c: {  	[sflag:s31] =	ssyncset.done $0x0  }
0x17d: {  	s16 =	rddreg [dreg:$0x15];
	[sflag:s31] =	ssyncadd.s32 $0xFFFFE000  }
0x17e: {  	[tilespmem:s1], [sflag:$0x7] =	stream.linear.gather [spmem:s16], $0x2000, $0x38;
	v63 =	vld [tilespmem:$0x0]  }
0x17f: {  	_ =	swait.ge [sflag:s30], $0x2000  }
0x180: {  	[sflag:s30] =	ssyncset.done $0x0  }
0x181: {  	s20 =	rddreg [dreg:$0xe];
	[sflag:s30] =	ssyncadd.s32 $0xFFFFE000  }
0x182: {  	[hbm4b:s20+s4] =	stream.linear.scatter [tilespmem:s1], [sflag:$0x1], $0x2000, $0x38;
	v63 =	vld [tilespmem:$0x0]  }
0x183: {  	_ =	swait.ge [sflag:s13], $0x2000  }
0x184: {  	[sflag:s13] =	ssyncset.done $0x0  }
0x185: {  	s29 =	rddreg [dreg:$0x16];
	[sflag:s13] =	ssyncadd.s32 $0xFFFFE000  }
0x186: {  	[tilespmem:s9], [sflag:$0x7] =	stream.linear.gather [spmem:s29], $0x2000, $0x38;
	v63 =	vld [tilespmem:$0x0]  }
0x187: {  	_ =	swait.ge [sflag:s30], $0x2000  }
0x188: {  	[sflag:s30] =	ssyncset.done $0x0  }
0x189: {  	s24 =	rddreg [dreg:$0xf];
	[sflag:s30] =	ssyncadd.s32 $0xFFFFE000  }
0x18a: {  	[hbm4b:s24+s4] =	stream.linear.scatter [tilespmem:s9], [sflag:$0x2], $0x2000, $0x38;
	v63 =	vld [tilespmem:$0x0]  }
0x18b: {  	_ =	swait.ge [sflag:s31], $0x2000  }
0x18c: {  	[sflag:s31] =	ssyncset.done $0x0  }
0x18d: {  	s20 =	rddreg [dreg:$0x17];
	[sflag:s31] =	ssyncadd.s32 $0xFFFFE000  }
0x18e: {  	[tilespmem:s1], [sflag:$0x7] =	stream.linear.gather [spmem:s20], $0x2000, $0x38;
	v63 =	vld [tilespmem:$0x0]  }
0x18f: {  	_ =	swait.ge [sflag:s30], $0x2000  }
0x190: {  	[sflag:s30] =	ssyncset.done $0x0  }
0x191: {  	s26 =	rddreg [dreg:$0x10];
	[sflag:s30] =	ssyncadd.s32 $0xFFFFE000  }
0x192: {  	[hbm4b:s26+s4] =	stream.linear.scatter [tilespmem:s1], [sflag:$0x1], $0x2000, $0x38;
	v63 =	vld [tilespmem:$0x0]  }
0x193: {  	_ =	swait.ge [sflag:s13], $0x2000  }
0x194: {  	[sflag:s13] =	ssyncset.done $0x0  }
0x195: {  	s26 =	rddreg [dreg:$0x18];
	[sflag:s13] =	ssyncadd.s32 $0xFFFFE000  }
0x196: {  	[tilespmem:s9], [sflag:$0x7] =	stream.linear.gather [spmem:s26], $0x2000, $0x38;
	v63 =	vld [tilespmem:$0x0]  }
0x197: {  	_ =	swait.ge [sflag:s30], $0x2000  }
0x198: {  	[sflag:s30] =	ssyncset.done $0x0  }
0x199: {  	s24 =	rddreg [dreg:$0x11];
	[sflag:s30] =	ssyncadd.s32 $0xFFFFE000  }
0x19a: {  	[hbm4b:s24+s4] =	stream.linear.scatter [tilespmem:s9], [sflag:$0x2], $0x2000, $0x38;
	v63 =	vld [tilespmem:$0x0]  }
0x19b: {  	_ =	swait.ge [sflag:s31], $0x2000  }
0x19c: {  	[sflag:s31] =	ssyncset.done $0x0  }
0x19d: {  	[sflag:s31] =	ssyncadd.s32 $0xFFFFE000  }
0x19e: {  	_ =	swait.ge [sflag:s13], $0x2000  }
0x19f: {  	s24 =	sld [smem:$0x7F2]  }
0x1a0: {  	s21 =	sld [smem:$0x7FC];
	_ =	sdelay $0x1  }
0x1a1: {  	s24 =	sadd.s32 $0x1, s24  }
0x1a2: {  	p0 =	sne.s32 s24, s21  }
.Ltmp1:
0x1a3: {  	_ = 	snop;
	(pc) =	sbr.rel @p0 .LBB2_1-.Ltmp1, $3  }
0x1a4: {  	_ =	sdelay $0x1  }
0x1a5: {  	[sflag:s13] =	ssyncset.done $0x0  }
0x1a6: {  	[sflag:s13] =	ssyncadd.s32 $0xFFFFE000  }
0x1a7: {  	_ =	sfence.sel $0x180000  }
0x1a8: {  	[bflag:$0x0] =	sbarrier.arrive $0xFFFF  }
0x1a9: {  	_ =	strace $0x9000004D  }
0x1aa: {  	s0 =	stileid.u32;
	[bflag:$0x2] =	sbarrier.arrive $0xFFFF  }
0x1ab: {  	p0 =	sne.s32 s0, $0x0;
	s0 =	rddreg [dreg:$0x3]  }
0x1ac: {  	s0 =	sadd.s32 @!p0 $0x100000, s0  }
0x1ad: {  	[sflag:s0] =	ssyncadd.tile.s32 @!p0 $0x1;
	_ =	shalt  }
.Lfunc_end2:
_tile_overlayer_lowered:
.L_overlay_start_2:
0x1ae: {  	(tag) =	ssettag $0x2  }
0x1af: {  	s0 =	rddreg [dreg:$0x0];
	s2 =	stileid.u32  }
0x1b0: {  	s1 =	rddreg [dreg:$0x1];
	p0 =	sne.s32 s2, $0x0  }
0x1b1: {  	s3 =	rddreg [dreg:$0x2];
	[bflag:$0x3] =	sbarrier.arrive $0xFFFF;
	s2 =	simm.s32 @!p0 $0x1C07  }
0x1b2: {  	[timem:s3], [sflag:s2] =	dma.local @!p0 [hbm:s0], s1  }
0x1b3: {  	s0 =	simm.s32 @!p0 $0x7  }
0x1b4: {  	_ =	swait.ge @!p0 [sflag:s0], s1  }
0x1b5: {  	s1 =	ssub.s32 @!p0 $0x0, s1;
	[sflag:s0] =	ssyncset.done @!p0 $0x0  }
0x1b6: {  	[sflag:s0] =	ssyncadd.s32 @!p0 s1  }
0x1b7: {  	[bflag:$0x3] =	sbarrier.arrive $0xFFFF  }
0x1b8: {  	_ =	shalt  }

// kernel: kernel.7.cloned.1.call-start
scs
__scs_entry_jumppad:
0x0: {  	(pc) =	sbr.rel $0x88, $3  }
0x1: {  	(tag) =	ssettag $0x0;
	lr =	simm.s32 $0x1  }
0x2: {  	[smem:$0x3F95] =	sst lr;
	_ =	strace $0xD0000000  }
0x3: {  	_ = 	snop  }
0x4: {  	_ = 	snop  }
0x5: {  	_ = 	snop  }
0x6: {  	_ = 	snop  }
0x7: {  	_ = 	snop  }
__scs_overlays_trampoline_lowered:
0x8: {  	[smem:$0x3FA4] =	sst s0  }
0x9: {  	[smem:$0x3FA5] =	sst s1  }
0xa: {  	[smem:$0x3FA6] =	sst s2  }
0xb: {  	[smem:$0x3FA7] =	sst s3  }
0xc: {  	[smem:$0x3FA8] =	sst s4  }
0xd: {  	[smem:$0x3FA9] =	sst s5  }
0xe: {  	[smem:$0x3FAA] =	sst s6  }
0xf: {  	[smem:$0x3FAB] =	sst s7  }
0x10: {  	[smem:$0x3FAC] =	sst s8  }
0x11: {  	[smem:$0x3FAD] =	sst s9;
	s0 =	simm.s32 @!p0 $0x0  }
0x12: {  	s1 =	sld [smem:$0x3F93];
	s0 =	simm.s32 @p0 $0x1  }
0x13: {  	[smem:$0x3FAE] =	sst s0;
	s0 =	simm.s32 @!p1 $0x0  }
0x14: {  	s2 =	sld [smem:$0x3F92];
	s0 =	simm.s32 @p1 $0x1  }
0x15: {  	[smem:$0x3FAF] =	sst s0;
	s0 =	simm.s32 @!p2 $0x0  }
0x16: {  	s3 =	sld [smem:$0x3FDB];
	s0 =	simm.s32 @p2 $0x1  }
0x17: {  	s4 =	simm.s32 $0x1BF5;
	[smem:$0x3FB1] =	sst s0  }
0x18: {  	s0 =	sld [smem:$0x3F94];
	_ =	swait.ge [sflag:s4], $0x0  }
0x19: {  	s7 =	sld [smem:$0x3F95]  }
0x1a: {  	s8 =	sadd.s32 $0xFFFFE003, lr  }
0x1b: {  	s9 =	sadd.s32 $0xFFFFFEF7, lr;
	s5 =	simm.s32 $0xFFFFFFFF;
	p2 =	slt.u32 s8, $0xFFFFF086  }
0x1c: {  	p1 =	slt.u32 s9, $0xF7A;
	s5 =	simm.s32 @!p2 $0x0  }
0x1d: {  	s5 =	simm.s32 @p1 $0x1;
	p0 =	seq.s32 s7, s2  }
0x1e: {  	s7 =	smul.u32 @!p0 $0xF7A, s2;
	p2 =	seq.s32 @!p0 s5, $0x0  }
0x1f: {  	s9 =	smul.u32 $0xF7A, s1;
	s8 =	simm.s32 @!p0 $0x1BF5;
	p2 =	por !p2, p0  }
0x20: {  	[sflag:s8] =	ssyncset.s32 @!p0 $0xFFFFF086;
	s6 =	sadd.s32 @!p0 s3, s7;
	s7 =	simm.s32 @!p0 $0x108  }
0x21: {  	s3 =	sadd.s32 s3, s9;
	s6 =	sadd.s32 @!p0 $0x88, s6;
	s7 =	simm.s32 @p2 $0x1082  }
0x22: {  	[simem:s7], [sflag:s8] =	dma.local @!p0 [hbm:s6], $0xF7A  }
0x23: {  	s9 =	sor.u32 $0xD0000000, s2;
	s6 =	simm.s32 $0x108;
	_ =	swait.ge @!p0 [sflag:s8], $0x0  }
0x24: {  	s3 =	sadd.s32 $0x88, s3;
	s6 =	simm.s32 @!p1 $0x1082;
	[sflag:s4] =	ssyncset.s32 $0xFFFFF086  }
0x25: {  	[simem:s6], [sflag:s4] =	dma.local [hbm:s3], $0xF7A  }
0x26: {  	[smem:$0x3F95] =	sst s1;
	(tag) =	ssettag s2;
	_ =	strace s9  }
0x27: {  	s1 =	sld [smem:$0x3FA5]  }
0x28: {  	s2 =	sld [smem:$0x3FA6]  }
0x29: {  	s4 =	sld [smem:$0x3FA8]  }
0x2a: {  	p0 =	seq.s32 s5, $0x0;
	s5 =	sld [smem:$0x3FA9]  }
0x2b: {  	s6 =	sld [smem:$0x3FAA]  }
0x2c: {  	s7 =	sld [smem:$0x3FAB]  }
0x2d: {  	s3 =	simm.s32 $0x108;
	s8 =	sld [smem:$0x3FAC]  }
0x2e: {  	s3 =	simm.s32 @!p0 $0x1082;
	s9 =	sld [smem:$0x3FAD]  }
0x2f: {  	lr =	sadd.s32 s0, s3;
	s0 =	sld [smem:$0x3FA4]  }
0x30: {  	s3 =	sld [smem:$0x3FA7]  }
0x31: {  	[smem:$0x3FB0] =	sst s10  }
0x32: {  	s10 =	sld [smem:$0x3FAE];
	_ =	sdelay $0x3  }
0x33: {  	p0 =	seq.s32 s10, $0x1;
	s10 =	sld [smem:$0x3FB0];
	_ =	sdelay $0x3  }
0x34: {  	[smem:$0x3FB0] =	sst s10  }
0x35: {  	s10 =	sld [smem:$0x3FAF];
	_ =	sdelay $0x3  }
0x36: {  	p1 =	seq.s32 s10, $0x1;
	s10 =	sld [smem:$0x3FB0];
	_ =	sdelay $0x3  }
0x37: {  	[smem:$0x3FB0] =	sst s10  }
0x38: {  	s10 =	sld [smem:$0x3FB1]  }
0x39: {  	_ = 	snop;
	(pc) =	sbr.ind lr, $3  }
0x3a: {  	_ = 	snop  }
0x3b: {  	_ = 	snop  }
0x3c: {  	p2 =	seq.s32 s10, $0x1;
	s10 =	sld [smem:$0x3FB0]  }
0x3d: {  	_ =	shalt  }
0x3e: {  	_ =	shalt  }
0x3f: {  	_ =	shalt  }
0x40: {  	_ =	shalt  }
0x41: {  	_ =	shalt  }
0x42: {  	_ =	shalt  }
0x43: {  	_ =	shalt  }
0x44: {  	_ =	shalt  }
0x45: {  	_ =	shalt  }
0x46: {  	_ =	shalt  }
0x47: {  	_ =	shalt  }
0x48: {  	_ =	shalt  }
0x49: {  	_ =	shalt  }
0x4a: {  	_ =	shalt  }
0x4b: {  	_ =	shalt  }
0x4c: {  	_ =	shalt  }
0x4d: {  	_ =	shalt  }
0x4e: {  	_ =	shalt  }
0x4f: {  	_ =	shalt  }
0x50: {  	_ =	shalt  }
0x51: {  	_ =	shalt  }
0x52: {  	_ =	shalt  }
0x53: {  	_ =	shalt  }
0x54: {  	_ =	shalt  }
0x55: {  	_ =	shalt  }
0x56: {  	_ =	shalt  }
0x57: {  	_ =	shalt  }
0x58: {  	_ =	shalt  }
0x59: {  	_ =	shalt  }
0x5a: {  	_ =	shalt  }
0x5b: {  	_ =	shalt  }
0x5c: {  	_ =	shalt  }
0x5d: {  	_ =	shalt  }
0x5e: {  	_ =	shalt  }
0x5f: {  	_ =	shalt  }
0x60: {  	_ =	shalt  }
0x61: {  	_ =	shalt  }
0x62: {  	_ =	shalt  }
0x63: {  	_ =	shalt  }
0x64: {  	_ =	shalt  }
0x65: {  	_ =	shalt  }
0x66: {  	_ =	shalt  }
0x67: {  	_ =	shalt  }
0x68: {  	_ =	shalt  }
0x69: {  	_ =	shalt  }
0x6a: {  	_ =	shalt  }
0x6b: {  	_ =	shalt  }
0x6c: {  	_ =	shalt  }
0x6d: {  	_ =	shalt  }
0x6e: {  	_ =	shalt  }
0x6f: {  	_ =	shalt  }
0x70: {  	_ =	shalt  }
0x71: {  	_ =	shalt  }
0x72: {  	_ =	shalt  }
0x73: {  	_ =	shalt  }
0x74: {  	_ =	shalt  }
0x75: {  	_ =	shalt  }
0x76: {  	_ =	shalt  }
0x77: {  	_ =	shalt  }
0x78: {  	_ =	shalt  }
0x79: {  	_ =	shalt  }
0x7a: {  	_ =	shalt  }
0x7b: {  	_ =	shalt  }
0x7c: {  	_ =	shalt  }
0x7d: {  	_ =	shalt  }
0x7e: {  	_ =	shalt  }
0x7f: {  	_ =	shalt  }
0x80: {  	_ =	shalt  }
0x81: {  	_ =	shalt  }
0x82: {  	_ =	shalt  }
0x83: {  	_ =	shalt  }
0x84: {  	_ =	shalt  }
0x85: {  	_ =	shalt  }
0x86: {  	_ =	shalt  }
0x87: {  	_ =	shalt  }
.Lfunc_end0:
.L_simem_size_0:
called_computation_lowered:
.L_overlay_start_0:
0x88: {  	s2 =	sld [smem:$0x3FD9]  }
0x89: {  	s3 =	sld [smem:$0x3FFE];
	_ =	sdelay $0x1  }
0x8a: {  	s1 =	srdreg.scid  }
0x8b: {  	s0 =	sand.u32 $0x1, s1  }
0x8c: {  	s14 =	sshll.u32 s0, $0xA;
	s2 =	sadd.s32 s3, s2  }
0x8d: {  	s2 =	sadd.s32 s2, s14  }
0x8e: {  	[smem:$0x3FBC] =	sst s2  }
0x8f: {  	_ = 	snop  }
0x90: {  	s2 =	sld [smem:$0x3FD0];
	_ =	sdelay $0x2  }
0x91: {  	s4 =	simm.s32 $0xB;
	s5 =	simm.s32 $0x10;
	s15 =	sld [smem:$0x3FC9]  }
0x92: {  	[smem:s5], [sflag:s4] =	dma.local [hbm:s2], $0x1  }
0x93: {  	_ =	swait.eq [sflag:s4], $0x1  }
0x94: {  	[sflag:s4] =	ssyncset.done $0x0  }
0x95: {  	[sflag:s4] =	ssyncadd.s32 $0xFFFFFFFF  }
0x96: {  	s16 =	sld [smem:$0x11];
	(tm) =	ssettm $0x1  }
0x97: {  	s17 =	sld [smem:$0x3FFB];
	_ =	sdelay $0x3  }
0x98: {  	_ =	strace s17  }
0x99: {  	s4 =	sld [smem:$0x3FFC];
	_ =	sdelay $0x3  }
0x9a: {  	_ =	strace s4  }
0x9b: {  	s4 =	sld [smem:$0x3FFD];
	_ =	sdelay $0x3  }
0x9c: {  	_ =	strace s4  }
0x9d: {  	_ =	strace $0x8FFFFFFF  }
0x9e: {  	s18 =	sld [smem:$0x3FDB];
	_ =	sdelay $0x1  }
0x9f: {  	s19 =	simm.s32 $_scs_section_size  }
0xa0: {  	s6 =	simm.s32 $_size__tile_overlayer_lowered;
	s7 =	simm.s32 $_tile_overlayer_lowered  }
0xa1: {  	s22 =	simm.s32 $0x1BFF;
	s21 =	sshll.u32 s7, $0x1;
	s4 =	sadd.s32 s19, s18  }
0xa2: {  	s8 =	simm.s32 $0x0;
	s20 =	sshll.u32 s6, $0x1;
	s6 =	sadd.s32 s21, s4  }
0xa3: {  	[timem:s8], [sflag:s22] =	dma.local [hbm:s6], s20  }
0xa4: {  	_ =	swait.ge [sflag:s22], s20  }
0xa5: {  	s5 =	ssub.s32 $0x0, s20;
	[sflag:s22] =	ssyncset.done $0x0  }
0xa6: {  	[sflag:s22] =	ssyncadd.s32 s5;
	_ =	sdelay $0x1  }
0xa7: {  	s23 =	simm.s32 $0x1B8B  }
0xa8: {  	_ =	swait.ge [sflag:s23], $0x1  }
0xa9: {  	[sflag:s23] =	ssyncset.done $0x0  }
0xaa: {  	s25 =	simm.s32 $0x1B8E;
	s24 =	sld [smem:$0x3FFE];
	[sflag:s23] =	ssyncadd.s32 $0xFFFFFFFF  }
0xab: {  	s26 =	simm.s32 $execute0_lowered;
	[smem:$0x3FD2] =	sst s25  }
0xac: {  	s6 =	sshll.u32 s26, $0x1;
	_ =	strace $0x80000046;
	[dreg:$0x1] =	wrdreg $0xFFFFFFFF  }
0xad: {  	s28 =	simm.s32 $_size_execute0_lowered;
	s4 =	sadd.s32 s4, s6;
	[dreg:$0x0] =	wrdreg $0x0  }
0xae: {  	s6 =	sshll.u32 s28, $0x1;
	[dreg:$0x2] =	wrdreg s4  }
0xaf: {  	[dreg:$0x3] =	wrdreg s6  }
0xb0: {  	[dreg:$0x4] =	wrdreg $0xC0  }
0xb1: {  	_ =	task [dreg:s8], $0x5FFFF  }
0xb2: {  	[dreg:$0x1] =	wrdreg $0xFFFFFFFF  }
0xb3: {  	[dreg:$0x0] =	wrdreg $0x60  }
0xb4: {  	[dreg:$0x2] =	wrdreg s15  }
0xb5: {  	[dreg:$0x3] =	wrdreg s24  }
0xb6: {  	[dreg:$0x4] =	wrdreg s16  }
0xb7: {  	[dreg:$0x5] =	wrdreg $0xC0000  }
0xb8: {  	[dreg:$0x6] =	wrdreg $0x9  }
0xb9: {  	_ =	task.clear_ibuf [dreg:s8], $0x7FFFF;
	_ =	strace $0x90000046  }
0xba: {  	s29 =	simm.s32 $0x9;
	_ =	strace $0x80000048  }
0xbb: {  	_ =	swait.ge [sflag:s29], $0x1  }
0xbc: {  	[sflag:s29] =	ssyncadd.s32 $0xFFFFFFFF  }
0xbd: {  	_ =	strace $0x90000048  }
0xbe: {  	_ =	sfence  }
0xbf: {  	s30 =	sld [smem:$0x0];
	_ =	sdelay $0x2  }
0xc0: {  	s31 =	sshll.u32 s1, $0xD;
	s1 =	sshrl.u32 s1, $0x2  }
0xc1: {  	s3 =	sand.u32 $0x4000, s31;
	s1 =	sadd.s32 s1, s30  }
0xc2: {  	s0 =	sor.u32 s3, s0;
	s1 =	sshll.u32 s1, $0x11  }
0xc3: {  	s0 =	sor.u32 s1, s0  }
0xc4: {  	s0 =	sadd.s32 $0x8F2B, s0  }
0xc5: {  	[sflag:s0] =	ssyncadd.remote.s32 $0x1  }
0xc6: {  	_ =	sfence.sel $0xFFFF  }
0xc7: {  	[dreg:$0x0] =	wrdreg $0xFFFFFFFF;
	(pc) =	sbr.abs _section_cstart, $3  }
0xc8: {  	[dreg:$0x1] =	wrdreg $0xFFFFFFFF  }
0xc9: {  	_ =	task.clear_ibuf [dreg:s8], $0x2FFFF;
	_ =	strace $0x9FFFFFFF  }
0xca: {  	(tm) =	ssettm $0x7FFFFFFF  }
0xcb: {  	_ =	shalt  }
tec
execute0_lowered:
.L_overlay_start_1:
0x0: {  	(tag) =	ssettag $0x1  }
0x1: {  	s1 =	rddreg [dreg:$0x0]  }
0x2: {  	s0 =	rddreg [dreg:$0x1]  }
0x3: {  	s3 =	rddreg [dreg:$0x3];
	s4 =	simm.s32 $0x0;
	s2 =	srdreg.scid  }
0x4: {  	s23 =	stileid.u32;
	[smem:$0x7FF] =	sst s4  }
0x5: {  	s5 =	sand.u32 $0x1, s2;
	s6 =	sadd.s32 $0xC200, s0;
	s9 =	smul.u32 $0x14000, s23  }
0x6: {  	s7 =	sadd.s32 $0x2400, s0;
	s10 =	sadd.s32 $0x16000, s0;
	s14 =	smul.u32 $0x2710, s23  }
0x7: {  	_ =	strace $0x80000047;
	s2 =	ssub.s32 $0x2, s5;
	s24 =	smul.u32 $0x27100, s5  }
0x8: {  	s17 =	smul.u32 $0x140000, s5;
	s5 =	sshll.u32 s5, $0x4;
	s8 =	sshrl.u32 s2, $0x1  }
0x9: {  	s11 =	sadd.s32 $0x4000, s9;
	s12 =	sadd.s32 $0x6000, s9;
	s13 =	sadd.s32 $0x8000, s9  }
0xa: {  	s15 =	sadd.s32 $0xA000, s9;
	s16 =	sadd.s32 $0xC000, s9;
	s18 =	sadd.s32 $0xE000, s9  }
0xb: {  	s19 =	sadd.s32 $0x10000, s9;
	s5 =	sor.u32 s23, s5;
	s0 =	ssub.s32 s2, s8  }
0xc: {  	s8 =	sor.u32 $0x2000, s9;
	s2 =	sadd.s32 s14, s24;
	s14 =	sadd.s32 $0x12000, s9  }
0xd: {  	s9 =	sadd.s32 s9, s17;
	s28 =	sadd.s32 s16, s3;
	s29 =	sadd.s32 s18, s3  }
0xe: {  	s20 =	sadd.s32 $0x208, s2;
	s9 =	sshrl.u32 s9, $0x3;
	[dreg:$0x17] =	wrdreg s28  }
0xf: {  	s21 =	sadd.s32 s17, s8;
	s0 =	smax.u32 s0, $0x1;
	[dreg:$0x19] =	wrdreg s29  }
0x10: {  	s9 =	sadd.s32 s10, s9;
	s25 =	sshrl.u32 s21, $0x3;
	[smem:$0x7FB] =	sst s0  }
0x11: {  	s20 =	sshrl.u32 s20, $0x3;
	[dreg:$0x9] =	wrdreg s9;
	s9 =	sadd.s32 s10, s25  }
0x12: {  	s24 =	sadd.s32 s17, s11;
	s26 =	sadd.s32 s20, s7;
	[dreg:$0xa] =	wrdreg s9  }
0x13: {  	s22 =	sadd.s32 s20, s6;
	s25 =	sadd.s32 s17, s12;
	[dreg:$0x5] =	wrdreg s26  }
0x14: {  	s20 =	sshrl.u32 s24, $0x3;
	s24 =	sadd.s32 s17, s15;
	[dreg:$0x6] =	wrdreg s22  }
0x15: {  	s9 =	sshrl.u32 s25, $0x3;
	s26 =	sadd.s32 s17, s13;
	s20 =	sadd.s32 s10, s20  }
0x16: {  	s25 =	sadd.s32 s17, s16;
	s13 =	sadd.s32 s13, s3;
	[dreg:$0xb] =	wrdreg s20  }
0x17: {  	s9 =	sadd.s32 s10, s9;
	s22 =	sshrl.u32 s26, $0x3;
	s20 =	sshrl.u32 s25, $0x3  }
0x18: {  	s26 =	sadd.s32 s17, s18;
	s25 =	sadd.s32 $0x1A0, s2;
	[dreg:$0x14] =	wrdreg s13  }
0x19: {  	[dreg:$0xc] =	wrdreg s9;
	s9 =	sadd.s32 s10, s22;
	s20 =	sadd.s32 s10, s20  }
0x1a: {  	s22 =	sshrl.u32 s26, $0x3;
	s26 =	smul.u32 $0x50000, s23;
	[dreg:$0xd] =	wrdreg s9  }
0x1b: {  	s23 =	sadd.s32 s8, s3;
	s9 =	sshrl.u32 s24, $0x3;
	[dreg:$0xf] =	wrdreg s20  }
0x1c: {  	s20 =	sshrl.u32 s25, $0x3;
	[dreg:$0x16] =	wrdreg s23;
	s9 =	sadd.s32 s10, s9  }
0x1d: {  	s25 =	sshrl.u32 s26, $0x2;
	s26 =	sadd.s32 s20, s6;
	[dreg:$0xe] =	wrdreg s9  }
0x1e: {  	s5 =	smul.u32 $0x2710, s5;
	s9 =	sadd.s32 s10, s22;
	[dreg:$0x8] =	wrdreg s26  }
0x1f: {  	s24 =	sadd.s32 s17, s19;
	s22 =	sadd.s32 s20, s7;
	[dreg:$0x10] =	wrdreg s9  }
0x20: {  	s17 =	sadd.s32 s17, s14;
	s26 =	sadd.s32 s15, s3;
	[dreg:$0x7] =	wrdreg s22  }
0x21: {  	s17 =	sshrl.u32 s17, $0x3;
	s20 =	sadd.s32 s19, s3;
	[dreg:$0x15] =	wrdreg s26  }
0x22: {  	s9 =	sshrl.u32 s24, $0x3;
	s24 =	sadd.s32 s10, s17;
	[dreg:$0x1a] =	wrdreg s20  }
0x23: {  	s15 =	sadd.s32 $0x68, s5;
	s22 =	sadd.s32 s14, s3;
	[dreg:$0x12] =	wrdreg s24  }
0x24: {  	s8 =	sshrl.u32 s15, $0x3;
	s9 =	sadd.s32 s10, s9;
	[dreg:$0x1b] =	wrdreg s22  }
0x25: {  	s16 =	sadd.s32 s6, s8;
	[dreg:$0x11] =	wrdreg s9  }
0x26: {  	s30 =	simm.s32 $0x7;
	s8 =	sadd.s32 s7, s8;
	[dreg:$0x1c] =	wrdreg s16  }
0x27: {  	s17 =	sadd.s32 $0x25C8, s5;
	s24 =	sadd.s32 s11, s3;
	[dreg:$0x1d] =	wrdreg s8  }
0x28: {  	s18 =	sshrl.u32 s17, $0x3;
	s9 =	sadd.s32 s25, s3;
	[smem:$0x7FD] =	sst s24  }
0x29: {  	s31 =	simm.s32 $0x1;
	s11 =	sadd.s32 s6, s18;
	[dreg:$0x18] =	wrdreg s9  }
0x2a: {  	s0 =	simm.s32 $0x180;
	s8 =	sadd.s32 s7, s18;
	[smem:$0x7F1] =	sst s11  }
0x2b: {  	s25 =	sadd.s32 s12, s3;
	s9 =	sshrl.u32 s5, $0x3;
	[smem:$0x7F2] =	sst s8  }
0x2c: {  	s5 =	sadd.s32 $0x2698, s5;
	[dreg:$0x13] =	wrdreg s25;
	s14 =	sadd.s32 s6, s9  }
0x2d: {  	s19 =	sadd.s32 $0x1A, s9;
	s15 =	sadd.s32 s7, s9;
	[smem:$0x7F5] =	sst s14  }
0x2e: {  	s11 =	simm.s32 $0x100;
	s21 =	sadd.s32 s6, s19;
	[smem:$0x7F6] =	sst s15  }
0x2f: {  	s12 =	sadd.s32 $0x4C6, s9;
	s10 =	sadd.s32 s7, s19;
	[dreg:$0x1e] =	wrdreg s21  }
0x30: {  	s5 =	sshrl.u32 s5, $0x3;
	s13 =	sadd.s32 s6, s12;
	[dreg:$0x1f] =	wrdreg s10  }
0x31: {  	s16 =	sadd.s32 $0x4E0, s9;
	s8 =	sadd.s32 s7, s12;
	[smem:$0x7F3] =	sst s13  }
0x32: {  	s9 =	simm.s32 $0x200;
	s17 =	sadd.s32 s6, s5;
	[smem:$0x7F4] =	sst s8  }
0x33: {  	s5 =	sadd.s32 s7, s5;
	s18 =	sadd.s32 s6, s16;
	[smem:$0x7F7] =	sst s17  }
0x34: {  	s19 =	sadd.s32 s7, s16;
	s12 =	simm.s32 $0x280;
	[smem:$0x7F8] =	sst s5  }
0x35: {  	s14 =	simm.s32 $0x2;
	s15 =	simm.s32 $0x4;
	[smem:$0x7F9] =	sst s18  }
0x36: {  	s16 =	simm.s32 $0x3;
	[smem:$0x7FA] =	sst s19;
	s21 =	sadd.s32 $0x138, s2  }
0x37: {  	s5 =	simm.s32 $0x68;
	s2 =	simm.s32 $0x400;
	s8 =	simm.s32 $0x80  }
0x38: {  	s10 =	simm.s32 $0x3800;
	s13 =	simm.s32 $0x6C00;
	s18 =	simm.s32 $0x5  }
0x39: {  	s19 =	simm.s32 $0x6;
	s17 =	simm.s32 $0x0;
	[smem:$0x7FC] =	sst s21  }
.LBB2_1:
0x3a: {  	[smem:$0x7F0] =	sst s17  }
0x3b: {  	s21 =	rddreg [dreg:$0x2];
	s17 =	simm.s32 $0xA000  }
0x3c: {  	[tilespmem:s17], [sflag:$0x7] =	stream.linear.gather [hbm4b:s21+s4], $0x2000, $0x38;
	v63 =	vld [tilespmem:$0x0]  }
0x3d: {  	_ =	swait.ge [sflag:s30], $0x2000  }
0x3e: {  	[sflag:s30] =	ssyncset.done $0x0  }
0x3f: {  	s21 =	rddreg [dreg:$0x18];
	[sflag:s30] =	ssyncadd.s32 $0xFFFFE000  }
0x40: {  	[spmem:s21] =	stream.linear.scatter [tilespmem:s17], [sflag:$0x1], $0x2000, $0x38;
	v63 =	vld [tilespmem:$0x0]  }
0x41: {  	_ = 	snop  }
0x42: {  	[spmem:s23] =	stream.linear.scatter [tilespmem:s17], [sflag:$0x1], $0x2000, $0x38;
	v63 =	vld [tilespmem:$0x0]  }
0x43: {  	_ = 	snop  }
0x44: {  	[spmem:s24] =	stream.linear.scatter [tilespmem:s17], [sflag:$0x1], $0x2000, $0x38;
	v63 =	vld [tilespmem:$0x0]  }
0x45: {  	_ = 	snop  }
0x46: {  	[spmem:s25] =	stream.linear.scatter [tilespmem:s17], [sflag:$0x1], $0x2000, $0x38;
	v63 =	vld [tilespmem:$0x0]  }
0x47: {  	s23 =	rddreg [dreg:$0x14]  }
0x48: {  	[spmem:s23] =	stream.linear.scatter [tilespmem:s17], [sflag:$0x1], $0x2000, $0x38;
	v63 =	vld [tilespmem:$0x0]  }
0x49: {  	_ = 	snop  }
0x4a: {  	[spmem:s26] =	stream.linear.scatter [tilespmem:s17], [sflag:$0x1], $0x2000, $0x38;
	v63 =	vld [tilespmem:$0x0]  }
0x4b: {  	_ = 	snop  }
0x4c: {  	[spmem:s28] =	stream.linear.scatter [tilespmem:s17], [sflag:$0x1], $0x2000, $0x38;
	v63 =	vld [tilespmem:$0x0]  }
0x4d: {  	_ = 	snop  }
0x4e: {  	[spmem:s29] =	stream.linear.scatter [tilespmem:s17], [sflag:$0x1], $0x2000, $0x38;
	v63 =	vld [tilespmem:$0x0]  }
0x4f: {  	_ = 	snop  }
0x50: {  	[spmem:s20] =	stream.linear.scatter [tilespmem:s17], [sflag:$0x1], $0x2000, $0x38;
	v63 =	vld [tilespmem:$0x0]  }
0x51: {  	_ = 	snop  }
0x52: {  	[spmem:s22] =	stream.linear.scatter [tilespmem:s17], [sflag:$0x1], $0x2000, $0x38;
	v63 =	vld [tilespmem:$0x0]  }
0x53: {  	_ =	swait.ge [sflag:s31], $0x2000  }
0x54: {  	[sflag:s31] =	ssyncset.done $0x0  }
0x55: {  	[sflag:s31] =	ssyncadd.s32 $0xFFFFE000  }
0x56: {  	_ =	swait.ge [sflag:s31], $0x2000  }
0x57: {  	[sflag:s31] =	ssyncset.done $0x0  }
0x58: {  	[sflag:s31] =	ssyncadd.s32 $0xFFFFE000  }
0x59: {  	_ =	swait.ge [sflag:s31], $0x2000  }
0x5a: {  	[sflag:s31] =	ssyncset.done $0x0  }
0x5b: {  	[sflag:s31] =	ssyncadd.s32 $0xFFFFE000  }
0x5c: {  	_ =	swait.ge [sflag:s31], $0x2000  }
0x5d: {  	[sflag:s31] =	ssyncset.done $0x0  }
0x5e: {  	[sflag:s31] =	ssyncadd.s32 $0xFFFFE000  }
0x5f: {  	_ =	swait.ge [sflag:s31], $0x2000  }
0x60: {  	[sflag:s31] =	ssyncset.done $0x0  }
0x61: {  	[sflag:s31] =	ssyncadd.s32 $0xFFFFE000  }
0x62: {  	_ =	swait.ge [sflag:s31], $0x2000  }
0x63: {  	[sflag:s31] =	ssyncset.done $0x0  }
0x64: {  	[sflag:s31] =	ssyncadd.s32 $0xFFFFE000  }
0x65: {  	_ =	swait.ge [sflag:s31], $0x2000  }
0x66: {  	[sflag:s31] =	ssyncset.done $0x0  }
0x67: {  	[sflag:s31] =	ssyncadd.s32 $0xFFFFE000  }
0x68: {  	_ =	swait.ge [sflag:s31], $0x2000  }
0x69: {  	[sflag:s31] =	ssyncset.done $0x0  }
0x6a: {  	[sflag:s31] =	ssyncadd.s32 $0xFFFFE000  }
0x6b: {  	_ =	swait.ge [sflag:s31], $0x2000  }
0x6c: {  	[sflag:s31] =	ssyncset.done $0x0  }
0x6d: {  	[sflag:s31] =	ssyncadd.s32 $0xFFFFE000  }
0x6e: {  	_ =	swait.ge [sflag:s31], $0x2000  }
0x6f: {  	[sflag:s31] =	ssyncset.done $0x0  }
0x70: {  	[sflag:s31] =	ssyncadd.s32 $0xFFFFE000  }
0x71: {  	[bflag:$0x0] =	sbarrier.arrive $0xFFFF  }
0x72: {  	s23 =	sld [smem:$0x7F5];
	_ =	sdelay $0x2  }
0x73: {  	[tilespmem:s4], [sflag:$0x7] =	stream.linear.gather [hbm4b:s23+s4], $0x68, $0x38;
	v63 =	vld [tilespmem:$0x0]  }
0x74: {  	_ =	swait.ge [sflag:s30], $0x68  }
0x75: {  	s24 =	sld [smem:$0x7F6]  }
0x76: {  	[sflag:s30] =	ssyncset.done $0x0  }
0x77: {  	[sflag:s30] =	ssyncadd.s32 $0xFFFFFF98  }
0x78: {  	[tilespmem:s0], [sflag:$0x7] =	stream.linear.gather [hbm4b:s24+s4], $0x68, $0x38;
	v63 =	vld [tilespmem:$0x0]  }
0x79: {  	_ =	swait.ge [sflag:s30], $0x68  }
0x7a: {  	[sflag:s30] =	ssyncset.done $0x0  }
0x7b: {  	[sflag:s30] =	ssyncadd.s32 $0xFFFFFF98  }
0x7c: {  	[tilespmem:s2], [sflag:$0x1] =	stream.indirect.gather [hbm4b:s1+s5], $0x80, s4, s5, $0xb8;
	v63 =	vld [tilespmem:$0x0]  }
0x7d: {  	s25 =	rddreg [dreg:$0x1c]  }
0x7e: {  	[tilespmem:s8], [sflag:$0x7] =	stream.linear.gather [hbm4b:s25+s4], $0x68, $0x38;
	v63 =	vld [tilespmem:$0x0]  }
0x7f: {  	_ =	swait.ge [sflag:s30], $0x68  }
0x80: {  	[sflag:s30] =	ssyncset.done $0x0  }
0x81: {  	s26 =	rddreg [dreg:$0x1d];
	[sflag:s30] =	ssyncadd.s32 $0xFFFFFF98  }
0x82: {  	[tilespmem:s9], [sflag:$0x7] =	stream.linear.gather [hbm4b:s26+s4], $0x68, $0x38;
	v63 =	vld [tilespmem:$0x0]  }
0x83: {  	_ =	swait.ge [sflag:s30], $0x68  }
0x84: {  	[sflag:s30] =	ssyncset.done $0x0  }
0x85: {  	[sflag:s30] =	ssyncadd.s32 $0xFFFFFF98  }
0x86: {  	[tilespmem:s10], [sflag:$0x2] =	stream.indirect.gather [hbm4b:s1+s5], $0x80, s8, s5, $0xb8;
	v63 =	vld [tilespmem:$0x0]  }
0x87: {  	_ =	swait.ge [sflag:s31], $0x3400  }
0x88: {  	[sflag:s31] =	ssyncset.done $0x0  }
0x89: {  	[sflag:s31] =	ssyncadd.s32 $0xFFFFCC00  }
0x8a: {  	[spmem:s3] =	stream.indirect.scatter.add.f32 [tilespmem:s2], [sflag:$0x4], $0x80, s0, s5, $0xb8;
	v63 =	vld [tilespmem:$0x0]  }
0x8b: {  	s28 =	rddreg [dreg:$0x1e]  }
0x8c: {  	[tilespmem:s11], [sflag:$0x7] =	stream.linear.gather [hbm4b:s28+s4], $0x68, $0x38;
	v63 =	vld [tilespmem:$0x0]  }
0x8d: {  	_ =	swait.ge [sflag:s30], $0x68  }
0x8e: {  	[sflag:s30] =	ssyncset.done $0x0  }
0x8f: {  	s29 =	rddreg [dreg:$0x1f];
	[sflag:s30] =	ssyncadd.s32 $0xFFFFFF98  }
0x90: {  	[tilespmem:s12], [sflag:$0x7] =	stream.linear.gather [hbm4b:s29+s4], $0x68, $0x38;
	v63 =	vld [tilespmem:$0x0]  }
0x91: {  	_ =	swait.ge [sflag:s30], $0x68  }
0x92: {  	[sflag:s30] =	ssyncset.done $0x0  }
0x93: {  	[sflag:s30] =	ssyncadd.s32 $0xFFFFFF98  }
0x94: {  	[tilespmem:s13], [sflag:$0x3] =	stream.indirect.gather [hbm4b:s1+s5], $0x80, s11, s5, $0xb8;
	v63 =	vld [tilespmem:$0x0]  }
0x95: {  	_ =	swait.ge [sflag:s14], $0x3400  }
0x96: {  	[sflag:s14] =	ssyncset.done $0x0  }
0x97: {  	[sflag:s14] =	ssyncadd.s32 $0xFFFFCC00  }
0x98: {  	[spmem:s3] =	stream.indirect.scatter.add.f32 [tilespmem:s10], [sflag:$0x5], $0x80, s9, s5, $0xb8;
	v63 =	vld [tilespmem:$0x0]  }
0x99: {  	_ =	swait.ge [sflag:s15], $0x3400  }
0x9a: {  	s17 =	sld [smem:$0x7FC];
	_ =	sdelay $0x2  }
0x9b: {  	[sflag:s15] =	ssyncset.done $0x0;
	s23 =	sshrl.u32 s17, $0x3  }
0x9c: {  	[sflag:s15] =	ssyncadd.s32 $0xFFFFCC00;
	s24 =	sadd.s32 s6, s23  }
0x9d: {  	[tilespmem:s4], [sflag:$0x7] =	stream.linear.gather [hbm4b:s24+s4], $0x68, $0x38;
	v63 =	vld [tilespmem:$0x0]  }
0x9e: {  	_ =	swait.ge [sflag:s30], $0x68  }
0x9f: {  	[sflag:s30] =	ssyncset.done $0x0  }
0xa0: {  	s21 =	sadd.s32 s7, s23;
	[sflag:s30] =	ssyncadd.s32 $0xFFFFFF98  }
0xa1: {  	[tilespmem:s0], [sflag:$0x7] =	stream.linear.gather [hbm4b:s21+s4], $0x68, $0x38;
	v63 =	vld [tilespmem:$0x0]  }
0xa2: {  	_ =	swait.ge [sflag:s30], $0x68  }
0xa3: {  	[sflag:s30] =	ssyncset.done $0x0  }
0xa4: {  	[sflag:s30] =	ssyncadd.s32 $0xFFFFFF98  }
0xa5: {  	[tilespmem:s2], [sflag:$0x1] =	stream.indirect.gather [hbm4b:s1+s5], $0x80, s4, s5, $0xb8;
	v63 =	vld [tilespmem:$0x0]  }
0xa6: {  	_ =	swait.ge [sflag:s16], $0x3400  }
0xa7: {  	[sflag:s16] =	ssyncset.done $0x0  }
0xa8: {  	[sflag:s16] =	ssyncadd.s32 $0xFFFFCC00  }
0xa9: {  	[spmem:s3] =	stream.indirect.scatter.add.f32 [tilespmem:s13], [sflag:$0x6], $0x80, s12, s5, $0xb8;
	v63 =	vld [tilespmem:$0x0]  }
0xaa: {  	_ =	swait.ge [sflag:s18], $0x3400  }
0xab: {  	s25 =	rddreg [dreg:$0x8];
	[sflag:s18] =	ssyncset.done $0x0  }
0xac: {  	[sflag:s18] =	ssyncadd.s32 $0xFFFFCC00;
	s21 =	sadd.s32 $0x0, s25  }
0xad: {  	[tilespmem:s8], [sflag:$0x7] =	stream.linear.gather [hbm4b:s21+s4], $0x68, $0x38;
	v63 =	vld [tilespmem:$0x0]  }
0xae: {  	_ =	swait.ge [sflag:s30], $0x68  }
0xaf: {  	s26 =	rddreg [dreg:$0x7];
	[sflag:s30] =	ssyncset.done $0x0  }
0xb0: {  	[sflag:s30] =	ssyncadd.s32 $0xFFFFFF98;
	s21 =	sadd.s32 $0x0, s26  }
0xb1: {  	[tilespmem:s9], [sflag:$0x7] =	stream.linear.gather [hbm4b:s21+s4], $0x68, $0x38;
	v63 =	vld [tilespmem:$0x0]  }
0xb2: {  	_ =	swait.ge [sflag:s30], $0x68  }
0xb3: {  	[sflag:s30] =	ssyncset.done $0x0  }
0xb4: {  	[sflag:s30] =	ssyncadd.s32 $0xFFFFFF98  }
0xb5: {  	[tilespmem:s10], [sflag:$0x2] =	stream.indirect.gather [hbm4b:s1+s5], $0x80, s8, s5, $0xb8;
	v63 =	vld [tilespmem:$0x0]  }
0xb6: {  	_ =	swait.ge [sflag:s31], $0x3400  }
0xb7: {  	[sflag:s31] =	ssyncset.done $0x0  }
0xb8: {  	[sflag:s31] =	ssyncadd.s32 $0xFFFFCC00  }
0xb9: {  	[spmem:s3] =	stream.indirect.scatter.add.f32 [tilespmem:s2], [sflag:$0x4], $0x80, s0, s5, $0xb8;
	v63 =	vld [tilespmem:$0x0]  }
0xba: {  	_ =	swait.ge [sflag:s19], $0x3400  }
0xbb: {  	s28 =	rddreg [dreg:$0x6];
	[sflag:s19] =	ssyncset.done $0x0  }
0xbc: {  	[sflag:s19] =	ssyncadd.s32 $0xFFFFCC00;
	s21 =	sadd.s32 $0x0, s28  }
0xbd: {  	[tilespmem:s11], [sflag:$0x7] =	stream.linear.gather [hbm4b:s21+s4], $0x68, $0x38;
	v63 =	vld [tilespmem:$0x0]  }
0xbe: {  	_ =	swait.ge [sflag:s30], $0x68  }
0xbf: {  	s29 =	rddreg [dreg:$0x5];
	[sflag:s30] =	ssyncset.done $0x0  }
0xc0: {  	[sflag:s30] =	ssyncadd.s32 $0xFFFFFF98;
	s21 =	sadd.s32 $0x0, s29  }
0xc1: {  	[tilespmem:s12], [sflag:$0x7] =	stream.linear.gather [hbm4b:s21+s4], $0x68, $0x38;
	v63 =	vld [tilespmem:$0x0]  }
0xc2: {  	_ =	swait.ge [sflag:s30], $0x68  }
0xc3: {  	[sflag:s30] =	ssyncset.done $0x0  }
0xc4: {  	s22 =	sadd.s32 $0x138, s17;
	s21 =	simm.s32 $0x27;
	[sflag:s30] =	ssyncadd.s32 $0xFFFFFF98  }
.LBB2_2:
0xc5: {  	[tilespmem:s13], [sflag:$0x3] =	stream.indirect.gather [hbm4b:s1+s5], $0x80, s11, s5, $0xb8;
	v63 =	vld [tilespmem:$0x0]  }
0xc6: {  	_ =	swait.ge [sflag:s14], $0x3400  }
0xc7: {  	[sflag:s14] =	ssyncset.done $0x0  }
0xc8: {  	[sflag:s14] =	ssyncadd.s32 $0xFFFFCC00  }
0xc9: {  	[spmem:s3] =	stream.indirect.scatter.add.f32 [tilespmem:s10], [sflag:$0x5], $0x80, s9, s5, $0xb8;
	v63 =	vld [tilespmem:$0x0]  }
0xca: {  	_ =	swait.ge [sflag:s15], $0x3400  }
0xcb: {  	s24 =	sshrl.u32 s22, $0x3;
	[sflag:s15] =	ssyncset.done $0x0  }
0xcc: {  	s25 =	sadd.s32 s6, s24;
	[sflag:s15] =	ssyncadd.s32 $0xFFFFCC00  }
0xcd: {  	[tilespmem:s4], [sflag:$0x7] =	stream.linear.gather [hbm4b:s25+s4], $0x68, $0x38;
	v63 =	vld [tilespmem:$0x0]  }
0xce: {  	_ =	swait.ge [sflag:s30], $0x68  }
0xcf: {  	[sflag:s30] =	ssyncset.done $0x0  }
0xd0: {  	s24 =	sadd.s32 s7, s24;
	[sflag:s30] =	ssyncadd.s32 $0xFFFFFF98  }
0xd1: {  	[tilespmem:s0], [sflag:$0x7] =	stream.linear.gather [hbm4b:s24+s4], $0x68, $0x38;
	v63 =	vld [tilespmem:$0x0]  }
0xd2: {  	_ =	swait.ge [sflag:s30], $0x68  }
0xd3: {  	[sflag:s30] =	ssyncset.done $0x0  }
0xd4: {  	[sflag:s30] =	ssyncadd.s32 $0xFFFFFF98  }
0xd5: {  	[tilespmem:s2], [sflag:$0x1] =	stream.indirect.gather [hbm4b:s1+s5], $0x80, s4, s5, $0xb8;
	v63 =	vld [tilespmem:$0x0]  }
0xd6: {  	_ =	swait.ge [sflag:s16], $0x3400  }
0xd7: {  	[sflag:s16] =	ssyncset.done $0x0  }
0xd8: {  	[sflag:s16] =	ssyncadd.s32 $0xFFFFCC00  }
0xd9: {  	[spmem:s3] =	stream.indirect.scatter.add.f32 [tilespmem:s13], [sflag:$0x6], $0x80, s12, s5, $0xb8;
	v63 =	vld [tilespmem:$0x0]  }
0xda: {  	_ =	swait.ge [sflag:s18], $0x3400  }
0xdb: {  	s23 =	smov.u32 s21;
	s25 =	rddreg [dreg:$0x8];
	[sflag:s18] =	ssyncset.done $0x0  }
0xdc: {  	[sflag:s18] =	ssyncadd.s32 $0xFFFFCC00;
	s24 =	sadd.s32 s23, s25  }
0xdd: {  	[tilespmem:s8], [sflag:$0x7] =	stream.linear.gather [hbm4b:s24+s4], $0x68, $0x38;
	v63 =	vld [tilespmem:$0x0]  }
0xde: {  	_ =	swait.ge [sflag:s30], $0x68  }
0xdf: {  	s26 =	rddreg [dreg:$0x7];
	[sflag:s30] =	ssyncset.done $0x0  }
0xe0: {  	[sflag:s30] =	ssyncadd.s32 $0xFFFFFF98;
	s24 =	sadd.s32 s23, s26  }
0xe1: {  	[tilespmem:s9], [sflag:$0x7] =	stream.linear.gather [hbm4b:s24+s4], $0x68, $0x38;
	v63 =	vld [tilespmem:$0x0]  }
0xe2: {  	_ =	swait.ge [sflag:s30], $0x68  }
0xe3: {  	[sflag:s30] =	ssyncset.done $0x0  }
0xe4: {  	[sflag:s30] =	ssyncadd.s32 $0xFFFFFF98  }
0xe5: {  	[tilespmem:s10], [sflag:$0x2] =	stream.indirect.gather [hbm4b:s1+s5], $0x80, s8, s5, $0xb8;
	v63 =	vld [tilespmem:$0x0]  }
0xe6: {  	_ =	swait.ge [sflag:s31], $0x3400  }
0xe7: {  	[sflag:s31] =	ssyncset.done $0x0  }
0xe8: {  	[sflag:s31] =	ssyncadd.s32 $0xFFFFCC00  }
0xe9: {  	[spmem:s3] =	stream.indirect.scatter.add.f32 [tilespmem:s2], [sflag:$0x4], $0x80, s0, s5, $0xb8;
	v63 =	vld [tilespmem:$0x0]  }
0xea: {  	_ =	swait.ge [sflag:s19], $0x3400  }
0xeb: {  	s28 =	rddreg [dreg:$0x6];
	[sflag:s19] =	ssyncset.done $0x0  }
0xec: {  	[sflag:s19] =	ssyncadd.s32 $0xFFFFCC00;
	s24 =	sadd.s32 s23, s28  }
0xed: {  	[tilespmem:s11], [sflag:$0x7] =	stream.linear.gather [hbm4b:s24+s4], $0x68, $0x38;
	v63 =	vld [tilespmem:$0x0]  }
0xee: {  	_ =	swait.ge [sflag:s30], $0x68  }
0xef: {  	p0 =	sne.s32 s21, $0x46B;
	s29 =	rddreg [dreg:$0x5];
	[sflag:s30] =	ssyncset.done $0x0  }
.Ltmp0:
0xf0: {  	[sflag:s30] =	ssyncadd.s32 $0xFFFFFF98;
	s23 =	sadd.s32 s23, s29;
	(pc) =	sbr.rel @p0 .LBB2_2-.Ltmp0, $4  }
0xf1: {  	[tilespmem:s12], [sflag:$0x7] =	stream.linear.gather [hbm4b:s23+s4], $0x68, $0x38;
	v63 =	vld [tilespmem:$0x0]  }
0xf2: {  	_ =	swait.ge [sflag:s30], $0x68  }
0xf3: {  	[sflag:s30] =	ssyncset.done $0x0  }
0xf4: {  	s21 =	sadd.s32 $0x27, s21;
	s22 =	sadd.s32 $0x138, s22;
	[sflag:s30] =	ssyncadd.s32 $0xFFFFFF98  }
0xf5: {  	[tilespmem:s13], [sflag:$0x3] =	stream.indirect.gather [hbm4b:s1+s5], $0x80, s11, s5, $0xb8;
	v63 =	vld [tilespmem:$0x0]  }
0xf6: {  	_ =	swait.ge [sflag:s14], $0x3400  }
0xf7: {  	[sflag:s14] =	ssyncset.done $0x0  }
0xf8: {  	[sflag:s14] =	ssyncadd.s32 $0xFFFFCC00  }
0xf9: {  	[spmem:s3] =	stream.indirect.scatter.add.f32 [tilespmem:s10], [sflag:$0x5], $0x80, s9, s5, $0xb8;
	v63 =	vld [tilespmem:$0x0]  }
0xfa: {  	_ =	swait.ge [sflag:s15], $0x3400  }
0xfb: {  	s20 =	sld [smem:$0x7F1]  }
0xfc: {  	[sflag:s15] =	ssyncset.done $0x0  }
0xfd: {  	[sflag:s15] =	ssyncadd.s32 $0xFFFFCC00  }
0xfe: {  	[tilespmem:s4], [sflag:$0x7] =	stream.linear.gather [hbm4b:s20+s4], $0x68, $0x38;
	v63 =	vld [tilespmem:$0x0]  }
0xff: {  	_ =	swait.ge [sflag:s30], $0x68  }
0x100: {  	s24 =	sld [smem:$0x7F2]  }
0x101: {  	[sflag:s30] =	ssyncset.done $0x0  }
0x102: {  	[sflag:s30] =	ssyncadd.s32 $0xFFFFFF98  }
0x103: {  	[tilespmem:s0], [sflag:$0x7] =	stream.linear.gather [hbm4b:s24+s4], $0x68, $0x38;
	v63 =	vld [tilespmem:$0x0]  }
0x104: {  	_ =	swait.ge [sflag:s30], $0x68  }
0x105: {  	[sflag:s30] =	ssyncset.done $0x0  }
0x106: {  	[sflag:s30] =	ssyncadd.s32 $0xFFFFFF98  }
0x107: {  	[tilespmem:s2], [sflag:$0x1] =	stream.indirect.gather [hbm4b:s1+s5], $0x80, s4, s5, $0xb8;
	v63 =	vld [tilespmem:$0x0]  }
0x108: {  	_ =	swait.ge [sflag:s16], $0x3400  }
0x109: {  	[sflag:s16] =	ssyncset.done $0x0  }
0x10a: {  	[sflag:s16] =	ssyncadd.s32 $0xFFFFCC00  }
0x10b: {  	[spmem:s3] =	stream.indirect.scatter.add.f32 [tilespmem:s13], [sflag:$0x6], $0x80, s12, s5, $0xb8;
	v63 =	vld [tilespmem:$0x0]  }
0x10c: {  	_ =	swait.ge [sflag:s18], $0x3400  }
0x10d: {  	s25 =	sld [smem:$0x7F3]  }
0x10e: {  	[sflag:s18] =	ssyncset.done $0x0  }
0x10f: {  	[sflag:s18] =	ssyncadd.s32 $0xFFFFCC00  }
0x110: {  	[tilespmem:s8], [sflag:$0x7] =	stream.linear.gather [hbm4b:s25+s4], $0x68, $0x38;
	v63 =	vld [tilespmem:$0x0]  }
0x111: {  	_ =	swait.ge [sflag:s30], $0x68  }
0x112: {  	s26 =	sld [smem:$0x7F4]  }
0x113: {  	[sflag:s30] =	ssyncset.done $0x0  }
0x114: {  	[sflag:s30] =	ssyncadd.s32 $0xFFFFFF98  }
0x115: {  	[tilespmem:s9], [sflag:$0x7] =	stream.linear.gather [hbm4b:s26+s4], $0x68, $0x38;
	v63 =	vld [tilespmem:$0x0]  }
0x116: {  	_ =	swait.ge [sflag:s30], $0x68  }
0x117: {  	[sflag:s30] =	ssyncset.done $0x0  }
0x118: {  	[sflag:s30] =	ssyncadd.s32 $0xFFFFFF98  }
0x119: {  	[tilespmem:s10], [sflag:$0x2] =	stream.indirect.gather [hbm4b:s1+s5], $0x80, s8, s5, $0xb8;
	v63 =	vld [tilespmem:$0x0]  }
0x11a: {  	_ =	swait.ge [sflag:s31], $0x3400  }
0x11b: {  	[sflag:s31] =	ssyncset.done $0x0  }
0x11c: {  	[sflag:s31] =	ssyncadd.s32 $0xFFFFCC00  }
0x11d: {  	[spmem:s3] =	stream.indirect.scatter.add.f32 [tilespmem:s2], [sflag:$0x4], $0x80, s0, s5, $0xb8;
	v63 =	vld [tilespmem:$0x0]  }
0x11e: {  	_ =	swait.ge [sflag:s19], $0x3400  }
0x11f: {  	s17 =	sld [smem:$0x7F7]  }
0x120: {  	[sflag:s19] =	ssyncset.done $0x0  }
0x121: {  	[sflag:s19] =	ssyncadd.s32 $0xFFFFCC00  }
0x122: {  	[tilespmem:s11], [sflag:$0x7] =	stream.linear.gather [hbm4b:s17+s4], $0x68, $0x38;
	v63 =	vld [tilespmem:$0x0]  }
0x123: {  	_ =	swait.ge [sflag:s30], $0x68  }
0x124: {  	s21 =	sld [smem:$0x7F8]  }
0x125: {  	[sflag:s30] =	ssyncset.done $0x0  }
0x126: {  	[sflag:s30] =	ssyncadd.s32 $0xFFFFFF98  }
0x127: {  	[tilespmem:s12], [sflag:$0x7] =	stream.linear.gather [hbm4b:s21+s4], $0x68, $0x38;
	v63 =	vld [tilespmem:$0x0]  }
0x128: {  	_ =	swait.ge [sflag:s30], $0x68  }
0x129: {  	[sflag:s30] =	ssyncset.done $0x0  }
0x12a: {  	[sflag:s30] =	ssyncadd.s32 $0xFFFFFF98  }
0x12b: {  	[tilespmem:s13], [sflag:$0x3] =	stream.indirect.gather [hbm4b:s1+s5], $0x80, s11, s5, $0xb8;
	v63 =	vld [tilespmem:$0x0]  }
0x12c: {  	_ =	swait.ge [sflag:s14], $0x3400  }
0x12d: {  	[sflag:s14] =	ssyncset.done $0x0  }
0x12e: {  	[sflag:s14] =	ssyncadd.s32 $0xFFFFCC00  }
0x12f: {  	[spmem:s3] =	stream.indirect.scatter.add.f32 [tilespmem:s10], [sflag:$0x5], $0x80, s9, s5, $0xb8;
	v63 =	vld [tilespmem:$0x0]  }
0x130: {  	_ =	swait.ge [sflag:s15], $0x3400  }
0x131: {  	[sflag:s15] =	ssyncset.done $0x0  }
0x132: {  	[sflag:s15] =	ssyncadd.s32 $0xFFFFCC00  }
0x133: {  	_ =	swait.ge [sflag:s16], $0x3400  }
0x134: {  	[sflag:s16] =	ssyncset.done $0x0  }
0x135: {  	[sflag:s16] =	ssyncadd.s32 $0xFFFFCC00  }
0x136: {  	[spmem:s3] =	stream.indirect.scatter.add.f32 [tilespmem:s13], [sflag:$0x6], $0x80, s12, s5, $0xb8;
	v63 =	vld [tilespmem:$0x0]  }
0x137: {  	_ =	swait.ge [sflag:s18], $0x3400  }
0x138: {  	[sflag:s18] =	ssyncset.done $0x0  }
0x139: {  	[sflag:s18] =	ssyncadd.s32 $0xFFFFCC00  }
0x13a: {  	_ =	swait.ge [sflag:s19], $0x3400  }
0x13b: {  	s22 =	sld [smem:$0x7F9]  }
0x13c: {  	[sflag:s19] =	ssyncset.done $0x0  }
0x13d: {  	s17 =	simm.s32 $0x300;
	[sflag:s19] =	ssyncadd.s32 $0xFFFFCC00  }
0x13e: {  	[tilespmem:s17], [sflag:$0x7] =	stream.linear.gather [hbm4b:s22+s4], $0x10, $0x38;
	v63 =	vld [tilespmem:$0x0]  }
0x13f: {  	_ =	swait.ge [sflag:s30], $0x10  }
0x140: {  	s23 =	sld [smem:$0x7FA]  }
0x141: {  	[sflag:s30] =	ssyncset.done $0x0  }
0x142: {  	s21 =	simm.s32 $0x380;
	[sflag:s30] =	ssyncadd.s32 $0xFFFFFFF0  }
0x143: {  	[tilespmem:s21], [sflag:$0x7] =	stream.linear.gather [hbm4b:s23+s4], $0x10, $0x38;
	v63 =	vld [tilespmem:$0x0]  }
0x144: {  	_ =	swait.ge [sflag:s30], $0x10  }
0x145: {  	[sflag:s30] =	ssyncset.done $0x0  }
0x146: {  	s24 =	simm.s32 $0x10;
	[sflag:s30] =	ssyncadd.s32 $0xFFFFFFF0  }
0x147: {  	[tilespmem:s2], [sflag:$0x1] =	stream.indirect.gather [hbm4b:s1+s24], $0x80, s17, s24, $0xb8;
	v63 =	vld [tilespmem:$0x0]  }
0x148: {  	_ =	swait.ge [sflag:s31], $0x800  }
0x149: {  	[sflag:s31] =	ssyncset.done $0x0  }
0x14a: {  	[sflag:s31] =	ssyncadd.s32 $0xFFFFF800  }
0x14b: {  	[spmem:s3] =	stream.indirect.scatter.add.f32 [tilespmem:s2], [sflag:$0x7], $0x80, s21, s24, $0xb8;
	v63 =	vld [tilespmem:$0x0]  }
0x14c: {  	_ =	swait.ge [sflag:s30], $0x800  }
0x14d: {  	[sflag:s30] =	ssyncset.done $0x0  }
0x14e: {  	[sflag:s30] =	ssyncadd.s32 $0xFFFFF800  }
0x14f: {  	[bflag:$0x0] =	sbarrier.arrive $0xFFFF  }
0x150: {  	s25 =	rddreg [dreg:$0x18]  }
0x151: {  	[tilespmem:s2], [sflag:$0x7] =	stream.linear.gather [spmem:s25], $0x2000, $0x38;
	v63 =	vld [tilespmem:$0x0]  }
0x152: {  	_ =	swait.ge [sflag:s30], $0x2000  }
0x153: {  	[sflag:s30] =	ssyncset.done $0x0  }
0x154: {  	s26 =	rddreg [dreg:$0x9];
	[sflag:s30] =	ssyncadd.s32 $0xFFFFE000  }
0x155: {  	[hbm4b:s26+s4] =	stream.linear.scatter [tilespmem:s2], [sflag:$0x1], $0x2000, $0x38;
	v63 =	vld [tilespmem:$0x0]  }
0x156: {  	s23 =	rddreg [dreg:$0x16]  }
0x157: {  	[tilespmem:s10], [sflag:$0x7] =	stream.linear.gather [spmem:s23], $0x2000, $0x38;
	v63 =	vld [tilespmem:$0x0]  }
0x158: {  	_ =	swait.ge [sflag:s30], $0x2000  }
0x159: {  	[sflag:s30] =	ssyncset.done $0x0  }
0x15a: {  	s17 =	rddreg [dreg:$0xa];
	[sflag:s30] =	ssyncadd.s32 $0xFFFFE000  }
0x15b: {  	[hbm4b:s17+s4] =	stream.linear.scatter [tilespmem:s10], [sflag:$0x2], $0x2000, $0x38;
	v63 =	vld [tilespmem:$0x0]  }
0x15c: {  	_ =	swait.ge [sflag:s31], $0x2000  }
0x15d: {  	s24 =	sld [smem:$0x7FD]  }
0x15e: {  	[sflag:s31] =	ssyncset.done $0x0  }
0x15f: {  	[sflag:s31] =	ssyncadd.s32 $0xFFFFE000  }
0x160: {  	[tilespmem:s2], [sflag:$0x7] =	stream.linear.gather [spmem:s24], $0x2000, $0x38;
	v63 =	vld [tilespmem:$0x0]  }
0x161: {  	_ =	swait.ge [sflag:s30], $0x2000  }
0x162: {  	[sflag:s30] =	ssyncset.done $0x0  }
0x163: {  	s20 =	rddreg [dreg:$0xb];
	[sflag:s30] =	ssyncadd.s32 $0xFFFFE000  }
0x164: {  	[hbm4b:s20+s4] =	stream.linear.scatter [tilespmem:s2], [sflag:$0x1], $0x2000, $0x38;
	v63 =	vld [tilespmem:$0x0]  }
0x165: {  	_ =	swait.ge [sflag:s14], $0x2000  }
0x166: {  	[sflag:s14] =	ssyncset.done $0x0  }
0x167: {  	s25 =	rddreg [dreg:$0x13];
	[sflag:s14] =	ssyncadd.s32 $0xFFFFE000  }
0x168: {  	[tilespmem:s10], [sflag:$0x7] =	stream.linear.gather [spmem:s25], $0x2000, $0x38;
	v63 =	vld [tilespmem:$0x0]  }
0x169: {  	_ =	swait.ge [sflag:s30], $0x2000  }
0x16a: {  	[sflag:s30] =	ssyncset.done $0x0  }
0x16b: {  	s22 =	rddreg [dreg:$0xc];
	[sflag:s30] =	ssyncadd.s32 $0xFFFFE000  }
0x16c: {  	[hbm4b:s22+s4] =	stream.linear.scatter [tilespmem:s10], [sflag:$0x2], $0x2000, $0x38;
	v63 =	vld [tilespmem:$0x0]  }
0x16d: {  	_ =	swait.ge [sflag:s31], $0x2000  }
0x16e: {  	[sflag:s31] =	ssyncset.done $0x0  }
0x16f: {  	s26 =	rddreg [dreg:$0x14];
	[sflag:s31] =	ssyncadd.s32 $0xFFFFE000  }
0x170: {  	[tilespmem:s2], [sflag:$0x7] =	stream.linear.gather [spmem:s26], $0x2000, $0x38;
	v63 =	vld [tilespmem:$0x0]  }
0x171: {  	_ =	swait.ge [sflag:s30], $0x2000  }
0x172: {  	[sflag:s30] =	ssyncset.done $0x0  }
0x173: {  	s20 =	rddreg [dreg:$0xd];
	[sflag:s30] =	ssyncadd.s32 $0xFFFFE000  }
0x174: {  	[hbm4b:s20+s4] =	stream.linear.scatter [tilespmem:s2], [sflag:$0x1], $0x2000, $0x38;
	v63 =	vld [tilespmem:$0x0]  }
0x175: {  	_ =	swait.ge [sflag:s14], $0x2000  }
0x176: {  	[sflag:s14] =	ssyncset.done $0x0  }
0x177: {  	s26 =	rddreg [dreg:$0x15];
	[sflag:s14] =	ssyncadd.s32 $0xFFFFE000  }
0x178: {  	[tilespmem:s10], [sflag:$0x7] =	stream.linear.gather [spmem:s26], $0x2000, $0x38;
	v63 =	vld [tilespmem:$0x0]  }
0x179: {  	_ =	swait.ge [sflag:s30], $0x2000  }
0x17a: {  	[sflag:s30] =	ssyncset.done $0x0  }
0x17b: {  	s22 =	rddreg [dreg:$0xe];
	[sflag:s30] =	ssyncadd.s32 $0xFFFFE000  }
0x17c: {  	[hbm4b:s22+s4] =	stream.linear.scatter [tilespmem:s10], [sflag:$0x2], $0x2000, $0x38;
	v63 =	vld [tilespmem:$0x0]  }
0x17d: {  	_ =	swait.ge [sflag:s31], $0x2000  }
0x17e: {  	[sflag:s31] =	ssyncset.done $0x0  }
0x17f: {  	s28 =	rddreg [dreg:$0x17];
	[sflag:s31] =	ssyncadd.s32 $0xFFFFE000  }
0x180: {  	[tilespmem:s2], [sflag:$0x7] =	stream.linear.gather [spmem:s28], $0x2000, $0x38;
	v63 =	vld [tilespmem:$0x0]  }
0x181: {  	_ =	swait.ge [sflag:s30], $0x2000  }
0x182: {  	[sflag:s30] =	ssyncset.done $0x0  }
0x183: {  	s17 =	rddreg [dreg:$0xf];
	[sflag:s30] =	ssyncadd.s32 $0xFFFFE000  }
0x184: {  	[hbm4b:s17+s4] =	stream.linear.scatter [tilespmem:s2], [sflag:$0x1], $0x2000, $0x38;
	v63 =	vld [tilespmem:$0x0]  }
0x185: {  	_ =	swait.ge [sflag:s14], $0x2000  }
0x186: {  	[sflag:s14] =	ssyncset.done $0x0  }
0x187: {  	s29 =	rddreg [dreg:$0x19];
	[sflag:s14] =	ssyncadd.s32 $0xFFFFE000  }
0x188: {  	[tilespmem:s10], [sflag:$0x7] =	stream.linear.gather [spmem:s29], $0x2000, $0x38;
	v63 =	vld [tilespmem:$0x0]  }
0x189: {  	_ =	swait.ge [sflag:s30], $0x2000  }
0x18a: {  	[sflag:s30] =	ssyncset.done $0x0  }
0x18b: {  	s20 =	rddreg [dreg:$0x10];
	[sflag:s30] =	ssyncadd.s32 $0xFFFFE000  }
0x18c: {  	[hbm4b:s20+s4] =	stream.linear.scatter [tilespmem:s10], [sflag:$0x2], $0x2000, $0x38;
	v63 =	vld [tilespmem:$0x0]  }
0x18d: {  	_ =	swait.ge [sflag:s31], $0x2000  }
0x18e: {  	[sflag:s31] =	ssyncset.done $0x0  }
0x18f: {  	s20 =	rddreg [dreg:$0x1a];
	[sflag:s31] =	ssyncadd.s32 $0xFFFFE000  }
0x190: {  	[tilespmem:s2], [sflag:$0x7] =	stream.linear.gather [spmem:s20], $0x2000, $0x38;
	v63 =	vld [tilespmem:$0x0]  }
0x191: {  	_ =	swait.ge [sflag:s30], $0x2000  }
0x192: {  	[sflag:s30] =	ssyncset.done $0x0  }
0x193: {  	s22 =	rddreg [dreg:$0x11];
	[sflag:s30] =	ssyncadd.s32 $0xFFFFE000  }
0x194: {  	[hbm4b:s22+s4] =	stream.linear.scatter [tilespmem:s2], [sflag:$0x1], $0x2000, $0x38;
	v63 =	vld [tilespmem:$0x0]  }
0x195: {  	_ =	swait.ge [sflag:s14], $0x2000  }
0x196: {  	[sflag:s14] =	ssyncset.done $0x0  }
0x197: {  	s22 =	rddreg [dreg:$0x1b];
	[sflag:s14] =	ssyncadd.s32 $0xFFFFE000  }
0x198: {  	[tilespmem:s10], [sflag:$0x7] =	stream.linear.gather [spmem:s22], $0x2000, $0x38;
	v63 =	vld [tilespmem:$0x0]  }
0x199: {  	_ =	swait.ge [sflag:s30], $0x2000  }
0x19a: {  	[sflag:s30] =	ssyncset.done $0x0  }
0x19b: {  	s17 =	rddreg [dreg:$0x12];
	[sflag:s30] =	ssyncadd.s32 $0xFFFFE000  }
0x19c: {  	[hbm4b:s17+s4] =	stream.linear.scatter [tilespmem:s10], [sflag:$0x2], $0x2000, $0x38;
	v63 =	vld [tilespmem:$0x0]  }
0x19d: {  	_ =	swait.ge [sflag:s31], $0x2000  }
0x19e: {  	[sflag:s31] =	ssyncset.done $0x0  }
0x19f: {  	[sflag:s31] =	ssyncadd.s32 $0xFFFFE000  }
0x1a0: {  	_ =	swait.ge [sflag:s14], $0x2000  }
0x1a1: {  	s21 =	sld [smem:$0x7F0];
	_ =	sdelay $0x2  }
0x1a2: {  	s17 =	sadd.s32 $0x1, s21;
	s21 =	sld [smem:$0x7FB];
	_ =	sdelay $0x2  }
0x1a3: {  	p0 =	sne.s32 s17, s21  }
.Ltmp1:
0x1a4: {  	_ = 	snop;
	(pc) =	sbr.rel @p0 .LBB2_1-.Ltmp1, $3  }
0x1a5: {  	_ =	sdelay $0x1  }
0x1a6: {  	[sflag:s14] =	ssyncset.done $0x0  }
0x1a7: {  	[sflag:s14] =	ssyncadd.s32 $0xFFFFE000  }
0x1a8: {  	_ =	sfence.sel $0x180000  }
0x1a9: {  	[bflag:$0x0] =	sbarrier.arrive $0xFFFF  }
0x1aa: {  	_ =	strace $0x90000047  }
0x1ab: {  	s0 =	stileid.u32;
	[bflag:$0x2] =	sbarrier.arrive $0xFFFF  }
0x1ac: {  	p0 =	sne.s32 s0, $0x0;
	s0 =	rddreg [dreg:$0x4]  }
0x1ad: {  	s0 =	sadd.s32 @!p0 $0x100000, s0  }
0x1ae: {  	[sflag:s0] =	ssyncadd.tile.s32 @!p0 $0x1;
	_ =	shalt  }
.Lfunc_end2:
_tile_overlayer_lowered:
.L_overlay_start_2:
0x1af: {  	(tag) =	ssettag $0x2  }
0x1b0: {  	s0 =	rddreg [dreg:$0x0];
	s2 =	stileid.u32  }
0x1b1: {  	s1 =	rddreg [dreg:$0x1];
	p0 =	sne.s32 s2, $0x0  }
0x1b2: {  	s3 =	rddreg [dreg:$0x2];
	[bflag:$0x3] =	sbarrier.arrive $0xFFFF;
	s2 =	simm.s32 @!p0 $0x1C07  }
0x1b3: {  	[timem:s3], [sflag:s2] =	dma.local @!p0 [hbm:s0], s1  }
0x1b4: {  	s0 =	simm.s32 @!p0 $0x7  }
0x1b5: {  	_ =	swait.ge @!p0 [sflag:s0], s1  }
0x1b6: {  	s1 =	ssub.s32 @!p0 $0x0, s1;
	[sflag:s0] =	ssyncset.done @!p0 $0x0  }
0x1b7: {  	[sflag:s0] =	ssyncadd.s32 @!p0 s1  }
0x1b8: {  	[bflag:$0x3] =	sbarrier.arrive $0xFFFF  }
0x1b9: {  	_ =	shalt  }

</sc_bundles>
